<compile_context>
chip_gen: v7x
topology: tpu7x:2x2x1
jax: 0.10.2.dev20260603
libtpu: 0.0.44.dev20260713+nightly
codegen_flags: <defaults>
</compile_context>

<pallas_src>
import functools

import jax
import jax.numpy as jnp
from jax import lax
from jax.experimental import pallas as pl
from jax.experimental.pallas import tpu as pltpu
from jax.experimental.pallas import tpu_sc as plsc

N = 10000
E = 320000
D = 128
HD = D // 2

NC = 2
NS = 16
NW = NC * NS
R = 10240
STRIPE = R // NS

EPT = 20480
CH = EPT // 128
CHD = (EPT * NS) // (NW * 128)

_mesh = plsc.VectorSubcoreMesh(core_axis_name="c", subcore_axis_name="s")


@functools.partial(
    pl.kernel,
    out_type=jax.ShapeDtypeStruct((NC, R), jnp.float32),
    mesh=_mesh,
    scratch_types=[
        pltpu.VMEM((CHD, 128), jnp.int32),
        pltpu.VMEM((STRIPE,), jnp.float32),
        pltpu.VMEM((128,), jnp.float32),
        pltpu.VMEM_SHARED((R,), jnp.float32),
    ],
)
def _sc_deg(dstb_hbm, out_hbm, dst_v, stage_v, ones_v, deg_sh):
    cid = lax.axis_index("c")
    sid = lax.axis_index("s")
    wid = cid * NS + sid
    pltpu.sync_copy(dstb_hbm.at[wid], dst_v)

    def _zero(i, _):
        stage_v[pl.ds(i * 16, 16)] = jnp.zeros((16,), jnp.float32)
        return 0

    lax.fori_loop(0, STRIPE // 16, _zero, 0)
    for k in range(8):
        ones_v[pl.ds(k * 16, 16)] = jnp.ones((16,), jnp.float32)
    pltpu.sync_copy(stage_v, deg_sh.at[pl.ds(sid * STRIPE, STRIPE)])
    plsc.subcore_barrier()

    def _body(j, _):
        pltpu.sync_copy(ones_v, deg_sh.at[dst_v.at[j]], add=True)
        return 0

    lax.fori_loop(0, CHD, _body, 0)
    plsc.subcore_barrier()
    pltpu.sync_copy(deg_sh.at[pl.ds(sid * STRIPE, STRIPE)], stage_v)
    pltpu.sync_copy(stage_v, out_hbm.at[cid, pl.ds(sid * STRIPE, STRIPE)])


@functools.partial(
    pl.kernel,
    out_type=jax.ShapeDtypeStruct((NC, R, HD), jnp.float32),
    mesh=_mesh,
    scratch_types=[
        pltpu.VMEM((CH, 128), jnp.int32),
        pltpu.VMEM((CH, 128), jnp.int32),
        pltpu.VMEM((128, HD), jnp.float32),
        pltpu.VMEM((128, HD), jnp.float32),
        pltpu.VMEM((128, HD), jnp.float32),
        pltpu.VMEM((128, HD), jnp.float32),
        pltpu.VMEM((128, HD), jnp.float32),
        pltpu.VMEM_SHARED((R, HD), jnp.float32),
        [pltpu.SemaphoreType.DMA] * 5,
        [pltpu.SemaphoreType.DMA] * 5,
        [pltpu.SemaphoreType.DMA] * 4,
    ],
    compiler_params=pltpu.CompilerParams(use_tc_tiling_on_sc=False),
)
def _sc_prop(hs_hbm, srcb_hbm, dstb_hbm, out_hbm, src_v, dst_v, rows0, rows1,
             rows2, rows3, rows4, acc_sh, sg, ss, rs):
    cid = lax.axis_index("c")
    sid = lax.axis_index("s")
    pltpu.sync_copy(srcb_hbm.at[cid, sid], src_v)
    pltpu.sync_copy(dstb_hbm.at[sid], dst_v)

    def _zero(i, _):
        for k in range(HD // 16):
            rows0[i, pl.ds(k * 16, 16)] = jnp.zeros((16,), jnp.float32)
        return 0

    lax.fori_loop(0, 128, _zero, 0)
    base = sid * STRIPE
    for t in range(STRIPE // 128):
        pltpu.sync_copy(rows0, acc_sh.at[pl.ds(base + t * 128, 128), :])
    plsc.subcore_barrier()

    rows = (rows0, rows1, rows2, rows3, rows4)
    NB = 5
    LAG = 2

    def _gather(t, b):
        return pltpu.async_copy(hs_hbm.at[src_v.at[t]], rows[b], sg[b])

    def _wait_gather(t, b):
        pltpu.make_async_copy(hs_hbm.at[src_v.at[t]], rows[b], sg[b]).wait()

    def _scatter(t, b):
        return pltpu.async_copy(rows[b], acc_sh.at[dst_v.at[t]], ss[b],
                                add=True)

    def _wait_scatter(t, b):
        pltpu.make_async_copy(rows[b], acc_sh.at[dst_v.at[t]], ss[b]).wait()

    for b in range(NB):
        _gather(b, b)
        if b >= LAG:
            _wait_gather(b - LAG, b - LAG)
            _scatter(b - LAG, b - LAG)

    def _body(i, _):
        g = NB * i
        for b in range(NB):
            t = g + b
            b2 = (b + NB - LAG) % NB
            _wait_scatter(t - NB, b)
            _gather(t, b)
            _wait_gather(t - LAG, b2)
            _scatter(t - LAG, b2)
        return 0

    lax.fori_loop(1, CH // NB, _body, 0)
    for t in range(CH - LAG, CH):
        _wait_gather(t, t % NB)
        _scatter(t, t % NB)
    for b in range(NB):
        _wait_scatter(CH - NB + b, b)
    plsc.subcore_barrier()

    nrd = STRIPE // 128
    rd = [None] * nrd
    wr = [None] * nrd
    rd[0] = pltpu.async_copy(acc_sh.at[pl.ds(base, 128), :], rows0, rs[0])
    rd[1] = pltpu.async_copy(acc_sh.at[pl.ds(base + 128, 128), :], rows1,
                             rs[1])
    for t in range(nrd):
        rb = (rows0, rows1)[t % 2]
        rd[t].wait()
        wr[t] = pltpu.async_copy(
            rb, out_hbm.at[cid, pl.ds(base + t * 128, 128), :], rs[2 + t % 2])
        if t + 2 < nrd:
            wr[t].wait()
            rd[t + 2] = pltpu.async_copy(
                acc_sh.at[pl.ds(base + (t + 2) * 128, 128), :], rb, rs[t % 2])
    wr[nrd - 2].wait()
    wr[nrd - 1].wait()


def _split_store(hs_ref, hsd):
    hs_ref[0, pl.ds(0, N), :] = hsd[:, :HD]
    hs_ref[1, pl.ds(0, N), :] = hsd[:, HD:]
    z = jnp.zeros((R - N, HD), jnp.float32)
    hs_ref[0, pl.ds(N, R - N), :] = z
    hs_ref[1, pl.ds(N, R - N), :] = z


def _tc_first_body(x_ref, w_ref, degt_ref, hs_ref, dinv_ref):
    deg = degt_ref[...]
    s = deg[:N, 0:1] + deg[:N, 1:2] + 1.0
    dinv = lax.rsqrt(s)
    dinv_ref[...] = dinv
    h = jnp.dot(x_ref[...], w_ref[...], preferred_element_type=jnp.float32)
    _split_store(hs_ref, h * dinv)


_tc_first = pl.pallas_call(
    _tc_first_body,
    out_shape=[
        jax.ShapeDtypeStruct((NC, R, HD), jnp.float32),
        jax.ShapeDtypeStruct((N, 1), jnp.float32),
    ],
)


def _gcn_out(a_ref, hs_ref, dinv, b_ref):
    o = jnp.concatenate(
        [a_ref[0, :N, :] + hs_ref[0, :N, :],
         a_ref[1, :N, :] + hs_ref[1, :N, :]], axis=1)
    return o * dinv + b_ref[...]


def _tc_mid_body(a_ref, hs_ref, dinv_ref, b_ref, g_ref, be_ref, w_ref,
                 hs2_ref):
    dinv = dinv_ref[...]
    o = _gcn_out(a_ref, hs_ref, dinv, b_ref)
    mu = jnp.mean(o, axis=0, keepdims=True)
    xc = o - mu
    var = jnp.mean(xc * xc, axis=0, keepdims=True)
    xn = g_ref[...] * xc * lax.rsqrt(var + 1e-5) + be_ref[...]
    h2 = jnp.dot(xn, w_ref[...], preferred_element_type=jnp.float32)
    _split_store(hs2_ref, h2 * dinv)


_tc_mid = pl.pallas_call(
    _tc_mid_body,
    out_shape=[jax.ShapeDtypeStruct((NC, R, HD), jnp.float32)],
)


def _tc_last_body(a_ref, hs_ref, dinv_ref, b_ref, out_ref, h_ref):
    h = _gcn_out(a_ref, hs_ref, dinv_ref[...], b_ref)
    m = jnp.max(h, axis=1, keepdims=True)
    e = jnp.exp(h - m)
    lse = jnp.log(jnp.sum(e, axis=1, keepdims=True)) + m
    out_ref[...] = h - lse
    h_ref[...] = h


_tc_last = pl.pallas_call(
    _tc_last_body,
    out_shape=[
        jax.ShapeDtypeStruct((N, D), jnp.float32),
        jax.ShapeDtypeStruct((N, D), jnp.float32),
    ],
)


def kernel(x, edge_index, W1, b1, W2, b2, W3, b3, g1, be1, g2, be2):
    npad = EPT - E // NS
    pad = (N + jnp.arange(npad, dtype=jnp.int32) % (R - N))[None, :]
    pad = jnp.broadcast_to(pad, (NS, npad))
    src = jnp.concatenate([edge_index[0].reshape(NS, E // NS), pad], axis=1)
    dst = jnp.concatenate([edge_index[1].reshape(NS, E // NS), pad], axis=1)
    srcb = src.reshape(NS, CH, 128)
    dstb = dst.reshape(NS, CH, 128)
    srcb2 = jnp.stack([srcb, srcb + R])
    dstb_deg = dstb.reshape(NW, CHD, 128)

    degp = _sc_deg(dstb_deg)
    hs1, dinv = _tc_first(x, W1, degp.T)
    a = _sc_prop(hs1.reshape(NC * R, HD), srcb2, dstb)
    (hs2,) = _tc_mid(a, hs1, dinv, b1.reshape(1, D), g1.reshape(1, D),
                     be1.reshape(1, D), W2)
    a = _sc_prop(hs2.reshape(NC * R, HD), srcb2, dstb)
    (hs3,) = _tc_mid(a, hs2, dinv, b2.reshape(1, D), g2.reshape(1, D),
                     be2.reshape(1, D), W3)
    a = _sc_prop(hs3.reshape(NC * R, HD), srcb2, dstb)
    out, h = _tc_last(a, hs3, dinv, b3.reshape(1, D))
    return (out, h)

# --- scband reference (transcript-rebuilt; emitter-appended) ---
"""Pipeline reference for scband-gcn-75204877353215 (READ-ONLY COPY).

The authoritative reference and input builder live on the scoring server;
editing this copy changes nothing except your own understanding.
"""

import jax, jax.numpy as jnp
import numpy as np

N = 10000
E = 320000
D = 128


def setup_inputs(seed: int = 0) -> dict:
    key = jax.random.key(seed)
    ks = jax.random.split(key, 13)
    scale = 1.0 / np.sqrt(D)
    inp = {
        "x": jax.random.normal(ks[0], (N, D), dtype=jnp.float32),
        "edge_index": jax.random.randint(ks[1], (2, E), 0, N, dtype=jnp.int32),
        "W1": jax.random.normal(ks[2], (D, D), dtype=jnp.float32) * scale,
        "b1": jnp.zeros((D,), dtype=jnp.float32),
        "W2": jax.random.normal(ks[3], (D, D), dtype=jnp.float32) * scale,
        "b2": jnp.zeros((D,), dtype=jnp.float32),
        "W3": jax.random.normal(ks[4], (D, D), dtype=jnp.float32) * scale,
        "b3": jnp.zeros((D,), dtype=jnp.float32),
        "g1": jnp.ones((D,), dtype=jnp.float32),
        "be1": jnp.zeros((D,), dtype=jnp.float32),
        "g2": jnp.ones((D,), dtype=jnp.float32),
        "be2": jnp.zeros((D,), dtype=jnp.float32),
    }
    return inp


def gcn_conv(x, edge_index, W, b):
    n = x.shape[0]
    src = edge_index[0]
    dst = edge_index[1]
    loops = jnp.arange(n, dtype=src.dtype)
    src = jnp.concatenate([src, loops])
    dst = jnp.concatenate([dst, loops])
    deg = jnp.zeros((n,), x.dtype).at[dst].add(1.0)
    dinv = jnp.where(deg > 0, jax.lax.rsqrt(jnp.maximum(deg, 1e-12)), 0.0)
    norm = dinv[src] * dinv[dst]
    h = x @ W
    msg = h[src] * norm[:, None]
    out = jax.ops.segment_sum(msg, dst, num_segments=n)
    return out + b


def batchnorm(x, gamma, beta, eps=1e-5):
    mu = jnp.mean(x, axis=0)
    var = jnp.var(x, axis=0)
    return gamma * (x - mu) * jax.lax.rsqrt(var + eps) + beta


def reference(x, edge_index, W1, b1, W2, b2, W3, b3, g1, be1, g2, be2):
    h = gcn_conv(x, edge_index, W1, b1)
    h = batchnorm(h, g1, be1)
    h = gcn_conv(h, edge_index, W2, b2)
    h = batchnorm(h, g2, be2)
    h = gcn_conv(h, edge_index, W3, b3)
    out = jax.nn.log_softmax(h, axis=1)
    return (out, h)

if __name__ == "__main__":
    import jax
    _d = setup_inputs()
    print(jax.jit(kernel)(*tuple(_d.values())))

</pallas_src>

<mosaic_0001>
#map = affine_map<(d0, d1) -> (0, 0)>
#map1 = affine_map<(d0, d1) -> (0, 0, 0, 0)>
#map2 = affine_map<(d0, d1) -> (0, 0, 0)>
module attributes {stable_mosaic.version = 14 : i64} {
  func.func @_sc_prop(%arg0: i32, %arg1: i32, %arg2: memref<20480x64xf32, #tpu.memory_space<hbm>>, %arg3: memref<2x16x160x128xi32, #tpu.memory_space<hbm>>, %arg4: memref<16x160x128xi32, #tpu.memory_space<hbm>>, %arg5: memref<2x10240x64xf32, #tpu.memory_space<hbm>>, %arg6: memref<160x128xi32, #tpu.memory_space<vmem>>, %arg7: memref<160x128xi32, #tpu.memory_space<vmem>>, %arg8: memref<128x64xf32, #tpu.memory_space<vmem>>, %arg9: memref<128x64xf32, #tpu.memory_space<vmem>>, %arg10: memref<128x64xf32, #tpu.memory_space<vmem>>, %arg11: memref<128x64xf32, #tpu.memory_space<vmem>>, %arg12: memref<128x64xf32, #tpu.memory_space<vmem>>, %arg13: memref<10240x64xf32, #tpu.memory_space<vmem_shared>>, %arg14: memref<!tpu.dma_semaphore, #tpu.memory_space<semaphore_mem>>, %arg15: memref<!tpu.dma_semaphore, #tpu.memory_space<semaphore_mem>>, %arg16: memref<!tpu.dma_semaphore, #tpu.memory_space<semaphore_mem>>, %arg17: memref<!tpu.dma_semaphore, #tpu.memory_space<semaphore_mem>>, %arg18: memref<!tpu.dma_semaphore, #tpu.memory_space<semaphore_mem>>, %arg19: memref<!tpu.dma_semaphore, #tpu.memory_space<semaphore_mem>>, %arg20: memref<!tpu.dma_semaphore, #tpu.memory_space<semaphore_mem>>, %arg21: memref<!tpu.dma_semaphore, #tpu.memory_space<semaphore_mem>>, %arg22: memref<!tpu.dma_semaphore, #tpu.memory_space<semaphore_mem>>, %arg23: memref<!tpu.dma_semaphore, #tpu.memory_space<semaphore_mem>>, %arg24: memref<!tpu.dma_semaphore, #tpu.memory_space<semaphore_mem>>, %arg25: memref<!tpu.dma_semaphore, #tpu.memory_space<semaphore_mem>>, %arg26: memref<!tpu.dma_semaphore, #tpu.memory_space<semaphore_mem>>, %arg27: memref<!tpu.dma_semaphore, #tpu.memory_space<semaphore_mem>>) attributes {dimension_semantics = [#tpu.dimension_semantics<core_parallel>, #tpu.dimension_semantics<subcore_parallel>], iteration_bounds = array<i64: 2, 16>, scalar_prefetch = 0 : i64, scratch_operands = 22 : i64, tpu.core_type = #tpu.core_type<sc_vector_subcore>, window_params = [{transform_indices = #map}, {transform_indices = #map1}, {transform_indices = #map2}, {transform_indices = #map2}]} {
    "tpu.region"() ({
      %run_scoped3A = tpu.sem_alloc : memref<!tpu.dma_semaphore, #tpu.memory_space<semaphore_mem>>
      %dma_start3A_280 = arith.constant 0 : i32
      %dma_start3A_281 = arith.constant 0 : i32
      %dma_start3A_282 = tpu.memref_slice %arg3[%arg0, %arg1, %dma_start3A_280, %dma_start3A_281] : memref<2x16x160x128xi32, #tpu.memory_space<hbm>> -> memref<1x1x160x128xi32, #tpu.memory_space<hbm>>
      %dma_start3A_283 = tpu.memref_squeeze %dma_start3A_282 : memref<1x1x160x128xi32, #tpu.memory_space<hbm>> -> memref<160x128xi32, #tpu.memory_space<hbm>>
      %dma_start3A_284 = arith.constant 0 : i32
      %dma_start3A_285 = arith.constant 0 : i32
      %dma_start3A_286 = tpu.memref_slice %arg3[%arg0, %arg1, %dma_start3A_284, %dma_start3A_285] : memref<2x16x160x128xi32, #tpu.memory_space<hbm>> -> memref<1x1x160x128xi32, #tpu.memory_space<hbm>>
      %dma_start3A_287 = tpu.memref_squeeze %dma_start3A_286 : memref<1x1x160x128xi32, #tpu.memory_space<hbm>> -> memref<160x128xi32, #tpu.memory_space<hbm>>
      tpu.enqueue_dma source(%dma_start3A_287 : memref<160x128xi32, #tpu.memory_space<hbm>>) target(%arg6 : memref<160x128xi32, #tpu.memory_space<vmem>>) target_semaphore(%run_scoped3A : memref<!tpu.dma_semaphore, #tpu.memory_space<semaphore_mem>>)
      %dma_wait3A_288 = arith.constant 0 : i32
      %dma_wait3A_289 = arith.constant 0 : i32
      %dma_wait3A_290 = tpu.memref_slice %arg3[%arg0, %arg1, %dma_wait3A_288, %dma_wait3A_289] : memref<2x16x160x128xi32, #tpu.memory_space<hbm>> -> memref<1x1x160x128xi32, #tpu.memory_space<hbm>>
      %dma_wait3A_291 = tpu.memref_squeeze %dma_wait3A_290 : memref<1x1x160x128xi32, #tpu.memory_space<hbm>> -> memref<160x128xi32, #tpu.memory_space<hbm>>
      %dma_wait3A_292 = arith.constant 0 : i32
      %dma_wait3A_293 = arith.constant 0 : i32
      %dma_wait3A_294 = tpu.memref_slice %arg3[%arg0, %arg1, %dma_wait3A_292, %dma_wait3A_293] : memref<2x16x160x128xi32, #tpu.memory_space<hbm>> -> memref<1x1x160x128xi32, #tpu.memory_space<hbm>>
      %dma_wait3A_295 = tpu.memref_squeeze %dma_wait3A_294 : memref<1x1x160x128xi32, #tpu.memory_space<hbm>> -> memref<160x128xi32, #tpu.memory_space<hbm>>
      tpu.wait_dma2 semaphore(%run_scoped3A : memref<!tpu.dma_semaphore, #tpu.memory_space<semaphore_mem>>) src(%dma_wait3A_295 : memref<160x128xi32, #tpu.memory_space<hbm>>) dst(%arg6 : memref<160x128xi32, #tpu.memory_space<vmem>>)
      tpu.yield
    }) : () -> ()
    "tpu.region"() ({
      %run_scoped3A = tpu.sem_alloc : memref<!tpu.dma_semaphore, #tpu.memory_space<semaphore_mem>>
      %dma_start3A_280 = arith.constant 0 : i32
      %dma_start3A_281 = arith.constant 0 : i32
      %dma_start3A_282 = tpu.memref_slice %arg4[%arg1, %dma_start3A_280, %dma_start3A_281] : memref<16x160x128xi32, #tpu.memory_space<hbm>> -> memref<1x160x128xi32, #tpu.memory_space<hbm>>
      %dma_start3A_283 = tpu.memref_squeeze %dma_start3A_282 : memref<1x160x128xi32, #tpu.memory_space<hbm>> -> memref<160x128xi32, #tpu.memory_space<hbm>>
      %dma_start3A_284 = arith.constant 0 : i32
      %dma_start3A_285 = arith.constant 0 : i32
      %dma_start3A_286 = tpu.memref_slice %arg4[%arg1, %dma_start3A_284, %dma_start3A_285] : memref<16x160x128xi32, #tpu.memory_space<hbm>> -> memref<1x160x128xi32, #tpu.memory_space<hbm>>
      %dma_start3A_287 = tpu.memref_squeeze %dma_start3A_286 : memref<1x160x128xi32, #tpu.memory_space<hbm>> -> memref<160x128xi32, #tpu.memory_space<hbm>>
      tpu.enqueue_dma source(%dma_start3A_287 : memref<160x128xi32, #tpu.memory_space<hbm>>) target(%arg7 : memref<160x128xi32, #tpu.memory_space<vmem>>) target_semaphore(%run_scoped3A : memref<!tpu.dma_semaphore, #tpu.memory_space<semaphore_mem>>)
      %dma_wait3A_288 = arith.constant 0 : i32
      %dma_wait3A_289 = arith.constant 0 : i32
      %dma_wait3A_290 = tpu.memref_slice %arg4[%arg1, %dma_wait3A_288, %dma_wait3A_289] : memref<16x160x128xi32, #tpu.memory_space<hbm>> -> memref<1x160x128xi32, #tpu.memory_space<hbm>>
      %dma_wait3A_291 = tpu.memref_squeeze %dma_wait3A_290 : memref<1x160x128xi32, #tpu.memory_space<hbm>> -> memref<160x128xi32, #tpu.memory_space<hbm>>
      %dma_wait3A_292 = arith.constant 0 : i32
      %dma_wait3A_293 = arith.constant 0 : i32
      %dma_wait3A_294 = tpu.memref_slice %arg4[%arg1, %dma_wait3A_292, %dma_wait3A_293] : memref<16x160x128xi32, #tpu.memory_space<hbm>> -> memref<1x160x128xi32, #tpu.memory_space<hbm>>
      %dma_wait3A_295 = tpu.memref_squeeze %dma_wait3A_294 : memref<1x160x128xi32, #tpu.memory_space<hbm>> -> memref<160x128xi32, #tpu.memory_space<hbm>>
      tpu.wait_dma2 semaphore(%run_scoped3A : memref<!tpu.dma_semaphore, #tpu.memory_space<semaphore_mem>>) src(%dma_wait3A_295 : memref<160x128xi32, #tpu.memory_space<hbm>>) dst(%arg7 : memref<160x128xi32, #tpu.memory_space<vmem>>)
      tpu.yield
    }) : () -> ()
    %scan3A = arith.constant 0 : i32
    %scan3A_0 = arith.constant 0 : i32
    %scan3A_1 = arith.constant 128 : i32
    %scan3A_2 = arith.addi %scan3A_0, %scan3A_1 : i32
    %scan3A_3 = arith.constant 1 : i32
    %scan3A_4 = scf.for %scan3A_280 = %scan3A_0 to %scan3A_2 step %scan3A_3 iter_args(%scan3A_281 = %scan3A) -> (i32)  : i32 {
      %broadcast_in_dim3A = arith.constant 0.000000e+00 : f32
      %broadcast_in_dim3A_282 = vector.broadcast %broadcast_in_dim3A : f32 to vector<16xf32>
      %swap3A = arith.index_cast %scan3A_280 : i32 to index
      %swap3A_283 = arith.constant 0 : index
      %swap3A_284 = tpu.vector_load %arg8[%swap3A, %swap3A_283] {strides = array<i32>} : memref<128x64xf32, #tpu.memory_space<vmem>>, vector<1x16xf32>,
      %swap3A_285 = vector.shape_cast %swap3A_284 : vector<1x16xf32> to vector<16xf32>
      %swap3A_286 = vector.shape_cast %broadcast_in_dim3A_282 : vector<16xf32> to vector<1x16xf32>
      tpu.vector_store %arg8[%swap3A, %swap3A_283], %swap3A_286 {strides = array<i32>} : memref<128x64xf32, #tpu.memory_space<vmem>>, vector<1x16xf32>,
      %broadcast_in_dim3A_287 = arith.constant 0.000000e+00 : f32
      %broadcast_in_dim3A_288 = vector.broadcast %broadcast_in_dim3A_287 : f32 to vector<16xf32>
      %swap3A_289 = arith.index_cast %scan3A_280 : i32 to index
      %swap3A_290 = arith.constant 16 : index
      %swap3A_291 = tpu.vector_load %arg8[%swap3A_289, %swap3A_290] {strides = array<i32>} : memref<128x64xf32, #tpu.memory_space<vmem>>, vector<1x16xf32>,
      %swap3A_292 = vector.shape_cast %swap3A_291 : vector<1x16xf32> to vector<16xf32>
      %swap3A_293 = vector.shape_cast %broadcast_in_dim3A_288 : vector<16xf32> to vector<1x16xf32>
      tpu.vector_store %arg8[%swap3A_289, %swap3A_290], %swap3A_293 {strides = array<i32>} : memref<128x64xf32, #tpu.memory_space<vmem>>, vector<1x16xf32>,
      %broadcast_in_dim3A_294 = arith.constant 0.000000e+00 : f32
      %broadcast_in_dim3A_295 = vector.broadcast %broadcast_in_dim3A_294 : f32 to vector<16xf32>
      %swap3A_296 = arith.index_cast %scan3A_280 : i32 to index
      %swap3A_297 = arith.constant 32 : index
      %swap3A_298 = tpu.vector_load %arg8[%swap3A_296, %swap3A_297] {strides = array<i32>} : memref<128x64xf32, #tpu.memory_space<vmem>>, vector<1x16xf32>,
      %swap3A_299 = vector.shape_cast %swap3A_298 : vector<1x16xf32> to vector<16xf32>
      %swap3A_300 = vector.shape_cast %broadcast_in_dim3A_295 : vector<16xf32> to vector<1x16xf32>
      tpu.vector_store %arg8[%swap3A_296, %swap3A_297], %swap3A_300 {strides = array<i32>} : memref<128x64xf32, #tpu.memory_space<vmem>>, vector<1x16xf32>,
      %broadcast_in_dim3A_301 = arith.constant 0.000000e+00 : f32
      %broadcast_in_dim3A_302 = vector.broadcast %broadcast_in_dim3A_301 : f32 to vector<16xf32>
      %swap3A_303 = arith.index_cast %scan3A_280 : i32 to index
      %swap3A_304 = arith.constant 48 : index
      %swap3A_305 = tpu.vector_load %arg8[%swap3A_303, %swap3A_304] {strides = array<i32>} : memref<128x64xf32, #tpu.memory_space<vmem>>, vector<1x16xf32>,
      %swap3A_306 = vector.shape_cast %swap3A_305 : vector<1x16xf32> to vector<16xf32>
      %swap3A_307 = vector.shape_cast %broadcast_in_dim3A_302 : vector<16xf32> to vector<1x16xf32>
      tpu.vector_store %arg8[%swap3A_303, %swap3A_304], %swap3A_307 {strides = array<i32>} : memref<128x64xf32, #tpu.memory_space<vmem>>, vector<1x16xf32>,
      %scan3A_308 = arith.constant 0 : i32
      scf.yield %scan3A_308 : i32
    }
    %scan3A_5 = arith.constant 128 : i32
    %mul3A = arith.constant 640 : i32
    %mul3A_6 = arith.muli %arg1, %mul3A : i32
    %add3A = arith.constant 0 : i32
    %add3A_7 = arith.addi %mul3A_6, %add3A : i32
    "tpu.region"() ({
      %run_scoped3A = tpu.sem_alloc : memref<!tpu.dma_semaphore, #tpu.memory_space<semaphore_mem>>
      %dma_start3A_280 = arith.constant 0 : i32
      %dma_start3A_281 = tpu.memref_slice %arg13[%add3A_7, %dma_start3A_280] : memref<10240x64xf32, #tpu.memory_space<vmem_shared>> -> memref<128x64xf32, #tpu.memory_space<vmem_shared>>
      %dma_start3A_282 = arith.constant 0 : i32
      %dma_start3A_283 = tpu.memref_slice %arg13[%add3A_7, %dma_start3A_282] : memref<10240x64xf32, #tpu.memory_space<vmem_shared>> -> memref<128x64xf32, #tpu.memory_space<vmem_shared>>
      tpu.enqueue_dma source(%arg8 : memref<128x64xf32, #tpu.memory_space<vmem>>) target(%dma_start3A_283 : memref<128x64xf32, #tpu.memory_space<vmem_shared>>) target_semaphore(%run_scoped3A : memref<!tpu.dma_semaphore, #tpu.memory_space<semaphore_mem>>)
      %dma_wait3A_284 = arith.constant 0 : i32
      %dma_wait3A_285 = tpu.memref_slice %arg13[%add3A_7, %dma_wait3A_284] : memref<10240x64xf32, #tpu.memory_space<vmem_shared>> -> memref<128x64xf32, #tpu.memory_space<vmem_shared>>
      %dma_wait3A_286 = arith.constant 0 : i32
      %dma_wait3A_287 = tpu.memref_slice %arg13[%add3A_7, %dma_wait3A_286] : memref<10240x64xf32, #tpu.memory_space<vmem_shared>> -> memref<128x64xf32, #tpu.memory_space<vmem_shared>>
      tpu.wait_dma2 semaphore(%run_scoped3A : memref<!tpu.dma_semaphore, #tpu.memory_space<semaphore_mem>>) src(%arg8 : memref<128x64xf32, #tpu.memory_space<vmem>>) dst(%dma_wait3A_287 : memref<128x64xf32, #tpu.memory_space<vmem_shared>>)
      tpu.yield
    }) : () -> ()
    %add3A_8 = arith.constant 128 : i32
    %add3A_9 = arith.addi %mul3A_6, %add3A_8 : i32
    "tpu.region"() ({
      %run_scoped3A = tpu.sem_alloc : memref<!tpu.dma_semaphore, #tpu.memory_space<semaphore_mem>>
      %dma_start3A_280 = arith.constant 0 : i32
      %dma_start3A_281 = tpu.memref_slice %arg13[%add3A_9, %dma_start3A_280] : memref<10240x64xf32, #tpu.memory_space<vmem_shared>> -> memref<128x64xf32, #tpu.memory_space<vmem_shared>>
      %dma_start3A_282 = arith.constant 0 : i32
      %dma_start3A_283 = tpu.memref_slice %arg13[%add3A_9, %dma_start3A_282] : memref<10240x64xf32, #tpu.memory_space<vmem_shared>> -> memref<128x64xf32, #tpu.memory_space<vmem_shared>>
      tpu.enqueue_dma source(%arg8 : memref<128x64xf32, #tpu.memory_space<vmem>>) target(%dma_start3A_283 : memref<128x64xf32, #tpu.memory_space<vmem_shared>>) target_semaphore(%run_scoped3A : memref<!tpu.dma_semaphore, #tpu.memory_space<semaphore_mem>>)
      %dma_wait3A_284 = arith.constant 0 : i32
      %dma_wait3A_285 = tpu.memref_slice %arg13[%add3A_9, %dma_wait3A_284] : memref<10240x64xf32, #tpu.memory_space<vmem_shared>> -> memref<128x64xf32, #tpu.memory_space<vmem_shared>>
      %dma_wait3A_286 = arith.constant 0 : i32
      %dma_wait3A_287 = tpu.memref_slice %arg13[%add3A_9, %dma_wait3A_286] : memref<10240x64xf32, #tpu.memory_space<vmem_shared>> -> memref<128x64xf32, #tpu.memory_space<vmem_shared>>
      tpu.wait_dma2 semaphore(%run_scoped3A : memref<!tpu.dma_semaphore, #tpu.memory_space<semaphore_mem>>) src(%arg8 : memref<128x64xf32, #tpu.memory_space<vmem>>) dst(%dma_wait3A_287 : memref<128x64xf32, #tpu.memory_space<vmem_shared>>)
      tpu.yield
    }) : () -> ()
    %add3A_10 = arith.constant 256 : i32
    %add3A_11 = arith.addi %mul3A_6, %add3A_10 : i32
    "tpu.region"() ({
      %run_scoped3A = tpu.sem_alloc : memref<!tpu.dma_semaphore, #tpu.memory_space<semaphore_mem>>
      %dma_start3A_280 = arith.constant 0 : i32
      %dma_start3A_281 = tpu.memref_slice %arg13[%add3A_11, %dma_start3A_280] : memref<10240x64xf32, #tpu.memory_space<vmem_shared>> -> memref<128x64xf32, #tpu.memory_space<vmem_shared>>
      %dma_start3A_282 = arith.constant 0 : i32
      %dma_start3A_283 = tpu.memref_slice %arg13[%add3A_11, %dma_start3A_282] : memref<10240x64xf32, #tpu.memory_space<vmem_shared>> -> memref<128x64xf32, #tpu.memory_space<vmem_shared>>
      tpu.enqueue_dma source(%arg8 : memref<128x64xf32, #tpu.memory_space<vmem>>) target(%dma_start3A_283 : memref<128x64xf32, #tpu.memory_space<vmem_shared>>) target_semaphore(%run_scoped3A : memref<!tpu.dma_semaphore, #tpu.memory_space<semaphore_mem>>)
      %dma_wait3A_284 = arith.constant 0 : i32
      %dma_wait3A_285 = tpu.memref_slice %arg13[%add3A_11, %dma_wait3A_284] : memref<10240x64xf32, #tpu.memory_space<vmem_shared>> -> memref<128x64xf32, #tpu.memory_space<vmem_shared>>
      %dma_wait3A_286 = arith.constant 0 : i32
      %dma_wait3A_287 = tpu.memref_slice %arg13[%add3A_11, %dma_wait3A_286] : memref<10240x64xf32, #tpu.memory_space<vmem_shared>> -> memref<128x64xf32, #tpu.memory_space<vmem_shared>>
      tpu.wait_dma2 semaphore(%run_scoped3A : memref<!tpu.dma_semaphore, #tpu.memory_space<semaphore_mem>>) src(%arg8 : memref<128x64xf32, #tpu.memory_space<vmem>>) dst(%dma_wait3A_287 : memref<128x64xf32, #tpu.memory_space<vmem_shared>>)
      tpu.yield
    }) : () -> ()
    %add3A_12 = arith.constant 384 : i32
    %add3A_13 = arith.addi %mul3A_6, %add3A_12 : i32
    "tpu.region"() ({
      %run_scoped3A = tpu.sem_alloc : memref<!tpu.dma_semaphore, #tpu.memory_space<semaphore_mem>>
      %dma_start3A_280 = arith.constant 0 : i32
      %dma_start3A_281 = tpu.memref_slice %arg13[%add3A_13, %dma_start3A_280] : memref<10240x64xf32, #tpu.memory_space<vmem_shared>> -> memref<128x64xf32, #tpu.memory_space<vmem_shared>>
      %dma_start3A_282 = arith.constant 0 : i32
      %dma_start3A_283 = tpu.memref_slice %arg13[%add3A_13, %dma_start3A_282] : memref<10240x64xf32, #tpu.memory_space<vmem_shared>> -> memref<128x64xf32, #tpu.memory_space<vmem_shared>>
      tpu.enqueue_dma source(%arg8 : memref<128x64xf32, #tpu.memory_space<vmem>>) target(%dma_start3A_283 : memref<128x64xf32, #tpu.memory_space<vmem_shared>>) target_semaphore(%run_scoped3A : memref<!tpu.dma_semaphore, #tpu.memory_space<semaphore_mem>>)
      %dma_wait3A_284 = arith.constant 0 : i32
      %dma_wait3A_285 = tpu.memref_slice %arg13[%add3A_13, %dma_wait3A_284] : memref<10240x64xf32, #tpu.memory_space<vmem_shared>> -> memref<128x64xf32, #tpu.memory_space<vmem_shared>>
      %dma_wait3A_286 = arith.constant 0 : i32
      %dma_wait3A_287 = tpu.memref_slice %arg13[%add3A_13, %dma_wait3A_286] : memref<10240x64xf32, #tpu.memory_space<vmem_shared>> -> memref<128x64xf32, #tpu.memory_space<vmem_shared>>
      tpu.wait_dma2 semaphore(%run_scoped3A : memref<!tpu.dma_semaphore, #tpu.memory_space<semaphore_mem>>) src(%arg8 : memref<128x64xf32, #tpu.memory_space<vmem>>) dst(%dma_wait3A_287 : memref<128x64xf32, #tpu.memory_space<vmem_shared>>)
      tpu.yield
    }) : () -> ()
    %add3A_14 = arith.constant 512 : i32
    %add3A_15 = arith.addi %mul3A_6, %add3A_14 : i32
    "tpu.region"() ({
      %run_scoped3A = tpu.sem_alloc : memref<!tpu.dma_semaphore, #tpu.memory_space<semaphore_mem>>
      %dma_start3A_280 = arith.constant 0 : i32
      %dma_start3A_281 = tpu.memref_slice %arg13[%add3A_15, %dma_start3A_280] : memref<10240x64xf32, #tpu.memory_space<vmem_shared>> -> memref<128x64xf32, #tpu.memory_space<vmem_shared>>
      %dma_start3A_282 = arith.constant 0 : i32
      %dma_start3A_283 = tpu.memref_slice %arg13[%add3A_15, %dma_start3A_282] : memref<10240x64xf32, #tpu.memory_space<vmem_shared>> -> memref<128x64xf32, #tpu.memory_space<vmem_shared>>
      tpu.enqueue_dma source(%arg8 : memref<128x64xf32, #tpu.memory_space<vmem>>) target(%dma_start3A_283 : memref<128x64xf32, #tpu.memory_space<vmem_shared>>) target_semaphore(%run_scoped3A : memref<!tpu.dma_semaphore, #tpu.memory_space<semaphore_mem>>)
      %dma_wait3A_284 = arith.constant 0 : i32
      %dma_wait3A_285 = tpu.memref_slice %arg13[%add3A_15, %dma_wait3A_284] : memref<10240x64xf32, #tpu.memory_space<vmem_shared>> -> memref<128x64xf32, #tpu.memory_space<vmem_shared>>
      %dma_wait3A_286 = arith.constant 0 : i32
      %dma_wait3A_287 = tpu.memref_slice %arg13[%add3A_15, %dma_wait3A_286] : memref<10240x64xf32, #tpu.memory_space<vmem_shared>> -> memref<128x64xf32, #tpu.memory_space<vmem_shared>>
      tpu.wait_dma2 semaphore(%run_scoped3A : memref<!tpu.dma_semaphore, #tpu.memory_space<semaphore_mem>>) src(%arg8 : memref<128x64xf32, #tpu.memory_space<vmem>>) dst(%dma_wait3A_287 : memref<128x64xf32, #tpu.memory_space<vmem_shared>>)
      tpu.yield
    }) : () -> ()
    %barrier3A = arith.constant 0 : index
    tpu.barrier barrier_id(%barrier3A)
    %dma_start3A = arith.constant 0 : i32
    %dma_start3A_16 = arith.constant 0 : i32
    %dma_start3A_17 = tpu.memref_slice %arg6[%dma_start3A, %dma_start3A_16] : memref<160x128xi32, #tpu.memory_space<vmem>> -> memref<1x128xi32, #tpu.memory_space<vmem>>
    %dma_start3A_18 = tpu.memref_squeeze %dma_start3A_17 : memref<1x128xi32, #tpu.memory_space<vmem>> -> memref<128xi32, #tpu.memory_space<vmem>>
    %dma_start3A_19 = arith.constant 0 : i32
    %dma_start3A_20 = arith.constant 0 : i32
    %dma_start3A_21 = tpu.memref_slice %arg2[%dma_start3A_19, %dma_start3A_20] : memref<20480x64xf32, #tpu.memory_space<hbm>> -> memref<20480x64xf32, #tpu.memory_space<hbm>>
    tpu.enqueue_indirect_dma source(%dma_start3A_21 : memref<20480x64xf32, #tpu.memory_space<hbm>>) target(%arg8 : memref<128x64xf32, #tpu.memory_space<vmem>>) offsets(%dma_start3A_18 : memref<128xi32, #tpu.memory_space<vmem>>) semaphore(%arg14 : memref<!tpu.dma_semaphore, #tpu.memory_space<semaphore_mem>>)
    %dma_start3A_22 = arith.constant 1 : i32
    %dma_start3A_23 = arith.constant 0 : i32
    %dma_start3A_24 = tpu.memref_slice %arg6[%dma_start3A_22, %dma_start3A_23] : memref<160x128xi32, #tpu.memory_space<vmem>> -> memref<1x128xi32, #tpu.memory_space<vmem>>
    %dma_start3A_25 = tpu.memref_squeeze %dma_start3A_24 : memref<1x128xi32, #tpu.memory_space<vmem>> -> memref<128xi32, #tpu.memory_space<vmem>>
    %dma_start3A_26 = arith.constant 0 : i32
    %dma_start3A_27 = arith.constant 0 : i32
    %dma_start3A_28 = tpu.memref_slice %arg2[%dma_start3A_26, %dma_start3A_27] : memref<20480x64xf32, #tpu.memory_space<hbm>> -> memref<20480x64xf32, #tpu.memory_space<hbm>>
    tpu.enqueue_indirect_dma source(%dma_start3A_28 : memref<20480x64xf32, #tpu.memory_space<hbm>>) target(%arg9 : memref<128x64xf32, #tpu.memory_space<vmem>>) offsets(%dma_start3A_25 : memref<128xi32, #tpu.memory_space<vmem>>) semaphore(%arg15 : memref<!tpu.dma_semaphore, #tpu.memory_space<semaphore_mem>>)
    %dma_start3A_29 = arith.constant 2 : i32
    %dma_start3A_30 = arith.constant 0 : i32
    %dma_start3A_31 = tpu.memref_slice %arg6[%dma_start3A_29, %dma_start3A_30] : memref<160x128xi32, #tpu.memory_space<vmem>> -> memref<1x128xi32, #tpu.memory_space<vmem>>
    %dma_start3A_32 = tpu.memref_squeeze %dma_start3A_31 : memref<1x128xi32, #tpu.memory_space<vmem>> -> memref<128xi32, #tpu.memory_space<vmem>>
    %dma_start3A_33 = arith.constant 0 : i32
    %dma_start3A_34 = arith.constant 0 : i32
    %dma_start3A_35 = tpu.memref_slice %arg2[%dma_start3A_33, %dma_start3A_34] : memref<20480x64xf32, #tpu.memory_space<hbm>> -> memref<20480x64xf32, #tpu.memory_space<hbm>>
    tpu.enqueue_indirect_dma source(%dma_start3A_35 : memref<20480x64xf32, #tpu.memory_space<hbm>>) target(%arg10 : memref<128x64xf32, #tpu.memory_space<vmem>>) offsets(%dma_start3A_32 : memref<128xi32, #tpu.memory_space<vmem>>) semaphore(%arg16 : memref<!tpu.dma_semaphore, #tpu.memory_space<semaphore_mem>>)
    %dma_wait3A = arith.constant 0 : i32
    %dma_wait3A_36 = arith.constant 0 : i32
    %dma_wait3A_37 = tpu.memref_slice %arg6[%dma_wait3A, %dma_wait3A_36] : memref<160x128xi32, #tpu.memory_space<vmem>> -> memref<1x128xi32, #tpu.memory_space<vmem>>
    %dma_wait3A_38 = tpu.memref_squeeze %dma_wait3A_37 : memref<1x128xi32, #tpu.memory_space<vmem>> -> memref<128xi32, #tpu.memory_space<vmem>>
    %dma_wait3A_39 = arith.constant 0 : i32
    %dma_wait3A_40 = arith.constant 0 : i32
    %dma_wait3A_41 = tpu.memref_slice %arg2[%dma_wait3A_39, %dma_wait3A_40] : memref<20480x64xf32, #tpu.memory_space<hbm>> -> memref<20480x64xf32, #tpu.memory_space<hbm>>
    tpu.wait_indirect_dma semaphore(%arg14 : memref<!tpu.dma_semaphore, #tpu.memory_space<semaphore_mem>>) src(%dma_wait3A_41 : memref<20480x64xf32, #tpu.memory_space<hbm>>) dst(%arg8 : memref<128x64xf32, #tpu.memory_space<vmem>>)
    %dma_start3A_42 = arith.constant 0 : i32
    %dma_start3A_43 = arith.constant 0 : i32
    %dma_start3A_44 = tpu.memref_slice %arg7[%dma_start3A_42, %dma_start3A_43] : memref<160x128xi32, #tpu.memory_space<vmem>> -> memref<1x128xi32, #tpu.memory_space<vmem>>
    %dma_start3A_45 = tpu.memref_squeeze %dma_start3A_44 : memref<1x128xi32, #tpu.memory_space<vmem>> -> memref<128xi32, #tpu.memory_space<vmem>>
    %dma_start3A_46 = arith.constant 0 : i32
    %dma_start3A_47 = arith.constant 0 : i32
    %dma_start3A_48 = tpu.memref_slice %arg13[%dma_start3A_46, %dma_start3A_47] : memref<10240x64xf32, #tpu.memory_space<vmem_shared>> -> memref<10240x64xf32, #tpu.memory_space<vmem_shared>>
    tpu.enqueue_indirect_dma source(%arg8 : memref<128x64xf32, #tpu.memory_space<vmem>>) target(%dma_start3A_48 : memref<10240x64xf32, #tpu.memory_space<vmem_shared>>) offsets(%dma_start3A_45 : memref<128xi32, #tpu.memory_space<vmem>>) semaphore(%arg19 : memref<!tpu.dma_semaphore, #tpu.memory_space<semaphore_mem>>) {add = true}
    %dma_start3A_49 = arith.constant 3 : i32
    %dma_start3A_50 = arith.constant 0 : i32
    %dma_start3A_51 = tpu.memref_slice %arg6[%dma_start3A_49, %dma_start3A_50] : memref<160x128xi32, #tpu.memory_space<vmem>> -> memref<1x128xi32, #tpu.memory_space<vmem>>
    %dma_start3A_52 = tpu.memref_squeeze %dma_start3A_51 : memref<1x128xi32, #tpu.memory_space<vmem>> -> memref<128xi32, #tpu.memory_space<vmem>>
    %dma_start3A_53 = arith.constant 0 : i32
    %dma_start3A_54 = arith.constant 0 : i32
    %dma_start3A_55 = tpu.memref_slice %arg2[%dma_start3A_53, %dma_start3A_54] : memref<20480x64xf32, #tpu.memory_space<hbm>> -> memref<20480x64xf32, #tpu.memory_space<hbm>>
    tpu.enqueue_indirect_dma source(%dma_start3A_55 : memref<20480x64xf32, #tpu.memory_space<hbm>>) target(%arg11 : memref<128x64xf32, #tpu.memory_space<vmem>>) offsets(%dma_start3A_52 : memref<128xi32, #tpu.memory_space<vmem>>) semaphore(%arg17 : memref<!tpu.dma_semaphore, #tpu.memory_space<semaphore_mem>>)
    %dma_wait3A_56 = arith.constant 1 : i32
    %dma_wait3A_57 = arith.constant 0 : i32
    %dma_wait3A_58 = tpu.memref_slice %arg6[%dma_wait3A_56, %dma_wait3A_57] : memref<160x128xi32, #tpu.memory_space<vmem>> -> memref<1x128xi32, #tpu.memory_space<vmem>>
    %dma_wait3A_59 = tpu.memref_squeeze %dma_wait3A_58 : memref<1x128xi32, #tpu.memory_space<vmem>> -> memref<128xi32, #tpu.memory_space<vmem>>
    %dma_wait3A_60 = arith.constant 0 : i32
    %dma_wait3A_61 = arith.constant 0 : i32
    %dma_wait3A_62 = tpu.memref_slice %arg2[%dma_wait3A_60, %dma_wait3A_61] : memref<20480x64xf32, #tpu.memory_space<hbm>> -> memref<20480x64xf32, #tpu.memory_space<hbm>>
    tpu.wait_indirect_dma semaphore(%arg15 : memref<!tpu.dma_semaphore, #tpu.memory_space<semaphore_mem>>) src(%dma_wait3A_62 : memref<20480x64xf32, #tpu.memory_space<hbm>>) dst(%arg9 : memref<128x64xf32, #tpu.memory_space<vmem>>)
    %dma_start3A_63 = arith.constant 1 : i32
    %dma_start3A_64 = arith.constant 0 : i32
    %dma_start3A_65 = tpu.memref_slice %arg7[%dma_start3A_63, %dma_start3A_64] : memref<160x128xi32, #tpu.memory_space<vmem>> -> memref<1x128xi32, #tpu.memory_space<vmem>>
    %dma_start3A_66 = tpu.memref_squeeze %dma_start3A_65 : memref<1x128xi32, #tpu.memory_space<vmem>> -> memref<128xi32, #tpu.memory_space<vmem>>
    %dma_start3A_67 = arith.constant 0 : i32
    %dma_start3A_68 = arith.constant 0 : i32
    %dma_start3A_69 = tpu.memref_slice %arg13[%dma_start3A_67, %dma_start3A_68] : memref<10240x64xf32, #tpu.memory_space<vmem_shared>> -> memref<10240x64xf32, #tpu.memory_space<vmem_shared>>
    tpu.enqueue_indirect_dma source(%arg9 : memref<128x64xf32, #tpu.memory_space<vmem>>) target(%dma_start3A_69 : memref<10240x64xf32, #tpu.memory_space<vmem_shared>>) offsets(%dma_start3A_66 : memref<128xi32, #tpu.memory_space<vmem>>) semaphore(%arg20 : memref<!tpu.dma_semaphore, #tpu.memory_space<semaphore_mem>>) {add = true}
    %dma_start3A_70 = arith.constant 4 : i32
    %dma_start3A_71 = arith.constant 0 : i32
    %dma_start3A_72 = tpu.memref_slice %arg6[%dma_start3A_70, %dma_start3A_71] : memref<160x128xi32, #tpu.memory_space<vmem>> -> memref<1x128xi32, #tpu.memory_space<vmem>>
    %dma_start3A_73 = tpu.memref_squeeze %dma_start3A_72 : memref<1x128xi32, #tpu.memory_space<vmem>> -> memref<128xi32, #tpu.memory_space<vmem>>
    %dma_start3A_74 = arith.constant 0 : i32
    %dma_start3A_75 = arith.constant 0 : i32
    %dma_start3A_76 = tpu.memref_slice %arg2[%dma_start3A_74, %dma_start3A_75] : memref<20480x64xf32, #tpu.memory_space<hbm>> -> memref<20480x64xf32, #tpu.memory_space<hbm>>
    tpu.enqueue_indirect_dma source(%dma_start3A_76 : memref<20480x64xf32, #tpu.memory_space<hbm>>) target(%arg12 : memref<128x64xf32, #tpu.memory_space<vmem>>) offsets(%dma_start3A_73 : memref<128xi32, #tpu.memory_space<vmem>>) semaphore(%arg18 : memref<!tpu.dma_semaphore, #tpu.memory_space<semaphore_mem>>)
    %dma_wait3A_77 = arith.constant 2 : i32
    %dma_wait3A_78 = arith.constant 0 : i32
    %dma_wait3A_79 = tpu.memref_slice %arg6[%dma_wait3A_77, %dma_wait3A_78] : memref<160x128xi32, #tpu.memory_space<vmem>> -> memref<1x128xi32, #tpu.memory_space<vmem>>
    %dma_wait3A_80 = tpu.memref_squeeze %dma_wait3A_79 : memref<1x128xi32, #tpu.memory_space<vmem>> -> memref<128xi32, #tpu.memory_space<vmem>>
    %dma_wait3A_81 = arith.constant 0 : i32
    %dma_wait3A_82 = arith.constant 0 : i32
    %dma_wait3A_83 = tpu.memref_slice %arg2[%dma_wait3A_81, %dma_wait3A_82] : memref<20480x64xf32, #tpu.memory_space<hbm>> -> memref<20480x64xf32, #tpu.memory_space<hbm>>
    tpu.wait_indirect_dma semaphore(%arg16 : memref<!tpu.dma_semaphore, #tpu.memory_space<semaphore_mem>>) src(%dma_wait3A_83 : memref<20480x64xf32, #tpu.memory_space<hbm>>) dst(%arg10 : memref<128x64xf32, #tpu.memory_space<vmem>>)
    %dma_start3A_84 = arith.constant 2 : i32
    %dma_start3A_85 = arith.constant 0 : i32
    %dma_start3A_86 = tpu.memref_slice %arg7[%dma_start3A_84, %dma_start3A_85] : memref<160x128xi32, #tpu.memory_space<vmem>> -> memref<1x128xi32, #tpu.memory_space<vmem>>
    %dma_start3A_87 = tpu.memref_squeeze %dma_start3A_86 : memref<1x128xi32, #tpu.memory_space<vmem>> -> memref<128xi32, #tpu.memory_space<vmem>>
    %dma_start3A_88 = arith.constant 0 : i32
    %dma_start3A_89 = arith.constant 0 : i32
    %dma_start3A_90 = tpu.memref_slice %arg13[%dma_start3A_88, %dma_start3A_89] : memref<10240x64xf32, #tpu.memory_space<vmem_shared>> -> memref<10240x64xf32, #tpu.memory_space<vmem_shared>>
    tpu.enqueue_indirect_dma source(%arg10 : memref<128x64xf32, #tpu.memory_space<vmem>>) target(%dma_start3A_90 : memref<10240x64xf32, #tpu.memory_space<vmem_shared>>) offsets(%dma_start3A_87 : memref<128xi32, #tpu.memory_space<vmem>>) semaphore(%arg21 : memref<!tpu.dma_semaphore, #tpu.memory_space<semaphore_mem>>) {add = true}
    %scan3A_91 = arith.constant 0 : i32
    %scan3A_92 = arith.constant 1 : i32
    %scan3A_93 = arith.constant 31 : i32
    %scan3A_94 = arith.addi %scan3A_92, %scan3A_93 : i32
    %scan3A_95 = arith.constant 1 : i32
    %scan3A_96 = scf.for %scan3A_280 = %scan3A_92 to %scan3A_94 step %scan3A_95 iter_args(%scan3A_281 = %scan3A_91) -> (i32)  : i32 {
      %mul3A_282 = arith.constant 5 : i32
      %mul3A_283 = arith.muli %mul3A_282, %scan3A_280 : i32
      %add3A_284 = arith.constant 0 : i32
      %add3A_285 = arith.addi %mul3A_283, %add3A_284 : i32
      %sub3A = arith.constant 5 : i32
      %sub3A_286 = arith.subi %add3A_285, %sub3A : i32
      %dma_wait3A_287 = arith.constant 0 : i32
      %dma_wait3A_288 = tpu.memref_slice %arg7[%sub3A_286, %dma_wait3A_287] : memref<160x128xi32, #tpu.memory_space<vmem>> -> memref<1x128xi32, #tpu.memory_space<vmem>>
      %dma_wait3A_289 = tpu.memref_squeeze %dma_wait3A_288 : memref<1x128xi32, #tpu.memory_space<vmem>> -> memref<128xi32, #tpu.memory_space<vmem>>
      %dma_wait3A_290 = arith.constant 0 : i32
      %dma_wait3A_291 = arith.constant 0 : i32
      %dma_wait3A_292 = tpu.memref_slice %arg13[%dma_wait3A_290, %dma_wait3A_291] : memref<10240x64xf32, #tpu.memory_space<vmem_shared>> -> memref<10240x64xf32, #tpu.memory_space<vmem_shared>>
      tpu.wait_indirect_dma semaphore(%arg19 : memref<!tpu.dma_semaphore, #tpu.memory_space<semaphore_mem>>) src(%arg8 : memref<128x64xf32, #tpu.memory_space<vmem>>) dst(%dma_wait3A_292 : memref<10240x64xf32, #tpu.memory_space<vmem_shared>>)
      %dma_start3A_293 = arith.constant 0 : i32
      %dma_start3A_294 = tpu.memref_slice %arg6[%add3A_285, %dma_start3A_293] : memref<160x128xi32, #tpu.memory_space<vmem>> -> memref<1x128xi32, #tpu.memory_space<vmem>>
      %dma_start3A_295 = tpu.memref_squeeze %dma_start3A_294 : memref<1x128xi32, #tpu.memory_space<vmem>> -> memref<128xi32, #tpu.memory_space<vmem>>
      %dma_start3A_296 = arith.constant 0 : i32
      %dma_start3A_297 = arith.constant 0 : i32
      %dma_start3A_298 = tpu.memref_slice %arg2[%dma_start3A_296, %dma_start3A_297] : memref<20480x64xf32, #tpu.memory_space<hbm>> -> memref<20480x64xf32, #tpu.memory_space<hbm>>
      tpu.enqueue_indirect_dma source(%dma_start3A_298 : memref<20480x64xf32, #tpu.memory_space<hbm>>) target(%arg8 : memref<128x64xf32, #tpu.memory_space<vmem>>) offsets(%dma_start3A_295 : memref<128xi32, #tpu.memory_space<vmem>>) semaphore(%arg14 : memref<!tpu.dma_semaphore, #tpu.memory_space<semaphore_mem>>)
      %sub3A_299 = arith.constant 2 : i32
      %sub3A_300 = arith.subi %add3A_285, %sub3A_299 : i32
      %dma_wait3A_301 = arith.constant 0 : i32
      %dma_wait3A_302 = tpu.memref_slice %arg6[%sub3A_300, %dma_wait3A_301] : memref<160x128xi32, #tpu.memory_space<vmem>> -> memref<1x128xi32, #tpu.memory_space<vmem>>
      %dma_wait3A_303 = tpu.memref_squeeze %dma_wait3A_302 : memref<1x128xi32, #tpu.memory_space<vmem>> -> memref<128xi32, #tpu.memory_space<vmem>>
      %dma_wait3A_304 = arith.constant 0 : i32
      %dma_wait3A_305 = arith.constant 0 : i32
      %dma_wait3A_306 = tpu.memref_slice %arg2[%dma_wait3A_304, %dma_wait3A_305] : memref<20480x64xf32, #tpu.memory_space<hbm>> -> memref<20480x64xf32, #tpu.memory_space<hbm>>
      tpu.wait_indirect_dma semaphore(%arg17 : memref<!tpu.dma_semaphore, #tpu.memory_space<semaphore_mem>>) src(%dma_wait3A_306 : memref<20480x64xf32, #tpu.memory_space<hbm>>) dst(%arg11 : memref<128x64xf32, #tpu.memory_space<vmem>>)
      %sub3A_307 = arith.constant 2 : i32
      %sub3A_308 = arith.subi %add3A_285, %sub3A_307 : i32
      %dma_start3A_309 = arith.constant 0 : i32
      %dma_start3A_310 = tpu.memref_slice %arg7[%sub3A_308, %dma_start3A_309] : memref<160x128xi32, #tpu.memory_space<vmem>> -> memref<1x128xi32, #tpu.memory_space<vmem>>
      %dma_start3A_311 = tpu.memref_squeeze %dma_start3A_310 : memref<1x128xi32, #tpu.memory_space<vmem>> -> memref<128xi32, #tpu.memory_space<vmem>>
      %dma_start3A_312 = arith.constant 0 : i32
      %dma_start3A_313 = arith.constant 0 : i32
      %dma_start3A_314 = tpu.memref_slice %arg13[%dma_start3A_312, %dma_start3A_313] : memref<10240x64xf32, #tpu.memory_space<vmem_shared>> -> memref<10240x64xf32, #tpu.memory_space<vmem_shared>>
      tpu.enqueue_indirect_dma source(%arg11 : memref<128x64xf32, #tpu.memory_space<vmem>>) target(%dma_start3A_314 : memref<10240x64xf32, #tpu.memory_space<vmem_shared>>) offsets(%dma_start3A_311 : memref<128xi32, #tpu.memory_space<vmem>>) semaphore(%arg22 : memref<!tpu.dma_semaphore, #tpu.memory_space<semaphore_mem>>) {add = true}
      %add3A_315 = arith.constant 1 : i32
      %add3A_316 = arith.addi %mul3A_283, %add3A_315 : i32
      %sub3A_317 = arith.constant 5 : i32
      %sub3A_318 = arith.subi %add3A_316, %sub3A_317 : i32
      %dma_wait3A_319 = arith.constant 0 : i32
      %dma_wait3A_320 = tpu.memref_slice %arg7[%sub3A_318, %dma_wait3A_319] : memref<160x128xi32, #tpu.memory_space<vmem>> -> memref<1x128xi32, #tpu.memory_space<vmem>>
      %dma_wait3A_321 = tpu.memref_squeeze %dma_wait3A_320 : memref<1x128xi32, #tpu.memory_space<vmem>> -> memref<128xi32, #tpu.memory_space<vmem>>
      %dma_wait3A_322 = arith.constant 0 : i32
      %dma_wait3A_323 = arith.constant 0 : i32
      %dma_wait3A_324 = tpu.memref_slice %arg13[%dma_wait3A_322, %dma_wait3A_323] : memref<10240x64xf32, #tpu.memory_space<vmem_shared>> -> memref<10240x64xf32, #tpu.memory_space<vmem_shared>>
      tpu.wait_indirect_dma semaphore(%arg20 : memref<!tpu.dma_semaphore, #tpu.memory_space<semaphore_mem>>) src(%arg9 : memref<128x64xf32, #tpu.memory_space<vmem>>) dst(%dma_wait3A_324 : memref<10240x64xf32, #tpu.memory_space<vmem_shared>>)
      %dma_start3A_325 = arith.constant 0 : i32
      %dma_start3A_326 = tpu.memref_slice %arg6[%add3A_316, %dma_start3A_325] : memref<160x128xi32, #tpu.memory_space<vmem>> -> memref<1x128xi32, #tpu.memory_space<vmem>>
      %dma_start3A_327 = tpu.memref_squeeze %dma_start3A_326 : memref<1x128xi32, #tpu.memory_space<vmem>> -> memref<128xi32, #tpu.memory_space<vmem>>
      %dma_start3A_328 = arith.constant 0 : i32
      %dma_start3A_329 = arith.constant 0 : i32
      %dma_start3A_330 = tpu.memref_slice %arg2[%dma_start3A_328, %dma_start3A_329] : memref<20480x64xf32, #tpu.memory_space<hbm>> -> memref<20480x64xf32, #tpu.memory_space<hbm>>
      tpu.enqueue_indirect_dma source(%dma_start3A_330 : memref<20480x64xf32, #tpu.memory_space<hbm>>) target(%arg9 : memref<128x64xf32, #tpu.memory_space<vmem>>) offsets(%dma_start3A_327 : memref<128xi32, #tpu.memory_space<vmem>>) semaphore(%arg15 : memref<!tpu.dma_semaphore, #tpu.memory_space<semaphore_mem>>)
      %sub3A_331 = arith.constant 2 : i32
      %sub3A_332 = arith.subi %add3A_316, %sub3A_331 : i32
      %dma_wait3A_333 = arith.constant 0 : i32
      %dma_wait3A_334 = tpu.memref_slice %arg6[%sub3A_332, %dma_wait3A_333] : memref<160x128xi32, #tpu.memory_space<vmem>> -> memref<1x128xi32, #tpu.memory_space<vmem>>
      %dma_wait3A_335 = tpu.memref_squeeze %dma_wait3A_334 : memref<1x128xi32, #tpu.memory_space<vmem>> -> memref<128xi32, #tpu.memory_space<vmem>>
      %dma_wait3A_336 = arith.constant 0 : i32
      %dma_wait3A_337 = arith.constant 0 : i32
      %dma_wait3A_338 = tpu.memref_slice %arg2[%dma_wait3A_336, %dma_wait3A_337] : memref<20480x64xf32, #tpu.memory_space<hbm>> -> memref<20480x64xf32, #tpu.memory_space<hbm>>
      tpu.wait_indirect_dma semaphore(%arg18 : memref<!tpu.dma_semaphore, #tpu.memory_space<semaphore_mem>>) src(%dma_wait3A_338 : memref<20480x64xf32, #tpu.memory_space<hbm>>) dst(%arg12 : memref<128x64xf32, #tpu.memory_space<vmem>>)
      %sub3A_339 = arith.constant 2 : i32
      %sub3A_340 = arith.subi %add3A_316, %sub3A_339 : i32
      %dma_start3A_341 = arith.constant 0 : i32
      %dma_start3A_342 = tpu.memref_slice %arg7[%sub3A_340, %dma_start3A_341] : memref<160x128xi32, #tpu.memory_space<vmem>> -> memref<1x128xi32, #tpu.memory_space<vmem>>
      %dma_start3A_343 = tpu.memref_squeeze %dma_start3A_342 : memref<1x128xi32, #tpu.memory_space<vmem>> -> memref<128xi32, #tpu.memory_space<vmem>>
      %dma_start3A_344 = arith.constant 0 : i32
      %dma_start3A_345 = arith.constant 0 : i32
      %dma_start3A_346 = tpu.memref_slice %arg13[%dma_start3A_344, %dma_start3A_345] : memref<10240x64xf32, #tpu.memory_space<vmem_shared>> -> memref<10240x64xf32, #tpu.memory_space<vmem_shared>>
      tpu.enqueue_indirect_dma source(%arg12 : memref<128x64xf32, #tpu.memory_space<vmem>>) target(%dma_start3A_346 : memref<10240x64xf32, #tpu.memory_space<vmem_shared>>) offsets(%dma_start3A_343 : memref<128xi32, #tpu.memory_space<vmem>>) semaphore(%arg23 : memref<!tpu.dma_semaphore, #tpu.memory_space<semaphore_mem>>) {add = true}
      %add3A_347 = arith.constant 2 : i32
      %add3A_348 = arith.addi %mul3A_283, %add3A_347 : i32
      %sub3A_349 = arith.constant 5 : i32
      %sub3A_350 = arith.subi %add3A_348, %sub3A_349 : i32
      %dma_wait3A_351 = arith.constant 0 : i32
      %dma_wait3A_352 = tpu.memref_slice %arg7[%sub3A_350, %dma_wait3A_351] : memref<160x128xi32, #tpu.memory_space<vmem>> -> memref<1x128xi32, #tpu.memory_space<vmem>>
      %dma_wait3A_353 = tpu.memref_squeeze %dma_wait3A_352 : memref<1x128xi32, #tpu.memory_space<vmem>> -> memref<128xi32, #tpu.memory_space<vmem>>
      %dma_wait3A_354 = arith.constant 0 : i32
      %dma_wait3A_355 = arith.constant 0 : i32
      %dma_wait3A_356 = tpu.memref_slice %arg13[%dma_wait3A_354, %dma_wait3A_355] : memref<10240x64xf32, #tpu.memory_space<vmem_shared>> -> memref<10240x64xf32, #tpu.memory_space<vmem_shared>>
      tpu.wait_indirect_dma semaphore(%arg21 : memref<!tpu.dma_semaphore, #tpu.memory_space<semaphore_mem>>) src(%arg10 : memref<128x64xf32, #tpu.memory_space<vmem>>) dst(%dma_wait3A_356 : memref<10240x64xf32, #tpu.memory_space<vmem_shared>>)
      %dma_start3A_357 = arith.constant 0 : i32
      %dma_start3A_358 = tpu.memref_slice %arg6[%add3A_348, %dma_start3A_357] : memref<160x128xi32, #tpu.memory_space<vmem>> -> memref<1x128xi32, #tpu.memory_space<vmem>>
      %dma_start3A_359 = tpu.memref_squeeze %dma_start3A_358 : memref<1x128xi32, #tpu.memory_space<vmem>> -> memref<128xi32, #tpu.memory_space<vmem>>
      %dma_start3A_360 = arith.constant 0 : i32
      %dma_start3A_361 = arith.constant 0 : i32
      %dma_start3A_362 = tpu.memref_slice %arg2[%dma_start3A_360, %dma_start3A_361] : memref<20480x64xf32, #tpu.memory_space<hbm>> -> memref<20480x64xf32, #tpu.memory_space<hbm>>
      tpu.enqueue_indirect_dma source(%dma_start3A_362 : memref<20480x64xf32, #tpu.memory_space<hbm>>) target(%arg10 : memref<128x64xf32, #tpu.memory_space<vmem>>) offsets(%dma_start3A_359 : memref<128xi32, #tpu.memory_space<vmem>>) semaphore(%arg16 : memref<!tpu.dma_semaphore, #tpu.memory_space<semaphore_mem>>)
      %sub3A_363 = arith.constant 2 : i32
      %sub3A_364 = arith.subi %add3A_348, %sub3A_363 : i32
      %dma_wait3A_365 = arith.constant 0 : i32
      %dma_wait3A_366 = tpu.memref_slice %arg6[%sub3A_364, %dma_wait3A_365] : memref<160x128xi32, #tpu.memory_space<vmem>> -> memref<1x128xi32, #tpu.memory_space<vmem>>
      %dma_wait3A_367 = tpu.memref_squeeze %dma_wait3A_366 : memref<1x128xi32, #tpu.memory_space<vmem>> -> memref<128xi32, #tpu.memory_space<vmem>>
      %dma_wait3A_368 = arith.constant 0 : i32
      %dma_wait3A_369 = arith.constant 0 : i32
      %dma_wait3A_370 = tpu.memref_slice %arg2[%dma_wait3A_368, %dma_wait3A_369] : memref<20480x64xf32, #tpu.memory_space<hbm>> -> memref<20480x64xf32, #tpu.memory_space<hbm>>
      tpu.wait_indirect_dma semaphore(%arg14 : memref<!tpu.dma_semaphore, #tpu.memory_space<semaphore_mem>>) src(%dma_wait3A_370 : memref<20480x64xf32, #tpu.memory_space<hbm>>) dst(%arg8 : memref<128x64xf32, #tpu.memory_space<vmem>>)
      %sub3A_371 = arith.constant 2 : i32
      %sub3A_372 = arith.subi %add3A_348, %sub3A_371 : i32
      %dma_start3A_373 = arith.constant 0 : i32
      %dma_start3A_374 = tpu.memref_slice %arg7[%sub3A_372, %dma_start3A_373] : memref<160x128xi32, #tpu.memory_space<vmem>> -> memref<1x128xi32, #tpu.memory_space<vmem>>
      %dma_start3A_375 = tpu.memref_squeeze %dma_start3A_374 : memref<1x128xi32, #tpu.memory_space<vmem>> -> memref<128xi32, #tpu.memory_space<vmem>>
      %dma_start3A_376 = arith.constant 0 : i32
      %dma_start3A_377 = arith.constant 0 : i32
      %dma_start3A_378 = tpu.memref_slice %arg13[%dma_start3A_376, %dma_start3A_377] : memref<10240x64xf32, #tpu.memory_space<vmem_shared>> -> memref<10240x64xf32, #tpu.memory_space<vmem_shared>>
      tpu.enqueue_indirect_dma source(%arg8 : memref<128x64xf32, #tpu.memory_space<vmem>>) target(%dma_start3A_378 : memref<10240x64xf32, #tpu.memory_space<vmem_shared>>) offsets(%dma_start3A_375 : memref<128xi32, #tpu.memory_space<vmem>>) semaphore(%arg19 : memref<!tpu.dma_semaphore, #tpu.memory_space<semaphore_mem>>) {add = true}
      %add3A_379 = arith.constant 3 : i32
      %add3A_380 = arith.addi %mul3A_283, %add3A_379 : i32
      %sub3A_381 = arith.constant 5 : i32
      %sub3A_382 = arith.subi %add3A_380, %sub3A_381 : i32
      %dma_wait3A_383 = arith.constant 0 : i32
      %dma_wait3A_384 = tpu.memref_slice %arg7[%sub3A_382, %dma_wait3A_383] : memref<160x128xi32, #tpu.memory_space<vmem>> -> memref<1x128xi32, #tpu.memory_space<vmem>>
      %dma_wait3A_385 = tpu.memref_squeeze %dma_wait3A_384 : memref<1x128xi32, #tpu.memory_space<vmem>> -> memref<128xi32, #tpu.memory_space<vmem>>
      %dma_wait3A_386 = arith.constant 0 : i32
      %dma_wait3A_387 = arith.constant 0 : i32
      %dma_wait3A_388 = tpu.memref_slice %arg13[%dma_wait3A_386, %dma_wait3A_387] : memref<10240x64xf32, #tpu.memory_space<vmem_shared>> -> memref<10240x64xf32, #tpu.memory_space<vmem_shared>>
      tpu.wait_indirect_dma semaphore(%arg22 : memref<!tpu.dma_semaphore, #tpu.memory_space<semaphore_mem>>) src(%arg11 : memref<128x64xf32, #tpu.memory_space<vmem>>) dst(%dma_wait3A_388 : memref<10240x64xf32, #tpu.memory_space<vmem_shared>>)
      %dma_start3A_389 = arith.constant 0 : i32
      %dma_start3A_390 = tpu.memref_slice %arg6[%add3A_380, %dma_start3A_389] : memref<160x128xi32, #tpu.memory_space<vmem>> -> memref<1x128xi32, #tpu.memory_space<vmem>>
      %dma_start3A_391 = tpu.memref_squeeze %dma_start3A_390 : memref<1x128xi32, #tpu.memory_space<vmem>> -> memref<128xi32, #tpu.memory_space<vmem>>
      %dma_start3A_392 = arith.constant 0 : i32
      %dma_start3A_393 = arith.constant 0 : i32
      %dma_start3A_394 = tpu.memref_slice %arg2[%dma_start3A_392, %dma_start3A_393] : memref<20480x64xf32, #tpu.memory_space<hbm>> -> memref<20480x64xf32, #tpu.memory_space<hbm>>
      tpu.enqueue_indirect_dma source(%dma_start3A_394 : memref<20480x64xf32, #tpu.memory_space<hbm>>) target(%arg11 : memref<128x64xf32, #tpu.memory_space<vmem>>) offsets(%dma_start3A_391 : memref<128xi32, #tpu.memory_space<vmem>>) semaphore(%arg17 : memref<!tpu.dma_semaphore, #tpu.memory_space<semaphore_mem>>)
      %sub3A_395 = arith.constant 2 : i32
      %sub3A_396 = arith.subi %add3A_380, %sub3A_395 : i32
      %dma_wait3A_397 = arith.constant 0 : i32
      %dma_wait3A_398 = tpu.memref_slice %arg6[%sub3A_396, %dma_wait3A_397] : memref<160x128xi32, #tpu.memory_space<vmem>> -> memref<1x128xi32, #tpu.memory_space<vmem>>
      %dma_wait3A_399 = tpu.memref_squeeze %dma_wait3A_398 : memref<1x128xi32, #tpu.memory_space<vmem>> -> memref<128xi32, #tpu.memory_space<vmem>>
      %dma_wait3A_400 = arith.constant 0 : i32
      %dma_wait3A_401 = arith.constant 0 : i32
      %dma_wait3A_402 = tpu.memref_slice %arg2[%dma_wait3A_400, %dma_wait3A_401] : memref<20480x64xf32, #tpu.memory_space<hbm>> -> memref<20480x64xf32, #tpu.memory_space<hbm>>
      tpu.wait_indirect_dma semaphore(%arg15 : memref<!tpu.dma_semaphore, #tpu.memory_space<semaphore_mem>>) src(%dma_wait3A_402 : memref<20480x64xf32, #tpu.memory_space<hbm>>) dst(%arg9 : memref<128x64xf32, #tpu.memory_space<vmem>>)
      %sub3A_403 = arith.constant 2 : i32
      %sub3A_404 = arith.subi %add3A_380, %sub3A_403 : i32
      %dma_start3A_405 = arith.constant 0 : i32
      %dma_start3A_406 = tpu.memref_slice %arg7[%sub3A_404, %dma_start3A_405] : memref<160x128xi32, #tpu.memory_space<vmem>> -> memref<1x128xi32, #tpu.memory_space<vmem>>
      %dma_start3A_407 = tpu.memref_squeeze %dma_start3A_406 : memref<1x128xi32, #tpu.memory_space<vmem>> -> memref<128xi32, #tpu.memory_space<vmem>>
      %dma_start3A_408 = arith.constant 0 : i32
      %dma_start3A_409 = arith.constant 0 : i32
      %dma_start3A_410 = tpu.memref_slice %arg13[%dma_start3A_408, %dma_start3A_409] : memref<10240x64xf32, #tpu.memory_space<vmem_shared>> -> memref<10240x64xf32, #tpu.memory_space<vmem_shared>>
      tpu.enqueue_indirect_dma source(%arg9 : memref<128x64xf32, #tpu.memory_space<vmem>>) target(%dma_start3A_410 : memref<10240x64xf32, #tpu.memory_space<vmem_shared>>) offsets(%dma_start3A_407 : memref<128xi32, #tpu.memory_space<vmem>>) semaphore(%arg20 : memref<!tpu.dma_semaphore, #tpu.memory_space<semaphore_mem>>) {add = true}
      %add3A_411 = arith.constant 4 : i32
      %add3A_412 = arith.addi %mul3A_283, %add3A_411 : i32
      %sub3A_413 = arith.constant 5 : i32
      %sub3A_414 = arith.subi %add3A_412, %sub3A_413 : i32
      %dma_wait3A_415 = arith.constant 0 : i32
      %dma_wait3A_416 = tpu.memref_slice %arg7[%sub3A_414, %dma_wait3A_415] : memref<160x128xi32, #tpu.memory_space<vmem>> -> memref<1x128xi32, #tpu.memory_space<vmem>>
      %dma_wait3A_417 = tpu.memref_squeeze %dma_wait3A_416 : memref<1x128xi32, #tpu.memory_space<vmem>> -> memref<128xi32, #tpu.memory_space<vmem>>
      %dma_wait3A_418 = arith.constant 0 : i32
      %dma_wait3A_419 = arith.constant 0 : i32
      %dma_wait3A_420 = tpu.memref_slice %arg13[%dma_wait3A_418, %dma_wait3A_419] : memref<10240x64xf32, #tpu.memory_space<vmem_shared>> -> memref<10240x64xf32, #tpu.memory_space<vmem_shared>>
      tpu.wait_indirect_dma semaphore(%arg23 : memref<!tpu.dma_semaphore, #tpu.memory_space<semaphore_mem>>) src(%arg12 : memref<128x64xf32, #tpu.memory_space<vmem>>) dst(%dma_wait3A_420 : memref<10240x64xf32, #tpu.memory_space<vmem_shared>>)
      %dma_start3A_421 = arith.constant 0 : i32
      %dma_start3A_422 = tpu.memref_slice %arg6[%add3A_412, %dma_start3A_421] : memref<160x128xi32, #tpu.memory_space<vmem>> -> memref<1x128xi32, #tpu.memory_space<vmem>>
      %dma_start3A_423 = tpu.memref_squeeze %dma_start3A_422 : memref<1x128xi32, #tpu.memory_space<vmem>> -> memref<128xi32, #tpu.memory_space<vmem>>
      %dma_start3A_424 = arith.constant 0 : i32
      %dma_start3A_425 = arith.constant 0 : i32
      %dma_start3A_426 = tpu.memref_slice %arg2[%dma_start3A_424, %dma_start3A_425] : memref<20480x64xf32, #tpu.memory_space<hbm>> -> memref<20480x64xf32, #tpu.memory_space<hbm>>
      tpu.enqueue_indirect_dma source(%dma_start3A_426 : memref<20480x64xf32, #tpu.memory_space<hbm>>) target(%arg12 : memref<128x64xf32, #tpu.memory_space<vmem>>) offsets(%dma_start3A_423 : memref<128xi32, #tpu.memory_space<vmem>>) semaphore(%arg18 : memref<!tpu.dma_semaphore, #tpu.memory_space<semaphore_mem>>)
      %sub3A_427 = arith.constant 2 : i32
      %sub3A_428 = arith.subi %add3A_412, %sub3A_427 : i32
      %dma_wait3A_429 = arith.constant 0 : i32
      %dma_wait3A_430 = tpu.memref_slice %arg6[%sub3A_428, %dma_wait3A_429] : memref<160x128xi32, #tpu.memory_space<vmem>> -> memref<1x128xi32, #tpu.memory_space<vmem>>
      %dma_wait3A_431 = tpu.memref_squeeze %dma_wait3A_430 : memref<1x128xi32, #tpu.memory_space<vmem>> -> memref<128xi32, #tpu.memory_space<vmem>>
      %dma_wait3A_432 = arith.constant 0 : i32
      %dma_wait3A_433 = arith.constant 0 : i32
      %dma_wait3A_434 = tpu.memref_slice %arg2[%dma_wait3A_432, %dma_wait3A_433] : memref<20480x64xf32, #tpu.memory_space<hbm>> -> memref<20480x64xf32, #tpu.memory_space<hbm>>
      tpu.wait_indirect_dma semaphore(%arg16 : memref<!tpu.dma_semaphore, #tpu.memory_space<semaphore_mem>>) src(%dma_wait3A_434 : memref<20480x64xf32, #tpu.memory_space<hbm>>) dst(%arg10 : memref<128x64xf32, #tpu.memory_space<vmem>>)
      %sub3A_435 = arith.constant 2 : i32
      %sub3A_436 = arith.subi %add3A_412, %sub3A_435 : i32
      %dma_start3A_437 = arith.constant 0 : i32
      %dma_start3A_438 = tpu.memref_slice %arg7[%sub3A_436, %dma_start3A_437] : memref<160x128xi32, #tpu.memory_space<vmem>> -> memref<1x128xi32, #tpu.memory_space<vmem>>
      %dma_start3A_439 = tpu.memref_squeeze %dma_start3A_438 : memref<1x128xi32, #tpu.memory_space<vmem>> -> memref<128xi32, #tpu.memory_space<vmem>>
      %dma_start3A_440 = arith.constant 0 : i32
      %dma_start3A_441 = arith.constant 0 : i32
      %dma_start3A_442 = tpu.memref_slice %arg13[%dma_start3A_440, %dma_start3A_441] : memref<10240x64xf32, #tpu.memory_space<vmem_shared>> -> memref<10240x64xf32, #tpu.memory_space<vmem_shared>>
      tpu.enqueue_indirect_dma source(%arg10 : memref<128x64xf32, #tpu.memory_space<vmem>>) target(%dma_start3A_442 : memref<10240x64xf32, #tpu.memory_space<vmem_shared>>) offsets(%dma_start3A_439 : memref<128xi32, #tpu.memory_space<vmem>>) semaphore(%arg21 : memref<!tpu.dma_semaphore, #tpu.memory_space<semaphore_mem>>) {add = true}
      %scan3A_443 = arith.constant 0 : i32
      scf.yield %scan3A_443 : i32
    }
    %scan3A_97 = arith.constant 31 : i32
    %dma_wait3A_98 = arith.constant 158 : i32
    %dma_wait3A_99 = arith.constant 0 : i32
    %dma_wait3A_100 = tpu.memref_slice %arg6[%dma_wait3A_98, %dma_wait3A_99] : memref<160x128xi32, #tpu.memory_space<vmem>> -> memref<1x128xi32, #tpu.memory_space<vmem>>
    %dma_wait3A_101 = tpu.memref_squeeze %dma_wait3A_100 : memref<1x128xi32, #tpu.memory_space<vmem>> -> memref<128xi32, #tpu.memory_space<vmem>>
    %dma_wait3A_102 = arith.constant 0 : i32
    %dma_wait3A_103 = arith.constant 0 : i32
    %dma_wait3A_104 = tpu.memref_slice %arg2[%dma_wait3A_102, %dma_wait3A_103] : memref<20480x64xf32, #tpu.memory_space<hbm>> -> memref<20480x64xf32, #tpu.memory_space<hbm>>
    tpu.wait_indirect_dma semaphore(%arg17 : memref<!tpu.dma_semaphore, #tpu.memory_space<semaphore_mem>>) src(%dma_wait3A_104 : memref<20480x64xf32, #tpu.memory_space<hbm>>) dst(%arg11 : memref<128x64xf32, #tpu.memory_space<vmem>>)
    %dma_start3A_105 = arith.constant 158 : i32
    %dma_start3A_106 = arith.constant 0 : i32
    %dma_start3A_107 = tpu.memref_slice %arg7[%dma_start3A_105, %dma_start3A_106] : memref<160x128xi32, #tpu.memory_space<vmem>> -> memref<1x128xi32, #tpu.memory_space<vmem>>
    %dma_start3A_108 = tpu.memref_squeeze %dma_start3A_107 : memref<1x128xi32, #tpu.memory_space<vmem>> -> memref<128xi32, #tpu.memory_space<vmem>>
    %dma_start3A_109 = arith.constant 0 : i32
    %dma_start3A_110 = arith.constant 0 : i32
    %dma_start3A_111 = tpu.memref_slice %arg13[%dma_start3A_109, %dma_start3A_110] : memref<10240x64xf32, #tpu.memory_space<vmem_shared>> -> memref<10240x64xf32, #tpu.memory_space<vmem_shared>>
    tpu.enqueue_indirect_dma source(%arg11 : memref<128x64xf32, #tpu.memory_space<vmem>>) target(%dma_start3A_111 : memref<10240x64xf32, #tpu.memory_space<vmem_shared>>) offsets(%dma_start3A_108 : memref<128xi32, #tpu.memory_space<vmem>>) semaphore(%arg22 : memref<!tpu.dma_semaphore, #tpu.memory_space<semaphore_mem>>) {add = true}
    %dma_wait3A_112 = arith.constant 159 : i32
    %dma_wait3A_113 = arith.constant 0 : i32
    %dma_wait3A_114 = tpu.memref_slice %arg6[%dma_wait3A_112, %dma_wait3A_113] : memref<160x128xi32, #tpu.memory_space<vmem>> -> memref<1x128xi32, #tpu.memory_space<vmem>>
    %dma_wait3A_115 = tpu.memref_squeeze %dma_wait3A_114 : memref<1x128xi32, #tpu.memory_space<vmem>> -> memref<128xi32, #tpu.memory_space<vmem>>
    %dma_wait3A_116 = arith.constant 0 : i32
    %dma_wait3A_117 = arith.constant 0 : i32
    %dma_wait3A_118 = tpu.memref_slice %arg2[%dma_wait3A_116, %dma_wait3A_117] : memref<20480x64xf32, #tpu.memory_space<hbm>> -> memref<20480x64xf32, #tpu.memory_space<hbm>>
    tpu.wait_indirect_dma semaphore(%arg18 : memref<!tpu.dma_semaphore, #tpu.memory_space<semaphore_mem>>) src(%dma_wait3A_118 : memref<20480x64xf32, #tpu.memory_space<hbm>>) dst(%arg12 : memref<128x64xf32, #tpu.memory_space<vmem>>)
    %dma_start3A_119 = arith.constant 159 : i32
    %dma_start3A_120 = arith.constant 0 : i32
    %dma_start3A_121 = tpu.memref_slice %arg7[%dma_start3A_119, %dma_start3A_120] : memref<160x128xi32, #tpu.memory_space<vmem>> -> memref<1x128xi32, #tpu.memory_space<vmem>>
    %dma_start3A_122 = tpu.memref_squeeze %dma_start3A_121 : memref<1x128xi32, #tpu.memory_space<vmem>> -> memref<128xi32, #tpu.memory_space<vmem>>
    %dma_start3A_123 = arith.constant 0 : i32
    %dma_start3A_124 = arith.constant 0 : i32
    %dma_start3A_125 = tpu.memref_slice %arg13[%dma_start3A_123, %dma_start3A_124] : memref<10240x64xf32, #tpu.memory_space<vmem_shared>> -> memref<10240x64xf32, #tpu.memory_space<vmem_shared>>
    tpu.enqueue_indirect_dma source(%arg12 : memref<128x64xf32, #tpu.memory_space<vmem>>) target(%dma_start3A_125 : memref<10240x64xf32, #tpu.memory_space<vmem_shared>>) offsets(%dma_start3A_122 : memref<128xi32, #tpu.memory_space<vmem>>) semaphore(%arg23 : memref<!tpu.dma_semaphore, #tpu.memory_space<semaphore_mem>>) {add = true}
    %dma_wait3A_126 = arith.constant 155 : i32
    %dma_wait3A_127 = arith.constant 0 : i32
    %dma_wait3A_128 = tpu.memref_slice %arg7[%dma_wait3A_126, %dma_wait3A_127] : memref<160x128xi32, #tpu.memory_space<vmem>> -> memref<1x128xi32, #tpu.memory_space<vmem>>
    %dma_wait3A_129 = tpu.memref_squeeze %dma_wait3A_128 : memref<1x128xi32, #tpu.memory_space<vmem>> -> memref<128xi32, #tpu.memory_space<vmem>>
    %dma_wait3A_130 = arith.constant 0 : i32
    %dma_wait3A_131 = arith.constant 0 : i32
    %dma_wait3A_132 = tpu.memref_slice %arg13[%dma_wait3A_130, %dma_wait3A_131] : memref<10240x64xf32, #tpu.memory_space<vmem_shared>> -> memref<10240x64xf32, #tpu.memory_space<vmem_shared>>
    tpu.wait_indirect_dma semaphore(%arg19 : memref<!tpu.dma_semaphore, #tpu.memory_space<semaphore_mem>>) src(%arg8 : memref<128x64xf32, #tpu.memory_space<vmem>>) dst(%dma_wait3A_132 : memref<10240x64xf32, #tpu.memory_space<vmem_shared>>)
    %dma_wait3A_133 = arith.constant 156 : i32
    %dma_wait3A_134 = arith.constant 0 : i32
    %dma_wait3A_135 = tpu.memref_slice %arg7[%dma_wait3A_133, %dma_wait3A_134] : memref<160x128xi32, #tpu.memory_space<vmem>> -> memref<1x128xi32, #tpu.memory_space<vmem>>
    %dma_wait3A_136 = tpu.memref_squeeze %dma_wait3A_135 : memref<1x128xi32, #tpu.memory_space<vmem>> -> memref<128xi32, #tpu.memory_space<vmem>>
    %dma_wait3A_137 = arith.constant 0 : i32
    %dma_wait3A_138 = arith.constant 0 : i32
    %dma_wait3A_139 = tpu.memref_slice %arg13[%dma_wait3A_137, %dma_wait3A_138] : memref<10240x64xf32, #tpu.memory_space<vmem_shared>> -> memref<10240x64xf32, #tpu.memory_space<vmem_shared>>
    tpu.wait_indirect_dma semaphore(%arg20 : memref<!tpu.dma_semaphore, #tpu.memory_space<semaphore_mem>>) src(%arg9 : memref<128x64xf32, #tpu.memory_space<vmem>>) dst(%dma_wait3A_139 : memref<10240x64xf32, #tpu.memory_space<vmem_shared>>)
    %dma_wait3A_140 = arith.constant 157 : i32
    %dma_wait3A_141 = arith.constant 0 : i32
    %dma_wait3A_142 = tpu.memref_slice %arg7[%dma_wait3A_140, %dma_wait3A_141] : memref<160x128xi32, #tpu.memory_space<vmem>> -> memref<1x128xi32, #tpu.memory_space<vmem>>
    %dma_wait3A_143 = tpu.memref_squeeze %dma_wait3A_142 : memref<1x128xi32, #tpu.memory_space<vmem>> -> memref<128xi32, #tpu.memory_space<vmem>>
    %dma_wait3A_144 = arith.constant 0 : i32
    %dma_wait3A_145 = arith.constant 0 : i32
    %dma_wait3A_146 = tpu.memref_slice %arg13[%dma_wait3A_144, %dma_wait3A_145] : memref<10240x64xf32, #tpu.memory_space<vmem_shared>> -> memref<10240x64xf32, #tpu.memory_space<vmem_shared>>
    tpu.wait_indirect_dma semaphore(%arg21 : memref<!tpu.dma_semaphore, #tpu.memory_space<semaphore_mem>>) src(%arg10 : memref<128x64xf32, #tpu.memory_space<vmem>>) dst(%dma_wait3A_146 : memref<10240x64xf32, #tpu.memory_space<vmem_shared>>)
    %dma_wait3A_147 = arith.constant 158 : i32
    %dma_wait3A_148 = arith.constant 0 : i32
    %dma_wait3A_149 = tpu.memref_slice %arg7[%dma_wait3A_147, %dma_wait3A_148] : memref<160x128xi32, #tpu.memory_space<vmem>> -> memref<1x128xi32, #tpu.memory_space<vmem>>
    %dma_wait3A_150 = tpu.memref_squeeze %dma_wait3A_149 : memref<1x128xi32, #tpu.memory_space<vmem>> -> memref<128xi32, #tpu.memory_space<vmem>>
    %dma_wait3A_151 = arith.constant 0 : i32
    %dma_wait3A_152 = arith.constant 0 : i32
    %dma_wait3A_153 = tpu.memref_slice %arg13[%dma_wait3A_151, %dma_wait3A_152] : memref<10240x64xf32, #tpu.memory_space<vmem_shared>> -> memref<10240x64xf32, #tpu.memory_space<vmem_shared>>
    tpu.wait_indirect_dma semaphore(%arg22 : memref<!tpu.dma_semaphore, #tpu.memory_space<semaphore_mem>>) src(%arg11 : memref<128x64xf32, #tpu.memory_space<vmem>>) dst(%dma_wait3A_153 : memref<10240x64xf32, #tpu.memory_space<vmem_shared>>)
    %dma_wait3A_154 = arith.constant 159 : i32
    %dma_wait3A_155 = arith.constant 0 : i32
    %dma_wait3A_156 = tpu.memref_slice %arg7[%dma_wait3A_154, %dma_wait3A_155] : memref<160x128xi32, #tpu.memory_space<vmem>> -> memref<1x128xi32, #tpu.memory_space<vmem>>
    %dma_wait3A_157 = tpu.memref_squeeze %dma_wait3A_156 : memref<1x128xi32, #tpu.memory_space<vmem>> -> memref<128xi32, #tpu.memory_space<vmem>>
    %dma_wait3A_158 = arith.constant 0 : i32
    %dma_wait3A_159 = arith.constant 0 : i32
    %dma_wait3A_160 = tpu.memref_slice %arg13[%dma_wait3A_158, %dma_wait3A_159] : memref<10240x64xf32, #tpu.memory_space<vmem_shared>> -> memref<10240x64xf32, #tpu.memory_space<vmem_shared>>
    tpu.wait_indirect_dma semaphore(%arg23 : memref<!tpu.dma_semaphore, #tpu.memory_space<semaphore_mem>>) src(%arg12 : memref<128x64xf32, #tpu.memory_space<vmem>>) dst(%dma_wait3A_160 : memref<10240x64xf32, #tpu.memory_space<vmem_shared>>)
    %barrier3A_161 = arith.constant 0 : index
    tpu.barrier barrier_id(%barrier3A_161)
    %dma_start3A_162 = arith.constant 0 : i32
    %dma_start3A_163 = tpu.memref_slice %arg13[%mul3A_6, %dma_start3A_162] : memref<10240x64xf32, #tpu.memory_space<vmem_shared>> -> memref<128x64xf32, #tpu.memory_space<vmem_shared>>
    %dma_start3A_164 = arith.constant 0 : i32
    %dma_start3A_165 = tpu.memref_slice %arg13[%mul3A_6, %dma_start3A_164] : memref<10240x64xf32, #tpu.memory_space<vmem_shared>> -> memref<128x64xf32, #tpu.memory_space<vmem_shared>>
    tpu.enqueue_dma source(%dma_start3A_165 : memref<128x64xf32, #tpu.memory_space<vmem_shared>>) target(%arg8 : memref<128x64xf32, #tpu.memory_space<vmem>>) target_semaphore(%arg24 : memref<!tpu.dma_semaphore, #tpu.memory_space<semaphore_mem>>)
    %add3A_166 = arith.constant 128 : i32
    %add3A_167 = arith.addi %mul3A_6, %add3A_166 : i32
    %dma_start3A_168 = arith.constant 0 : i32
    %dma_start3A_169 = tpu.memref_slice %arg13[%add3A_167, %dma_start3A_168] : memref<10240x64xf32, #tpu.memory_space<vmem_shared>> -> memref<128x64xf32, #tpu.memory_space<vmem_shared>>
    %dma_start3A_170 = arith.constant 0 : i32
    %dma_start3A_171 = tpu.memref_slice %arg13[%add3A_167, %dma_start3A_170] : memref<10240x64xf32, #tpu.memory_space<vmem_shared>> -> memref<128x64xf32, #tpu.memory_space<vmem_shared>>
    tpu.enqueue_dma source(%dma_start3A_171 : memref<128x64xf32, #tpu.memory_space<vmem_shared>>) target(%arg9 : memref<128x64xf32, #tpu.memory_space<vmem>>) target_semaphore(%arg25 : memref<!tpu.dma_semaphore, #tpu.memory_space<semaphore_mem>>)
    %dma_wait3A_172 = arith.constant 0 : i32
    %dma_wait3A_173 = tpu.memref_slice %arg13[%mul3A_6, %dma_wait3A_172] : memref<10240x64xf32, #tpu.memory_space<vmem_shared>> -> memref<128x64xf32, #tpu.memory_space<vmem_shared>>
    %dma_wait3A_174 = arith.constant 0 : i32
    %dma_wait3A_175 = tpu.memref_slice %arg13[%mul3A_6, %dma_wait3A_174] : memref<10240x64xf32, #tpu.memory_space<vmem_shared>> -> memref<128x64xf32, #tpu.memory_space<vmem_shared>>
    tpu.wait_dma2 semaphore(%arg24 : memref<!tpu.dma_semaphore, #tpu.memory_space<semaphore_mem>>) src(%dma_wait3A_175 : memref<128x64xf32, #tpu.memory_space<vmem_shared>>) dst(%arg8 : memref<128x64xf32, #tpu.memory_space<vmem>>)
    %add3A_176 = arith.constant 0 : i32
    %add3A_177 = arith.addi %mul3A_6, %add3A_176 : i32
    %dma_start3A_178 = arith.constant 0 : i32
    %dma_start3A_179 = tpu.memref_slice %arg5[%arg0, %add3A_177, %dma_start3A_178] : memref<2x10240x64xf32, #tpu.memory_space<hbm>> -> memref<1x128x64xf32, #tpu.memory_space<hbm>>
    %dma_start3A_180 = tpu.memref_squeeze %dma_start3A_179 : memref<1x128x64xf32, #tpu.memory_space<hbm>> -> memref<128x64xf32, #tpu.memory_space<hbm>>
    %dma_start3A_181 = arith.constant 0 : i32
    %dma_start3A_182 = tpu.memref_slice %arg5[%arg0, %add3A_177, %dma_start3A_181] : memref<2x10240x64xf32, #tpu.memory_space<hbm>> -> memref<1x128x64xf32, #tpu.memory_space<hbm>>
    %dma_start3A_183 = tpu.memref_squeeze %dma_start3A_182 : memref<1x128x64xf32, #tpu.memory_space<hbm>> -> memref<128x64xf32, #tpu.memory_space<hbm>>
    tpu.enqueue_dma source(%arg8 : memref<128x64xf32, #tpu.memory_space<vmem>>) target(%dma_start3A_183 : memref<128x64xf32, #tpu.memory_space<hbm>>) target_semaphore(%arg26 : memref<!tpu.dma_semaphore, #tpu.memory_space<semaphore_mem>>)
    %dma_wait3A_184 = arith.constant 0 : i32
    %dma_wait3A_185 = tpu.memref_slice %arg5[%arg0, %add3A_177, %dma_wait3A_184] : memref<2x10240x64xf32, #tpu.memory_space<hbm>> -> memref<1x128x64xf32, #tpu.memory_space<hbm>>
    %dma_wait3A_186 = tpu.memref_squeeze %dma_wait3A_185 : memref<1x128x64xf32, #tpu.memory_space<hbm>> -> memref<128x64xf32, #tpu.memory_space<hbm>>
    %dma_wait3A_187 = arith.constant 0 : i32
    %dma_wait3A_188 = tpu.memref_slice %arg5[%arg0, %add3A_177, %dma_wait3A_187] : memref<2x10240x64xf32, #tpu.memory_space<hbm>> -> memref<1x128x64xf32, #tpu.memory_space<hbm>>
    %dma_wait3A_189 = tpu.memref_squeeze %dma_wait3A_188 : memref<1x128x64xf32, #tpu.memory_space<hbm>> -> memref<128x64xf32, #tpu.memory_space<hbm>>
    tpu.wait_dma2 semaphore(%arg26 : memref<!tpu.dma_semaphore, #tpu.memory_space<semaphore_mem>>) src(%arg8 : memref<128x64xf32, #tpu.memory_space<vmem>>) dst(%dma_wait3A_189 : memref<128x64xf32, #tpu.memory_space<hbm>>)
    %add3A_190 = arith.constant 256 : i32
    %add3A_191 = arith.addi %mul3A_6, %add3A_190 : i32
    %dma_start3A_192 = arith.constant 0 : i32
    %dma_start3A_193 = tpu.memref_slice %arg13[%add3A_191, %dma_start3A_192] : memref<10240x64xf32, #tpu.memory_space<vmem_shared>> -> memref<128x64xf32, #tpu.memory_space<vmem_shared>>
    %dma_start3A_194 = arith.constant 0 : i32
    %dma_start3A_195 = tpu.memref_slice %arg13[%add3A_191, %dma_start3A_194] : memref<10240x64xf32, #tpu.memory_space<vmem_shared>> -> memref<128x64xf32, #tpu.memory_space<vmem_shared>>
    tpu.enqueue_dma source(%dma_start3A_195 : memref<128x64xf32, #tpu.memory_space<vmem_shared>>) target(%arg8 : memref<128x64xf32, #tpu.memory_space<vmem>>) target_semaphore(%arg24 : memref<!tpu.dma_semaphore, #tpu.memory_space<semaphore_mem>>)
    %dma_wait3A_196 = arith.constant 0 : i32
    %dma_wait3A_197 = tpu.memref_slice %arg13[%add3A_167, %dma_wait3A_196] : memref<10240x64xf32, #tpu.memory_space<vmem_shared>> -> memref<128x64xf32, #tpu.memory_space<vmem_shared>>
    %dma_wait3A_198 = arith.constant 0 : i32
    %dma_wait3A_199 = tpu.memref_slice %arg13[%add3A_167, %dma_wait3A_198] : memref<10240x64xf32, #tpu.memory_space<vmem_shared>> -> memref<128x64xf32, #tpu.memory_space<vmem_shared>>
    tpu.wait_dma2 semaphore(%arg25 : memref<!tpu.dma_semaphore, #tpu.memory_space<semaphore_mem>>) src(%dma_wait3A_199 : memref<128x64xf32, #tpu.memory_space<vmem_shared>>) dst(%arg9 : memref<128x64xf32, #tpu.memory_space<vmem>>)
    %add3A_200 = arith.constant 128 : i32
    %add3A_201 = arith.addi %mul3A_6, %add3A_200 : i32
    %dma_start3A_202 = arith.constant 0 : i32
    %dma_start3A_203 = tpu.memref_slice %arg5[%arg0, %add3A_201, %dma_start3A_202] : memref<2x10240x64xf32, #tpu.memory_space<hbm>> -> memref<1x128x64xf32, #tpu.memory_space<hbm>>
    %dma_start3A_204 = tpu.memref_squeeze %dma_start3A_203 : memref<1x128x64xf32, #tpu.memory_space<hbm>> -> memref<128x64xf32, #tpu.memory_space<hbm>>
    %dma_start3A_205 = arith.constant 0 : i32
    %dma_start3A_206 = tpu.memref_slice %arg5[%arg0, %add3A_201, %dma_start3A_205] : memref<2x10240x64xf32, #tpu.memory_space<hbm>> -> memref<1x128x64xf32, #tpu.memory_space<hbm>>
    %dma_start3A_207 = tpu.memref_squeeze %dma_start3A_206 : memref<1x128x64xf32, #tpu.memory_space<hbm>> -> memref<128x64xf32, #tpu.memory_space<hbm>>
    tpu.enqueue_dma source(%arg9 : memref<128x64xf32, #tpu.memory_space<vmem>>) target(%dma_start3A_207 : memref<128x64xf32, #tpu.memory_space<hbm>>) target_semaphore(%arg27 : memref<!tpu.dma_semaphore, #tpu.memory_space<semaphore_mem>>)
    %dma_wait3A_208 = arith.constant 0 : i32
    %dma_wait3A_209 = tpu.memref_slice %arg5[%arg0, %add3A_201, %dma_wait3A_208] : memref<2x10240x64xf32, #tpu.memory_space<hbm>> -> memref<1x128x64xf32, #tpu.memory_space<hbm>>
    %dma_wait3A_210 = tpu.memref_squeeze %dma_wait3A_209 : memref<1x128x64xf32, #tpu.memory_space<hbm>> -> memref<128x64xf32, #tpu.memory_space<hbm>>
    %dma_wait3A_211 = arith.constant 0 : i32
    %dma_wait3A_212 = tpu.memref_slice %arg5[%arg0, %add3A_201, %dma_wait3A_211] : memref<2x10240x64xf32, #tpu.memory_space<hbm>> -> memref<1x128x64xf32, #tpu.memory_space<hbm>>
    %dma_wait3A_213 = tpu.memref_squeeze %dma_wait3A_212 : memref<1x128x64xf32, #tpu.memory_space<hbm>> -> memref<128x64xf32, #tpu.memory_space<hbm>>
    tpu.wait_dma2 semaphore(%arg27 : memref<!tpu.dma_semaphore, #tpu.memory_space<semaphore_mem>>) src(%arg9 : memref<128x64xf32, #tpu.memory_space<vmem>>) dst(%dma_wait3A_213 : memref<128x64xf32, #tpu.memory_space<hbm>>)
    %add3A_214 = arith.constant 384 : i32
    %add3A_215 = arith.addi %mul3A_6, %add3A_214 : i32
    %dma_start3A_216 = arith.constant 0 : i32
    %dma_start3A_217 = tpu.memref_slice %arg13[%add3A_215, %dma_start3A_216] : memref<10240x64xf32, #tpu.memory_space<vmem_shared>> -> memref<128x64xf32, #tpu.memory_space<vmem_shared>>
    %dma_start3A_218 = arith.constant 0 : i32
    %dma_start3A_219 = tpu.memref_slice %arg13[%add3A_215, %dma_start3A_218] : memref<10240x64xf32, #tpu.memory_space<vmem_shared>> -> memref<128x64xf32, #tpu.memory_space<vmem_shared>>
    tpu.enqueue_dma source(%dma_start3A_219 : memref<128x64xf32, #tpu.memory_space<vmem_shared>>) target(%arg9 : memref<128x64xf32, #tpu.memory_space<vmem>>) target_semaphore(%arg25 : memref<!tpu.dma_semaphore, #tpu.memory_space<semaphore_mem>>)
    %dma_wait3A_220 = arith.constant 0 : i32
    %dma_wait3A_221 = tpu.memref_slice %arg13[%add3A_191, %dma_wait3A_220] : memref<10240x64xf32, #tpu.memory_space<vmem_shared>> -> memref<128x64xf32, #tpu.memory_space<vmem_shared>>
    %dma_wait3A_222 = arith.constant 0 : i32
    %dma_wait3A_223 = tpu.memref_slice %arg13[%add3A_191, %dma_wait3A_222] : memref<10240x64xf32, #tpu.memory_space<vmem_shared>> -> memref<128x64xf32, #tpu.memory_space<vmem_shared>>
    tpu.wait_dma2 semaphore(%arg24 : memref<!tpu.dma_semaphore, #tpu.memory_space<semaphore_mem>>) src(%dma_wait3A_223 : memref<128x64xf32, #tpu.memory_space<vmem_shared>>) dst(%arg8 : memref<128x64xf32, #tpu.memory_space<vmem>>)
    %add3A_224 = arith.constant 256 : i32
    %add3A_225 = arith.addi %mul3A_6, %add3A_224 : i32
    %dma_start3A_226 = arith.constant 0 : i32
    %dma_start3A_227 = tpu.memref_slice %arg5[%arg0, %add3A_225, %dma_start3A_226] : memref<2x10240x64xf32, #tpu.memory_space<hbm>> -> memref<1x128x64xf32, #tpu.memory_space<hbm>>
    %dma_start3A_228 = tpu.memref_squeeze %dma_start3A_227 : memref<1x128x64xf32, #tpu.memory_space<hbm>> -> memref<128x64xf32, #tpu.memory_space<hbm>>
    %dma_start3A_229 = arith.constant 0 : i32
    %dma_start3A_230 = tpu.memref_slice %arg5[%arg0, %add3A_225, %dma_start3A_229] : memref<2x10240x64xf32, #tpu.memory_space<hbm>> -> memref<1x128x64xf32, #tpu.memory_space<hbm>>
    %dma_start3A_231 = tpu.memref_squeeze %dma_start3A_230 : memref<1x128x64xf32, #tpu.memory_space<hbm>> -> memref<128x64xf32, #tpu.memory_space<hbm>>
    tpu.enqueue_dma source(%arg8 : memref<128x64xf32, #tpu.memory_space<vmem>>) target(%dma_start3A_231 : memref<128x64xf32, #tpu.memory_space<hbm>>) target_semaphore(%arg26 : memref<!tpu.dma_semaphore, #tpu.memory_space<semaphore_mem>>)
    %dma_wait3A_232 = arith.constant 0 : i32
    %dma_wait3A_233 = tpu.memref_slice %arg5[%arg0, %add3A_225, %dma_wait3A_232] : memref<2x10240x64xf32, #tpu.memory_space<hbm>> -> memref<1x128x64xf32, #tpu.memory_space<hbm>>
    %dma_wait3A_234 = tpu.memref_squeeze %dma_wait3A_233 : memref<1x128x64xf32, #tpu.memory_space<hbm>> -> memref<128x64xf32, #tpu.memory_space<hbm>>
    %dma_wait3A_235 = arith.constant 0 : i32
    %dma_wait3A_236 = tpu.memref_slice %arg5[%arg0, %add3A_225, %dma_wait3A_235] : memref<2x10240x64xf32, #tpu.memory_space<hbm>> -> memref<1x128x64xf32, #tpu.memory_space<hbm>>
    %dma_wait3A_237 = tpu.memref_squeeze %dma_wait3A_236 : memref<1x128x64xf32, #tpu.memory_space<hbm>> -> memref<128x64xf32, #tpu.memory_space<hbm>>
    tpu.wait_dma2 semaphore(%arg26 : memref<!tpu.dma_semaphore, #tpu.memory_space<semaphore_mem>>) src(%arg8 : memref<128x64xf32, #tpu.memory_space<vmem>>) dst(%dma_wait3A_237 : memref<128x64xf32, #tpu.memory_space<hbm>>)
    %add3A_238 = arith.constant 512 : i32
    %add3A_239 = arith.addi %mul3A_6, %add3A_238 : i32
    %dma_start3A_240 = arith.constant 0 : i32
    %dma_start3A_241 = tpu.memref_slice %arg13[%add3A_239, %dma_start3A_240] : memref<10240x64xf32, #tpu.memory_space<vmem_shared>> -> memref<128x64xf32, #tpu.memory_space<vmem_shared>>
    %dma_start3A_242 = arith.constant 0 : i32
    %dma_start3A_243 = tpu.memref_slice %arg13[%add3A_239, %dma_start3A_242] : memref<10240x64xf32, #tpu.memory_space<vmem_shared>> -> memref<128x64xf32, #tpu.memory_space<vmem_shared>>
    tpu.enqueue_dma source(%dma_start3A_243 : memref<128x64xf32, #tpu.memory_space<vmem_shared>>) target(%arg8 : memref<128x64xf32, #tpu.memory_space<vmem>>) target_semaphore(%arg24 : memref<!tpu.dma_semaphore, #tpu.memory_space<semaphore_mem>>)
    %dma_wait3A_244 = arith.constant 0 : i32
    %dma_wait3A_245 = tpu.memref_slice %arg13[%add3A_215, %dma_wait3A_244] : memref<10240x64xf32, #tpu.memory_space<vmem_shared>> -> memref<128x64xf32, #tpu.memory_space<vmem_shared>>
    %dma_wait3A_246 = arith.constant 0 : i32
    %dma_wait3A_247 = tpu.memref_slice %arg13[%add3A_215, %dma_wait3A_246] : memref<10240x64xf32, #tpu.memory_space<vmem_shared>> -> memref<128x64xf32, #tpu.memory_space<vmem_shared>>
    tpu.wait_dma2 semaphore(%arg25 : memref<!tpu.dma_semaphore, #tpu.memory_space<semaphore_mem>>) src(%dma_wait3A_247 : memref<128x64xf32, #tpu.memory_space<vmem_shared>>) dst(%arg9 : memref<128x64xf32, #tpu.memory_space<vmem>>)
    %add3A_248 = arith.constant 384 : i32
    %add3A_249 = arith.addi %mul3A_6, %add3A_248 : i32
    %dma_start3A_250 = arith.constant 0 : i32
    %dma_start3A_251 = tpu.memref_slice %arg5[%arg0, %add3A_249, %dma_start3A_250] : memref<2x10240x64xf32, #tpu.memory_space<hbm>> -> memref<1x128x64xf32, #tpu.memory_space<hbm>>
    %dma_start3A_252 = tpu.memref_squeeze %dma_start3A_251 : memref<1x128x64xf32, #tpu.memory_space<hbm>> -> memref<128x64xf32, #tpu.memory_space<hbm>>
    %dma_start3A_253 = arith.constant 0 : i32
    %dma_start3A_254 = tpu.memref_slice %arg5[%arg0, %add3A_249, %dma_start3A_253] : memref<2x10240x64xf32, #tpu.memory_space<hbm>> -> memref<1x128x64xf32, #tpu.memory_space<hbm>>
    %dma_start3A_255 = tpu.memref_squeeze %dma_start3A_254 : memref<1x128x64xf32, #tpu.memory_space<hbm>> -> memref<128x64xf32, #tpu.memory_space<hbm>>
    tpu.enqueue_dma source(%arg9 : memref<128x64xf32, #tpu.memory_space<vmem>>) target(%dma_start3A_255 : memref<128x64xf32, #tpu.memory_space<hbm>>) target_semaphore(%arg27 : memref<!tpu.dma_semaphore, #tpu.memory_space<semaphore_mem>>)
    %dma_wait3A_256 = arith.constant 0 : i32
    %dma_wait3A_257 = tpu.memref_slice %arg13[%add3A_239, %dma_wait3A_256] : memref<10240x64xf32, #tpu.memory_space<vmem_shared>> -> memref<128x64xf32, #tpu.memory_space<vmem_shared>>
    %dma_wait3A_258 = arith.constant 0 : i32
    %dma_wait3A_259 = tpu.memref_slice %arg13[%add3A_239, %dma_wait3A_258] : memref<10240x64xf32, #tpu.memory_space<vmem_shared>> -> memref<128x64xf32, #tpu.memory_space<vmem_shared>>
    tpu.wait_dma2 semaphore(%arg24 : memref<!tpu.dma_semaphore, #tpu.memory_space<semaphore_mem>>) src(%dma_wait3A_259 : memref<128x64xf32, #tpu.memory_space<vmem_shared>>) dst(%arg8 : memref<128x64xf32, #tpu.memory_space<vmem>>)
    %add3A_260 = arith.constant 512 : i32
    %add3A_261 = arith.addi %mul3A_6, %add3A_260 : i32
    %dma_start3A_262 = arith.constant 0 : i32
    %dma_start3A_263 = tpu.memref_slice %arg5[%arg0, %add3A_261, %dma_start3A_262] : memref<2x10240x64xf32, #tpu.memory_space<hbm>> -> memref<1x128x64xf32, #tpu.memory_space<hbm>>
    %dma_start3A_264 = tpu.memref_squeeze %dma_start3A_263 : memref<1x128x64xf32, #tpu.memory_space<hbm>> -> memref<128x64xf32, #tpu.memory_space<hbm>>
    %dma_start3A_265 = arith.constant 0 : i32
    %dma_start3A_266 = tpu.memref_slice %arg5[%arg0, %add3A_261, %dma_start3A_265] : memref<2x10240x64xf32, #tpu.memory_space<hbm>> -> memref<1x128x64xf32, #tpu.memory_space<hbm>>
    %dma_start3A_267 = tpu.memref_squeeze %dma_start3A_266 : memref<1x128x64xf32, #tpu.memory_space<hbm>> -> memref<128x64xf32, #tpu.memory_space<hbm>>
    tpu.enqueue_dma source(%arg8 : memref<128x64xf32, #tpu.memory_space<vmem>>) target(%dma_start3A_267 : memref<128x64xf32, #tpu.memory_space<hbm>>) target_semaphore(%arg26 : memref<!tpu.dma_semaphore, #tpu.memory_space<semaphore_mem>>)
    %dma_wait3A_268 = arith.constant 0 : i32
    %dma_wait3A_269 = tpu.memref_slice %arg5[%arg0, %add3A_249, %dma_wait3A_268] : memref<2x10240x64xf32, #tpu.memory_space<hbm>> -> memref<1x128x64xf32, #tpu.memory_space<hbm>>
    %dma_wait3A_270 = tpu.memref_squeeze %dma_wait3A_269 : memref<1x128x64xf32, #tpu.memory_space<hbm>> -> memref<128x64xf32, #tpu.memory_space<hbm>>
    %dma_wait3A_271 = arith.constant 0 : i32
    %dma_wait3A_272 = tpu.memref_slice %arg5[%arg0, %add3A_249, %dma_wait3A_271] : memref<2x10240x64xf32, #tpu.memory_space<hbm>> -> memref<1x128x64xf32, #tpu.memory_space<hbm>>
    %dma_wait3A_273 = tpu.memref_squeeze %dma_wait3A_272 : memref<1x128x64xf32, #tpu.memory_space<hbm>> -> memref<128x64xf32, #tpu.memory_space<hbm>>
    tpu.wait_dma2 semaphore(%arg27 : memref<!tpu.dma_semaphore, #tpu.memory_space<semaphore_mem>>) src(%arg9 : memref<128x64xf32, #tpu.memory_space<vmem>>) dst(%dma_wait3A_273 : memref<128x64xf32, #tpu.memory_space<hbm>>)
    %dma_wait3A_274 = arith.constant 0 : i32
    %dma_wait3A_275 = tpu.memref_slice %arg5[%arg0, %add3A_261, %dma_wait3A_274] : memref<2x10240x64xf32, #tpu.memory_space<hbm>> -> memref<1x128x64xf32, #tpu.memory_space<hbm>>
    %dma_wait3A_276 = tpu.memref_squeeze %dma_wait3A_275 : memref<1x128x64xf32, #tpu.memory_space<hbm>> -> memref<128x64xf32, #tpu.memory_space<hbm>>
    %dma_wait3A_277 = arith.constant 0 : i32
    %dma_wait3A_278 = tpu.memref_slice %arg5[%arg0, %add3A_261, %dma_wait3A_277] : memref<2x10240x64xf32, #tpu.memory_space<hbm>> -> memref<1x128x64xf32, #tpu.memory_space<hbm>>
    %dma_wait3A_279 = tpu.memref_squeeze %dma_wait3A_278 : memref<1x128x64xf32, #tpu.memory_space<hbm>> -> memref<128x64xf32, #tpu.memory_space<hbm>>
    tpu.wait_dma2 semaphore(%arg26 : memref<!tpu.dma_semaphore, #tpu.memory_space<semaphore_mem>>) src(%arg8 : memref<128x64xf32, #tpu.memory_space<vmem>>) dst(%dma_wait3A_279 : memref<128x64xf32, #tpu.memory_space<hbm>>)
    return
  }
}

#map = affine_map<(d0, d1) -> (0, 0, 0)>
#map1 = affine_map<(d0, d1) -> (0, 0)>
module attributes {stable_mosaic.version = 14 : i64} {
  func.func @_sc_deg(%arg0: i32, %arg1: i32, %arg2: memref<32x80x128xi32, #tpu.memory_space<hbm>>, %arg3: memref<2x10240xf32, #tpu.memory_space<hbm>>, %arg4: memref<80x128xi32, #tpu.memory_space<vmem>>, %arg5: memref<640xf32, #tpu.memory_space<vmem>>, %arg6: memref<128xf32, #tpu.memory_space<vmem>>, %arg7: memref<10240xf32, #tpu.memory_space<vmem_shared>>) attributes {dimension_semantics = [#tpu.dimension_semantics<core_parallel>, #tpu.dimension_semantics<subcore_parallel>], iteration_bounds = array<i64: 2, 16>, scalar_prefetch = 0 : i64, scratch_operands = 4 : i64, tpu.core_type = #tpu.core_type<sc_vector_subcore>, window_params = [{transform_indices = #map}, {transform_indices = #map1}]} {
    %mul3A = arith.constant 16 : i32
    %mul3A_0 = arith.muli %arg0, %mul3A : i32
    %add3A = arith.addi %mul3A_0, %arg1 : i32
    "tpu.region"() ({
      %run_scoped3A = tpu.sem_alloc : memref<!tpu.dma_semaphore, #tpu.memory_space<semaphore_mem>>
      %dma_start3A = arith.constant 0 : i32
      %dma_start3A_67 = arith.constant 0 : i32
      %dma_start3A_68 = tpu.memref_slice %arg2[%add3A, %dma_start3A, %dma_start3A_67] : memref<32x80x128xi32, #tpu.memory_space<hbm>> -> memref<1x80x128xi32, #tpu.memory_space<hbm>>
      %dma_start3A_69 = tpu.memref_squeeze %dma_start3A_68 : memref<1x80x128xi32, #tpu.memory_space<hbm>> -> memref<80x128xi32, #tpu.memory_space<hbm>>
      %dma_start3A_70 = arith.constant 0 : i32
      %dma_start3A_71 = arith.constant 0 : i32
      %dma_start3A_72 = tpu.memref_slice %arg2[%add3A, %dma_start3A_70, %dma_start3A_71] : memref<32x80x128xi32, #tpu.memory_space<hbm>> -> memref<1x80x128xi32, #tpu.memory_space<hbm>>
      %dma_start3A_73 = tpu.memref_squeeze %dma_start3A_72 : memref<1x80x128xi32, #tpu.memory_space<hbm>> -> memref<80x128xi32, #tpu.memory_space<hbm>>
      tpu.enqueue_dma source(%dma_start3A_73 : memref<80x128xi32, #tpu.memory_space<hbm>>) target(%arg4 : memref<80x128xi32, #tpu.memory_space<vmem>>) target_semaphore(%run_scoped3A : memref<!tpu.dma_semaphore, #tpu.memory_space<semaphore_mem>>)
      %dma_wait3A = arith.constant 0 : i32
      %dma_wait3A_74 = arith.constant 0 : i32
      %dma_wait3A_75 = tpu.memref_slice %arg2[%add3A, %dma_wait3A, %dma_wait3A_74] : memref<32x80x128xi32, #tpu.memory_space<hbm>> -> memref<1x80x128xi32, #tpu.memory_space<hbm>>
      %dma_wait3A_76 = tpu.memref_squeeze %dma_wait3A_75 : memref<1x80x128xi32, #tpu.memory_space<hbm>> -> memref<80x128xi32, #tpu.memory_space<hbm>>
      %dma_wait3A_77 = arith.constant 0 : i32
      %dma_wait3A_78 = arith.constant 0 : i32
      %dma_wait3A_79 = tpu.memref_slice %arg2[%add3A, %dma_wait3A_77, %dma_wait3A_78] : memref<32x80x128xi32, #tpu.memory_space<hbm>> -> memref<1x80x128xi32, #tpu.memory_space<hbm>>
      %dma_wait3A_80 = tpu.memref_squeeze %dma_wait3A_79 : memref<1x80x128xi32, #tpu.memory_space<hbm>> -> memref<80x128xi32, #tpu.memory_space<hbm>>
      tpu.wait_dma2 semaphore(%run_scoped3A : memref<!tpu.dma_semaphore, #tpu.memory_space<semaphore_mem>>) src(%dma_wait3A_80 : memref<80x128xi32, #tpu.memory_space<hbm>>) dst(%arg4 : memref<80x128xi32, #tpu.memory_space<vmem>>)
      tpu.yield
    }) : () -> ()
    %scan3A = arith.constant 0 : i32
    %scan3A_1 = arith.constant 0 : i32
    %scan3A_2 = arith.constant 40 : i32
    %scan3A_3 = arith.addi %scan3A_1, %scan3A_2 : i32
    %scan3A_4 = arith.constant 1 : i32
    %scan3A_5 = scf.for %scan3A_67 = %scan3A_1 to %scan3A_3 step %scan3A_4 iter_args(%scan3A_68 = %scan3A) -> (i32)  : i32 {
      %broadcast_in_dim3A_69 = arith.constant 0.000000e+00 : f32
      %broadcast_in_dim3A_70 = vector.broadcast %broadcast_in_dim3A_69 : f32 to vector<16xf32>
      %mul3A_71 = arith.constant 16 : i32
      %mul3A_72 = arith.muli %scan3A_67, %mul3A_71 : i32
      %swap3A_73 = arith.index_cast %mul3A_72 : i32 to index
      %swap3A_74 = tpu.vector_load %arg5[%swap3A_73] {strides = array<i32>} : memref<640xf32, #tpu.memory_space<vmem>>, vector<16xf32>,
      %swap3A_75 = vector.shape_cast %swap3A_74 : vector<16xf32> to vector<16xf32>
      %swap3A_76 = vector.shape_cast %broadcast_in_dim3A_70 : vector<16xf32> to vector<16xf32>
      tpu.vector_store %arg5[%swap3A_73], %swap3A_76 {strides = array<i32>} : memref<640xf32, #tpu.memory_space<vmem>>, vector<16xf32>,
      %scan3A_77 = arith.constant 0 : i32
      scf.yield %scan3A_77 : i32
    }
    %scan3A_6 = arith.constant 40 : i32
    %broadcast_in_dim3A = arith.constant 1.000000e+00 : f32
    %broadcast_in_dim3A_7 = vector.broadcast %broadcast_in_dim3A : f32 to vector<16xf32>
    %swap3A = arith.constant 0 : index
    %swap3A_8 = tpu.vector_load %arg6[%swap3A] {strides = array<i32>} : memref<128xf32, #tpu.memory_space<vmem>>, vector<16xf32>,
    %swap3A_9 = vector.shape_cast %swap3A_8 : vector<16xf32> to vector<16xf32>
    %swap3A_10 = vector.shape_cast %broadcast_in_dim3A_7 : vector<16xf32> to vector<16xf32>
    tpu.vector_store %arg6[%swap3A], %swap3A_10 {strides = array<i32>} : memref<128xf32, #tpu.memory_space<vmem>>, vector<16xf32>,
    %broadcast_in_dim3A_11 = arith.constant 1.000000e+00 : f32
    %broadcast_in_dim3A_12 = vector.broadcast %broadcast_in_dim3A_11 : f32 to vector<16xf32>
    %swap3A_13 = arith.constant 16 : index
    %swap3A_14 = tpu.vector_load %arg6[%swap3A_13] {strides = array<i32>} : memref<128xf32, #tpu.memory_space<vmem>>, vector<16xf32>,
    %swap3A_15 = vector.shape_cast %swap3A_14 : vector<16xf32> to vector<16xf32>
    %swap3A_16 = vector.shape_cast %broadcast_in_dim3A_12 : vector<16xf32> to vector<16xf32>
    tpu.vector_store %arg6[%swap3A_13], %swap3A_16 {strides = array<i32>} : memref<128xf32, #tpu.memory_space<vmem>>, vector<16xf32>,
    %broadcast_in_dim3A_17 = arith.constant 1.000000e+00 : f32
    %broadcast_in_dim3A_18 = vector.broadcast %broadcast_in_dim3A_17 : f32 to vector<16xf32>
    %swap3A_19 = arith.constant 32 : index
    %swap3A_20 = tpu.vector_load %arg6[%swap3A_19] {strides = array<i32>} : memref<128xf32, #tpu.memory_space<vmem>>, vector<16xf32>,
    %swap3A_21 = vector.shape_cast %swap3A_20 : vector<16xf32> to vector<16xf32>
    %swap3A_22 = vector.shape_cast %broadcast_in_dim3A_18 : vector<16xf32> to vector<16xf32>
    tpu.vector_store %arg6[%swap3A_19], %swap3A_22 {strides = array<i32>} : memref<128xf32, #tpu.memory_space<vmem>>, vector<16xf32>,
    %broadcast_in_dim3A_23 = arith.constant 1.000000e+00 : f32
    %broadcast_in_dim3A_24 = vector.broadcast %broadcast_in_dim3A_23 : f32 to vector<16xf32>
    %swap3A_25 = arith.constant 48 : index
    %swap3A_26 = tpu.vector_load %arg6[%swap3A_25] {strides = array<i32>} : memref<128xf32, #tpu.memory_space<vmem>>, vector<16xf32>,
    %swap3A_27 = vector.shape_cast %swap3A_26 : vector<16xf32> to vector<16xf32>
    %swap3A_28 = vector.shape_cast %broadcast_in_dim3A_24 : vector<16xf32> to vector<16xf32>
    tpu.vector_store %arg6[%swap3A_25], %swap3A_28 {strides = array<i32>} : memref<128xf32, #tpu.memory_space<vmem>>, vector<16xf32>,
    %broadcast_in_dim3A_29 = arith.constant 1.000000e+00 : f32
    %broadcast_in_dim3A_30 = vector.broadcast %broadcast_in_dim3A_29 : f32 to vector<16xf32>
    %swap3A_31 = arith.constant 64 : index
    %swap3A_32 = tpu.vector_load %arg6[%swap3A_31] {strides = array<i32>} : memref<128xf32, #tpu.memory_space<vmem>>, vector<16xf32>,
    %swap3A_33 = vector.shape_cast %swap3A_32 : vector<16xf32> to vector<16xf32>
    %swap3A_34 = vector.shape_cast %broadcast_in_dim3A_30 : vector<16xf32> to vector<16xf32>
    tpu.vector_store %arg6[%swap3A_31], %swap3A_34 {strides = array<i32>} : memref<128xf32, #tpu.memory_space<vmem>>, vector<16xf32>,
    %broadcast_in_dim3A_35 = arith.constant 1.000000e+00 : f32
    %broadcast_in_dim3A_36 = vector.broadcast %broadcast_in_dim3A_35 : f32 to vector<16xf32>
    %swap3A_37 = arith.constant 80 : index
    %swap3A_38 = tpu.vector_load %arg6[%swap3A_37] {strides = array<i32>} : memref<128xf32, #tpu.memory_space<vmem>>, vector<16xf32>,
    %swap3A_39 = vector.shape_cast %swap3A_38 : vector<16xf32> to vector<16xf32>
    %swap3A_40 = vector.shape_cast %broadcast_in_dim3A_36 : vector<16xf32> to vector<16xf32>
    tpu.vector_store %arg6[%swap3A_37], %swap3A_40 {strides = array<i32>} : memref<128xf32, #tpu.memory_space<vmem>>, vector<16xf32>,
    %broadcast_in_dim3A_41 = arith.constant 1.000000e+00 : f32
    %broadcast_in_dim3A_42 = vector.broadcast %broadcast_in_dim3A_41 : f32 to vector<16xf32>
    %swap3A_43 = arith.constant 96 : index
    %swap3A_44 = tpu.vector_load %arg6[%swap3A_43] {strides = array<i32>} : memref<128xf32, #tpu.memory_space<vmem>>, vector<16xf32>,
    %swap3A_45 = vector.shape_cast %swap3A_44 : vector<16xf32> to vector<16xf32>
    %swap3A_46 = vector.shape_cast %broadcast_in_dim3A_42 : vector<16xf32> to vector<16xf32>
    tpu.vector_store %arg6[%swap3A_43], %swap3A_46 {strides = array<i32>} : memref<128xf32, #tpu.memory_space<vmem>>, vector<16xf32>,
    %broadcast_in_dim3A_47 = arith.constant 1.000000e+00 : f32
    %broadcast_in_dim3A_48 = vector.broadcast %broadcast_in_dim3A_47 : f32 to vector<16xf32>
    %swap3A_49 = arith.constant 112 : index
    %swap3A_50 = tpu.vector_load %arg6[%swap3A_49] {strides = array<i32>} : memref<128xf32, #tpu.memory_space<vmem>>, vector<16xf32>,
    %swap3A_51 = vector.shape_cast %swap3A_50 : vector<16xf32> to vector<16xf32>
    %swap3A_52 = vector.shape_cast %broadcast_in_dim3A_48 : vector<16xf32> to vector<16xf32>
    tpu.vector_store %arg6[%swap3A_49], %swap3A_52 {strides = array<i32>} : memref<128xf32, #tpu.memory_space<vmem>>, vector<16xf32>,
    %mul3A_53 = arith.constant 640 : i32
    %mul3A_54 = arith.muli %arg1, %mul3A_53 : i32
    "tpu.region"() ({
      %run_scoped3A = tpu.sem_alloc : memref<!tpu.dma_semaphore, #tpu.memory_space<semaphore_mem>>
      %dma_start3A = tpu.memref_slice %arg7[%mul3A_54] : memref<10240xf32, #tpu.memory_space<vmem_shared>> -> memref<640xf32, #tpu.memory_space<vmem_shared>>
      %dma_start3A_67 = tpu.memref_slice %arg7[%mul3A_54] : memref<10240xf32, #tpu.memory_space<vmem_shared>> -> memref<640xf32, #tpu.memory_space<vmem_shared>>
      tpu.enqueue_dma source(%arg5 : memref<640xf32, #tpu.memory_space<vmem>>) target(%dma_start3A_67 : memref<640xf32, #tpu.memory_space<vmem_shared>>) target_semaphore(%run_scoped3A : memref<!tpu.dma_semaphore, #tpu.memory_space<semaphore_mem>>)
      %dma_wait3A = tpu.memref_slice %arg7[%mul3A_54] : memref<10240xf32, #tpu.memory_space<vmem_shared>> -> memref<640xf32, #tpu.memory_space<vmem_shared>>
      %dma_wait3A_68 = tpu.memref_slice %arg7[%mul3A_54] : memref<10240xf32, #tpu.memory_space<vmem_shared>> -> memref<640xf32, #tpu.memory_space<vmem_shared>>
      tpu.wait_dma2 semaphore(%run_scoped3A : memref<!tpu.dma_semaphore, #tpu.memory_space<semaphore_mem>>) src(%arg5 : memref<640xf32, #tpu.memory_space<vmem>>) dst(%dma_wait3A_68 : memref<640xf32, #tpu.memory_space<vmem_shared>>)
      tpu.yield
    }) : () -> ()
    %barrier3A = arith.constant 0 : index
    tpu.barrier barrier_id(%barrier3A)
    %scan3A_55 = arith.constant 0 : i32
    %scan3A_56 = arith.constant 0 : i32
    %scan3A_57 = arith.constant 80 : i32
    %scan3A_58 = arith.addi %scan3A_56, %scan3A_57 : i32
    %scan3A_59 = arith.constant 1 : i32
    %scan3A_60 = scf.for %scan3A_67 = %scan3A_56 to %scan3A_58 step %scan3A_59 iter_args(%scan3A_68 = %scan3A_55) -> (i32)  : i32 {
      "tpu.region"() ({
        %run_scoped3A = tpu.sem_alloc : memref<!tpu.dma_semaphore, #tpu.memory_space<semaphore_mem>>
        %dma_start3A = arith.constant 0 : i32
        %dma_start3A_70 = tpu.memref_slice %arg4[%scan3A_67, %dma_start3A] : memref<80x128xi32, #tpu.memory_space<vmem>> -> memref<1x128xi32, #tpu.memory_space<vmem>>
        %dma_start3A_71 = tpu.memref_squeeze %dma_start3A_70 : memref<1x128xi32, #tpu.memory_space<vmem>> -> memref<128xi32, #tpu.memory_space<vmem>>
        %dma_start3A_72 = arith.constant 0 : i32
        %dma_start3A_73 = tpu.memref_slice %arg7[%dma_start3A_72] : memref<10240xf32, #tpu.memory_space<vmem_shared>> -> memref<10240xf32, #tpu.memory_space<vmem_shared>>
        tpu.enqueue_indirect_dma source(%arg6 : memref<128xf32, #tpu.memory_space<vmem>>) target(%dma_start3A_73 : memref<10240xf32, #tpu.memory_space<vmem_shared>>) offsets(%dma_start3A_71 : memref<128xi32, #tpu.memory_space<vmem>>) semaphore(%run_scoped3A : memref<!tpu.dma_semaphore, #tpu.memory_space<semaphore_mem>>) {add = true}
        %dma_wait3A = arith.constant 0 : i32
        %dma_wait3A_74 = tpu.memref_slice %arg4[%scan3A_67, %dma_wait3A] : memref<80x128xi32, #tpu.memory_space<vmem>> -> memref<1x128xi32, #tpu.memory_space<vmem>>
        %dma_wait3A_75 = tpu.memref_squeeze %dma_wait3A_74 : memref<1x128xi32, #tpu.memory_space<vmem>> -> memref<128xi32, #tpu.memory_space<vmem>>
        %dma_wait3A_76 = arith.constant 0 : i32
        %dma_wait3A_77 = tpu.memref_slice %arg7[%dma_wait3A_76] : memref<10240xf32, #tpu.memory_space<vmem_shared>> -> memref<10240xf32, #tpu.memory_space<vmem_shared>>
        tpu.wait_indirect_dma semaphore(%run_scoped3A : memref<!tpu.dma_semaphore, #tpu.memory_space<semaphore_mem>>) src(%arg6 : memref<128xf32, #tpu.memory_space<vmem>>) dst(%dma_wait3A_77 : memref<10240xf32, #tpu.memory_space<vmem_shared>>)
        tpu.yield
      }) : () -> ()
      %scan3A_69 = arith.constant 0 : i32
      scf.yield %scan3A_69 : i32
    }
    %scan3A_61 = arith.constant 80 : i32
    %barrier3A_62 = arith.constant 0 : index
    tpu.barrier barrier_id(%barrier3A_62)
    %mul3A_63 = arith.constant 640 : i32
    %mul3A_64 = arith.muli %arg1, %mul3A_63 : i32
    "tpu.region"() ({
      %run_scoped3A = tpu.sem_alloc : memref<!tpu.dma_semaphore, #tpu.memory_space<semaphore_mem>>
      %dma_start3A = tpu.memref_slice %arg7[%mul3A_64] : memref<10240xf32, #tpu.memory_space<vmem_shared>> -> memref<640xf32, #tpu.memory_space<vmem_shared>>
      %dma_start3A_67 = tpu.memref_slice %arg7[%mul3A_64] : memref<10240xf32, #tpu.memory_space<vmem_shared>> -> memref<640xf32, #tpu.memory_space<vmem_shared>>
      tpu.enqueue_dma source(%dma_start3A_67 : memref<640xf32, #tpu.memory_space<vmem_shared>>) target(%arg5 : memref<640xf32, #tpu.memory_space<vmem>>) target_semaphore(%run_scoped3A : memref<!tpu.dma_semaphore, #tpu.memory_space<semaphore_mem>>)
      %dma_wait3A = tpu.memref_slice %arg7[%mul3A_64] : memref<10240xf32, #tpu.memory_space<vmem_shared>> -> memref<640xf32, #tpu.memory_space<vmem_shared>>
      %dma_wait3A_68 = tpu.memref_slice %arg7[%mul3A_64] : memref<10240xf32, #tpu.memory_space<vmem_shared>> -> memref<640xf32, #tpu.memory_space<vmem_shared>>
      tpu.wait_dma2 semaphore(%run_scoped3A : memref<!tpu.dma_semaphore, #tpu.memory_space<semaphore_mem>>) src(%dma_wait3A_68 : memref<640xf32, #tpu.memory_space<vmem_shared>>) dst(%arg5 : memref<640xf32, #tpu.memory_space<vmem>>)
      tpu.yield
    }) : () -> ()
    %mul3A_65 = arith.constant 640 : i32
    %mul3A_66 = arith.muli %arg1, %mul3A_65 : i32
    "tpu.region"() ({
      %run_scoped3A = tpu.sem_alloc : memref<!tpu.dma_semaphore, #tpu.memory_space<semaphore_mem>>
      %dma_start3A = tpu.memref_slice %arg3[%arg0, %mul3A_66] : memref<2x10240xf32, #tpu.memory_space<hbm>> -> memref<1x640xf32, #tpu.memory_space<hbm>>
      %dma_start3A_67 = tpu.memref_squeeze %dma_start3A : memref<1x640xf32, #tpu.memory_space<hbm>> -> memref<640xf32, #tpu.memory_space<hbm>>
      %dma_start3A_68 = tpu.memref_slice %arg3[%arg0, %mul3A_66] : memref<2x10240xf32, #tpu.memory_space<hbm>> -> memref<1x640xf32, #tpu.memory_space<hbm>>
      %dma_start3A_69 = tpu.memref_squeeze %dma_start3A_68 : memref<1x640xf32, #tpu.memory_space<hbm>> -> memref<640xf32, #tpu.memory_space<hbm>>
      tpu.enqueue_dma source(%arg5 : memref<640xf32, #tpu.memory_space<vmem>>) target(%dma_start3A_69 : memref<640xf32, #tpu.memory_space<hbm>>) target_semaphore(%run_scoped3A : memref<!tpu.dma_semaphore, #tpu.memory_space<semaphore_mem>>)
      %dma_wait3A = tpu.memref_slice %arg3[%arg0, %mul3A_66] : memref<2x10240xf32, #tpu.memory_space<hbm>> -> memref<1x640xf32, #tpu.memory_space<hbm>>
      %dma_wait3A_70 = tpu.memref_squeeze %dma_wait3A : memref<1x640xf32, #tpu.memory_space<hbm>> -> memref<640xf32, #tpu.memory_space<hbm>>
      %dma_wait3A_71 = tpu.memref_slice %arg3[%arg0, %mul3A_66] : memref<2x10240xf32, #tpu.memory_space<hbm>> -> memref<1x640xf32, #tpu.memory_space<hbm>>
      %dma_wait3A_72 = tpu.memref_squeeze %dma_wait3A_71 : memref<1x640xf32, #tpu.memory_space<hbm>> -> memref<640xf32, #tpu.memory_space<hbm>>
      tpu.wait_dma2 semaphore(%run_scoped3A : memref<!tpu.dma_semaphore, #tpu.memory_space<semaphore_mem>>) src(%arg5 : memref<640xf32, #tpu.memory_space<vmem>>) dst(%dma_wait3A_72 : memref<640xf32, #tpu.memory_space<hbm>>)
      tpu.yield
    }) : () -> ()
    return
  }
}

#map = affine_map<(d0, d1) -> (0, 0)>
#map1 = affine_map<(d0, d1) -> (0, 0, 0, 0)>
#map2 = affine_map<(d0, d1) -> (0, 0, 0)>
module attributes {stable_mosaic.version = 14 : i64} {
  func.func @_sc_prop(%arg0: i32, %arg1: i32, %arg2: memref<20480x64xf32, #tpu.memory_space<hbm>>, %arg3: memref<2x16x160x128xi32, #tpu.memory_space<hbm>>, %arg4: memref<16x160x128xi32, #tpu.memory_space<hbm>>, %arg5: memref<2x10240x64xf32, #tpu.memory_space<hbm>>, %arg6: memref<160x128xi32, #tpu.memory_space<vmem>>, %arg7: memref<160x128xi32, #tpu.memory_space<vmem>>, %arg8: memref<128x64xf32, #tpu.memory_space<vmem>>, %arg9: memref<128x64xf32, #tpu.memory_space<vmem>>, %arg10: memref<128x64xf32, #tpu.memory_space<vmem>>, %arg11: memref<128x64xf32, #tpu.memory_space<vmem>>, %arg12: memref<128x64xf32, #tpu.memory_space<vmem>>, %arg13: memref<10240x64xf32, #tpu.memory_space<vmem_shared>>, %arg14: memref<!tpu.dma_semaphore, #tpu.memory_space<semaphore_mem>>, %arg15: memref<!tpu.dma_semaphore, #tpu.memory_space<semaphore_mem>>, %arg16: memref<!tpu.dma_semaphore, #tpu.memory_space<semaphore_mem>>, %arg17: memref<!tpu.dma_semaphore, #tpu.memory_space<semaphore_mem>>, %arg18: memref<!tpu.dma_semaphore, #tpu.memory_space<semaphore_mem>>, %arg19: memref<!tpu.dma_semaphore, #tpu.memory_space<semaphore_mem>>, %arg20: memref<!tpu.dma_semaphore, #tpu.memory_space<semaphore_mem>>, %arg21: memref<!tpu.dma_semaphore, #tpu.memory_space<semaphore_mem>>, %arg22: memref<!tpu.dma_semaphore, #tpu.memory_space<semaphore_mem>>, %arg23: memref<!tpu.dma_semaphore, #tpu.memory_space<semaphore_mem>>, %arg24: memref<!tpu.dma_semaphore, #tpu.memory_space<semaphore_mem>>, %arg25: memref<!tpu.dma_semaphore, #tpu.memory_space<semaphore_mem>>, %arg26: memref<!tpu.dma_semaphore, #tpu.memory_space<semaphore_mem>>, %arg27: memref<!tpu.dma_semaphore, #tpu.memory_space<semaphore_mem>>) attributes {dimension_semantics = [#tpu.dimension_semantics<core_parallel>, #tpu.dimension_semantics<subcore_parallel>], iteration_bounds = array<i64: 2, 16>, scalar_prefetch = 0 : i64, scratch_operands = 22 : i64, tpu.core_type = #tpu.core_type<sc_vector_subcore>, window_params = [{transform_indices = #map}, {transform_indices = #map1}, {transform_indices = #map2}, {transform_indices = #map2}]} {
    "tpu.region"() ({
      %run_scoped3A = tpu.sem_alloc : memref<!tpu.dma_semaphore, #tpu.memory_space<semaphore_mem>>
      %dma_start3A_280 = arith.constant 0 : i32
      %dma_start3A_281 = arith.constant 0 : i32
      %dma_start3A_282 = tpu.memref_slice %arg3[%arg0, %arg1, %dma_start3A_280, %dma_start3A_281] : memref<2x16x160x128xi32, #tpu.memory_space<hbm>> -> memref<1x1x160x128xi32, #tpu.memory_space<hbm>>
      %dma_start3A_283 = tpu.memref_squeeze %dma_start3A_282 : memref<1x1x160x128xi32, #tpu.memory_space<hbm>> -> memref<160x128xi32, #tpu.memory_space<hbm>>
      %dma_start3A_284 = arith.constant 0 : i32
      %dma_start3A_285 = arith.constant 0 : i32
      %dma_start3A_286 = tpu.memref_slice %arg3[%arg0, %arg1, %dma_start3A_284, %dma_start3A_285] : memref<2x16x160x128xi32, #tpu.memory_space<hbm>> -> memref<1x1x160x128xi32, #tpu.memory_space<hbm>>
      %dma_start3A_287 = tpu.memref_squeeze %dma_start3A_286 : memref<1x1x160x128xi32, #tpu.memory_space<hbm>> -> memref<160x128xi32, #tpu.memory_space<hbm>>
      tpu.enqueue_dma source(%dma_start3A_287 : memref<160x128xi32, #tpu.memory_space<hbm>>) target(%arg6 : memref<160x128xi32, #tpu.memory_space<vmem>>) target_semaphore(%run_scoped3A : memref<!tpu.dma_semaphore, #tpu.memory_space<semaphore_mem>>)
      %dma_wait3A_288 = arith.constant 0 : i32
      %dma_wait3A_289 = arith.constant 0 : i32
      %dma_wait3A_290 = tpu.memref_slice %arg3[%arg0, %arg1, %dma_wait3A_288, %dma_wait3A_289] : memref<2x16x160x128xi32, #tpu.memory_space<hbm>> -> memref<1x1x160x128xi32, #tpu.memory_space<hbm>>
      %dma_wait3A_291 = tpu.memref_squeeze %dma_wait3A_290 : memref<1x1x160x128xi32, #tpu.memory_space<hbm>> -> memref<160x128xi32, #tpu.memory_space<hbm>>
      %dma_wait3A_292 = arith.constant 0 : i32
      %dma_wait3A_293 = arith.constant 0 : i32
      %dma_wait3A_294 = tpu.memref_slice %arg3[%arg0, %arg1, %dma_wait3A_292, %dma_wait3A_293] : memref<2x16x160x128xi32, #tpu.memory_space<hbm>> -> memref<1x1x160x128xi32, #tpu.memory_space<hbm>>
      %dma_wait3A_295 = tpu.memref_squeeze %dma_wait3A_294 : memref<1x1x160x128xi32, #tpu.memory_space<hbm>> -> memref<160x128xi32, #tpu.memory_space<hbm>>
      tpu.wait_dma2 semaphore(%run_scoped3A : memref<!tpu.dma_semaphore, #tpu.memory_space<semaphore_mem>>) src(%dma_wait3A_295 : memref<160x128xi32, #tpu.memory_space<hbm>>) dst(%arg6 : memref<160x128xi32, #tpu.memory_space<vmem>>)
      tpu.yield
    }) : () -> ()
    "tpu.region"() ({
      %run_scoped3A = tpu.sem_alloc : memref<!tpu.dma_semaphore, #tpu.memory_space<semaphore_mem>>
      %dma_start3A_280 = arith.constant 0 : i32
      %dma_start3A_281 = arith.constant 0 : i32
      %dma_start3A_282 = tpu.memref_slice %arg4[%arg1, %dma_start3A_280, %dma_start3A_281] : memref<16x160x128xi32, #tpu.memory_space<hbm>> -> memref<1x160x128xi32, #tpu.memory_space<hbm>>
      %dma_start3A_283 = tpu.memref_squeeze %dma_start3A_282 : memref<1x160x128xi32, #tpu.memory_space<hbm>> -> memref<160x128xi32, #tpu.memory_space<hbm>>
      %dma_start3A_284 = arith.constant 0 : i32
      %dma_start3A_285 = arith.constant 0 : i32
      %dma_start3A_286 = tpu.memref_slice %arg4[%arg1, %dma_start3A_284, %dma_start3A_285] : memref<16x160x128xi32, #tpu.memory_space<hbm>> -> memref<1x160x128xi32, #tpu.memory_space<hbm>>
      %dma_start3A_287 = tpu.memref_squeeze %dma_start3A_286 : memref<1x160x128xi32, #tpu.memory_space<hbm>> -> memref<160x128xi32, #tpu.memory_space<hbm>>
      tpu.enqueue_dma source(%dma_start3A_287 : memref<160x128xi32, #tpu.memory_space<hbm>>) target(%arg7 : memref<160x128xi32, #tpu.memory_space<vmem>>) target_semaphore(%run_scoped3A : memref<!tpu.dma_semaphore, #tpu.memory_space<semaphore_mem>>)
      %dma_wait3A_288 = arith.constant 0 : i32
      %dma_wait3A_289 = arith.constant 0 : i32
      %dma_wait3A_290 = tpu.memref_slice %arg4[%arg1, %dma_wait3A_288, %dma_wait3A_289] : memref<16x160x128xi32, #tpu.memory_space<hbm>> -> memref<1x160x128xi32, #tpu.memory_space<hbm>>
      %dma_wait3A_291 = tpu.memref_squeeze %dma_wait3A_290 : memref<1x160x128xi32, #tpu.memory_space<hbm>> -> memref<160x128xi32, #tpu.memory_space<hbm>>
      %dma_wait3A_292 = arith.constant 0 : i32
      %dma_wait3A_293 = arith.constant 0 : i32
      %dma_wait3A_294 = tpu.memref_slice %arg4[%arg1, %dma_wait3A_292, %dma_wait3A_293] : memref<16x160x128xi32, #tpu.memory_space<hbm>> -> memref<1x160x128xi32, #tpu.memory_space<hbm>>
      %dma_wait3A_295 = tpu.memref_squeeze %dma_wait3A_294 : memref<1x160x128xi32, #tpu.memory_space<hbm>> -> memref<160x128xi32, #tpu.memory_space<hbm>>
      tpu.wait_dma2 semaphore(%run_scoped3A : memref<!tpu.dma_semaphore, #tpu.memory_space<semaphore_mem>>) src(%dma_wait3A_295 : memref<160x128xi32, #tpu.memory_space<hbm>>) dst(%arg7 : memref<160x128xi32, #tpu.memory_space<vmem>>)
      tpu.yield
    }) : () -> ()
    %scan3A = arith.constant 0 : i32
    %scan3A_0 = arith.constant 0 : i32
    %scan3A_1 = arith.constant 128 : i32
    %scan3A_2 = arith.addi %scan3A_0, %scan3A_1 : i32
    %scan3A_3 = arith.constant 1 : i32
    %scan3A_4 = scf.for %scan3A_280 = %scan3A_0 to %scan3A_2 step %scan3A_3 iter_args(%scan3A_281 = %scan3A) -> (i32)  : i32 {
      %broadcast_in_dim3A = arith.constant 0.000000e+00 : f32
      %broadcast_in_dim3A_282 = vector.broadcast %broadcast_in_dim3A : f32 to vector<16xf32>
      %swap3A = arith.index_cast %scan3A_280 : i32 to index
      %swap3A_283 = arith.constant 0 : index
      %swap3A_284 = tpu.vector_load %arg8[%swap3A, %swap3A_283] {strides = array<i32>} : memref<128x64xf32, #tpu.memory_space<vmem>>, vector<1x16xf32>,
      %swap3A_285 = vector.shape_cast %swap3A_284 : vector<1x16xf32> to vector<16xf32>
      %swap3A_286 = vector.shape_cast %broadcast_in_dim3A_282 : vector<16xf32> to vector<1x16xf32>
      tpu.vector_store %arg8[%swap3A, %swap3A_283], %swap3A_286 {strides = array<i32>} : memref<128x64xf32, #tpu.memory_space<vmem>>, vector<1x16xf32>,
      %broadcast_in_dim3A_287 = arith.constant 0.000000e+00 : f32
      %broadcast_in_dim3A_288 = vector.broadcast %broadcast_in_dim3A_287 : f32 to vector<16xf32>
      %swap3A_289 = arith.index_cast %scan3A_280 : i32 to index
      %swap3A_290 = arith.constant 16 : index
      %swap3A_291 = tpu.vector_load %arg8[%swap3A_289, %swap3A_290] {strides = array<i32>} : memref<128x64xf32, #tpu.memory_space<vmem>>, vector<1x16xf32>,
      %swap3A_292 = vector.shape_cast %swap3A_291 : vector<1x16xf32> to vector<16xf32>
      %swap3A_293 = vector.shape_cast %broadcast_in_dim3A_288 : vector<16xf32> to vector<1x16xf32>
      tpu.vector_store %arg8[%swap3A_289, %swap3A_290], %swap3A_293 {strides = array<i32>} : memref<128x64xf32, #tpu.memory_space<vmem>>, vector<1x16xf32>,
      %broadcast_in_dim3A_294 = arith.constant 0.000000e+00 : f32
      %broadcast_in_dim3A_295 = vector.broadcast %broadcast_in_dim3A_294 : f32 to vector<16xf32>
      %swap3A_296 = arith.index_cast %scan3A_280 : i32 to index
      %swap3A_297 = arith.constant 32 : index
      %swap3A_298 = tpu.vector_load %arg8[%swap3A_296, %swap3A_297] {strides = array<i32>} : memref<128x64xf32, #tpu.memory_space<vmem>>, vector<1x16xf32>,
      %swap3A_299 = vector.shape_cast %swap3A_298 : vector<1x16xf32> to vector<16xf32>
      %swap3A_300 = vector.shape_cast %broadcast_in_dim3A_295 : vector<16xf32> to vector<1x16xf32>
      tpu.vector_store %arg8[%swap3A_296, %swap3A_297], %swap3A_300 {strides = array<i32>} : memref<128x64xf32, #tpu.memory_space<vmem>>, vector<1x16xf32>,
      %broadcast_in_dim3A_301 = arith.constant 0.000000e+00 : f32
      %broadcast_in_dim3A_302 = vector.broadcast %broadcast_in_dim3A_301 : f32 to vector<16xf32>
      %swap3A_303 = arith.index_cast %scan3A_280 : i32 to index
      %swap3A_304 = arith.constant 48 : index
      %swap3A_305 = tpu.vector_load %arg8[%swap3A_303, %swap3A_304] {strides = array<i32>} : memref<128x64xf32, #tpu.memory_space<vmem>>, vector<1x16xf32>,
      %swap3A_306 = vector.shape_cast %swap3A_305 : vector<1x16xf32> to vector<16xf32>
      %swap3A_307 = vector.shape_cast %broadcast_in_dim3A_302 : vector<16xf32> to vector<1x16xf32>
      tpu.vector_store %arg8[%swap3A_303, %swap3A_304], %swap3A_307 {strides = array<i32>} : memref<128x64xf32, #tpu.memory_space<vmem>>, vector<1x16xf32>,
      %scan3A_308 = arith.constant 0 : i32
      scf.yield %scan3A_308 : i32
    }
    %scan3A_5 = arith.constant 128 : i32
    %mul3A = arith.constant 640 : i32
    %mul3A_6 = arith.muli %arg1, %mul3A : i32
    %add3A = arith.constant 0 : i32
    %add3A_7 = arith.addi %mul3A_6, %add3A : i32
    "tpu.region"() ({
      %run_scoped3A = tpu.sem_alloc : memref<!tpu.dma_semaphore, #tpu.memory_space<semaphore_mem>>
      %dma_start3A_280 = arith.constant 0 : i32
      %dma_start3A_281 = tpu.memref_slice %arg13[%add3A_7, %dma_start3A_280] : memref<10240x64xf32, #tpu.memory_space<vmem_shared>> -> memref<128x64xf32, #tpu.memory_space<vmem_shared>>
      %dma_start3A_282 = arith.constant 0 : i32
      %dma_start3A_283 = tpu.memref_slice %arg13[%add3A_7, %dma_start3A_282] : memref<10240x64xf32, #tpu.memory_space<vmem_shared>> -> memref<128x64xf32, #tpu.memory_space<vmem_shared>>
      tpu.enqueue_dma source(%arg8 : memref<128x64xf32, #tpu.memory_space<vmem>>) target(%dma_start3A_283 : memref<128x64xf32, #tpu.memory_space<vmem_shared>>) target_semaphore(%run_scoped3A : memref<!tpu.dma_semaphore, #tpu.memory_space<semaphore_mem>>)
      %dma_wait3A_284 = arith.constant 0 : i32
      %dma_wait3A_285 = tpu.memref_slice %arg13[%add3A_7, %dma_wait3A_284] : memref<10240x64xf32, #tpu.memory_space<vmem_shared>> -> memref<128x64xf32, #tpu.memory_space<vmem_shared>>
      %dma_wait3A_286 = arith.constant 0 : i32
      %dma_wait3A_287 = tpu.memref_slice %arg13[%add3A_7, %dma_wait3A_286] : memref<10240x64xf32, #tpu.memory_space<vmem_shared>> -> memref<128x64xf32, #tpu.memory_space<vmem_shared>>
      tpu.wait_dma2 semaphore(%run_scoped3A : memref<!tpu.dma_semaphore, #tpu.memory_space<semaphore_mem>>) src(%arg8 : memref<128x64xf32, #tpu.memory_space<vmem>>) dst(%dma_wait3A_287 : memref<128x64xf32, #tpu.memory_space<vmem_shared>>)
      tpu.yield
    }) : () -> ()
    %add3A_8 = arith.constant 128 : i32
    %add3A_9 = arith.addi %mul3A_6, %add3A_8 : i32
    "tpu.region"() ({
      %run_scoped3A = tpu.sem_alloc : memref<!tpu.dma_semaphore, #tpu.memory_space<semaphore_mem>>
      %dma_start3A_280 = arith.constant 0 : i32
      %dma_start3A_281 = tpu.memref_slice %arg13[%add3A_9, %dma_start3A_280] : memref<10240x64xf32, #tpu.memory_space<vmem_shared>> -> memref<128x64xf32, #tpu.memory_space<vmem_shared>>
      %dma_start3A_282 = arith.constant 0 : i32
      %dma_start3A_283 = tpu.memref_slice %arg13[%add3A_9, %dma_start3A_282] : memref<10240x64xf32, #tpu.memory_space<vmem_shared>> -> memref<128x64xf32, #tpu.memory_space<vmem_shared>>
      tpu.enqueue_dma source(%arg8 : memref<128x64xf32, #tpu.memory_space<vmem>>) target(%dma_start3A_283 : memref<128x64xf32, #tpu.memory_space<vmem_shared>>) target_semaphore(%run_scoped3A : memref<!tpu.dma_semaphore, #tpu.memory_space<semaphore_mem>>)
      %dma_wait3A_284 = arith.constant 0 : i32
      %dma_wait3A_285 = tpu.memref_slice %arg13[%add3A_9, %dma_wait3A_284] : memref<10240x64xf32, #tpu.memory_space<vmem_shared>> -> memref<128x64xf32, #tpu.memory_space<vmem_shared>>
      %dma_wait3A_286 = arith.constant 0 : i32
      %dma_wait3A_287 = tpu.memref_slice %arg13[%add3A_9, %dma_wait3A_286] : memref<10240x64xf32, #tpu.memory_space<vmem_shared>> -> memref<128x64xf32, #tpu.memory_space<vmem_shared>>
      tpu.wait_dma2 semaphore(%run_scoped3A : memref<!tpu.dma_semaphore, #tpu.memory_space<semaphore_mem>>) src(%arg8 : memref<128x64xf32, #tpu.memory_space<vmem>>) dst(%dma_wait3A_287 : memref<128x64xf32, #tpu.memory_space<vmem_shared>>)
      tpu.yield
    }) : () -> ()
    %add3A_10 = arith.constant 256 : i32
    %add3A_11 = arith.addi %mul3A_6, %add3A_10 : i32
    "tpu.region"() ({
      %run_scoped3A = tpu.sem_alloc : memref<!tpu.dma_semaphore, #tpu.memory_space<semaphore_mem>>
      %dma_start3A_280 = arith.constant 0 : i32
      %dma_start3A_281 = tpu.memref_slice %arg13[%add3A_11, %dma_start3A_280] : memref<10240x64xf32, #tpu.memory_space<vmem_shared>> -> memref<128x64xf32, #tpu.memory_space<vmem_shared>>
      %dma_start3A_282 = arith.constant 0 : i32
      %dma_start3A_283 = tpu.memref_slice %arg13[%add3A_11, %dma_start3A_282] : memref<10240x64xf32, #tpu.memory_space<vmem_shared>> -> memref<128x64xf32, #tpu.memory_space<vmem_shared>>
      tpu.enqueue_dma source(%arg8 : memref<128x64xf32, #tpu.memory_space<vmem>>) target(%dma_start3A_283 : memref<128x64xf32, #tpu.memory_space<vmem_shared>>) target_semaphore(%run_scoped3A : memref<!tpu.dma_semaphore, #tpu.memory_space<semaphore_mem>>)
      %dma_wait3A_284 = arith.constant 0 : i32
      %dma_wait3A_285 = tpu.memref_slice %arg13[%add3A_11, %dma_wait3A_284] : memref<10240x64xf32, #tpu.memory_space<vmem_shared>> -> memref<128x64xf32, #tpu.memory_space<vmem_shared>>
      %dma_wait3A_286 = arith.constant 0 : i32
      %dma_wait3A_287 = tpu.memref_slice %arg13[%add3A_11, %dma_wait3A_286] : memref<10240x64xf32, #tpu.memory_space<vmem_shared>> -> memref<128x64xf32, #tpu.memory_space<vmem_shared>>
      tpu.wait_dma2 semaphore(%run_scoped3A : memref<!tpu.dma_semaphore, #tpu.memory_space<semaphore_mem>>) src(%arg8 : memref<128x64xf32, #tpu.memory_space<vmem>>) dst(%dma_wait3A_287 : memref<128x64xf32, #tpu.memory_space<vmem_shared>>)
      tpu.yield
    }) : () -> ()
    %add3A_12 = arith.constant 384 : i32
    %add3A_13 = arith.addi %mul3A_6, %add3A_12 : i32
    "tpu.region"() ({
      %run_scoped3A = tpu.sem_alloc : memref<!tpu.dma_semaphore, #tpu.memory_space<semaphore_mem>>
      %dma_start3A_280 = arith.constant 0 : i32
      %dma_start3A_281 = tpu.memref_slice %arg13[%add3A_13, %dma_start3A_280] : memref<10240x64xf32, #tpu.memory_space<vmem_shared>> -> memref<128x64xf32, #tpu.memory_space<vmem_shared>>
      %dma_start3A_282 = arith.constant 0 : i32
      %dma_start3A_283 = tpu.memref_slice %arg13[%add3A_13, %dma_start3A_282] : memref<10240x64xf32, #tpu.memory_space<vmem_shared>> -> memref<128x64xf32, #tpu.memory_space<vmem_shared>>
      tpu.enqueue_dma source(%arg8 : memref<128x64xf32, #tpu.memory_space<vmem>>) target(%dma_start3A_283 : memref<128x64xf32, #tpu.memory_space<vmem_shared>>) target_semaphore(%run_scoped3A : memref<!tpu.dma_semaphore, #tpu.memory_space<semaphore_mem>>)
      %dma_wait3A_284 = arith.constant 0 : i32
      %dma_wait3A_285 = tpu.memref_slice %arg13[%add3A_13, %dma_wait3A_284] : memref<10240x64xf32, #tpu.memory_space<vmem_shared>> -> memref<128x64xf32, #tpu.memory_space<vmem_shared>>
      %dma_wait3A_286 = arith.constant 0 : i32
      %dma_wait3A_287 = tpu.memref_slice %arg13[%add3A_13, %dma_wait3A_286] : memref<10240x64xf32, #tpu.memory_space<vmem_shared>> -> memref<128x64xf32, #tpu.memory_space<vmem_shared>>
      tpu.wait_dma2 semaphore(%run_scoped3A : memref<!tpu.dma_semaphore, #tpu.memory_space<semaphore_mem>>) src(%arg8 : memref<128x64xf32, #tpu.memory_space<vmem>>) dst(%dma_wait3A_287 : memref<128x64xf32, #tpu.memory_space<vmem_shared>>)
      tpu.yield
    }) : () -> ()
    %add3A_14 = arith.constant 512 : i32
    %add3A_15 = arith.addi %mul3A_6, %add3A_14 : i32
    "tpu.region"() ({
      %run_scoped3A = tpu.sem_alloc : memref<!tpu.dma_semaphore, #tpu.memory_space<semaphore_mem>>
      %dma_start3A_280 = arith.constant 0 : i32
      %dma_start3A_281 = tpu.memref_slice %arg13[%add3A_15, %dma_start3A_280] : memref<10240x64xf32, #tpu.memory_space<vmem_shared>> -> memref<128x64xf32, #tpu.memory_space<vmem_shared>>
      %dma_start3A_282 = arith.constant 0 : i32
      %dma_start3A_283 = tpu.memref_slice %arg13[%add3A_15, %dma_start3A_282] : memref<10240x64xf32, #tpu.memory_space<vmem_shared>> -> memref<128x64xf32, #tpu.memory_space<vmem_shared>>
      tpu.enqueue_dma source(%arg8 : memref<128x64xf32, #tpu.memory_space<vmem>>) target(%dma_start3A_283 : memref<128x64xf32, #tpu.memory_space<vmem_shared>>) target_semaphore(%run_scoped3A : memref<!tpu.dma_semaphore, #tpu.memory_space<semaphore_mem>>)
      %dma_wait3A_284 = arith.constant 0 : i32
      %dma_wait3A_285 = tpu.memref_slice %arg13[%add3A_15, %dma_wait3A_284] : memref<10240x64xf32, #tpu.memory_space<vmem_shared>> -> memref<128x64xf32, #tpu.memory_space<vmem_shared>>
      %dma_wait3A_286 = arith.constant 0 : i32
      %dma_wait3A_287 = tpu.memref_slice %arg13[%add3A_15, %dma_wait3A_286] : memref<10240x64xf32, #tpu.memory_space<vmem_shared>> -> memref<128x64xf32, #tpu.memory_space<vmem_shared>>
      tpu.wait_dma2 semaphore(%run_scoped3A : memref<!tpu.dma_semaphore, #tpu.memory_space<semaphore_mem>>) src(%arg8 : memref<128x64xf32, #tpu.memory_space<vmem>>) dst(%dma_wait3A_287 : memref<128x64xf32, #tpu.memory_space<vmem_shared>>)
      tpu.yield
    }) : () -> ()
    %barrier3A = arith.constant 0 : index
    tpu.barrier barrier_id(%barrier3A)
    %dma_start3A = arith.constant 0 : i32
    %dma_start3A_16 = arith.constant 0 : i32
    %dma_start3A_17 = tpu.memref_slice %arg6[%dma_start3A, %dma_start3A_16] : memref<160x128xi32, #tpu.memory_space<vmem>> -> memref<1x128xi32, #tpu.memory_space<vmem>>
    %dma_start3A_18 = tpu.memref_squeeze %dma_start3A_17 : memref<1x128xi32, #tpu.memory_space<vmem>> -> memref<128xi32, #tpu.memory_space<vmem>>
    %dma_start3A_19 = arith.constant 0 : i32
    %dma_start3A_20 = arith.constant 0 : i32
    %dma_start3A_21 = tpu.memref_slice %arg2[%dma_start3A_19, %dma_start3A_20] : memref<20480x64xf32, #tpu.memory_space<hbm>> -> memref<20480x64xf32, #tpu.memory_space<hbm>>
    tpu.enqueue_indirect_dma source(%dma_start3A_21 : memref<20480x64xf32, #tpu.memory_space<hbm>>) target(%arg8 : memref<128x64xf32, #tpu.memory_space<vmem>>) offsets(%dma_start3A_18 : memref<128xi32, #tpu.memory_space<vmem>>) semaphore(%arg14 : memref<!tpu.dma_semaphore, #tpu.memory_space<semaphore_mem>>)
    %dma_start3A_22 = arith.constant 1 : i32
    %dma_start3A_23 = arith.constant 0 : i32
    %dma_start3A_24 = tpu.memref_slice %arg6[%dma_start3A_22, %dma_start3A_23] : memref<160x128xi32, #tpu.memory_space<vmem>> -> memref<1x128xi32, #tpu.memory_space<vmem>>
    %dma_start3A_25 = tpu.memref_squeeze %dma_start3A_24 : memref<1x128xi32, #tpu.memory_space<vmem>> -> memref<128xi32, #tpu.memory_space<vmem>>
    %dma_start3A_26 = arith.constant 0 : i32
    %dma_start3A_27 = arith.constant 0 : i32
    %dma_start3A_28 = tpu.memref_slice %arg2[%dma_start3A_26, %dma_start3A_27] : memref<20480x64xf32, #tpu.memory_space<hbm>> -> memref<20480x64xf32, #tpu.memory_space<hbm>>
    tpu.enqueue_indirect_dma source(%dma_start3A_28 : memref<20480x64xf32, #tpu.memory_space<hbm>>) target(%arg9 : memref<128x64xf32, #tpu.memory_space<vmem>>) offsets(%dma_start3A_25 : memref<128xi32, #tpu.memory_space<vmem>>) semaphore(%arg15 : memref<!tpu.dma_semaphore, #tpu.memory_space<semaphore_mem>>)
    %dma_start3A_29 = arith.constant 2 : i32
    %dma_start3A_30 = arith.constant 0 : i32
    %dma_start3A_31 = tpu.memref_slice %arg6[%dma_start3A_29, %dma_start3A_30] : memref<160x128xi32, #tpu.memory_space<vmem>> -> memref<1x128xi32, #tpu.memory_space<vmem>>
    %dma_start3A_32 = tpu.memref_squeeze %dma_start3A_31 : memref<1x128xi32, #tpu.memory_space<vmem>> -> memref<128xi32, #tpu.memory_space<vmem>>
    %dma_start3A_33 = arith.constant 0 : i32
    %dma_start3A_34 = arith.constant 0 : i32
    %dma_start3A_35 = tpu.memref_slice %arg2[%dma_start3A_33, %dma_start3A_34] : memref<20480x64xf32, #tpu.memory_space<hbm>> -> memref<20480x64xf32, #tpu.memory_space<hbm>>
    tpu.enqueue_indirect_dma source(%dma_start3A_35 : memref<20480x64xf32, #tpu.memory_space<hbm>>) target(%arg10 : memref<128x64xf32, #tpu.memory_space<vmem>>) offsets(%dma_start3A_32 : memref<128xi32, #tpu.memory_space<vmem>>) semaphore(%arg16 : memref<!tpu.dma_semaphore, #tpu.memory_space<semaphore_mem>>)
    %dma_wait3A = arith.constant 0 : i32
    %dma_wait3A_36 = arith.constant 0 : i32
    %dma_wait3A_37 = tpu.memref_slice %arg6[%dma_wait3A, %dma_wait3A_36] : memref<160x128xi32, #tpu.memory_space<vmem>> -> memref<1x128xi32, #tpu.memory_space<vmem>>
    %dma_wait3A_38 = tpu.memref_squeeze %dma_wait3A_37 : memref<1x128xi32, #tpu.memory_space<vmem>> -> memref<128xi32, #tpu.memory_space<vmem>>
    %dma_wait3A_39 = arith.constant 0 : i32
    %dma_wait3A_40 = arith.constant 0 : i32
    %dma_wait3A_41 = tpu.memref_slice %arg2[%dma_wait3A_39, %dma_wait3A_40] : memref<20480x64xf32, #tpu.memory_space<hbm>> -> memref<20480x64xf32, #tpu.memory_space<hbm>>
    tpu.wait_indirect_dma semaphore(%arg14 : memref<!tpu.dma_semaphore, #tpu.memory_space<semaphore_mem>>) src(%dma_wait3A_41 : memref<20480x64xf32, #tpu.memory_space<hbm>>) dst(%arg8 : memref<128x64xf32, #tpu.memory_space<vmem>>)
    %dma_start3A_42 = arith.constant 0 : i32
    %dma_start3A_43 = arith.constant 0 : i32
    %dma_start3A_44 = tpu.memref_slice %arg7[%dma_start3A_42, %dma_start3A_43] : memref<160x128xi32, #tpu.memory_space<vmem>> -> memref<1x128xi32, #tpu.memory_space<vmem>>
    %dma_start3A_45 = tpu.memref_squeeze %dma_start3A_44 : memref<1x128xi32, #tpu.memory_space<vmem>> -> memref<128xi32, #tpu.memory_space<vmem>>
    %dma_start3A_46 = arith.constant 0 : i32
    %dma_start3A_47 = arith.constant 0 : i32
    %dma_start3A_48 = tpu.memref_slice %arg13[%dma_start3A_46, %dma_start3A_47] : memref<10240x64xf32, #tpu.memory_space<vmem_shared>> -> memref<10240x64xf32, #tpu.memory_space<vmem_shared>>
    tpu.enqueue_indirect_dma source(%arg8 : memref<128x64xf32, #tpu.memory_space<vmem>>) target(%dma_start3A_48 : memref<10240x64xf32, #tpu.memory_space<vmem_shared>>) offsets(%dma_start3A_45 : memref<128xi32, #tpu.memory_space<vmem>>) semaphore(%arg19 : memref<!tpu.dma_semaphore, #tpu.memory_space<semaphore_mem>>) {add = true}
    %dma_start3A_49 = arith.constant 3 : i32
    %dma_start3A_50 = arith.constant 0 : i32
    %dma_start3A_51 = tpu.memref_slice %arg6[%dma_start3A_49, %dma_start3A_50] : memref<160x128xi32, #tpu.memory_space<vmem>> -> memref<1x128xi32, #tpu.memory_space<vmem>>
    %dma_start3A_52 = tpu.memref_squeeze %dma_start3A_51 : memref<1x128xi32, #tpu.memory_space<vmem>> -> memref<128xi32, #tpu.memory_space<vmem>>
    %dma_start3A_53 = arith.constant 0 : i32
    %dma_start3A_54 = arith.constant 0 : i32
    %dma_start3A_55 = tpu.memref_slice %arg2[%dma_start3A_53, %dma_start3A_54] : memref<20480x64xf32, #tpu.memory_space<hbm>> -> memref<20480x64xf32, #tpu.memory_space<hbm>>
    tpu.enqueue_indirect_dma source(%dma_start3A_55 : memref<20480x64xf32, #tpu.memory_space<hbm>>) target(%arg11 : memref<128x64xf32, #tpu.memory_space<vmem>>) offsets(%dma_start3A_52 : memref<128xi32, #tpu.memory_space<vmem>>) semaphore(%arg17 : memref<!tpu.dma_semaphore, #tpu.memory_space<semaphore_mem>>)
    %dma_wait3A_56 = arith.constant 1 : i32
    %dma_wait3A_57 = arith.constant 0 : i32
    %dma_wait3A_58 = tpu.memref_slice %arg6[%dma_wait3A_56, %dma_wait3A_57] : memref<160x128xi32, #tpu.memory_space<vmem>> -> memref<1x128xi32, #tpu.memory_space<vmem>>
    %dma_wait3A_59 = tpu.memref_squeeze %dma_wait3A_58 : memref<1x128xi32, #tpu.memory_space<vmem>> -> memref<128xi32, #tpu.memory_space<vmem>>
    %dma_wait3A_60 = arith.constant 0 : i32
    %dma_wait3A_61 = arith.constant 0 : i32
    %dma_wait3A_62 = tpu.memref_slice %arg2[%dma_wait3A_60, %dma_wait3A_61] : memref<20480x64xf32, #tpu.memory_space<hbm>> -> memref<20480x64xf32, #tpu.memory_space<hbm>>
    tpu.wait_indirect_dma semaphore(%arg15 : memref<!tpu.dma_semaphore, #tpu.memory_space<semaphore_mem>>) src(%dma_wait3A_62 : memref<20480x64xf32, #tpu.memory_space<hbm>>) dst(%arg9 : memref<128x64xf32, #tpu.memory_space<vmem>>)
    %dma_start3A_63 = arith.constant 1 : i32
    %dma_start3A_64 = arith.constant 0 : i32
    %dma_start3A_65 = tpu.memref_slice %arg7[%dma_start3A_63, %dma_start3A_64] : memref<160x128xi32, #tpu.memory_space<vmem>> -> memref<1x128xi32, #tpu.memory_space<vmem>>
    %dma_start3A_66 = tpu.memref_squeeze %dma_start3A_65 : memref<1x128xi32, #tpu.memory_space<vmem>> -> memref<128xi32, #tpu.memory_space<vmem>>
    %dma_start3A_67 = arith.constant 0 : i32
    %dma_start3A_68 = arith.constant 0 : i32
    %dma_start3A_69 = tpu.memref_slice %arg13[%dma_start3A_67, %dma_start3A_68] : memref<10240x64xf32, #tpu.memory_space<vmem_shared>> -> memref<10240x64xf32, #tpu.memory_space<vmem_shared>>
    tpu.enqueue_indirect_dma source(%arg9 : memref<128x64xf32, #tpu.memory_space<vmem>>) target(%dma_start3A_69 : memref<10240x64xf32, #tpu.memory_space<vmem_shared>>) offsets(%dma_start3A_66 : memref<128xi32, #tpu.memory_space<vmem>>) semaphore(%arg20 : memref<!tpu.dma_semaphore, #tpu.memory_space<semaphore_mem>>) {add = true}
    %dma_start3A_70 = arith.constant 4 : i32
    %dma_start3A_71 = arith.constant 0 : i32
    %dma_start3A_72 = tpu.memref_slice %arg6[%dma_start3A_70, %dma_start3A_71] : memref<160x128xi32, #tpu.memory_space<vmem>> -> memref<1x128xi32, #tpu.memory_space<vmem>>
    %dma_start3A_73 = tpu.memref_squeeze %dma_start3A_72 : memref<1x128xi32, #tpu.memory_space<vmem>> -> memref<128xi32, #tpu.memory_space<vmem>>
    %dma_start3A_74 = arith.constant 0 : i32
    %dma_start3A_75 = arith.constant 0 : i32
    %dma_start3A_76 = tpu.memref_slice %arg2[%dma_start3A_74, %dma_start3A_75] : memref<20480x64xf32, #tpu.memory_space<hbm>> -> memref<20480x64xf32, #tpu.memory_space<hbm>>
    tpu.enqueue_indirect_dma source(%dma_start3A_76 : memref<20480x64xf32, #tpu.memory_space<hbm>>) target(%arg12 : memref<128x64xf32, #tpu.memory_space<vmem>>) offsets(%dma_start3A_73 : memref<128xi32, #tpu.memory_space<vmem>>) semaphore(%arg18 : memref<!tpu.dma_semaphore, #tpu.memory_space<semaphore_mem>>)
    %dma_wait3A_77 = arith.constant 2 : i32
    %dma_wait3A_78 = arith.constant 0 : i32
    %dma_wait3A_79 = tpu.memref_slice %arg6[%dma_wait3A_77, %dma_wait3A_78] : memref<160x128xi32, #tpu.memory_space<vmem>> -> memref<1x128xi32, #tpu.memory_space<vmem>>
    %dma_wait3A_80 = tpu.memref_squeeze %dma_wait3A_79 : memref<1x128xi32, #tpu.memory_space<vmem>> -> memref<128xi32, #tpu.memory_space<vmem>>
    %dma_wait3A_81 = arith.constant 0 : i32
    %dma_wait3A_82 = arith.constant 0 : i32
    %dma_wait3A_83 = tpu.memref_slice %arg2[%dma_wait3A_81, %dma_wait3A_82] : memref<20480x64xf32, #tpu.memory_space<hbm>> -> memref<20480x64xf32, #tpu.memory_space<hbm>>
    tpu.wait_indirect_dma semaphore(%arg16 : memref<!tpu.dma_semaphore, #tpu.memory_space<semaphore_mem>>) src(%dma_wait3A_83 : memref<20480x64xf32, #tpu.memory_space<hbm>>) dst(%arg10 : memref<128x64xf32, #tpu.memory_space<vmem>>)
    %dma_start3A_84 = arith.constant 2 : i32
    %dma_start3A_85 = arith.constant 0 : i32
    %dma_start3A_86 = tpu.memref_slice %arg7[%dma_start3A_84, %dma_start3A_85] : memref<160x128xi32, #tpu.memory_space<vmem>> -> memref<1x128xi32, #tpu.memory_space<vmem>>
    %dma_start3A_87 = tpu.memref_squeeze %dma_start3A_86 : memref<1x128xi32, #tpu.memory_space<vmem>> -> memref<128xi32, #tpu.memory_space<vmem>>
    %dma_start3A_88 = arith.constant 0 : i32
    %dma_start3A_89 = arith.constant 0 : i32
    %dma_start3A_90 = tpu.memref_slice %arg13[%dma_start3A_88, %dma_start3A_89] : memref<10240x64xf32, #tpu.memory_space<vmem_shared>> -> memref<10240x64xf32, #tpu.memory_space<vmem_shared>>
    tpu.enqueue_indirect_dma source(%arg10 : memref<128x64xf32, #tpu.memory_space<vmem>>) target(%dma_start3A_90 : memref<10240x64xf32, #tpu.memory_space<vmem_shared>>) offsets(%dma_start3A_87 : memref<128xi32, #tpu.memory_space<vmem>>) semaphore(%arg21 : memref<!tpu.dma_semaphore, #tpu.memory_space<semaphore_mem>>) {add = true}
    %scan3A_91 = arith.constant 0 : i32
    %scan3A_92 = arith.constant 1 : i32
    %scan3A_93 = arith.constant 31 : i32
    %scan3A_94 = arith.addi %scan3A_92, %scan3A_93 : i32
    %scan3A_95 = arith.constant 1 : i32
    %scan3A_96 = scf.for %scan3A_280 = %scan3A_92 to %scan3A_94 step %scan3A_95 iter_args(%scan3A_281 = %scan3A_91) -> (i32)  : i32 {
      %mul3A_282 = arith.constant 5 : i32
      %mul3A_283 = arith.muli %mul3A_282, %scan3A_280 : i32
      %add3A_284 = arith.constant 0 : i32
      %add3A_285 = arith.addi %mul3A_283, %add3A_284 : i32
      %sub3A = arith.constant 5 : i32
      %sub3A_286 = arith.subi %add3A_285, %sub3A : i32
      %dma_wait3A_287 = arith.constant 0 : i32
      %dma_wait3A_288 = tpu.memref_slice %arg7[%sub3A_286, %dma_wait3A_287] : memref<160x128xi32, #tpu.memory_space<vmem>> -> memref<1x128xi32, #tpu.memory_space<vmem>>
      %dma_wait3A_289 = tpu.memref_squeeze %dma_wait3A_288 : memref<1x128xi32, #tpu.memory_space<vmem>> -> memref<128xi32, #tpu.memory_space<vmem>>
      %dma_wait3A_290 = arith.constant 0 : i32
      %dma_wait3A_291 = arith.constant 0 : i32
      %dma_wait3A_292 = tpu.memref_slice %arg13[%dma_wait3A_290, %dma_wait3A_291] : memref<10240x64xf32, #tpu.memory_space<vmem_shared>> -> memref<10240x64xf32, #tpu.memory_space<vmem_shared>>
      tpu.wait_indirect_dma semaphore(%arg19 : memref<!tpu.dma_semaphore, #tpu.memory_space<semaphore_mem>>) src(%arg8 : memref<128x64xf32, #tpu.memory_space<vmem>>) dst(%dma_wait3A_292 : memref<10240x64xf32, #tpu.memory_space<vmem_shared>>)
      %dma_start3A_293 = arith.constant 0 : i32
      %dma_start3A_294 = tpu.memref_slice %arg6[%add3A_285, %dma_start3A_293] : memref<160x128xi32, #tpu.memory_space<vmem>> -> memref<1x128xi32, #tpu.memory_space<vmem>>
      %dma_start3A_295 = tpu.memref_squeeze %dma_start3A_294 : memref<1x128xi32, #tpu.memory_space<vmem>> -> memref<128xi32, #tpu.memory_space<vmem>>
      %dma_start3A_296 = arith.constant 0 : i32
      %dma_start3A_297 = arith.constant 0 : i32
      %dma_start3A_298 = tpu.memref_slice %arg2[%dma_start3A_296, %dma_start3A_297] : memref<20480x64xf32, #tpu.memory_space<hbm>> -> memref<20480x64xf32, #tpu.memory_space<hbm>>
      tpu.enqueue_indirect_dma source(%dma_start3A_298 : memref<20480x64xf32, #tpu.memory_space<hbm>>) target(%arg8 : memref<128x64xf32, #tpu.memory_space<vmem>>) offsets(%dma_start3A_295 : memref<128xi32, #tpu.memory_space<vmem>>) semaphore(%arg14 : memref<!tpu.dma_semaphore, #tpu.memory_space<semaphore_mem>>)
      %sub3A_299 = arith.constant 2 : i32
      %sub3A_300 = arith.subi %add3A_285, %sub3A_299 : i32
      %dma_wait3A_301 = arith.constant 0 : i32
      %dma_wait3A_302 = tpu.memref_slice %arg6[%sub3A_300, %dma_wait3A_301] : memref<160x128xi32, #tpu.memory_space<vmem>> -> memref<1x128xi32, #tpu.memory_space<vmem>>
      %dma_wait3A_303 = tpu.memref_squeeze %dma_wait3A_302 : memref<1x128xi32, #tpu.memory_space<vmem>> -> memref<128xi32, #tpu.memory_space<vmem>>
      %dma_wait3A_304 = arith.constant 0 : i32
      %dma_wait3A_305 = arith.constant 0 : i32
      %dma_wait3A_306 = tpu.memref_slice %arg2[%dma_wait3A_304, %dma_wait3A_305] : memref<20480x64xf32, #tpu.memory_space<hbm>> -> memref<20480x64xf32, #tpu.memory_space<hbm>>
      tpu.wait_indirect_dma semaphore(%arg17 : memref<!tpu.dma_semaphore, #tpu.memory_space<semaphore_mem>>) src(%dma_wait3A_306 : memref<20480x64xf32, #tpu.memory_space<hbm>>) dst(%arg11 : memref<128x64xf32, #tpu.memory_space<vmem>>)
      %sub3A_307 = arith.constant 2 : i32
      %sub3A_308 = arith.subi %add3A_285, %sub3A_307 : i32
      %dma_start3A_309 = arith.constant 0 : i32
      %dma_start3A_310 = tpu.memref_slice %arg7[%sub3A_308, %dma_start3A_309] : memref<160x128xi32, #tpu.memory_space<vmem>> -> memref<1x128xi32, #tpu.memory_space<vmem>>
      %dma_start3A_311 = tpu.memref_squeeze %dma_start3A_310 : memref<1x128xi32, #tpu.memory_space<vmem>> -> memref<128xi32, #tpu.memory_space<vmem>>
      %dma_start3A_312 = arith.constant 0 : i32
      %dma_start3A_313 = arith.constant 0 : i32
      %dma_start3A_314 = tpu.memref_slice %arg13[%dma_start3A_312, %dma_start3A_313] : memref<10240x64xf32, #tpu.memory_space<vmem_shared>> -> memref<10240x64xf32, #tpu.memory_space<vmem_shared>>
      tpu.enqueue_indirect_dma source(%arg11 : memref<128x64xf32, #tpu.memory_space<vmem>>) target(%dma_start3A_314 : memref<10240x64xf32, #tpu.memory_space<vmem_shared>>) offsets(%dma_start3A_311 : memref<128xi32, #tpu.memory_space<vmem>>) semaphore(%arg22 : memref<!tpu.dma_semaphore, #tpu.memory_space<semaphore_mem>>) {add = true}
      %add3A_315 = arith.constant 1 : i32
      %add3A_316 = arith.addi %mul3A_283, %add3A_315 : i32
      %sub3A_317 = arith.constant 5 : i32
      %sub3A_318 = arith.subi %add3A_316, %sub3A_317 : i32
      %dma_wait3A_319 = arith.constant 0 : i32
      %dma_wait3A_320 = tpu.memref_slice %arg7[%sub3A_318, %dma_wait3A_319] : memref<160x128xi32, #tpu.memory_space<vmem>> -> memref<1x128xi32, #tpu.memory_space<vmem>>
      %dma_wait3A_321 = tpu.memref_squeeze %dma_wait3A_320 : memref<1x128xi32, #tpu.memory_space<vmem>> -> memref<128xi32, #tpu.memory_space<vmem>>
      %dma_wait3A_322 = arith.constant 0 : i32
      %dma_wait3A_323 = arith.constant 0 : i32
      %dma_wait3A_324 = tpu.memref_slice %arg13[%dma_wait3A_322, %dma_wait3A_323] : memref<10240x64xf32, #tpu.memory_space<vmem_shared>> -> memref<10240x64xf32, #tpu.memory_space<vmem_shared>>
      tpu.wait_indirect_dma semaphore(%arg20 : memref<!tpu.dma_semaphore, #tpu.memory_space<semaphore_mem>>) src(%arg9 : memref<128x64xf32, #tpu.memory_space<vmem>>) dst(%dma_wait3A_324 : memref<10240x64xf32, #tpu.memory_space<vmem_shared>>)
      %dma_start3A_325 = arith.constant 0 : i32
      %dma_start3A_326 = tpu.memref_slice %arg6[%add3A_316, %dma_start3A_325] : memref<160x128xi32, #tpu.memory_space<vmem>> -> memref<1x128xi32, #tpu.memory_space<vmem>>
      %dma_start3A_327 = tpu.memref_squeeze %dma_start3A_326 : memref<1x128xi32, #tpu.memory_space<vmem>> -> memref<128xi32, #tpu.memory_space<vmem>>
      %dma_start3A_328 = arith.constant 0 : i32
      %dma_start3A_329 = arith.constant 0 : i32
      %dma_start3A_330 = tpu.memref_slice %arg2[%dma_start3A_328, %dma_start3A_329] : memref<20480x64xf32, #tpu.memory_space<hbm>> -> memref<20480x64xf32, #tpu.memory_space<hbm>>
      tpu.enqueue_indirect_dma source(%dma_start3A_330 : memref<20480x64xf32, #tpu.memory_space<hbm>>) target(%arg9 : memref<128x64xf32, #tpu.memory_space<vmem>>) offsets(%dma_start3A_327 : memref<128xi32, #tpu.memory_space<vmem>>) semaphore(%arg15 : memref<!tpu.dma_semaphore, #tpu.memory_space<semaphore_mem>>)
      %sub3A_331 = arith.constant 2 : i32
      %sub3A_332 = arith.subi %add3A_316, %sub3A_331 : i32
      %dma_wait3A_333 = arith.constant 0 : i32
      %dma_wait3A_334 = tpu.memref_slice %arg6[%sub3A_332, %dma_wait3A_333] : memref<160x128xi32, #tpu.memory_space<vmem>> -> memref<1x128xi32, #tpu.memory_space<vmem>>
      %dma_wait3A_335 = tpu.memref_squeeze %dma_wait3A_334 : memref<1x128xi32, #tpu.memory_space<vmem>> -> memref<128xi32, #tpu.memory_space<vmem>>
      %dma_wait3A_336 = arith.constant 0 : i32
      %dma_wait3A_337 = arith.constant 0 : i32
      %dma_wait3A_338 = tpu.memref_slice %arg2[%dma_wait3A_336, %dma_wait3A_337] : memref<20480x64xf32, #tpu.memory_space<hbm>> -> memref<20480x64xf32, #tpu.memory_space<hbm>>
      tpu.wait_indirect_dma semaphore(%arg18 : memref<!tpu.dma_semaphore, #tpu.memory_space<semaphore_mem>>) src(%dma_wait3A_338 : memref<20480x64xf32, #tpu.memory_space<hbm>>) dst(%arg12 : memref<128x64xf32, #tpu.memory_space<vmem>>)
      %sub3A_339 = arith.constant 2 : i32
      %sub3A_340 = arith.subi %add3A_316, %sub3A_339 : i32
      %dma_start3A_341 = arith.constant 0 : i32
      %dma_start3A_342 = tpu.memref_slice %arg7[%sub3A_340, %dma_start3A_341] : memref<160x128xi32, #tpu.memory_space<vmem>> -> memref<1x128xi32, #tpu.memory_space<vmem>>
      %dma_start3A_343 = tpu.memref_squeeze %dma_start3A_342 : memref<1x128xi32, #tpu.memory_space<vmem>> -> memref<128xi32, #tpu.memory_space<vmem>>
      %dma_start3A_344 = arith.constant 0 : i32
      %dma_start3A_345 = arith.constant 0 : i32
      %dma_start3A_346 = tpu.memref_slice %arg13[%dma_start3A_344, %dma_start3A_345] : memref<10240x64xf32, #tpu.memory_space<vmem_shared>> -> memref<10240x64xf32, #tpu.memory_space<vmem_shared>>
      tpu.enqueue_indirect_dma source(%arg12 : memref<128x64xf32, #tpu.memory_space<vmem>>) target(%dma_start3A_346 : memref<10240x64xf32, #tpu.memory_space<vmem_shared>>) offsets(%dma_start3A_343 : memref<128xi32, #tpu.memory_space<vmem>>) semaphore(%arg23 : memref<!tpu.dma_semaphore, #tpu.memory_space<semaphore_mem>>) {add = true}
      %add3A_347 = arith.constant 2 : i32
      %add3A_348 = arith.addi %mul3A_283, %add3A_347 : i32
      %sub3A_349 = arith.constant 5 : i32
      %sub3A_350 = arith.subi %add3A_348, %sub3A_349 : i32
      %dma_wait3A_351 = arith.constant 0 : i32
      %dma_wait3A_352 = tpu.memref_slice %arg7[%sub3A_350, %dma_wait3A_351] : memref<160x128xi32, #tpu.memory_space<vmem>> -> memref<1x128xi32, #tpu.memory_space<vmem>>
      %dma_wait3A_353 = tpu.memref_squeeze %dma_wait3A_352 : memref<1x128xi32, #tpu.memory_space<vmem>> -> memref<128xi32, #tpu.memory_space<vmem>>
      %dma_wait3A_354 = arith.constant 0 : i32
      %dma_wait3A_355 = arith.constant 0 : i32
      %dma_wait3A_356 = tpu.memref_slice %arg13[%dma_wait3A_354, %dma_wait3A_355] : memref<10240x64xf32, #tpu.memory_space<vmem_shared>> -> memref<10240x64xf32, #tpu.memory_space<vmem_shared>>
      tpu.wait_indirect_dma semaphore(%arg21 : memref<!tpu.dma_semaphore, #tpu.memory_space<semaphore_mem>>) src(%arg10 : memref<128x64xf32, #tpu.memory_space<vmem>>) dst(%dma_wait3A_356 : memref<10240x64xf32, #tpu.memory_space<vmem_shared>>)
      %dma_start3A_357 = arith.constant 0 : i32
      %dma_start3A_358 = tpu.memref_slice %arg6[%add3A_348, %dma_start3A_357] : memref<160x128xi32, #tpu.memory_space<vmem>> -> memref<1x128xi32, #tpu.memory_space<vmem>>
      %dma_start3A_359 = tpu.memref_squeeze %dma_start3A_358 : memref<1x128xi32, #tpu.memory_space<vmem>> -> memref<128xi32, #tpu.memory_space<vmem>>
      %dma_start3A_360 = arith.constant 0 : i32
      %dma_start3A_361 = arith.constant 0 : i32
      %dma_start3A_362 = tpu.memref_slice %arg2[%dma_start3A_360, %dma_start3A_361] : memref<20480x64xf32, #tpu.memory_space<hbm>> -> memref<20480x64xf32, #tpu.memory_space<hbm>>
      tpu.enqueue_indirect_dma source(%dma_start3A_362 : memref<20480x64xf32, #tpu.memory_space<hbm>>) target(%arg10 : memref<128x64xf32, #tpu.memory_space<vmem>>) offsets(%dma_start3A_359 : memref<128xi32, #tpu.memory_space<vmem>>) semaphore(%arg16 : memref<!tpu.dma_semaphore, #tpu.memory_space<semaphore_mem>>)
      %sub3A_363 = arith.constant 2 : i32
      %sub3A_364 = arith.subi %add3A_348, %sub3A_363 : i32
      %dma_wait3A_365 = arith.constant 0 : i32
      %dma_wait3A_366 = tpu.memref_slice %arg6[%sub3A_364, %dma_wait3A_365] : memref<160x128xi32, #tpu.memory_space<vmem>> -> memref<1x128xi32, #tpu.memory_space<vmem>>
      %dma_wait3A_367 = tpu.memref_squeeze %dma_wait3A_366 : memref<1x128xi32, #tpu.memory_space<vmem>> -> memref<128xi32, #tpu.memory_space<vmem>>
      %dma_wait3A_368 = arith.constant 0 : i32
      %dma_wait3A_369 = arith.constant 0 : i32
      %dma_wait3A_370 = tpu.memref_slice %arg2[%dma_wait3A_368, %dma_wait3A_369] : memref<20480x64xf32, #tpu.memory_space<hbm>> -> memref<20480x64xf32, #tpu.memory_space<hbm>>
      tpu.wait_indirect_dma semaphore(%arg14 : memref<!tpu.dma_semaphore, #tpu.memory_space<semaphore_mem>>) src(%dma_wait3A_370 : memref<20480x64xf32, #tpu.memory_space<hbm>>) dst(%arg8 : memref<128x64xf32, #tpu.memory_space<vmem>>)
      %sub3A_371 = arith.constant 2 : i32
      %sub3A_372 = arith.subi %add3A_348, %sub3A_371 : i32
      %dma_start3A_373 = arith.constant 0 : i32
      %dma_start3A_374 = tpu.memref_slice %arg7[%sub3A_372, %dma_start3A_373] : memref<160x128xi32, #tpu.memory_space<vmem>> -> memref<1x128xi32, #tpu.memory_space<vmem>>
      %dma_start3A_375 = tpu.memref_squeeze %dma_start3A_374 : memref<1x128xi32, #tpu.memory_space<vmem>> -> memref<128xi32, #tpu.memory_space<vmem>>
      %dma_start3A_376 = arith.constant 0 : i32
      %dma_start3A_377 = arith.constant 0 : i32
      %dma_start3A_378 = tpu.memref_slice %arg13[%dma_start3A_376, %dma_start3A_377] : memref<10240x64xf32, #tpu.memory_space<vmem_shared>> -> memref<10240x64xf32, #tpu.memory_space<vmem_shared>>
      tpu.enqueue_indirect_dma source(%arg8 : memref<128x64xf32, #tpu.memory_space<vmem>>) target(%dma_start3A_378 : memref<10240x64xf32, #tpu.memory_space<vmem_shared>>) offsets(%dma_start3A_375 : memref<128xi32, #tpu.memory_space<vmem>>) semaphore(%arg19 : memref<!tpu.dma_semaphore, #tpu.memory_space<semaphore_mem>>) {add = true}
      %add3A_379 = arith.constant 3 : i32
      %add3A_380 = arith.addi %mul3A_283, %add3A_379 : i32
      %sub3A_381 = arith.constant 5 : i32
      %sub3A_382 = arith.subi %add3A_380, %sub3A_381 : i32
      %dma_wait3A_383 = arith.constant 0 : i32
      %dma_wait3A_384 = tpu.memref_slice %arg7[%sub3A_382, %dma_wait3A_383] : memref<160x128xi32, #tpu.memory_space<vmem>> -> memref<1x128xi32, #tpu.memory_space<vmem>>
      %dma_wait3A_385 = tpu.memref_squeeze %dma_wait3A_384 : memref<1x128xi32, #tpu.memory_space<vmem>> -> memref<128xi32, #tpu.memory_space<vmem>>
      %dma_wait3A_386 = arith.constant 0 : i32
      %dma_wait3A_387 = arith.constant 0 : i32
      %dma_wait3A_388 = tpu.memref_slice %arg13[%dma_wait3A_386, %dma_wait3A_387] : memref<10240x64xf32, #tpu.memory_space<vmem_shared>> -> memref<10240x64xf32, #tpu.memory_space<vmem_shared>>
      tpu.wait_indirect_dma semaphore(%arg22 : memref<!tpu.dma_semaphore, #tpu.memory_space<semaphore_mem>>) src(%arg11 : memref<128x64xf32, #tpu.memory_space<vmem>>) dst(%dma_wait3A_388 : memref<10240x64xf32, #tpu.memory_space<vmem_shared>>)
      %dma_start3A_389 = arith.constant 0 : i32
      %dma_start3A_390 = tpu.memref_slice %arg6[%add3A_380, %dma_start3A_389] : memref<160x128xi32, #tpu.memory_space<vmem>> -> memref<1x128xi32, #tpu.memory_space<vmem>>
      %dma_start3A_391 = tpu.memref_squeeze %dma_start3A_390 : memref<1x128xi32, #tpu.memory_space<vmem>> -> memref<128xi32, #tpu.memory_space<vmem>>
      %dma_start3A_392 = arith.constant 0 : i32
      %dma_start3A_393 = arith.constant 0 : i32
      %dma_start3A_394 = tpu.memref_slice %arg2[%dma_start3A_392, %dma_start3A_393] : memref<20480x64xf32, #tpu.memory_space<hbm>> -> memref<20480x64xf32, #tpu.memory_space<hbm>>
      tpu.enqueue_indirect_dma source(%dma_start3A_394 : memref<20480x64xf32, #tpu.memory_space<hbm>>) target(%arg11 : memref<128x64xf32, #tpu.memory_space<vmem>>) offsets(%dma_start3A_391 : memref<128xi32, #tpu.memory_space<vmem>>) semaphore(%arg17 : memref<!tpu.dma_semaphore, #tpu.memory_space<semaphore_mem>>)
      %sub3A_395 = arith.constant 2 : i32
      %sub3A_396 = arith.subi %add3A_380, %sub3A_395 : i32
      %dma_wait3A_397 = arith.constant 0 : i32
      %dma_wait3A_398 = tpu.memref_slice %arg6[%sub3A_396, %dma_wait3A_397] : memref<160x128xi32, #tpu.memory_space<vmem>> -> memref<1x128xi32, #tpu.memory_space<vmem>>
      %dma_wait3A_399 = tpu.memref_squeeze %dma_wait3A_398 : memref<1x128xi32, #tpu.memory_space<vmem>> -> memref<128xi32, #tpu.memory_space<vmem>>
      %dma_wait3A_400 = arith.constant 0 : i32
      %dma_wait3A_401 = arith.constant 0 : i32
      %dma_wait3A_402 = tpu.memref_slice %arg2[%dma_wait3A_400, %dma_wait3A_401] : memref<20480x64xf32, #tpu.memory_space<hbm>> -> memref<20480x64xf32, #tpu.memory_space<hbm>>
      tpu.wait_indirect_dma semaphore(%arg15 : memref<!tpu.dma_semaphore, #tpu.memory_space<semaphore_mem>>) src(%dma_wait3A_402 : memref<20480x64xf32, #tpu.memory_space<hbm>>) dst(%arg9 : memref<128x64xf32, #tpu.memory_space<vmem>>)
      %sub3A_403 = arith.constant 2 : i32
      %sub3A_404 = arith.subi %add3A_380, %sub3A_403 : i32
      %dma_start3A_405 = arith.constant 0 : i32
      %dma_start3A_406 = tpu.memref_slice %arg7[%sub3A_404, %dma_start3A_405] : memref<160x128xi32, #tpu.memory_space<vmem>> -> memref<1x128xi32, #tpu.memory_space<vmem>>
      %dma_start3A_407 = tpu.memref_squeeze %dma_start3A_406 : memref<1x128xi32, #tpu.memory_space<vmem>> -> memref<128xi32, #tpu.memory_space<vmem>>
      %dma_start3A_408 = arith.constant 0 : i32
      %dma_start3A_409 = arith.constant 0 : i32
      %dma_start3A_410 = tpu.memref_slice %arg13[%dma_start3A_408, %dma_start3A_409] : memref<10240x64xf32, #tpu.memory_space<vmem_shared>> -> memref<10240x64xf32, #tpu.memory_space<vmem_shared>>
      tpu.enqueue_indirect_dma source(%arg9 : memref<128x64xf32, #tpu.memory_space<vmem>>) target(%dma_start3A_410 : memref<10240x64xf32, #tpu.memory_space<vmem_shared>>) offsets(%dma_start3A_407 : memref<128xi32, #tpu.memory_space<vmem>>) semaphore(%arg20 : memref<!tpu.dma_semaphore, #tpu.memory_space<semaphore_mem>>) {add = true}
      %add3A_411 = arith.constant 4 : i32
      %add3A_412 = arith.addi %mul3A_283, %add3A_411 : i32
      %sub3A_413 = arith.constant 5 : i32
      %sub3A_414 = arith.subi %add3A_412, %sub3A_413 : i32
      %dma_wait3A_415 = arith.constant 0 : i32
      %dma_wait3A_416 = tpu.memref_slice %arg7[%sub3A_414, %dma_wait3A_415] : memref<160x128xi32, #tpu.memory_space<vmem>> -> memref<1x128xi32, #tpu.memory_space<vmem>>
      %dma_wait3A_417 = tpu.memref_squeeze %dma_wait3A_416 : memref<1x128xi32, #tpu.memory_space<vmem>> -> memref<128xi32, #tpu.memory_space<vmem>>
      %dma_wait3A_418 = arith.constant 0 : i32
      %dma_wait3A_419 = arith.constant 0 : i32
      %dma_wait3A_420 = tpu.memref_slice %arg13[%dma_wait3A_418, %dma_wait3A_419] : memref<10240x64xf32, #tpu.memory_space<vmem_shared>> -> memref<10240x64xf32, #tpu.memory_space<vmem_shared>>
      tpu.wait_indirect_dma semaphore(%arg23 : memref<!tpu.dma_semaphore, #tpu.memory_space<semaphore_mem>>) src(%arg12 : memref<128x64xf32, #tpu.memory_space<vmem>>) dst(%dma_wait3A_420 : memref<10240x64xf32, #tpu.memory_space<vmem_shared>>)
      %dma_start3A_421 = arith.constant 0 : i32
      %dma_start3A_422 = tpu.memref_slice %arg6[%add3A_412, %dma_start3A_421] : memref<160x128xi32, #tpu.memory_space<vmem>> -> memref<1x128xi32, #tpu.memory_space<vmem>>
      %dma_start3A_423 = tpu.memref_squeeze %dma_start3A_422 : memref<1x128xi32, #tpu.memory_space<vmem>> -> memref<128xi32, #tpu.memory_space<vmem>>
      %dma_start3A_424 = arith.constant 0 : i32
      %dma_start3A_425 = arith.constant 0 : i32
      %dma_start3A_426 = tpu.memref_slice %arg2[%dma_start3A_424, %dma_start3A_425] : memref<20480x64xf32, #tpu.memory_space<hbm>> -> memref<20480x64xf32, #tpu.memory_space<hbm>>
      tpu.enqueue_indirect_dma source(%dma_start3A_426 : memref<20480x64xf32, #tpu.memory_space<hbm>>) target(%arg12 : memref<128x64xf32, #tpu.memory_space<vmem>>) offsets(%dma_start3A_423 : memref<128xi32, #tpu.memory_space<vmem>>) semaphore(%arg18 : memref<!tpu.dma_semaphore, #tpu.memory_space<semaphore_mem>>)
      %sub3A_427 = arith.constant 2 : i32
      %sub3A_428 = arith.subi %add3A_412, %sub3A_427 : i32
      %dma_wait3A_429 = arith.constant 0 : i32
      %dma_wait3A_430 = tpu.memref_slice %arg6[%sub3A_428, %dma_wait3A_429] : memref<160x128xi32, #tpu.memory_space<vmem>> -> memref<1x128xi32, #tpu.memory_space<vmem>>
      %dma_wait3A_431 = tpu.memref_squeeze %dma_wait3A_430 : memref<1x128xi32, #tpu.memory_space<vmem>> -> memref<128xi32, #tpu.memory_space<vmem>>
      %dma_wait3A_432 = arith.constant 0 : i32
      %dma_wait3A_433 = arith.constant 0 : i32
      %dma_wait3A_434 = tpu.memref_slice %arg2[%dma_wait3A_432, %dma_wait3A_433] : memref<20480x64xf32, #tpu.memory_space<hbm>> -> memref<20480x64xf32, #tpu.memory_space<hbm>>
      tpu.wait_indirect_dma semaphore(%arg16 : memref<!tpu.dma_semaphore, #tpu.memory_space<semaphore_mem>>) src(%dma_wait3A_434 : memref<20480x64xf32, #tpu.memory_space<hbm>>) dst(%arg10 : memref<128x64xf32, #tpu.memory_space<vmem>>)
      %sub3A_435 = arith.constant 2 : i32
      %sub3A_436 = arith.subi %add3A_412, %sub3A_435 : i32
      %dma_start3A_437 = arith.constant 0 : i32
      %dma_start3A_438 = tpu.memref_slice %arg7[%sub3A_436, %dma_start3A_437] : memref<160x128xi32, #tpu.memory_space<vmem>> -> memref<1x128xi32, #tpu.memory_space<vmem>>
      %dma_start3A_439 = tpu.memref_squeeze %dma_start3A_438 : memref<1x128xi32, #tpu.memory_space<vmem>> -> memref<128xi32, #tpu.memory_space<vmem>>
      %dma_start3A_440 = arith.constant 0 : i32
      %dma_start3A_441 = arith.constant 0 : i32
      %dma_start3A_442 = tpu.memref_slice %arg13[%dma_start3A_440, %dma_start3A_441] : memref<10240x64xf32, #tpu.memory_space<vmem_shared>> -> memref<10240x64xf32, #tpu.memory_space<vmem_shared>>
      tpu.enqueue_indirect_dma source(%arg10 : memref<128x64xf32, #tpu.memory_space<vmem>>) target(%dma_start3A_442 : memref<10240x64xf32, #tpu.memory_space<vmem_shared>>) offsets(%dma_start3A_439 : memref<128xi32, #tpu.memory_space<vmem>>) semaphore(%arg21 : memref<!tpu.dma_semaphore, #tpu.memory_space<semaphore_mem>>) {add = true}
      %scan3A_443 = arith.constant 0 : i32
      scf.yield %scan3A_443 : i32
    }
    %scan3A_97 = arith.constant 31 : i32
    %dma_wait3A_98 = arith.constant 158 : i32
    %dma_wait3A_99 = arith.constant 0 : i32
    %dma_wait3A_100 = tpu.memref_slice %arg6[%dma_wait3A_98, %dma_wait3A_99] : memref<160x128xi32, #tpu.memory_space<vmem>> -> memref<1x128xi32, #tpu.memory_space<vmem>>
    %dma_wait3A_101 = tpu.memref_squeeze %dma_wait3A_100 : memref<1x128xi32, #tpu.memory_space<vmem>> -> memref<128xi32, #tpu.memory_space<vmem>>
    %dma_wait3A_102 = arith.constant 0 : i32
    %dma_wait3A_103 = arith.constant 0 : i32
    %dma_wait3A_104 = tpu.memref_slice %arg2[%dma_wait3A_102, %dma_wait3A_103] : memref<20480x64xf32, #tpu.memory_space<hbm>> -> memref<20480x64xf32, #tpu.memory_space<hbm>>
    tpu.wait_indirect_dma semaphore(%arg17 : memref<!tpu.dma_semaphore, #tpu.memory_space<semaphore_mem>>) src(%dma_wait3A_104 : memref<20480x64xf32, #tpu.memory_space<hbm>>) dst(%arg11 : memref<128x64xf32, #tpu.memory_space<vmem>>)
    %dma_start3A_105 = arith.constant 158 : i32
    %dma_start3A_106 = arith.constant 0 : i32
    %dma_start3A_107 = tpu.memref_slice %arg7[%dma_start3A_105, %dma_start3A_106] : memref<160x128xi32, #tpu.memory_space<vmem>> -> memref<1x128xi32, #tpu.memory_space<vmem>>
    %dma_start3A_108 = tpu.memref_squeeze %dma_start3A_107 : memref<1x128xi32, #tpu.memory_space<vmem>> -> memref<128xi32, #tpu.memory_space<vmem>>
    %dma_start3A_109 = arith.constant 0 : i32
    %dma_start3A_110 = arith.constant 0 : i32
    %dma_start3A_111 = tpu.memref_slice %arg13[%dma_start3A_109, %dma_start3A_110] : memref<10240x64xf32, #tpu.memory_space<vmem_shared>> -> memref<10240x64xf32, #tpu.memory_space<vmem_shared>>
    tpu.enqueue_indirect_dma source(%arg11 : memref<128x64xf32, #tpu.memory_space<vmem>>) target(%dma_start3A_111 : memref<10240x64xf32, #tpu.memory_space<vmem_shared>>) offsets(%dma_start3A_108 : memref<128xi32, #tpu.memory_space<vmem>>) semaphore(%arg22 : memref<!tpu.dma_semaphore, #tpu.memory_space<semaphore_mem>>) {add = true}
    %dma_wait3A_112 = arith.constant 159 : i32
    %dma_wait3A_113 = arith.constant 0 : i32
    %dma_wait3A_114 = tpu.memref_slice %arg6[%dma_wait3A_112, %dma_wait3A_113] : memref<160x128xi32, #tpu.memory_space<vmem>> -> memref<1x128xi32, #tpu.memory_space<vmem>>
    %dma_wait3A_115 = tpu.memref_squeeze %dma_wait3A_114 : memref<1x128xi32, #tpu.memory_space<vmem>> -> memref<128xi32, #tpu.memory_space<vmem>>
    %dma_wait3A_116 = arith.constant 0 : i32
    %dma_wait3A_117 = arith.constant 0 : i32
    %dma_wait3A_118 = tpu.memref_slice %arg2[%dma_wait3A_116, %dma_wait3A_117] : memref<20480x64xf32, #tpu.memory_space<hbm>> -> memref<20480x64xf32, #tpu.memory_space<hbm>>
    tpu.wait_indirect_dma semaphore(%arg18 : memref<!tpu.dma_semaphore, #tpu.memory_space<semaphore_mem>>) src(%dma_wait3A_118 : memref<20480x64xf32, #tpu.memory_space<hbm>>) dst(%arg12 : memref<128x64xf32, #tpu.memory_space<vmem>>)
    %dma_start3A_119 = arith.constant 159 : i32
    %dma_start3A_120 = arith.constant 0 : i32
    %dma_start3A_121 = tpu.memref_slice %arg7[%dma_start3A_119, %dma_start3A_120] : memref<160x128xi32, #tpu.memory_space<vmem>> -> memref<1x128xi32, #tpu.memory_space<vmem>>
    %dma_start3A_122 = tpu.memref_squeeze %dma_start3A_121 : memref<1x128xi32, #tpu.memory_space<vmem>> -> memref<128xi32, #tpu.memory_space<vmem>>
    %dma_start3A_123 = arith.constant 0 : i32
    %dma_start3A_124 = arith.constant 0 : i32
    %dma_start3A_125 = tpu.memref_slice %arg13[%dma_start3A_123, %dma_start3A_124] : memref<10240x64xf32, #tpu.memory_space<vmem_shared>> -> memref<10240x64xf32, #tpu.memory_space<vmem_shared>>
    tpu.enqueue_indirect_dma source(%arg12 : memref<128x64xf32, #tpu.memory_space<vmem>>) target(%dma_start3A_125 : memref<10240x64xf32, #tpu.memory_space<vmem_shared>>) offsets(%dma_start3A_122 : memref<128xi32, #tpu.memory_space<vmem>>) semaphore(%arg23 : memref<!tpu.dma_semaphore, #tpu.memory_space<semaphore_mem>>) {add = true}
    %dma_wait3A_126 = arith.constant 155 : i32
    %dma_wait3A_127 = arith.constant 0 : i32
    %dma_wait3A_128 = tpu.memref_slice %arg7[%dma_wait3A_126, %dma_wait3A_127] : memref<160x128xi32, #tpu.memory_space<vmem>> -> memref<1x128xi32, #tpu.memory_space<vmem>>
    %dma_wait3A_129 = tpu.memref_squeeze %dma_wait3A_128 : memref<1x128xi32, #tpu.memory_space<vmem>> -> memref<128xi32, #tpu.memory_space<vmem>>
    %dma_wait3A_130 = arith.constant 0 : i32
    %dma_wait3A_131 = arith.constant 0 : i32
    %dma_wait3A_132 = tpu.memref_slice %arg13[%dma_wait3A_130, %dma_wait3A_131] : memref<10240x64xf32, #tpu.memory_space<vmem_shared>> -> memref<10240x64xf32, #tpu.memory_space<vmem_shared>>
    tpu.wait_indirect_dma semaphore(%arg19 : memref<!tpu.dma_semaphore, #tpu.memory_space<semaphore_mem>>) src(%arg8 : memref<128x64xf32, #tpu.memory_space<vmem>>) dst(%dma_wait3A_132 : memref<10240x64xf32, #tpu.memory_space<vmem_shared>>)
    %dma_wait3A_133 = arith.constant 156 : i32
    %dma_wait3A_134 = arith.constant 0 : i32
    %dma_wait3A_135 = tpu.memref_slice %arg7[%dma_wait3A_133, %dma_wait3A_134] : memref<160x128xi32, #tpu.memory_space<vmem>> -> memref<1x128xi32, #tpu.memory_space<vmem>>
    %dma_wait3A_136 = tpu.memref_squeeze %dma_wait3A_135 : memref<1x128xi32, #tpu.memory_space<vmem>> -> memref<128xi32, #tpu.memory_space<vmem>>
    %dma_wait3A_137 = arith.constant 0 : i32
    %dma_wait3A_138 = arith.constant 0 : i32
    %dma_wait3A_139 = tpu.memref_slice %arg13[%dma_wait3A_137, %dma_wait3A_138] : memref<10240x64xf32, #tpu.memory_space<vmem_shared>> -> memref<10240x64xf32, #tpu.memory_space<vmem_shared>>
    tpu.wait_indirect_dma semaphore(%arg20 : memref<!tpu.dma_semaphore, #tpu.memory_space<semaphore_mem>>) src(%arg9 : memref<128x64xf32, #tpu.memory_space<vmem>>) dst(%dma_wait3A_139 : memref<10240x64xf32, #tpu.memory_space<vmem_shared>>)
    %dma_wait3A_140 = arith.constant 157 : i32
    %dma_wait3A_141 = arith.constant 0 : i32
    %dma_wait3A_142 = tpu.memref_slice %arg7[%dma_wait3A_140, %dma_wait3A_141] : memref<160x128xi32, #tpu.memory_space<vmem>> -> memref<1x128xi32, #tpu.memory_space<vmem>>
    %dma_wait3A_143 = tpu.memref_squeeze %dma_wait3A_142 : memref<1x128xi32, #tpu.memory_space<vmem>> -> memref<128xi32, #tpu.memory_space<vmem>>
    %dma_wait3A_144 = arith.constant 0 : i32
    %dma_wait3A_145 = arith.constant 0 : i32
    %dma_wait3A_146 = tpu.memref_slice %arg13[%dma_wait3A_144, %dma_wait3A_145] : memref<10240x64xf32, #tpu.memory_space<vmem_shared>> -> memref<10240x64xf32, #tpu.memory_space<vmem_shared>>
    tpu.wait_indirect_dma semaphore(%arg21 : memref<!tpu.dma_semaphore, #tpu.memory_space<semaphore_mem>>) src(%arg10 : memref<128x64xf32, #tpu.memory_space<vmem>>) dst(%dma_wait3A_146 : memref<10240x64xf32, #tpu.memory_space<vmem_shared>>)
    %dma_wait3A_147 = arith.constant 158 : i32
    %dma_wait3A_148 = arith.constant 0 : i32
    %dma_wait3A_149 = tpu.memref_slice %arg7[%dma_wait3A_147, %dma_wait3A_148] : memref<160x128xi32, #tpu.memory_space<vmem>> -> memref<1x128xi32, #tpu.memory_space<vmem>>
    %dma_wait3A_150 = tpu.memref_squeeze %dma_wait3A_149 : memref<1x128xi32, #tpu.memory_space<vmem>> -> memref<128xi32, #tpu.memory_space<vmem>>
    %dma_wait3A_151 = arith.constant 0 : i32
    %dma_wait3A_152 = arith.constant 0 : i32
    %dma_wait3A_153 = tpu.memref_slice %arg13[%dma_wait3A_151, %dma_wait3A_152] : memref<10240x64xf32, #tpu.memory_space<vmem_shared>> -> memref<10240x64xf32, #tpu.memory_space<vmem_shared>>
    tpu.wait_indirect_dma semaphore(%arg22 : memref<!tpu.dma_semaphore, #tpu.memory_space<semaphore_mem>>) src(%arg11 : memref<128x64xf32, #tpu.memory_space<vmem>>) dst(%dma_wait3A_153 : memref<10240x64xf32, #tpu.memory_space<vmem_shared>>)
    %dma_wait3A_154 = arith.constant 159 : i32
    %dma_wait3A_155 = arith.constant 0 : i32
    %dma_wait3A_156 = tpu.memref_slice %arg7[%dma_wait3A_154, %dma_wait3A_155] : memref<160x128xi32, #tpu.memory_space<vmem>> -> memref<1x128xi32, #tpu.memory_space<vmem>>
    %dma_wait3A_157 = tpu.memref_squeeze %dma_wait3A_156 : memref<1x128xi32, #tpu.memory_space<vmem>> -> memref<128xi32, #tpu.memory_space<vmem>>
    %dma_wait3A_158 = arith.constant 0 : i32
    %dma_wait3A_159 = arith.constant 0 : i32
    %dma_wait3A_160 = tpu.memref_slice %arg13[%dma_wait3A_158, %dma_wait3A_159] : memref<10240x64xf32, #tpu.memory_space<vmem_shared>> -> memref<10240x64xf32, #tpu.memory_space<vmem_shared>>
    tpu.wait_indirect_dma semaphore(%arg23 : memref<!tpu.dma_semaphore, #tpu.memory_space<semaphore_mem>>) src(%arg12 : memref<128x64xf32, #tpu.memory_space<vmem>>) dst(%dma_wait3A_160 : memref<10240x64xf32, #tpu.memory_space<vmem_shared>>)
    %barrier3A_161 = arith.constant 0 : index
    tpu.barrier barrier_id(%barrier3A_161)
    %dma_start3A_162 = arith.constant 0 : i32
    %dma_start3A_163 = tpu.memref_slice %arg13[%mul3A_6, %dma_start3A_162] : memref<10240x64xf32, #tpu.memory_space<vmem_shared>> -> memref<128x64xf32, #tpu.memory_space<vmem_shared>>
    %dma_start3A_164 = arith.constant 0 : i32
    %dma_start3A_165 = tpu.memref_slice %arg13[%mul3A_6, %dma_start3A_164] : memref<10240x64xf32, #tpu.memory_space<vmem_shared>> -> memref<128x64xf32, #tpu.memory_space<vmem_shared>>
    tpu.enqueue_dma source(%dma_start3A_165 : memref<128x64xf32, #tpu.memory_space<vmem_shared>>) target(%arg8 : memref<128x64xf32, #tpu.memory_space<vmem>>) target_semaphore(%arg24 : memref<!tpu.dma_semaphore, #tpu.memory_space<semaphore_mem>>)
    %add3A_166 = arith.constant 128 : i32
    %add3A_167 = arith.addi %mul3A_6, %add3A_166 : i32
    %dma_start3A_168 = arith.constant 0 : i32
    %dma_start3A_169 = tpu.memref_slice %arg13[%add3A_167, %dma_start3A_168] : memref<10240x64xf32, #tpu.memory_space<vmem_shared>> -> memref<128x64xf32, #tpu.memory_space<vmem_shared>>
    %dma_start3A_170 = arith.constant 0 : i32
    %dma_start3A_171 = tpu.memref_slice %arg13[%add3A_167, %dma_start3A_170] : memref<10240x64xf32, #tpu.memory_space<vmem_shared>> -> memref<128x64xf32, #tpu.memory_space<vmem_shared>>
    tpu.enqueue_dma source(%dma_start3A_171 : memref<128x64xf32, #tpu.memory_space<vmem_shared>>) target(%arg9 : memref<128x64xf32, #tpu.memory_space<vmem>>) target_semaphore(%arg25 : memref<!tpu.dma_semaphore, #tpu.memory_space<semaphore_mem>>)
    %dma_wait3A_172 = arith.constant 0 : i32
    %dma_wait3A_173 = tpu.memref_slice %arg13[%mul3A_6, %dma_wait3A_172] : memref<10240x64xf32, #tpu.memory_space<vmem_shared>> -> memref<128x64xf32, #tpu.memory_space<vmem_shared>>
    %dma_wait3A_174 = arith.constant 0 : i32
    %dma_wait3A_175 = tpu.memref_slice %arg13[%mul3A_6, %dma_wait3A_174] : memref<10240x64xf32, #tpu.memory_space<vmem_shared>> -> memref<128x64xf32, #tpu.memory_space<vmem_shared>>
    tpu.wait_dma2 semaphore(%arg24 : memref<!tpu.dma_semaphore, #tpu.memory_space<semaphore_mem>>) src(%dma_wait3A_175 : memref<128x64xf32, #tpu.memory_space<vmem_shared>>) dst(%arg8 : memref<128x64xf32, #tpu.memory_space<vmem>>)
    %add3A_176 = arith.constant 0 : i32
    %add3A_177 = arith.addi %mul3A_6, %add3A_176 : i32
    %dma_start3A_178 = arith.constant 0 : i32
    %dma_start3A_179 = tpu.memref_slice %arg5[%arg0, %add3A_177, %dma_start3A_178] : memref<2x10240x64xf32, #tpu.memory_space<hbm>> -> memref<1x128x64xf32, #tpu.memory_space<hbm>>
    %dma_start3A_180 = tpu.memref_squeeze %dma_start3A_179 : memref<1x128x64xf32, #tpu.memory_space<hbm>> -> memref<128x64xf32, #tpu.memory_space<hbm>>
    %dma_start3A_181 = arith.constant 0 : i32
    %dma_start3A_182 = tpu.memref_slice %arg5[%arg0, %add3A_177, %dma_start3A_181] : memref<2x10240x64xf32, #tpu.memory_space<hbm>> -> memref<1x128x64xf32, #tpu.memory_space<hbm>>
    %dma_start3A_183 = tpu.memref_squeeze %dma_start3A_182 : memref<1x128x64xf32, #tpu.memory_space<hbm>> -> memref<128x64xf32, #tpu.memory_space<hbm>>
    tpu.enqueue_dma source(%arg8 : memref<128x64xf32, #tpu.memory_space<vmem>>) target(%dma_start3A_183 : memref<128x64xf32, #tpu.memory_space<hbm>>) target_semaphore(%arg26 : memref<!tpu.dma_semaphore, #tpu.memory_space<semaphore_mem>>)
    %dma_wait3A_184 = arith.constant 0 : i32
    %dma_wait3A_185 = tpu.memref_slice %arg5[%arg0, %add3A_177, %dma_wait3A_184] : memref<2x10240x64xf32, #tpu.memory_space<hbm>> -> memref<1x128x64xf32, #tpu.memory_space<hbm>>
    %dma_wait3A_186 = tpu.memref_squeeze %dma_wait3A_185 : memref<1x128x64xf32, #tpu.memory_space<hbm>> -> memref<128x64xf32, #tpu.memory_space<hbm>>
    %dma_wait3A_187 = arith.constant 0 : i32
    %dma_wait3A_188 = tpu.memref_slice %arg5[%arg0, %add3A_177, %dma_wait3A_187] : memref<2x10240x64xf32, #tpu.memory_space<hbm>> -> memref<1x128x64xf32, #tpu.memory_space<hbm>>
    %dma_wait3A_189 = tpu.memref_squeeze %dma_wait3A_188 : memref<1x128x64xf32, #tpu.memory_space<hbm>> -> memref<128x64xf32, #tpu.memory_space<hbm>>
    tpu.wait_dma2 semaphore(%arg26 : memref<!tpu.dma_semaphore, #tpu.memory_space<semaphore_mem>>) src(%arg8 : memref<128x64xf32, #tpu.memory_space<vmem>>) dst(%dma_wait3A_189 : memref<128x64xf32, #tpu.memory_space<hbm>>)
    %add3A_190 = arith.constant 256 : i32
    %add3A_191 = arith.addi %mul3A_6, %add3A_190 : i32
    %dma_start3A_192 = arith.constant 0 : i32
    %dma_start3A_193 = tpu.memref_slice %arg13[%add3A_191, %dma_start3A_192] : memref<10240x64xf32, #tpu.memory_space<vmem_shared>> -> memref<128x64xf32, #tpu.memory_space<vmem_shared>>
    %dma_start3A_194 = arith.constant 0 : i32
    %dma_start3A_195 = tpu.memref_slice %arg13[%add3A_191, %dma_start3A_194] : memref<10240x64xf32, #tpu.memory_space<vmem_shared>> -> memref<128x64xf32, #tpu.memory_space<vmem_shared>>
    tpu.enqueue_dma source(%dma_start3A_195 : memref<128x64xf32, #tpu.memory_space<vmem_shared>>) target(%arg8 : memref<128x64xf32, #tpu.memory_space<vmem>>) target_semaphore(%arg24 : memref<!tpu.dma_semaphore, #tpu.memory_space<semaphore_mem>>)
    %dma_wait3A_196 = arith.constant 0 : i32
    %dma_wait3A_197 = tpu.memref_slice %arg13[%add3A_167, %dma_wait3A_196] : memref<10240x64xf32, #tpu.memory_space<vmem_shared>> -> memref<128x64xf32, #tpu.memory_space<vmem_shared>>
    %dma_wait3A_198 = arith.constant 0 : i32
    %dma_wait3A_199 = tpu.memref_slice %arg13[%add3A_167, %dma_wait3A_198] : memref<10240x64xf32, #tpu.memory_space<vmem_shared>> -> memref<128x64xf32, #tpu.memory_space<vmem_shared>>
    tpu.wait_dma2 semaphore(%arg25 : memref<!tpu.dma_semaphore, #tpu.memory_space<semaphore_mem>>) src(%dma_wait3A_199 : memref<128x64xf32, #tpu.memory_space<vmem_shared>>) dst(%arg9 : memref<128x64xf32, #tpu.memory_space<vmem>>)
    %add3A_200 = arith.constant 128 : i32
    %add3A_201 = arith.addi %mul3A_6, %add3A_200 : i32
    %dma_start3A_202 = arith.constant 0 : i32
    %dma_start3A_203 = tpu.memref_slice %arg5[%arg0, %add3A_201, %dma_start3A_202] : memref<2x10240x64xf32, #tpu.memory_space<hbm>> -> memref<1x128x64xf32, #tpu.memory_space<hbm>>
    %dma_start3A_204 = tpu.memref_squeeze %dma_start3A_203 : memref<1x128x64xf32, #tpu.memory_space<hbm>> -> memref<128x64xf32, #tpu.memory_space<hbm>>
    %dma_start3A_205 = arith.constant 0 : i32
    %dma_start3A_206 = tpu.memref_slice %arg5[%arg0, %add3A_201, %dma_start3A_205] : memref<2x10240x64xf32, #tpu.memory_space<hbm>> -> memref<1x128x64xf32, #tpu.memory_space<hbm>>
    %dma_start3A_207 = tpu.memref_squeeze %dma_start3A_206 : memref<1x128x64xf32, #tpu.memory_space<hbm>> -> memref<128x64xf32, #tpu.memory_space<hbm>>
    tpu.enqueue_dma source(%arg9 : memref<128x64xf32, #tpu.memory_space<vmem>>) target(%dma_start3A_207 : memref<128x64xf32, #tpu.memory_space<hbm>>) target_semaphore(%arg27 : memref<!tpu.dma_semaphore, #tpu.memory_space<semaphore_mem>>)
    %dma_wait3A_208 = arith.constant 0 : i32
    %dma_wait3A_209 = tpu.memref_slice %arg5[%arg0, %add3A_201, %dma_wait3A_208] : memref<2x10240x64xf32, #tpu.memory_space<hbm>> -> memref<1x128x64xf32, #tpu.memory_space<hbm>>
    %dma_wait3A_210 = tpu.memref_squeeze %dma_wait3A_209 : memref<1x128x64xf32, #tpu.memory_space<hbm>> -> memref<128x64xf32, #tpu.memory_space<hbm>>
    %dma_wait3A_211 = arith.constant 0 : i32
    %dma_wait3A_212 = tpu.memref_slice %arg5[%arg0, %add3A_201, %dma_wait3A_211] : memref<2x10240x64xf32, #tpu.memory_space<hbm>> -> memref<1x128x64xf32, #tpu.memory_space<hbm>>
    %dma_wait3A_213 = tpu.memref_squeeze %dma_wait3A_212 : memref<1x128x64xf32, #tpu.memory_space<hbm>> -> memref<128x64xf32, #tpu.memory_space<hbm>>
    tpu.wait_dma2 semaphore(%arg27 : memref<!tpu.dma_semaphore, #tpu.memory_space<semaphore_mem>>) src(%arg9 : memref<128x64xf32, #tpu.memory_space<vmem>>) dst(%dma_wait3A_213 : memref<128x64xf32, #tpu.memory_space<hbm>>)
    %add3A_214 = arith.constant 384 : i32
    %add3A_215 = arith.addi %mul3A_6, %add3A_214 : i32
    %dma_start3A_216 = arith.constant 0 : i32
    %dma_start3A_217 = tpu.memref_slice %arg13[%add3A_215, %dma_start3A_216] : memref<10240x64xf32, #tpu.memory_space<vmem_shared>> -> memref<128x64xf32, #tpu.memory_space<vmem_shared>>
    %dma_start3A_218 = arith.constant 0 : i32
    %dma_start3A_219 = tpu.memref_slice %arg13[%add3A_215, %dma_start3A_218] : memref<10240x64xf32, #tpu.memory_space<vmem_shared>> -> memref<128x64xf32, #tpu.memory_space<vmem_shared>>
    tpu.enqueue_dma source(%dma_start3A_219 : memref<128x64xf32, #tpu.memory_space<vmem_shared>>) target(%arg9 : memref<128x64xf32, #tpu.memory_space<vmem>>) target_semaphore(%arg25 : memref<!tpu.dma_semaphore, #tpu.memory_space<semaphore_mem>>)
    %dma_wait3A_220 = arith.constant 0 : i32
    %dma_wait3A_221 = tpu.memref_slice %arg13[%add3A_191, %dma_wait3A_220] : memref<10240x64xf32, #tpu.memory_space<vmem_shared>> -> memref<128x64xf32, #tpu.memory_space<vmem_shared>>
    %dma_wait3A_222 = arith.constant 0 : i32
    %dma_wait3A_223 = tpu.memref_slice %arg13[%add3A_191, %dma_wait3A_222] : memref<10240x64xf32, #tpu.memory_space<vmem_shared>> -> memref<128x64xf32, #tpu.memory_space<vmem_shared>>
    tpu.wait_dma2 semaphore(%arg24 : memref<!tpu.dma_semaphore, #tpu.memory_space<semaphore_mem>>) src(%dma_wait3A_223 : memref<128x64xf32, #tpu.memory_space<vmem_shared>>) dst(%arg8 : memref<128x64xf32, #tpu.memory_space<vmem>>)
    %add3A_224 = arith.constant 256 : i32
    %add3A_225 = arith.addi %mul3A_6, %add3A_224 : i32
    %dma_start3A_226 = arith.constant 0 : i32
    %dma_start3A_227 = tpu.memref_slice %arg5[%arg0, %add3A_225, %dma_start3A_226] : memref<2x10240x64xf32, #tpu.memory_space<hbm>> -> memref<1x128x64xf32, #tpu.memory_space<hbm>>
    %dma_start3A_228 = tpu.memref_squeeze %dma_start3A_227 : memref<1x128x64xf32, #tpu.memory_space<hbm>> -> memref<128x64xf32, #tpu.memory_space<hbm>>
    %dma_start3A_229 = arith.constant 0 : i32
    %dma_start3A_230 = tpu.memref_slice %arg5[%arg0, %add3A_225, %dma_start3A_229] : memref<2x10240x64xf32, #tpu.memory_space<hbm>> -> memref<1x128x64xf32, #tpu.memory_space<hbm>>
    %dma_start3A_231 = tpu.memref_squeeze %dma_start3A_230 : memref<1x128x64xf32, #tpu.memory_space<hbm>> -> memref<128x64xf32, #tpu.memory_space<hbm>>
    tpu.enqueue_dma source(%arg8 : memref<128x64xf32, #tpu.memory_space<vmem>>) target(%dma_start3A_231 : memref<128x64xf32, #tpu.memory_space<hbm>>) target_semaphore(%arg26 : memref<!tpu.dma_semaphore, #tpu.memory_space<semaphore_mem>>)
    %dma_wait3A_232 = arith.constant 0 : i32
    %dma_wait3A_233 = tpu.memref_slice %arg5[%arg0, %add3A_225, %dma_wait3A_232] : memref<2x10240x64xf32, #tpu.memory_space<hbm>> -> memref<1x128x64xf32, #tpu.memory_space<hbm>>
    %dma_wait3A_234 = tpu.memref_squeeze %dma_wait3A_233 : memref<1x128x64xf32, #tpu.memory_space<hbm>> -> memref<128x64xf32, #tpu.memory_space<hbm>>
    %dma_wait3A_235 = arith.constant 0 : i32
    %dma_wait3A_236 = tpu.memref_slice %arg5[%arg0, %add3A_225, %dma_wait3A_235] : memref<2x10240x64xf32, #tpu.memory_space<hbm>> -> memref<1x128x64xf32, #tpu.memory_space<hbm>>
    %dma_wait3A_237 = tpu.memref_squeeze %dma_wait3A_236 : memref<1x128x64xf32, #tpu.memory_space<hbm>> -> memref<128x64xf32, #tpu.memory_space<hbm>>
    tpu.wait_dma2 semaphore(%arg26 : memref<!tpu.dma_semaphore, #tpu.memory_space<semaphore_mem>>) src(%arg8 : memref<128x64xf32, #tpu.memory_space<vmem>>) dst(%dma_wait3A_237 : memref<128x64xf32, #tpu.memory_space<hbm>>)
    %add3A_238 = arith.constant 512 : i32
    %add3A_239 = arith.addi %mul3A_6, %add3A_238 : i32
    %dma_start3A_240 = arith.constant 0 : i32
    %dma_start3A_241 = tpu.memref_slice %arg13[%add3A_239, %dma_start3A_240] : memref<10240x64xf32, #tpu.memory_space<vmem_shared>> -> memref<128x64xf32, #tpu.memory_space<vmem_shared>>
    %dma_start3A_242 = arith.constant 0 : i32
    %dma_start3A_243 = tpu.memref_slice %arg13[%add3A_239, %dma_start3A_242] : memref<10240x64xf32, #tpu.memory_space<vmem_shared>> -> memref<128x64xf32, #tpu.memory_space<vmem_shared>>
    tpu.enqueue_dma source(%dma_start3A_243 : memref<128x64xf32, #tpu.memory_space<vmem_shared>>) target(%arg8 : memref<128x64xf32, #tpu.memory_space<vmem>>) target_semaphore(%arg24 : memref<!tpu.dma_semaphore, #tpu.memory_space<semaphore_mem>>)
    %dma_wait3A_244 = arith.constant 0 : i32
    %dma_wait3A_245 = tpu.memref_slice %arg13[%add3A_215, %dma_wait3A_244] : memref<10240x64xf32, #tpu.memory_space<vmem_shared>> -> memref<128x64xf32, #tpu.memory_space<vmem_shared>>
    %dma_wait3A_246 = arith.constant 0 : i32
    %dma_wait3A_247 = tpu.memref_slice %arg13[%add3A_215, %dma_wait3A_246] : memref<10240x64xf32, #tpu.memory_space<vmem_shared>> -> memref<128x64xf32, #tpu.memory_space<vmem_shared>>
    tpu.wait_dma2 semaphore(%arg25 : memref<!tpu.dma_semaphore, #tpu.memory_space<semaphore_mem>>) src(%dma_wait3A_247 : memref<128x64xf32, #tpu.memory_space<vmem_shared>>) dst(%arg9 : memref<128x64xf32, #tpu.memory_space<vmem>>)
    %add3A_248 = arith.constant 384 : i32
    %add3A_249 = arith.addi %mul3A_6, %add3A_248 : i32
    %dma_start3A_250 = arith.constant 0 : i32
    %dma_start3A_251 = tpu.memref_slice %arg5[%arg0, %add3A_249, %dma_start3A_250] : memref<2x10240x64xf32, #tpu.memory_space<hbm>> -> memref<1x128x64xf32, #tpu.memory_space<hbm>>
    %dma_start3A_252 = tpu.memref_squeeze %dma_start3A_251 : memref<1x128x64xf32, #tpu.memory_space<hbm>> -> memref<128x64xf32, #tpu.memory_space<hbm>>
    %dma_start3A_253 = arith.constant 0 : i32
    %dma_start3A_254 = tpu.memref_slice %arg5[%arg0, %add3A_249, %dma_start3A_253] : memref<2x10240x64xf32, #tpu.memory_space<hbm>> -> memref<1x128x64xf32, #tpu.memory_space<hbm>>
    %dma_start3A_255 = tpu.memref_squeeze %dma_start3A_254 : memref<1x128x64xf32, #tpu.memory_space<hbm>> -> memref<128x64xf32, #tpu.memory_space<hbm>>
    tpu.enqueue_dma source(%arg9 : memref<128x64xf32, #tpu.memory_space<vmem>>) target(%dma_start3A_255 : memref<128x64xf32, #tpu.memory_space<hbm>>) target_semaphore(%arg27 : memref<!tpu.dma_semaphore, #tpu.memory_space<semaphore_mem>>)
    %dma_wait3A_256 = arith.constant 0 : i32
    %dma_wait3A_257 = tpu.memref_slice %arg13[%add3A_239, %dma_wait3A_256] : memref<10240x64xf32, #tpu.memory_space<vmem_shared>> -> memref<128x64xf32, #tpu.memory_space<vmem_shared>>
    %dma_wait3A_258 = arith.constant 0 : i32
    %dma_wait3A_259 = tpu.memref_slice %arg13[%add3A_239, %dma_wait3A_258] : memref<10240x64xf32, #tpu.memory_space<vmem_shared>> -> memref<128x64xf32, #tpu.memory_space<vmem_shared>>
    tpu.wait_dma2 semaphore(%arg24 : memref<!tpu.dma_semaphore, #tpu.memory_space<semaphore_mem>>) src(%dma_wait3A_259 : memref<128x64xf32, #tpu.memory_space<vmem_shared>>) dst(%arg8 : memref<128x64xf32, #tpu.memory_space<vmem>>)
    %add3A_260 = arith.constant 512 : i32
    %add3A_261 = arith.addi %mul3A_6, %add3A_260 : i32
    %dma_start3A_262 = arith.constant 0 : i32
    %dma_start3A_263 = tpu.memref_slice %arg5[%arg0, %add3A_261, %dma_start3A_262] : memref<2x10240x64xf32, #tpu.memory_space<hbm>> -> memref<1x128x64xf32, #tpu.memory_space<hbm>>
    %dma_start3A_264 = tpu.memref_squeeze %dma_start3A_263 : memref<1x128x64xf32, #tpu.memory_space<hbm>> -> memref<128x64xf32, #tpu.memory_space<hbm>>
    %dma_start3A_265 = arith.constant 0 : i32
    %dma_start3A_266 = tpu.memref_slice %arg5[%arg0, %add3A_261, %dma_start3A_265] : memref<2x10240x64xf32, #tpu.memory_space<hbm>> -> memref<1x128x64xf32, #tpu.memory_space<hbm>>
    %dma_start3A_267 = tpu.memref_squeeze %dma_start3A_266 : memref<1x128x64xf32, #tpu.memory_space<hbm>> -> memref<128x64xf32, #tpu.memory_space<hbm>>
    tpu.enqueue_dma source(%arg8 : memref<128x64xf32, #tpu.memory_space<vmem>>) target(%dma_start3A_267 : memref<128x64xf32, #tpu.memory_space<hbm>>) target_semaphore(%arg26 : memref<!tpu.dma_semaphore, #tpu.memory_space<semaphore_mem>>)
    %dma_wait3A_268 = arith.constant 0 : i32
    %dma_wait3A_269 = tpu.memref_slice %arg5[%arg0, %add3A_249, %dma_wait3A_268] : memref<2x10240x64xf32, #tpu.memory_space<hbm>> -> memref<1x128x64xf32, #tpu.memory_space<hbm>>
    %dma_wait3A_270 = tpu.memref_squeeze %dma_wait3A_269 : memref<1x128x64xf32, #tpu.memory_space<hbm>> -> memref<128x64xf32, #tpu.memory_space<hbm>>
    %dma_wait3A_271 = arith.constant 0 : i32
    %dma_wait3A_272 = tpu.memref_slice %arg5[%arg0, %add3A_249, %dma_wait3A_271] : memref<2x10240x64xf32, #tpu.memory_space<hbm>> -> memref<1x128x64xf32, #tpu.memory_space<hbm>>
    %dma_wait3A_273 = tpu.memref_squeeze %dma_wait3A_272 : memref<1x128x64xf32, #tpu.memory_space<hbm>> -> memref<128x64xf32, #tpu.memory_space<hbm>>
    tpu.wait_dma2 semaphore(%arg27 : memref<!tpu.dma_semaphore, #tpu.memory_space<semaphore_mem>>) src(%arg9 : memref<128x64xf32, #tpu.memory_space<vmem>>) dst(%dma_wait3A_273 : memref<128x64xf32, #tpu.memory_space<hbm>>)
    %dma_wait3A_274 = arith.constant 0 : i32
    %dma_wait3A_275 = tpu.memref_slice %arg5[%arg0, %add3A_261, %dma_wait3A_274] : memref<2x10240x64xf32, #tpu.memory_space<hbm>> -> memref<1x128x64xf32, #tpu.memory_space<hbm>>
    %dma_wait3A_276 = tpu.memref_squeeze %dma_wait3A_275 : memref<1x128x64xf32, #tpu.memory_space<hbm>> -> memref<128x64xf32, #tpu.memory_space<hbm>>
    %dma_wait3A_277 = arith.constant 0 : i32
    %dma_wait3A_278 = tpu.memref_slice %arg5[%arg0, %add3A_261, %dma_wait3A_277] : memref<2x10240x64xf32, #tpu.memory_space<hbm>> -> memref<1x128x64xf32, #tpu.memory_space<hbm>>
    %dma_wait3A_279 = tpu.memref_squeeze %dma_wait3A_278 : memref<1x128x64xf32, #tpu.memory_space<hbm>> -> memref<128x64xf32, #tpu.memory_space<hbm>>
    tpu.wait_dma2 semaphore(%arg26 : memref<!tpu.dma_semaphore, #tpu.memory_space<semaphore_mem>>) src(%arg8 : memref<128x64xf32, #tpu.memory_space<vmem>>) dst(%dma_wait3A_279 : memref<128x64xf32, #tpu.memory_space<hbm>>)
    return
  }
}

#map = affine_map<(d0, d1) -> (0, 0)>
#map1 = affine_map<(d0, d1) -> (0, 0, 0, 0)>
#map2 = affine_map<(d0, d1) -> (0, 0, 0)>
module attributes {stable_mosaic.version = 14 : i64} {
  func.func @_sc_prop(%arg0: i32, %arg1: i32, %arg2: memref<20480x64xf32, #tpu.memory_space<hbm>>, %arg3: memref<2x16x160x128xi32, #tpu.memory_space<hbm>>, %arg4: memref<16x160x128xi32, #tpu.memory_space<hbm>>, %arg5: memref<2x10240x64xf32, #tpu.memory_space<hbm>>, %arg6: memref<160x128xi32, #tpu.memory_space<vmem>>, %arg7: memref<160x128xi32, #tpu.memory_space<vmem>>, %arg8: memref<128x64xf32, #tpu.memory_space<vmem>>, %arg9: memref<128x64xf32, #tpu.memory_space<vmem>>, %arg10: memref<128x64xf32, #tpu.memory_space<vmem>>, %arg11: memref<128x64xf32, #tpu.memory_space<vmem>>, %arg12: memref<128x64xf32, #tpu.memory_space<vmem>>, %arg13: memref<10240x64xf32, #tpu.memory_space<vmem_shared>>, %arg14: memref<!tpu.dma_semaphore, #tpu.memory_space<semaphore_mem>>, %arg15: memref<!tpu.dma_semaphore, #tpu.memory_space<semaphore_mem>>, %arg16: memref<!tpu.dma_semaphore, #tpu.memory_space<semaphore_mem>>, %arg17: memref<!tpu.dma_semaphore, #tpu.memory_space<semaphore_mem>>, %arg18: memref<!tpu.dma_semaphore, #tpu.memory_space<semaphore_mem>>, %arg19: memref<!tpu.dma_semaphore, #tpu.memory_space<semaphore_mem>>, %arg20: memref<!tpu.dma_semaphore, #tpu.memory_space<semaphore_mem>>, %arg21: memref<!tpu.dma_semaphore, #tpu.memory_space<semaphore_mem>>, %arg22: memref<!tpu.dma_semaphore, #tpu.memory_space<semaphore_mem>>, %arg23: memref<!tpu.dma_semaphore, #tpu.memory_space<semaphore_mem>>, %arg24: memref<!tpu.dma_semaphore, #tpu.memory_space<semaphore_mem>>, %arg25: memref<!tpu.dma_semaphore, #tpu.memory_space<semaphore_mem>>, %arg26: memref<!tpu.dma_semaphore, #tpu.memory_space<semaphore_mem>>, %arg27: memref<!tpu.dma_semaphore, #tpu.memory_space<semaphore_mem>>) attributes {dimension_semantics = [#tpu.dimension_semantics<core_parallel>, #tpu.dimension_semantics<subcore_parallel>], iteration_bounds = array<i64: 2, 16>, scalar_prefetch = 0 : i64, scratch_operands = 22 : i64, tpu.core_type = #tpu.core_type<sc_vector_subcore>, window_params = [{transform_indices = #map}, {transform_indices = #map1}, {transform_indices = #map2}, {transform_indices = #map2}]} {
    "tpu.region"() ({
      %run_scoped3A = tpu.sem_alloc : memref<!tpu.dma_semaphore, #tpu.memory_space<semaphore_mem>>
      %dma_start3A_280 = arith.constant 0 : i32
      %dma_start3A_281 = arith.constant 0 : i32
      %dma_start3A_282 = tpu.memref_slice %arg3[%arg0, %arg1, %dma_start3A_280, %dma_start3A_281] : memref<2x16x160x128xi32, #tpu.memory_space<hbm>> -> memref<1x1x160x128xi32, #tpu.memory_space<hbm>>
      %dma_start3A_283 = tpu.memref_squeeze %dma_start3A_282 : memref<1x1x160x128xi32, #tpu.memory_space<hbm>> -> memref<160x128xi32, #tpu.memory_space<hbm>>
      %dma_start3A_284 = arith.constant 0 : i32
      %dma_start3A_285 = arith.constant 0 : i32
      %dma_start3A_286 = tpu.memref_slice %arg3[%arg0, %arg1, %dma_start3A_284, %dma_start3A_285] : memref<2x16x160x128xi32, #tpu.memory_space<hbm>> -> memref<1x1x160x128xi32, #tpu.memory_space<hbm>>
      %dma_start3A_287 = tpu.memref_squeeze %dma_start3A_286 : memref<1x1x160x128xi32, #tpu.memory_space<hbm>> -> memref<160x128xi32, #tpu.memory_space<hbm>>
      tpu.enqueue_dma source(%dma_start3A_287 : memref<160x128xi32, #tpu.memory_space<hbm>>) target(%arg6 : memref<160x128xi32, #tpu.memory_space<vmem>>) target_semaphore(%run_scoped3A : memref<!tpu.dma_semaphore, #tpu.memory_space<semaphore_mem>>)
      %dma_wait3A_288 = arith.constant 0 : i32
      %dma_wait3A_289 = arith.constant 0 : i32
      %dma_wait3A_290 = tpu.memref_slice %arg3[%arg0, %arg1, %dma_wait3A_288, %dma_wait3A_289] : memref<2x16x160x128xi32, #tpu.memory_space<hbm>> -> memref<1x1x160x128xi32, #tpu.memory_space<hbm>>
      %dma_wait3A_291 = tpu.memref_squeeze %dma_wait3A_290 : memref<1x1x160x128xi32, #tpu.memory_space<hbm>> -> memref<160x128xi32, #tpu.memory_space<hbm>>
      %dma_wait3A_292 = arith.constant 0 : i32
      %dma_wait3A_293 = arith.constant 0 : i32
      %dma_wait3A_294 = tpu.memref_slice %arg3[%arg0, %arg1, %dma_wait3A_292, %dma_wait3A_293] : memref<2x16x160x128xi32, #tpu.memory_space<hbm>> -> memref<1x1x160x128xi32, #tpu.memory_space<hbm>>
      %dma_wait3A_295 = tpu.memref_squeeze %dma_wait3A_294 : memref<1x1x160x128xi32, #tpu.memory_space<hbm>> -> memref<160x128xi32, #tpu.memory_space<hbm>>
      tpu.wait_dma2 semaphore(%run_scoped3A : memref<!tpu.dma_semaphore, #tpu.memory_space<semaphore_mem>>) src(%dma_wait3A_295 : memref<160x128xi32, #tpu.memory_space<hbm>>) dst(%arg6 : memref<160x128xi32, #tpu.memory_space<vmem>>)
      tpu.yield
    }) : () -> ()
    "tpu.region"() ({
      %run_scoped3A = tpu.sem_alloc : memref<!tpu.dma_semaphore, #tpu.memory_space<semaphore_mem>>
      %dma_start3A_280 = arith.constant 0 : i32
      %dma_start3A_281 = arith.constant 0 : i32
      %dma_start3A_282 = tpu.memref_slice %arg4[%arg1, %dma_start3A_280, %dma_start3A_281] : memref<16x160x128xi32, #tpu.memory_space<hbm>> -> memref<1x160x128xi32, #tpu.memory_space<hbm>>
      %dma_start3A_283 = tpu.memref_squeeze %dma_start3A_282 : memref<1x160x128xi32, #tpu.memory_space<hbm>> -> memref<160x128xi32, #tpu.memory_space<hbm>>
      %dma_start3A_284 = arith.constant 0 : i32
      %dma_start3A_285 = arith.constant 0 : i32
      %dma_start3A_286 = tpu.memref_slice %arg4[%arg1, %dma_start3A_284, %dma_start3A_285] : memref<16x160x128xi32, #tpu.memory_space<hbm>> -> memref<1x160x128xi32, #tpu.memory_space<hbm>>
      %dma_start3A_287 = tpu.memref_squeeze %dma_start3A_286 : memref<1x160x128xi32, #tpu.memory_space<hbm>> -> memref<160x128xi32, #tpu.memory_space<hbm>>
      tpu.enqueue_dma source(%dma_start3A_287 : memref<160x128xi32, #tpu.memory_space<hbm>>) target(%arg7 : memref<160x128xi32, #tpu.memory_space<vmem>>) target_semaphore(%run_scoped3A : memref<!tpu.dma_semaphore, #tpu.memory_space<semaphore_mem>>)
      %dma_wait3A_288 = arith.constant 0 : i32
      %dma_wait3A_289 = arith.constant 0 : i32
      %dma_wait3A_290 = tpu.memref_slice %arg4[%arg1, %dma_wait3A_288, %dma_wait3A_289] : memref<16x160x128xi32, #tpu.memory_space<hbm>> -> memref<1x160x128xi32, #tpu.memory_space<hbm>>
      %dma_wait3A_291 = tpu.memref_squeeze %dma_wait3A_290 : memref<1x160x128xi32, #tpu.memory_space<hbm>> -> memref<160x128xi32, #tpu.memory_space<hbm>>
      %dma_wait3A_292 = arith.constant 0 : i32
      %dma_wait3A_293 = arith.constant 0 : i32
      %dma_wait3A_294 = tpu.memref_slice %arg4[%arg1, %dma_wait3A_292, %dma_wait3A_293] : memref<16x160x128xi32, #tpu.memory_space<hbm>> -> memref<1x160x128xi32, #tpu.memory_space<hbm>>
      %dma_wait3A_295 = tpu.memref_squeeze %dma_wait3A_294 : memref<1x160x128xi32, #tpu.memory_space<hbm>> -> memref<160x128xi32, #tpu.memory_space<hbm>>
      tpu.wait_dma2 semaphore(%run_scoped3A : memref<!tpu.dma_semaphore, #tpu.memory_space<semaphore_mem>>) src(%dma_wait3A_295 : memref<160x128xi32, #tpu.memory_space<hbm>>) dst(%arg7 : memref<160x128xi32, #tpu.memory_space<vmem>>)
      tpu.yield
    }) : () -> ()
    %scan3A = arith.constant 0 : i32
    %scan3A_0 = arith.constant 0 : i32
    %scan3A_1 = arith.constant 128 : i32
    %scan3A_2 = arith.addi %scan3A_0, %scan3A_1 : i32
    %scan3A_3 = arith.constant 1 : i32
    %scan3A_4 = scf.for %scan3A_280 = %scan3A_0 to %scan3A_2 step %scan3A_3 iter_args(%scan3A_281 = %scan3A) -> (i32)  : i32 {
      %broadcast_in_dim3A = arith.constant 0.000000e+00 : f32
      %broadcast_in_dim3A_282 = vector.broadcast %broadcast_in_dim3A : f32 to vector<16xf32>
      %swap3A = arith.index_cast %scan3A_280 : i32 to index
      %swap3A_283 = arith.constant 0 : index
      %swap3A_284 = tpu.vector_load %arg8[%swap3A, %swap3A_283] {strides = array<i32>} : memref<128x64xf32, #tpu.memory_space<vmem>>, vector<1x16xf32>,
      %swap3A_285 = vector.shape_cast %swap3A_284 : vector<1x16xf32> to vector<16xf32>
      %swap3A_286 = vector.shape_cast %broadcast_in_dim3A_282 : vector<16xf32> to vector<1x16xf32>
      tpu.vector_store %arg8[%swap3A, %swap3A_283], %swap3A_286 {strides = array<i32>} : memref<128x64xf32, #tpu.memory_space<vmem>>, vector<1x16xf32>,
      %broadcast_in_dim3A_287 = arith.constant 0.000000e+00 : f32
      %broadcast_in_dim3A_288 = vector.broadcast %broadcast_in_dim3A_287 : f32 to vector<16xf32>
      %swap3A_289 = arith.index_cast %scan3A_280 : i32 to index
      %swap3A_290 = arith.constant 16 : index
      %swap3A_291 = tpu.vector_load %arg8[%swap3A_289, %swap3A_290] {strides = array<i32>} : memref<128x64xf32, #tpu.memory_space<vmem>>, vector<1x16xf32>,
      %swap3A_292 = vector.shape_cast %swap3A_291 : vector<1x16xf32> to vector<16xf32>
      %swap3A_293 = vector.shape_cast %broadcast_in_dim3A_288 : vector<16xf32> to vector<1x16xf32>
      tpu.vector_store %arg8[%swap3A_289, %swap3A_290], %swap3A_293 {strides = array<i32>} : memref<128x64xf32, #tpu.memory_space<vmem>>, vector<1x16xf32>,
      %broadcast_in_dim3A_294 = arith.constant 0.000000e+00 : f32
      %broadcast_in_dim3A_295 = vector.broadcast %broadcast_in_dim3A_294 : f32 to vector<16xf32>
      %swap3A_296 = arith.index_cast %scan3A_280 : i32 to index
      %swap3A_297 = arith.constant 32 : index
      %swap3A_298 = tpu.vector_load %arg8[%swap3A_296, %swap3A_297] {strides = array<i32>} : memref<128x64xf32, #tpu.memory_space<vmem>>, vector<1x16xf32>,
      %swap3A_299 = vector.shape_cast %swap3A_298 : vector<1x16xf32> to vector<16xf32>
      %swap3A_300 = vector.shape_cast %broadcast_in_dim3A_295 : vector<16xf32> to vector<1x16xf32>
      tpu.vector_store %arg8[%swap3A_296, %swap3A_297], %swap3A_300 {strides = array<i32>} : memref<128x64xf32, #tpu.memory_space<vmem>>, vector<1x16xf32>,
      %broadcast_in_dim3A_301 = arith.constant 0.000000e+00 : f32
      %broadcast_in_dim3A_302 = vector.broadcast %broadcast_in_dim3A_301 : f32 to vector<16xf32>
      %swap3A_303 = arith.index_cast %scan3A_280 : i32 to index
      %swap3A_304 = arith.constant 48 : index
      %swap3A_305 = tpu.vector_load %arg8[%swap3A_303, %swap3A_304] {strides = array<i32>} : memref<128x64xf32, #tpu.memory_space<vmem>>, vector<1x16xf32>,
      %swap3A_306 = vector.shape_cast %swap3A_305 : vector<1x16xf32> to vector<16xf32>
      %swap3A_307 = vector.shape_cast %broadcast_in_dim3A_302 : vector<16xf32> to vector<1x16xf32>
      tpu.vector_store %arg8[%swap3A_303, %swap3A_304], %swap3A_307 {strides = array<i32>} : memref<128x64xf32, #tpu.memory_space<vmem>>, vector<1x16xf32>,
      %scan3A_308 = arith.constant 0 : i32
      scf.yield %scan3A_308 : i32
    }
    %scan3A_5 = arith.constant 128 : i32
    %mul3A = arith.constant 640 : i32
    %mul3A_6 = arith.muli %arg1, %mul3A : i32
    %add3A = arith.constant 0 : i32
    %add3A_7 = arith.addi %mul3A_6, %add3A : i32
    "tpu.region"() ({
      %run_scoped3A = tpu.sem_alloc : memref<!tpu.dma_semaphore, #tpu.memory_space<semaphore_mem>>
      %dma_start3A_280 = arith.constant 0 : i32
      %dma_start3A_281 = tpu.memref_slice %arg13[%add3A_7, %dma_start3A_280] : memref<10240x64xf32, #tpu.memory_space<vmem_shared>> -> memref<128x64xf32, #tpu.memory_space<vmem_shared>>
      %dma_start3A_282 = arith.constant 0 : i32
      %dma_start3A_283 = tpu.memref_slice %arg13[%add3A_7, %dma_start3A_282] : memref<10240x64xf32, #tpu.memory_space<vmem_shared>> -> memref<128x64xf32, #tpu.memory_space<vmem_shared>>
      tpu.enqueue_dma source(%arg8 : memref<128x64xf32, #tpu.memory_space<vmem>>) target(%dma_start3A_283 : memref<128x64xf32, #tpu.memory_space<vmem_shared>>) target_semaphore(%run_scoped3A : memref<!tpu.dma_semaphore, #tpu.memory_space<semaphore_mem>>)
      %dma_wait3A_284 = arith.constant 0 : i32
      %dma_wait3A_285 = tpu.memref_slice %arg13[%add3A_7, %dma_wait3A_284] : memref<10240x64xf32, #tpu.memory_space<vmem_shared>> -> memref<128x64xf32, #tpu.memory_space<vmem_shared>>
      %dma_wait3A_286 = arith.constant 0 : i32
      %dma_wait3A_287 = tpu.memref_slice %arg13[%add3A_7, %dma_wait3A_286] : memref<10240x64xf32, #tpu.memory_space<vmem_shared>> -> memref<128x64xf32, #tpu.memory_space<vmem_shared>>
      tpu.wait_dma2 semaphore(%run_scoped3A : memref<!tpu.dma_semaphore, #tpu.memory_space<semaphore_mem>>) src(%arg8 : memref<128x64xf32, #tpu.memory_space<vmem>>) dst(%dma_wait3A_287 : memref<128x64xf32, #tpu.memory_space<vmem_shared>>)
      tpu.yield
    }) : () -> ()
    %add3A_8 = arith.constant 128 : i32
    %add3A_9 = arith.addi %mul3A_6, %add3A_8 : i32
    "tpu.region"() ({
      %run_scoped3A = tpu.sem_alloc : memref<!tpu.dma_semaphore, #tpu.memory_space<semaphore_mem>>
      %dma_start3A_280 = arith.constant 0 : i32
      %dma_start3A_281 = tpu.memref_slice %arg13[%add3A_9, %dma_start3A_280] : memref<10240x64xf32, #tpu.memory_space<vmem_shared>> -> memref<128x64xf32, #tpu.memory_space<vmem_shared>>
      %dma_start3A_282 = arith.constant 0 : i32
      %dma_start3A_283 = tpu.memref_slice %arg13[%add3A_9, %dma_start3A_282] : memref<10240x64xf32, #tpu.memory_space<vmem_shared>> -> memref<128x64xf32, #tpu.memory_space<vmem_shared>>
      tpu.enqueue_dma source(%arg8 : memref<128x64xf32, #tpu.memory_space<vmem>>) target(%dma_start3A_283 : memref<128x64xf32, #tpu.memory_space<vmem_shared>>) target_semaphore(%run_scoped3A : memref<!tpu.dma_semaphore, #tpu.memory_space<semaphore_mem>>)
      %dma_wait3A_284 = arith.constant 0 : i32
      %dma_wait3A_285 = tpu.memref_slice %arg13[%add3A_9, %dma_wait3A_284] : memref<10240x64xf32, #tpu.memory_space<vmem_shared>> -> memref<128x64xf32, #tpu.memory_space<vmem_shared>>
      %dma_wait3A_286 = arith.constant 0 : i32
      %dma_wait3A_287 = tpu.memref_slice %arg13[%add3A_9, %dma_wait3A_286] : memref<10240x64xf32, #tpu.memory_space<vmem_shared>> -> memref<128x64xf32, #tpu.memory_space<vmem_shared>>
      tpu.wait_dma2 semaphore(%run_scoped3A : memref<!tpu.dma_semaphore, #tpu.memory_space<semaphore_mem>>) src(%arg8 : memref<128x64xf32, #tpu.memory_space<vmem>>) dst(%dma_wait3A_287 : memref<128x64xf32, #tpu.memory_space<vmem_shared>>)
      tpu.yield
    }) : () -> ()
    %add3A_10 = arith.constant 256 : i32
    %add3A_11 = arith.addi %mul3A_6, %add3A_10 : i32
    "tpu.region"() ({
      %run_scoped3A = tpu.sem_alloc : memref<!tpu.dma_semaphore, #tpu.memory_space<semaphore_mem>>
      %dma_start3A_280 = arith.constant 0 : i32
      %dma_start3A_281 = tpu.memref_slice %arg13[%add3A_11, %dma_start3A_280] : memref<10240x64xf32, #tpu.memory_space<vmem_shared>> -> memref<128x64xf32, #tpu.memory_space<vmem_shared>>
      %dma_start3A_282 = arith.constant 0 : i32
      %dma_start3A_283 = tpu.memref_slice %arg13[%add3A_11, %dma_start3A_282] : memref<10240x64xf32, #tpu.memory_space<vmem_shared>> -> memref<128x64xf32, #tpu.memory_space<vmem_shared>>
      tpu.enqueue_dma source(%arg8 : memref<128x64xf32, #tpu.memory_space<vmem>>) target(%dma_start3A_283 : memref<128x64xf32, #tpu.memory_space<vmem_shared>>) target_semaphore(%run_scoped3A : memref<!tpu.dma_semaphore, #tpu.memory_space<semaphore_mem>>)
      %dma_wait3A_284 = arith.constant 0 : i32
      %dma_wait3A_285 = tpu.memref_slice %arg13[%add3A_11, %dma_wait3A_284] : memref<10240x64xf32, #tpu.memory_space<vmem_shared>> -> memref<128x64xf32, #tpu.memory_space<vmem_shared>>
      %dma_wait3A_286 = arith.constant 0 : i32
      %dma_wait3A_287 = tpu.memref_slice %arg13[%add3A_11, %dma_wait3A_286] : memref<10240x64xf32, #tpu.memory_space<vmem_shared>> -> memref<128x64xf32, #tpu.memory_space<vmem_shared>>
      tpu.wait_dma2 semaphore(%run_scoped3A : memref<!tpu.dma_semaphore, #tpu.memory_space<semaphore_mem>>) src(%arg8 : memref<128x64xf32, #tpu.memory_space<vmem>>) dst(%dma_wait3A_287 : memref<128x64xf32, #tpu.memory_space<vmem_shared>>)
      tpu.yield
    }) : () -> ()
    %add3A_12 = arith.constant 384 : i32
    %add3A_13 = arith.addi %mul3A_6, %add3A_12 : i32
    "tpu.region"() ({
      %run_scoped3A = tpu.sem_alloc : memref<!tpu.dma_semaphore, #tpu.memory_space<semaphore_mem>>
      %dma_start3A_280 = arith.constant 0 : i32
      %dma_start3A_281 = tpu.memref_slice %arg13[%add3A_13, %dma_start3A_280] : memref<10240x64xf32, #tpu.memory_space<vmem_shared>> -> memref<128x64xf32, #tpu.memory_space<vmem_shared>>
      %dma_start3A_282 = arith.constant 0 : i32
      %dma_start3A_283 = tpu.memref_slice %arg13[%add3A_13, %dma_start3A_282] : memref<10240x64xf32, #tpu.memory_space<vmem_shared>> -> memref<128x64xf32, #tpu.memory_space<vmem_shared>>
      tpu.enqueue_dma source(%arg8 : memref<128x64xf32, #tpu.memory_space<vmem>>) target(%dma_start3A_283 : memref<128x64xf32, #tpu.memory_space<vmem_shared>>) target_semaphore(%run_scoped3A : memref<!tpu.dma_semaphore, #tpu.memory_space<semaphore_mem>>)
      %dma_wait3A_284 = arith.constant 0 : i32
      %dma_wait3A_285 = tpu.memref_slice %arg13[%add3A_13, %dma_wait3A_284] : memref<10240x64xf32, #tpu.memory_space<vmem_shared>> -> memref<128x64xf32, #tpu.memory_space<vmem_shared>>
      %dma_wait3A_286 = arith.constant 0 : i32
      %dma_wait3A_287 = tpu.memref_slice %arg13[%add3A_13, %dma_wait3A_286] : memref<10240x64xf32, #tpu.memory_space<vmem_shared>> -> memref<128x64xf32, #tpu.memory_space<vmem_shared>>
      tpu.wait_dma2 semaphore(%run_scoped3A : memref<!tpu.dma_semaphore, #tpu.memory_space<semaphore_mem>>) src(%arg8 : memref<128x64xf32, #tpu.memory_space<vmem>>) dst(%dma_wait3A_287 : memref<128x64xf32, #tpu.memory_space<vmem_shared>>)
      tpu.yield
    }) : () -> ()
    %add3A_14 = arith.constant 512 : i32
    %add3A_15 = arith.addi %mul3A_6, %add3A_14 : i32
    "tpu.region"() ({
      %run_scoped3A = tpu.sem_alloc : memref<!tpu.dma_semaphore, #tpu.memory_space<semaphore_mem>>
      %dma_start3A_280 = arith.constant 0 : i32
      %dma_start3A_281 = tpu.memref_slice %arg13[%add3A_15, %dma_start3A_280] : memref<10240x64xf32, #tpu.memory_space<vmem_shared>> -> memref<128x64xf32, #tpu.memory_space<vmem_shared>>
      %dma_start3A_282 = arith.constant 0 : i32
      %dma_start3A_283 = tpu.memref_slice %arg13[%add3A_15, %dma_start3A_282] : memref<10240x64xf32, #tpu.memory_space<vmem_shared>> -> memref<128x64xf32, #tpu.memory_space<vmem_shared>>
      tpu.enqueue_dma source(%arg8 : memref<128x64xf32, #tpu.memory_space<vmem>>) target(%dma_start3A_283 : memref<128x64xf32, #tpu.memory_space<vmem_shared>>) target_semaphore(%run_scoped3A : memref<!tpu.dma_semaphore, #tpu.memory_space<semaphore_mem>>)
      %dma_wait3A_284 = arith.constant 0 : i32
      %dma_wait3A_285 = tpu.memref_slice %arg13[%add3A_15, %dma_wait3A_284] : memref<10240x64xf32, #tpu.memory_space<vmem_shared>> -> memref<128x64xf32, #tpu.memory_space<vmem_shared>>
      %dma_wait3A_286 = arith.constant 0 : i32
      %dma_wait3A_287 = tpu.memref_slice %arg13[%add3A_15, %dma_wait3A_286] : memref<10240x64xf32, #tpu.memory_space<vmem_shared>> -> memref<128x64xf32, #tpu.memory_space<vmem_shared>>
      tpu.wait_dma2 semaphore(%run_scoped3A : memref<!tpu.dma_semaphore, #tpu.memory_space<semaphore_mem>>) src(%arg8 : memref<128x64xf32, #tpu.memory_space<vmem>>) dst(%dma_wait3A_287 : memref<128x64xf32, #tpu.memory_space<vmem_shared>>)
      tpu.yield
    }) : () -> ()
    %barrier3A = arith.constant 0 : index
    tpu.barrier barrier_id(%barrier3A)
    %dma_start3A = arith.constant 0 : i32
    %dma_start3A_16 = arith.constant 0 : i32
    %dma_start3A_17 = tpu.memref_slice %arg6[%dma_start3A, %dma_start3A_16] : memref<160x128xi32, #tpu.memory_space<vmem>> -> memref<1x128xi32, #tpu.memory_space<vmem>>
    %dma_start3A_18 = tpu.memref_squeeze %dma_start3A_17 : memref<1x128xi32, #tpu.memory_space<vmem>> -> memref<128xi32, #tpu.memory_space<vmem>>
    %dma_start3A_19 = arith.constant 0 : i32
    %dma_start3A_20 = arith.constant 0 : i32
    %dma_start3A_21 = tpu.memref_slice %arg2[%dma_start3A_19, %dma_start3A_20] : memref<20480x64xf32, #tpu.memory_space<hbm>> -> memref<20480x64xf32, #tpu.memory_space<hbm>>
    tpu.enqueue_indirect_dma source(%dma_start3A_21 : memref<20480x64xf32, #tpu.memory_space<hbm>>) target(%arg8 : memref<128x64xf32, #tpu.memory_space<vmem>>) offsets(%dma_start3A_18 : memref<128xi32, #tpu.memory_space<vmem>>) semaphore(%arg14 : memref<!tpu.dma_semaphore, #tpu.memory_space<semaphore_mem>>)
    %dma_start3A_22 = arith.constant 1 : i32
    %dma_start3A_23 = arith.constant 0 : i32
    %dma_start3A_24 = tpu.memref_slice %arg6[%dma_start3A_22, %dma_start3A_23] : memref<160x128xi32, #tpu.memory_space<vmem>> -> memref<1x128xi32, #tpu.memory_space<vmem>>
    %dma_start3A_25 = tpu.memref_squeeze %dma_start3A_24 : memref<1x128xi32, #tpu.memory_space<vmem>> -> memref<128xi32, #tpu.memory_space<vmem>>
    %dma_start3A_26 = arith.constant 0 : i32
    %dma_start3A_27 = arith.constant 0 : i32
    %dma_start3A_28 = tpu.memref_slice %arg2[%dma_start3A_26, %dma_start3A_27] : memref<20480x64xf32, #tpu.memory_space<hbm>> -> memref<20480x64xf32, #tpu.memory_space<hbm>>
    tpu.enqueue_indirect_dma source(%dma_start3A_28 : memref<20480x64xf32, #tpu.memory_space<hbm>>) target(%arg9 : memref<128x64xf32, #tpu.memory_space<vmem>>) offsets(%dma_start3A_25 : memref<128xi32, #tpu.memory_space<vmem>>) semaphore(%arg15 : memref<!tpu.dma_semaphore, #tpu.memory_space<semaphore_mem>>)
    %dma_start3A_29 = arith.constant 2 : i32
    %dma_start3A_30 = arith.constant 0 : i32
    %dma_start3A_31 = tpu.memref_slice %arg6[%dma_start3A_29, %dma_start3A_30] : memref<160x128xi32, #tpu.memory_space<vmem>> -> memref<1x128xi32, #tpu.memory_space<vmem>>
    %dma_start3A_32 = tpu.memref_squeeze %dma_start3A_31 : memref<1x128xi32, #tpu.memory_space<vmem>> -> memref<128xi32, #tpu.memory_space<vmem>>
    %dma_start3A_33 = arith.constant 0 : i32
    %dma_start3A_34 = arith.constant 0 : i32
    %dma_start3A_35 = tpu.memref_slice %arg2[%dma_start3A_33, %dma_start3A_34] : memref<20480x64xf32, #tpu.memory_space<hbm>> -> memref<20480x64xf32, #tpu.memory_space<hbm>>
    tpu.enqueue_indirect_dma source(%dma_start3A_35 : memref<20480x64xf32, #tpu.memory_space<hbm>>) target(%arg10 : memref<128x64xf32, #tpu.memory_space<vmem>>) offsets(%dma_start3A_32 : memref<128xi32, #tpu.memory_space<vmem>>) semaphore(%arg16 : memref<!tpu.dma_semaphore, #tpu.memory_space<semaphore_mem>>)
    %dma_wait3A = arith.constant 0 : i32
    %dma_wait3A_36 = arith.constant 0 : i32
    %dma_wait3A_37 = tpu.memref_slice %arg6[%dma_wait3A, %dma_wait3A_36] : memref<160x128xi32, #tpu.memory_space<vmem>> -> memref<1x128xi32, #tpu.memory_space<vmem>>
    %dma_wait3A_38 = tpu.memref_squeeze %dma_wait3A_37 : memref<1x128xi32, #tpu.memory_space<vmem>> -> memref<128xi32, #tpu.memory_space<vmem>>
    %dma_wait3A_39 = arith.constant 0 : i32
    %dma_wait3A_40 = arith.constant 0 : i32
    %dma_wait3A_41 = tpu.memref_slice %arg2[%dma_wait3A_39, %dma_wait3A_40] : memref<20480x64xf32, #tpu.memory_space<hbm>> -> memref<20480x64xf32, #tpu.memory_space<hbm>>
    tpu.wait_indirect_dma semaphore(%arg14 : memref<!tpu.dma_semaphore, #tpu.memory_space<semaphore_mem>>) src(%dma_wait3A_41 : memref<20480x64xf32, #tpu.memory_space<hbm>>) dst(%arg8 : memref<128x64xf32, #tpu.memory_space<vmem>>)
    %dma_start3A_42 = arith.constant 0 : i32
    %dma_start3A_43 = arith.constant 0 : i32
    %dma_start3A_44 = tpu.memref_slice %arg7[%dma_start3A_42, %dma_start3A_43] : memref<160x128xi32, #tpu.memory_space<vmem>> -> memref<1x128xi32, #tpu.memory_space<vmem>>
    %dma_start3A_45 = tpu.memref_squeeze %dma_start3A_44 : memref<1x128xi32, #tpu.memory_space<vmem>> -> memref<128xi32, #tpu.memory_space<vmem>>
    %dma_start3A_46 = arith.constant 0 : i32
    %dma_start3A_47 = arith.constant 0 : i32
    %dma_start3A_48 = tpu.memref_slice %arg13[%dma_start3A_46, %dma_start3A_47] : memref<10240x64xf32, #tpu.memory_space<vmem_shared>> -> memref<10240x64xf32, #tpu.memory_space<vmem_shared>>
    tpu.enqueue_indirect_dma source(%arg8 : memref<128x64xf32, #tpu.memory_space<vmem>>) target(%dma_start3A_48 : memref<10240x64xf32, #tpu.memory_space<vmem_shared>>) offsets(%dma_start3A_45 : memref<128xi32, #tpu.memory_space<vmem>>) semaphore(%arg19 : memref<!tpu.dma_semaphore, #tpu.memory_space<semaphore_mem>>) {add = true}
    %dma_start3A_49 = arith.constant 3 : i32
    %dma_start3A_50 = arith.constant 0 : i32
    %dma_start3A_51 = tpu.memref_slice %arg6[%dma_start3A_49, %dma_start3A_50] : memref<160x128xi32, #tpu.memory_space<vmem>> -> memref<1x128xi32, #tpu.memory_space<vmem>>
    %dma_start3A_52 = tpu.memref_squeeze %dma_start3A_51 : memref<1x128xi32, #tpu.memory_space<vmem>> -> memref<128xi32, #tpu.memory_space<vmem>>
    %dma_start3A_53 = arith.constant 0 : i32
    %dma_start3A_54 = arith.constant 0 : i32
    %dma_start3A_55 = tpu.memref_slice %arg2[%dma_start3A_53, %dma_start3A_54] : memref<20480x64xf32, #tpu.memory_space<hbm>> -> memref<20480x64xf32, #tpu.memory_space<hbm>>
    tpu.enqueue_indirect_dma source(%dma_start3A_55 : memref<20480x64xf32, #tpu.memory_space<hbm>>) target(%arg11 : memref<128x64xf32, #tpu.memory_space<vmem>>) offsets(%dma_start3A_52 : memref<128xi32, #tpu.memory_space<vmem>>) semaphore(%arg17 : memref<!tpu.dma_semaphore, #tpu.memory_space<semaphore_mem>>)
    %dma_wait3A_56 = arith.constant 1 : i32
    %dma_wait3A_57 = arith.constant 0 : i32
    %dma_wait3A_58 = tpu.memref_slice %arg6[%dma_wait3A_56, %dma_wait3A_57] : memref<160x128xi32, #tpu.memory_space<vmem>> -> memref<1x128xi32, #tpu.memory_space<vmem>>
    %dma_wait3A_59 = tpu.memref_squeeze %dma_wait3A_58 : memref<1x128xi32, #tpu.memory_space<vmem>> -> memref<128xi32, #tpu.memory_space<vmem>>
    %dma_wait3A_60 = arith.constant 0 : i32
    %dma_wait3A_61 = arith.constant 0 : i32
    %dma_wait3A_62 = tpu.memref_slice %arg2[%dma_wait3A_60, %dma_wait3A_61] : memref<20480x64xf32, #tpu.memory_space<hbm>> -> memref<20480x64xf32, #tpu.memory_space<hbm>>
    tpu.wait_indirect_dma semaphore(%arg15 : memref<!tpu.dma_semaphore, #tpu.memory_space<semaphore_mem>>) src(%dma_wait3A_62 : memref<20480x64xf32, #tpu.memory_space<hbm>>) dst(%arg9 : memref<128x64xf32, #tpu.memory_space<vmem>>)
    %dma_start3A_63 = arith.constant 1 : i32
    %dma_start3A_64 = arith.constant 0 : i32
    %dma_start3A_65 = tpu.memref_slice %arg7[%dma_start3A_63, %dma_start3A_64] : memref<160x128xi32, #tpu.memory_space<vmem>> -> memref<1x128xi32, #tpu.memory_space<vmem>>
    %dma_start3A_66 = tpu.memref_squeeze %dma_start3A_65 : memref<1x128xi32, #tpu.memory_space<vmem>> -> memref<128xi32, #tpu.memory_space<vmem>>
    %dma_start3A_67 = arith.constant 0 : i32
    %dma_start3A_68 = arith.constant 0 : i32
    %dma_start3A_69 = tpu.memref_slice %arg13[%dma_start3A_67, %dma_start3A_68] : memref<10240x64xf32, #tpu.memory_space<vmem_shared>> -> memref<10240x64xf32, #tpu.memory_space<vmem_shared>>
    tpu.enqueue_indirect_dma source(%arg9 : memref<128x64xf32, #tpu.memory_space<vmem>>) target(%dma_start3A_69 : memref<10240x64xf32, #tpu.memory_space<vmem_shared>>) offsets(%dma_start3A_66 : memref<128xi32, #tpu.memory_space<vmem>>) semaphore(%arg20 : memref<!tpu.dma_semaphore, #tpu.memory_space<semaphore_mem>>) {add = true}
    %dma_start3A_70 = arith.constant 4 : i32
    %dma_start3A_71 = arith.constant 0 : i32
    %dma_start3A_72 = tpu.memref_slice %arg6[%dma_start3A_70, %dma_start3A_71] : memref<160x128xi32, #tpu.memory_space<vmem>> -> memref<1x128xi32, #tpu.memory_space<vmem>>
    %dma_start3A_73 = tpu.memref_squeeze %dma_start3A_72 : memref<1x128xi32, #tpu.memory_space<vmem>> -> memref<128xi32, #tpu.memory_space<vmem>>
    %dma_start3A_74 = arith.constant 0 : i32
    %dma_start3A_75 = arith.constant 0 : i32
    %dma_start3A_76 = tpu.memref_slice %arg2[%dma_start3A_74, %dma_start3A_75] : memref<20480x64xf32, #tpu.memory_space<hbm>> -> memref<20480x64xf32, #tpu.memory_space<hbm>>
    tpu.enqueue_indirect_dma source(%dma_start3A_76 : memref<20480x64xf32, #tpu.memory_space<hbm>>) target(%arg12 : memref<128x64xf32, #tpu.memory_space<vmem>>) offsets(%dma_start3A_73 : memref<128xi32, #tpu.memory_space<vmem>>) semaphore(%arg18 : memref<!tpu.dma_semaphore, #tpu.memory_space<semaphore_mem>>)
    %dma_wait3A_77 = arith.constant 2 : i32
    %dma_wait3A_78 = arith.constant 0 : i32
    %dma_wait3A_79 = tpu.memref_slice %arg6[%dma_wait3A_77, %dma_wait3A_78] : memref<160x128xi32, #tpu.memory_space<vmem>> -> memref<1x128xi32, #tpu.memory_space<vmem>>
    %dma_wait3A_80 = tpu.memref_squeeze %dma_wait3A_79 : memref<1x128xi32, #tpu.memory_space<vmem>> -> memref<128xi32, #tpu.memory_space<vmem>>
    %dma_wait3A_81 = arith.constant 0 : i32
    %dma_wait3A_82 = arith.constant 0 : i32
    %dma_wait3A_83 = tpu.memref_slice %arg2[%dma_wait3A_81, %dma_wait3A_82] : memref<20480x64xf32, #tpu.memory_space<hbm>> -> memref<20480x64xf32, #tpu.memory_space<hbm>>
    tpu.wait_indirect_dma semaphore(%arg16 : memref<!tpu.dma_semaphore, #tpu.memory_space<semaphore_mem>>) src(%dma_wait3A_83 : memref<20480x64xf32, #tpu.memory_space<hbm>>) dst(%arg10 : memref<128x64xf32, #tpu.memory_space<vmem>>)
    %dma_start3A_84 = arith.constant 2 : i32
    %dma_start3A_85 = arith.constant 0 : i32
    %dma_start3A_86 = tpu.memref_slice %arg7[%dma_start3A_84, %dma_start3A_85] : memref<160x128xi32, #tpu.memory_space<vmem>> -> memref<1x128xi32, #tpu.memory_space<vmem>>
    %dma_start3A_87 = tpu.memref_squeeze %dma_start3A_86 : memref<1x128xi32, #tpu.memory_space<vmem>> -> memref<128xi32, #tpu.memory_space<vmem>>
    %dma_start3A_88 = arith.constant 0 : i32
    %dma_start3A_89 = arith.constant 0 : i32
    %dma_start3A_90 = tpu.memref_slice %arg13[%dma_start3A_88, %dma_start3A_89] : memref<10240x64xf32, #tpu.memory_space<vmem_shared>> -> memref<10240x64xf32, #tpu.memory_space<vmem_shared>>
    tpu.enqueue_indirect_dma source(%arg10 : memref<128x64xf32, #tpu.memory_space<vmem>>) target(%dma_start3A_90 : memref<10240x64xf32, #tpu.memory_space<vmem_shared>>) offsets(%dma_start3A_87 : memref<128xi32, #tpu.memory_space<vmem>>) semaphore(%arg21 : memref<!tpu.dma_semaphore, #tpu.memory_space<semaphore_mem>>) {add = true}
    %scan3A_91 = arith.constant 0 : i32
    %scan3A_92 = arith.constant 1 : i32
    %scan3A_93 = arith.constant 31 : i32
    %scan3A_94 = arith.addi %scan3A_92, %scan3A_93 : i32
    %scan3A_95 = arith.constant 1 : i32
    %scan3A_96 = scf.for %scan3A_280 = %scan3A_92 to %scan3A_94 step %scan3A_95 iter_args(%scan3A_281 = %scan3A_91) -> (i32)  : i32 {
      %mul3A_282 = arith.constant 5 : i32
      %mul3A_283 = arith.muli %mul3A_282, %scan3A_280 : i32
      %add3A_284 = arith.constant 0 : i32
      %add3A_285 = arith.addi %mul3A_283, %add3A_284 : i32
      %sub3A = arith.constant 5 : i32
      %sub3A_286 = arith.subi %add3A_285, %sub3A : i32
      %dma_wait3A_287 = arith.constant 0 : i32
      %dma_wait3A_288 = tpu.memref_slice %arg7[%sub3A_286, %dma_wait3A_287] : memref<160x128xi32, #tpu.memory_space<vmem>> -> memref<1x128xi32, #tpu.memory_space<vmem>>
      %dma_wait3A_289 = tpu.memref_squeeze %dma_wait3A_288 : memref<1x128xi32, #tpu.memory_space<vmem>> -> memref<128xi32, #tpu.memory_space<vmem>>
      %dma_wait3A_290 = arith.constant 0 : i32
      %dma_wait3A_291 = arith.constant 0 : i32
      %dma_wait3A_292 = tpu.memref_slice %arg13[%dma_wait3A_290, %dma_wait3A_291] : memref<10240x64xf32, #tpu.memory_space<vmem_shared>> -> memref<10240x64xf32, #tpu.memory_space<vmem_shared>>
      tpu.wait_indirect_dma semaphore(%arg19 : memref<!tpu.dma_semaphore, #tpu.memory_space<semaphore_mem>>) src(%arg8 : memref<128x64xf32, #tpu.memory_space<vmem>>) dst(%dma_wait3A_292 : memref<10240x64xf32, #tpu.memory_space<vmem_shared>>)
      %dma_start3A_293 = arith.constant 0 : i32
      %dma_start3A_294 = tpu.memref_slice %arg6[%add3A_285, %dma_start3A_293] : memref<160x128xi32, #tpu.memory_space<vmem>> -> memref<1x128xi32, #tpu.memory_space<vmem>>
      %dma_start3A_295 = tpu.memref_squeeze %dma_start3A_294 : memref<1x128xi32, #tpu.memory_space<vmem>> -> memref<128xi32, #tpu.memory_space<vmem>>
      %dma_start3A_296 = arith.constant 0 : i32
      %dma_start3A_297 = arith.constant 0 : i32
      %dma_start3A_298 = tpu.memref_slice %arg2[%dma_start3A_296, %dma_start3A_297] : memref<20480x64xf32, #tpu.memory_space<hbm>> -> memref<20480x64xf32, #tpu.memory_space<hbm>>
      tpu.enqueue_indirect_dma source(%dma_start3A_298 : memref<20480x64xf32, #tpu.memory_space<hbm>>) target(%arg8 : memref<128x64xf32, #tpu.memory_space<vmem>>) offsets(%dma_start3A_295 : memref<128xi32, #tpu.memory_space<vmem>>) semaphore(%arg14 : memref<!tpu.dma_semaphore, #tpu.memory_space<semaphore_mem>>)
      %sub3A_299 = arith.constant 2 : i32
      %sub3A_300 = arith.subi %add3A_285, %sub3A_299 : i32
      %dma_wait3A_301 = arith.constant 0 : i32
      %dma_wait3A_302 = tpu.memref_slice %arg6[%sub3A_300, %dma_wait3A_301] : memref<160x128xi32, #tpu.memory_space<vmem>> -> memref<1x128xi32, #tpu.memory_space<vmem>>
      %dma_wait3A_303 = tpu.memref_squeeze %dma_wait3A_302 : memref<1x128xi32, #tpu.memory_space<vmem>> -> memref<128xi32, #tpu.memory_space<vmem>>
      %dma_wait3A_304 = arith.constant 0 : i32
      %dma_wait3A_305 = arith.constant 0 : i32
      %dma_wait3A_306 = tpu.memref_slice %arg2[%dma_wait3A_304, %dma_wait3A_305] : memref<20480x64xf32, #tpu.memory_space<hbm>> -> memref<20480x64xf32, #tpu.memory_space<hbm>>
      tpu.wait_indirect_dma semaphore(%arg17 : memref<!tpu.dma_semaphore, #tpu.memory_space<semaphore_mem>>) src(%dma_wait3A_306 : memref<20480x64xf32, #tpu.memory_space<hbm>>) dst(%arg11 : memref<128x64xf32, #tpu.memory_space<vmem>>)
      %sub3A_307 = arith.constant 2 : i32
      %sub3A_308 = arith.subi %add3A_285, %sub3A_307 : i32
      %dma_start3A_309 = arith.constant 0 : i32
      %dma_start3A_310 = tpu.memref_slice %arg7[%sub3A_308, %dma_start3A_309] : memref<160x128xi32, #tpu.memory_space<vmem>> -> memref<1x128xi32, #tpu.memory_space<vmem>>
      %dma_start3A_311 = tpu.memref_squeeze %dma_start3A_310 : memref<1x128xi32, #tpu.memory_space<vmem>> -> memref<128xi32, #tpu.memory_space<vmem>>
      %dma_start3A_312 = arith.constant 0 : i32
      %dma_start3A_313 = arith.constant 0 : i32
      %dma_start3A_314 = tpu.memref_slice %arg13[%dma_start3A_312, %dma_start3A_313] : memref<10240x64xf32, #tpu.memory_space<vmem_shared>> -> memref<10240x64xf32, #tpu.memory_space<vmem_shared>>
      tpu.enqueue_indirect_dma source(%arg11 : memref<128x64xf32, #tpu.memory_space<vmem>>) target(%dma_start3A_314 : memref<10240x64xf32, #tpu.memory_space<vmem_shared>>) offsets(%dma_start3A_311 : memref<128xi32, #tpu.memory_space<vmem>>) semaphore(%arg22 : memref<!tpu.dma_semaphore, #tpu.memory_space<semaphore_mem>>) {add = true}
      %add3A_315 = arith.constant 1 : i32
      %add3A_316 = arith.addi %mul3A_283, %add3A_315 : i32
      %sub3A_317 = arith.constant 5 : i32
      %sub3A_318 = arith.subi %add3A_316, %sub3A_317 : i32
      %dma_wait3A_319 = arith.constant 0 : i32
      %dma_wait3A_320 = tpu.memref_slice %arg7[%sub3A_318, %dma_wait3A_319] : memref<160x128xi32, #tpu.memory_space<vmem>> -> memref<1x128xi32, #tpu.memory_space<vmem>>
      %dma_wait3A_321 = tpu.memref_squeeze %dma_wait3A_320 : memref<1x128xi32, #tpu.memory_space<vmem>> -> memref<128xi32, #tpu.memory_space<vmem>>
      %dma_wait3A_322 = arith.constant 0 : i32
      %dma_wait3A_323 = arith.constant 0 : i32
      %dma_wait3A_324 = tpu.memref_slice %arg13[%dma_wait3A_322, %dma_wait3A_323] : memref<10240x64xf32, #tpu.memory_space<vmem_shared>> -> memref<10240x64xf32, #tpu.memory_space<vmem_shared>>
      tpu.wait_indirect_dma semaphore(%arg20 : memref<!tpu.dma_semaphore, #tpu.memory_space<semaphore_mem>>) src(%arg9 : memref<128x64xf32, #tpu.memory_space<vmem>>) dst(%dma_wait3A_324 : memref<10240x64xf32, #tpu.memory_space<vmem_shared>>)
      %dma_start3A_325 = arith.constant 0 : i32
      %dma_start3A_326 = tpu.memref_slice %arg6[%add3A_316, %dma_start3A_325] : memref<160x128xi32, #tpu.memory_space<vmem>> -> memref<1x128xi32, #tpu.memory_space<vmem>>
      %dma_start3A_327 = tpu.memref_squeeze %dma_start3A_326 : memref<1x128xi32, #tpu.memory_space<vmem>> -> memref<128xi32, #tpu.memory_space<vmem>>
      %dma_start3A_328 = arith.constant 0 : i32
      %dma_start3A_329 = arith.constant 0 : i32
      %dma_start3A_330 = tpu.memref_slice %arg2[%dma_start3A_328, %dma_start3A_329] : memref<20480x64xf32, #tpu.memory_space<hbm>> -> memref<20480x64xf32, #tpu.memory_space<hbm>>
      tpu.enqueue_indirect_dma source(%dma_start3A_330 : memref<20480x64xf32, #tpu.memory_space<hbm>>) target(%arg9 : memref<128x64xf32, #tpu.memory_space<vmem>>) offsets(%dma_start3A_327 : memref<128xi32, #tpu.memory_space<vmem>>) semaphore(%arg15 : memref<!tpu.dma_semaphore, #tpu.memory_space<semaphore_mem>>)
      %sub3A_331 = arith.constant 2 : i32
      %sub3A_332 = arith.subi %add3A_316, %sub3A_331 : i32
      %dma_wait3A_333 = arith.constant 0 : i32
      %dma_wait3A_334 = tpu.memref_slice %arg6[%sub3A_332, %dma_wait3A_333] : memref<160x128xi32, #tpu.memory_space<vmem>> -> memref<1x128xi32, #tpu.memory_space<vmem>>
      %dma_wait3A_335 = tpu.memref_squeeze %dma_wait3A_334 : memref<1x128xi32, #tpu.memory_space<vmem>> -> memref<128xi32, #tpu.memory_space<vmem>>
      %dma_wait3A_336 = arith.constant 0 : i32
      %dma_wait3A_337 = arith.constant 0 : i32
      %dma_wait3A_338 = tpu.memref_slice %arg2[%dma_wait3A_336, %dma_wait3A_337] : memref<20480x64xf32, #tpu.memory_space<hbm>> -> memref<20480x64xf32, #tpu.memory_space<hbm>>
      tpu.wait_indirect_dma semaphore(%arg18 : memref<!tpu.dma_semaphore, #tpu.memory_space<semaphore_mem>>) src(%dma_wait3A_338 : memref<20480x64xf32, #tpu.memory_space<hbm>>) dst(%arg12 : memref<128x64xf32, #tpu.memory_space<vmem>>)
      %sub3A_339 = arith.constant 2 : i32
      %sub3A_340 = arith.subi %add3A_316, %sub3A_339 : i32
      %dma_start3A_341 = arith.constant 0 : i32
      %dma_start3A_342 = tpu.memref_slice %arg7[%sub3A_340, %dma_start3A_341] : memref<160x128xi32, #tpu.memory_space<vmem>> -> memref<1x128xi32, #tpu.memory_space<vmem>>
      %dma_start3A_343 = tpu.memref_squeeze %dma_start3A_342 : memref<1x128xi32, #tpu.memory_space<vmem>> -> memref<128xi32, #tpu.memory_space<vmem>>
      %dma_start3A_344 = arith.constant 0 : i32
      %dma_start3A_345 = arith.constant 0 : i32
      %dma_start3A_346 = tpu.memref_slice %arg13[%dma_start3A_344, %dma_start3A_345] : memref<10240x64xf32, #tpu.memory_space<vmem_shared>> -> memref<10240x64xf32, #tpu.memory_space<vmem_shared>>
      tpu.enqueue_indirect_dma source(%arg12 : memref<128x64xf32, #tpu.memory_space<vmem>>) target(%dma_start3A_346 : memref<10240x64xf32, #tpu.memory_space<vmem_shared>>) offsets(%dma_start3A_343 : memref<128xi32, #tpu.memory_space<vmem>>) semaphore(%arg23 : memref<!tpu.dma_semaphore, #tpu.memory_space<semaphore_mem>>) {add = true}
      %add3A_347 = arith.constant 2 : i32
      %add3A_348 = arith.addi %mul3A_283, %add3A_347 : i32
      %sub3A_349 = arith.constant 5 : i32
      %sub3A_350 = arith.subi %add3A_348, %sub3A_349 : i32
      %dma_wait3A_351 = arith.constant 0 : i32
      %dma_wait3A_352 = tpu.memref_slice %arg7[%sub3A_350, %dma_wait3A_351] : memref<160x128xi32, #tpu.memory_space<vmem>> -> memref<1x128xi32, #tpu.memory_space<vmem>>
      %dma_wait3A_353 = tpu.memref_squeeze %dma_wait3A_352 : memref<1x128xi32, #tpu.memory_space<vmem>> -> memref<128xi32, #tpu.memory_space<vmem>>
      %dma_wait3A_354 = arith.constant 0 : i32
      %dma_wait3A_355 = arith.constant 0 : i32
      %dma_wait3A_356 = tpu.memref_slice %arg13[%dma_wait3A_354, %dma_wait3A_355] : memref<10240x64xf32, #tpu.memory_space<vmem_shared>> -> memref<10240x64xf32, #tpu.memory_space<vmem_shared>>
      tpu.wait_indirect_dma semaphore(%arg21 : memref<!tpu.dma_semaphore, #tpu.memory_space<semaphore_mem>>) src(%arg10 : memref<128x64xf32, #tpu.memory_space<vmem>>) dst(%dma_wait3A_356 : memref<10240x64xf32, #tpu.memory_space<vmem_shared>>)
      %dma_start3A_357 = arith.constant 0 : i32
      %dma_start3A_358 = tpu.memref_slice %arg6[%add3A_348, %dma_start3A_357] : memref<160x128xi32, #tpu.memory_space<vmem>> -> memref<1x128xi32, #tpu.memory_space<vmem>>
      %dma_start3A_359 = tpu.memref_squeeze %dma_start3A_358 : memref<1x128xi32, #tpu.memory_space<vmem>> -> memref<128xi32, #tpu.memory_space<vmem>>
      %dma_start3A_360 = arith.constant 0 : i32
      %dma_start3A_361 = arith.constant 0 : i32
      %dma_start3A_362 = tpu.memref_slice %arg2[%dma_start3A_360, %dma_start3A_361] : memref<20480x64xf32, #tpu.memory_space<hbm>> -> memref<20480x64xf32, #tpu.memory_space<hbm>>
      tpu.enqueue_indirect_dma source(%dma_start3A_362 : memref<20480x64xf32, #tpu.memory_space<hbm>>) target(%arg10 : memref<128x64xf32, #tpu.memory_space<vmem>>) offsets(%dma_start3A_359 : memref<128xi32, #tpu.memory_space<vmem>>) semaphore(%arg16 : memref<!tpu.dma_semaphore, #tpu.memory_space<semaphore_mem>>)
      %sub3A_363 = arith.constant 2 : i32
      %sub3A_364 = arith.subi %add3A_348, %sub3A_363 : i32
      %dma_wait3A_365 = arith.constant 0 : i32
      %dma_wait3A_366 = tpu.memref_slice %arg6[%sub3A_364, %dma_wait3A_365] : memref<160x128xi32, #tpu.memory_space<vmem>> -> memref<1x128xi32, #tpu.memory_space<vmem>>
      %dma_wait3A_367 = tpu.memref_squeeze %dma_wait3A_366 : memref<1x128xi32, #tpu.memory_space<vmem>> -> memref<128xi32, #tpu.memory_space<vmem>>
      %dma_wait3A_368 = arith.constant 0 : i32
      %dma_wait3A_369 = arith.constant 0 : i32
      %dma_wait3A_370 = tpu.memref_slice %arg2[%dma_wait3A_368, %dma_wait3A_369] : memref<20480x64xf32, #tpu.memory_space<hbm>> -> memref<20480x64xf32, #tpu.memory_space<hbm>>
      tpu.wait_indirect_dma semaphore(%arg14 : memref<!tpu.dma_semaphore, #tpu.memory_space<semaphore_mem>>) src(%dma_wait3A_370 : memref<20480x64xf32, #tpu.memory_space<hbm>>) dst(%arg8 : memref<128x64xf32, #tpu.memory_space<vmem>>)
      %sub3A_371 = arith.constant 2 : i32
      %sub3A_372 = arith.subi %add3A_348, %sub3A_371 : i32
      %dma_start3A_373 = arith.constant 0 : i32
      %dma_start3A_374 = tpu.memref_slice %arg7[%sub3A_372, %dma_start3A_373] : memref<160x128xi32, #tpu.memory_space<vmem>> -> memref<1x128xi32, #tpu.memory_space<vmem>>
      %dma_start3A_375 = tpu.memref_squeeze %dma_start3A_374 : memref<1x128xi32, #tpu.memory_space<vmem>> -> memref<128xi32, #tpu.memory_space<vmem>>
      %dma_start3A_376 = arith.constant 0 : i32
      %dma_start3A_377 = arith.constant 0 : i32
      %dma_start3A_378 = tpu.memref_slice %arg13[%dma_start3A_376, %dma_start3A_377] : memref<10240x64xf32, #tpu.memory_space<vmem_shared>> -> memref<10240x64xf32, #tpu.memory_space<vmem_shared>>
      tpu.enqueue_indirect_dma source(%arg8 : memref<128x64xf32, #tpu.memory_space<vmem>>) target(%dma_start3A_378 : memref<10240x64xf32, #tpu.memory_space<vmem_shared>>) offsets(%dma_start3A_375 : memref<128xi32, #tpu.memory_space<vmem>>) semaphore(%arg19 : memref<!tpu.dma_semaphore, #tpu.memory_space<semaphore_mem>>) {add = true}
      %add3A_379 = arith.constant 3 : i32
      %add3A_380 = arith.addi %mul3A_283, %add3A_379 : i32
      %sub3A_381 = arith.constant 5 : i32
      %sub3A_382 = arith.subi %add3A_380, %sub3A_381 : i32
      %dma_wait3A_383 = arith.constant 0 : i32
      %dma_wait3A_384 = tpu.memref_slice %arg7[%sub3A_382, %dma_wait3A_383] : memref<160x128xi32, #tpu.memory_space<vmem>> -> memref<1x128xi32, #tpu.memory_space<vmem>>
      %dma_wait3A_385 = tpu.memref_squeeze %dma_wait3A_384 : memref<1x128xi32, #tpu.memory_space<vmem>> -> memref<128xi32, #tpu.memory_space<vmem>>
      %dma_wait3A_386 = arith.constant 0 : i32
      %dma_wait3A_387 = arith.constant 0 : i32
      %dma_wait3A_388 = tpu.memref_slice %arg13[%dma_wait3A_386, %dma_wait3A_387] : memref<10240x64xf32, #tpu.memory_space<vmem_shared>> -> memref<10240x64xf32, #tpu.memory_space<vmem_shared>>
      tpu.wait_indirect_dma semaphore(%arg22 : memref<!tpu.dma_semaphore, #tpu.memory_space<semaphore_mem>>) src(%arg11 : memref<128x64xf32, #tpu.memory_space<vmem>>) dst(%dma_wait3A_388 : memref<10240x64xf32, #tpu.memory_space<vmem_shared>>)
      %dma_start3A_389 = arith.constant 0 : i32
      %dma_start3A_390 = tpu.memref_slice %arg6[%add3A_380, %dma_start3A_389] : memref<160x128xi32, #tpu.memory_space<vmem>> -> memref<1x128xi32, #tpu.memory_space<vmem>>
      %dma_start3A_391 = tpu.memref_squeeze %dma_start3A_390 : memref<1x128xi32, #tpu.memory_space<vmem>> -> memref<128xi32, #tpu.memory_space<vmem>>
      %dma_start3A_392 = arith.constant 0 : i32
      %dma_start3A_393 = arith.constant 0 : i32
      %dma_start3A_394 = tpu.memref_slice %arg2[%dma_start3A_392, %dma_start3A_393] : memref<20480x64xf32, #tpu.memory_space<hbm>> -> memref<20480x64xf32, #tpu.memory_space<hbm>>
      tpu.enqueue_indirect_dma source(%dma_start3A_394 : memref<20480x64xf32, #tpu.memory_space<hbm>>) target(%arg11 : memref<128x64xf32, #tpu.memory_space<vmem>>) offsets(%dma_start3A_391 : memref<128xi32, #tpu.memory_space<vmem>>) semaphore(%arg17 : memref<!tpu.dma_semaphore, #tpu.memory_space<semaphore_mem>>)
      %sub3A_395 = arith.constant 2 : i32
      %sub3A_396 = arith.subi %add3A_380, %sub3A_395 : i32
      %dma_wait3A_397 = arith.constant 0 : i32
      %dma_wait3A_398 = tpu.memref_slice %arg6[%sub3A_396, %dma_wait3A_397] : memref<160x128xi32, #tpu.memory_space<vmem>> -> memref<1x128xi32, #tpu.memory_space<vmem>>
      %dma_wait3A_399 = tpu.memref_squeeze %dma_wait3A_398 : memref<1x128xi32, #tpu.memory_space<vmem>> -> memref<128xi32, #tpu.memory_space<vmem>>
      %dma_wait3A_400 = arith.constant 0 : i32
      %dma_wait3A_401 = arith.constant 0 : i32
      %dma_wait3A_402 = tpu.memref_slice %arg2[%dma_wait3A_400, %dma_wait3A_401] : memref<20480x64xf32, #tpu.memory_space<hbm>> -> memref<20480x64xf32, #tpu.memory_space<hbm>>
      tpu.wait_indirect_dma semaphore(%arg15 : memref<!tpu.dma_semaphore, #tpu.memory_space<semaphore_mem>>) src(%dma_wait3A_402 : memref<20480x64xf32, #tpu.memory_space<hbm>>) dst(%arg9 : memref<128x64xf32, #tpu.memory_space<vmem>>)
      %sub3A_403 = arith.constant 2 : i32
      %sub3A_404 = arith.subi %add3A_380, %sub3A_403 : i32
      %dma_start3A_405 = arith.constant 0 : i32
      %dma_start3A_406 = tpu.memref_slice %arg7[%sub3A_404, %dma_start3A_405] : memref<160x128xi32, #tpu.memory_space<vmem>> -> memref<1x128xi32, #tpu.memory_space<vmem>>
      %dma_start3A_407 = tpu.memref_squeeze %dma_start3A_406 : memref<1x128xi32, #tpu.memory_space<vmem>> -> memref<128xi32, #tpu.memory_space<vmem>>
      %dma_start3A_408 = arith.constant 0 : i32
      %dma_start3A_409 = arith.constant 0 : i32
      %dma_start3A_410 = tpu.memref_slice %arg13[%dma_start3A_408, %dma_start3A_409] : memref<10240x64xf32, #tpu.memory_space<vmem_shared>> -> memref<10240x64xf32, #tpu.memory_space<vmem_shared>>
      tpu.enqueue_indirect_dma source(%arg9 : memref<128x64xf32, #tpu.memory_space<vmem>>) target(%dma_start3A_410 : memref<10240x64xf32, #tpu.memory_space<vmem_shared>>) offsets(%dma_start3A_407 : memref<128xi32, #tpu.memory_space<vmem>>) semaphore(%arg20 : memref<!tpu.dma_semaphore, #tpu.memory_space<semaphore_mem>>) {add = true}
      %add3A_411 = arith.constant 4 : i32
      %add3A_412 = arith.addi %mul3A_283, %add3A_411 : i32
      %sub3A_413 = arith.constant 5 : i32
      %sub3A_414 = arith.subi %add3A_412, %sub3A_413 : i32
      %dma_wait3A_415 = arith.constant 0 : i32
      %dma_wait3A_416 = tpu.memref_slice %arg7[%sub3A_414, %dma_wait3A_415] : memref<160x128xi32, #tpu.memory_space<vmem>> -> memref<1x128xi32, #tpu.memory_space<vmem>>
      %dma_wait3A_417 = tpu.memref_squeeze %dma_wait3A_416 : memref<1x128xi32, #tpu.memory_space<vmem>> -> memref<128xi32, #tpu.memory_space<vmem>>
      %dma_wait3A_418 = arith.constant 0 : i32
      %dma_wait3A_419 = arith.constant 0 : i32
      %dma_wait3A_420 = tpu.memref_slice %arg13[%dma_wait3A_418, %dma_wait3A_419] : memref<10240x64xf32, #tpu.memory_space<vmem_shared>> -> memref<10240x64xf32, #tpu.memory_space<vmem_shared>>
      tpu.wait_indirect_dma semaphore(%arg23 : memref<!tpu.dma_semaphore, #tpu.memory_space<semaphore_mem>>) src(%arg12 : memref<128x64xf32, #tpu.memory_space<vmem>>) dst(%dma_wait3A_420 : memref<10240x64xf32, #tpu.memory_space<vmem_shared>>)
      %dma_start3A_421 = arith.constant 0 : i32
      %dma_start3A_422 = tpu.memref_slice %arg6[%add3A_412, %dma_start3A_421] : memref<160x128xi32, #tpu.memory_space<vmem>> -> memref<1x128xi32, #tpu.memory_space<vmem>>
      %dma_start3A_423 = tpu.memref_squeeze %dma_start3A_422 : memref<1x128xi32, #tpu.memory_space<vmem>> -> memref<128xi32, #tpu.memory_space<vmem>>
      %dma_start3A_424 = arith.constant 0 : i32
      %dma_start3A_425 = arith.constant 0 : i32
      %dma_start3A_426 = tpu.memref_slice %arg2[%dma_start3A_424, %dma_start3A_425] : memref<20480x64xf32, #tpu.memory_space<hbm>> -> memref<20480x64xf32, #tpu.memory_space<hbm>>
      tpu.enqueue_indirect_dma source(%dma_start3A_426 : memref<20480x64xf32, #tpu.memory_space<hbm>>) target(%arg12 : memref<128x64xf32, #tpu.memory_space<vmem>>) offsets(%dma_start3A_423 : memref<128xi32, #tpu.memory_space<vmem>>) semaphore(%arg18 : memref<!tpu.dma_semaphore, #tpu.memory_space<semaphore_mem>>)
      %sub3A_427 = arith.constant 2 : i32
      %sub3A_428 = arith.subi %add3A_412, %sub3A_427 : i32
      %dma_wait3A_429 = arith.constant 0 : i32
      %dma_wait3A_430 = tpu.memref_slice %arg6[%sub3A_428, %dma_wait3A_429] : memref<160x128xi32, #tpu.memory_space<vmem>> -> memref<1x128xi32, #tpu.memory_space<vmem>>
      %dma_wait3A_431 = tpu.memref_squeeze %dma_wait3A_430 : memref<1x128xi32, #tpu.memory_space<vmem>> -> memref<128xi32, #tpu.memory_space<vmem>>
      %dma_wait3A_432 = arith.constant 0 : i32
      %dma_wait3A_433 = arith.constant 0 : i32
      %dma_wait3A_434 = tpu.memref_slice %arg2[%dma_wait3A_432, %dma_wait3A_433] : memref<20480x64xf32, #tpu.memory_space<hbm>> -> memref<20480x64xf32, #tpu.memory_space<hbm>>
      tpu.wait_indirect_dma semaphore(%arg16 : memref<!tpu.dma_semaphore, #tpu.memory_space<semaphore_mem>>) src(%dma_wait3A_434 : memref<20480x64xf32, #tpu.memory_space<hbm>>) dst(%arg10 : memref<128x64xf32, #tpu.memory_space<vmem>>)
      %sub3A_435 = arith.constant 2 : i32
      %sub3A_436 = arith.subi %add3A_412, %sub3A_435 : i32
      %dma_start3A_437 = arith.constant 0 : i32
      %dma_start3A_438 = tpu.memref_slice %arg7[%sub3A_436, %dma_start3A_437] : memref<160x128xi32, #tpu.memory_space<vmem>> -> memref<1x128xi32, #tpu.memory_space<vmem>>
      %dma_start3A_439 = tpu.memref_squeeze %dma_start3A_438 : memref<1x128xi32, #tpu.memory_space<vmem>> -> memref<128xi32, #tpu.memory_space<vmem>>
      %dma_start3A_440 = arith.constant 0 : i32
      %dma_start3A_441 = arith.constant 0 : i32
      %dma_start3A_442 = tpu.memref_slice %arg13[%dma_start3A_440, %dma_start3A_441] : memref<10240x64xf32, #tpu.memory_space<vmem_shared>> -> memref<10240x64xf32, #tpu.memory_space<vmem_shared>>
      tpu.enqueue_indirect_dma source(%arg10 : memref<128x64xf32, #tpu.memory_space<vmem>>) target(%dma_start3A_442 : memref<10240x64xf32, #tpu.memory_space<vmem_shared>>) offsets(%dma_start3A_439 : memref<128xi32, #tpu.memory_space<vmem>>) semaphore(%arg21 : memref<!tpu.dma_semaphore, #tpu.memory_space<semaphore_mem>>) {add = true}
      %scan3A_443 = arith.constant 0 : i32
      scf.yield %scan3A_443 : i32
    }
    %scan3A_97 = arith.constant 31 : i32
    %dma_wait3A_98 = arith.constant 158 : i32
    %dma_wait3A_99 = arith.constant 0 : i32
    %dma_wait3A_100 = tpu.memref_slice %arg6[%dma_wait3A_98, %dma_wait3A_99] : memref<160x128xi32, #tpu.memory_space<vmem>> -> memref<1x128xi32, #tpu.memory_space<vmem>>
    %dma_wait3A_101 = tpu.memref_squeeze %dma_wait3A_100 : memref<1x128xi32, #tpu.memory_space<vmem>> -> memref<128xi32, #tpu.memory_space<vmem>>
    %dma_wait3A_102 = arith.constant 0 : i32
    %dma_wait3A_103 = arith.constant 0 : i32
    %dma_wait3A_104 = tpu.memref_slice %arg2[%dma_wait3A_102, %dma_wait3A_103] : memref<20480x64xf32, #tpu.memory_space<hbm>> -> memref<20480x64xf32, #tpu.memory_space<hbm>>
    tpu.wait_indirect_dma semaphore(%arg17 : memref<!tpu.dma_semaphore, #tpu.memory_space<semaphore_mem>>) src(%dma_wait3A_104 : memref<20480x64xf32, #tpu.memory_space<hbm>>) dst(%arg11 : memref<128x64xf32, #tpu.memory_space<vmem>>)
    %dma_start3A_105 = arith.constant 158 : i32
    %dma_start3A_106 = arith.constant 0 : i32
    %dma_start3A_107 = tpu.memref_slice %arg7[%dma_start3A_105, %dma_start3A_106] : memref<160x128xi32, #tpu.memory_space<vmem>> -> memref<1x128xi32, #tpu.memory_space<vmem>>
    %dma_start3A_108 = tpu.memref_squeeze %dma_start3A_107 : memref<1x128xi32, #tpu.memory_space<vmem>> -> memref<128xi32, #tpu.memory_space<vmem>>
    %dma_start3A_109 = arith.constant 0 : i32
    %dma_start3A_110 = arith.constant 0 : i32
    %dma_start3A_111 = tpu.memref_slice %arg13[%dma_start3A_109, %dma_start3A_110] : memref<10240x64xf32, #tpu.memory_space<vmem_shared>> -> memref<10240x64xf32, #tpu.memory_space<vmem_shared>>
    tpu.enqueue_indirect_dma source(%arg11 : memref<128x64xf32, #tpu.memory_space<vmem>>) target(%dma_start3A_111 : memref<10240x64xf32, #tpu.memory_space<vmem_shared>>) offsets(%dma_start3A_108 : memref<128xi32, #tpu.memory_space<vmem>>) semaphore(%arg22 : memref<!tpu.dma_semaphore, #tpu.memory_space<semaphore_mem>>) {add = true}
    %dma_wait3A_112 = arith.constant 159 : i32
    %dma_wait3A_113 = arith.constant 0 : i32
    %dma_wait3A_114 = tpu.memref_slice %arg6[%dma_wait3A_112, %dma_wait3A_113] : memref<160x128xi32, #tpu.memory_space<vmem>> -> memref<1x128xi32, #tpu.memory_space<vmem>>
    %dma_wait3A_115 = tpu.memref_squeeze %dma_wait3A_114 : memref<1x128xi32, #tpu.memory_space<vmem>> -> memref<128xi32, #tpu.memory_space<vmem>>
    %dma_wait3A_116 = arith.constant 0 : i32
    %dma_wait3A_117 = arith.constant 0 : i32
    %dma_wait3A_118 = tpu.memref_slice %arg2[%dma_wait3A_116, %dma_wait3A_117] : memref<20480x64xf32, #tpu.memory_space<hbm>> -> memref<20480x64xf32, #tpu.memory_space<hbm>>
    tpu.wait_indirect_dma semaphore(%arg18 : memref<!tpu.dma_semaphore, #tpu.memory_space<semaphore_mem>>) src(%dma_wait3A_118 : memref<20480x64xf32, #tpu.memory_space<hbm>>) dst(%arg12 : memref<128x64xf32, #tpu.memory_space<vmem>>)
    %dma_start3A_119 = arith.constant 159 : i32
    %dma_start3A_120 = arith.constant 0 : i32
    %dma_start3A_121 = tpu.memref_slice %arg7[%dma_start3A_119, %dma_start3A_120] : memref<160x128xi32, #tpu.memory_space<vmem>> -> memref<1x128xi32, #tpu.memory_space<vmem>>
    %dma_start3A_122 = tpu.memref_squeeze %dma_start3A_121 : memref<1x128xi32, #tpu.memory_space<vmem>> -> memref<128xi32, #tpu.memory_space<vmem>>
    %dma_start3A_123 = arith.constant 0 : i32
    %dma_start3A_124 = arith.constant 0 : i32
    %dma_start3A_125 = tpu.memref_slice %arg13[%dma_start3A_123, %dma_start3A_124] : memref<10240x64xf32, #tpu.memory_space<vmem_shared>> -> memref<10240x64xf32, #tpu.memory_space<vmem_shared>>
    tpu.enqueue_indirect_dma source(%arg12 : memref<128x64xf32, #tpu.memory_space<vmem>>) target(%dma_start3A_125 : memref<10240x64xf32, #tpu.memory_space<vmem_shared>>) offsets(%dma_start3A_122 : memref<128xi32, #tpu.memory_space<vmem>>) semaphore(%arg23 : memref<!tpu.dma_semaphore, #tpu.memory_space<semaphore_mem>>) {add = true}
    %dma_wait3A_126 = arith.constant 155 : i32
    %dma_wait3A_127 = arith.constant 0 : i32
    %dma_wait3A_128 = tpu.memref_slice %arg7[%dma_wait3A_126, %dma_wait3A_127] : memref<160x128xi32, #tpu.memory_space<vmem>> -> memref<1x128xi32, #tpu.memory_space<vmem>>
    %dma_wait3A_129 = tpu.memref_squeeze %dma_wait3A_128 : memref<1x128xi32, #tpu.memory_space<vmem>> -> memref<128xi32, #tpu.memory_space<vmem>>
    %dma_wait3A_130 = arith.constant 0 : i32
    %dma_wait3A_131 = arith.constant 0 : i32
    %dma_wait3A_132 = tpu.memref_slice %arg13[%dma_wait3A_130, %dma_wait3A_131] : memref<10240x64xf32, #tpu.memory_space<vmem_shared>> -> memref<10240x64xf32, #tpu.memory_space<vmem_shared>>
    tpu.wait_indirect_dma semaphore(%arg19 : memref<!tpu.dma_semaphore, #tpu.memory_space<semaphore_mem>>) src(%arg8 : memref<128x64xf32, #tpu.memory_space<vmem>>) dst(%dma_wait3A_132 : memref<10240x64xf32, #tpu.memory_space<vmem_shared>>)
    %dma_wait3A_133 = arith.constant 156 : i32
    %dma_wait3A_134 = arith.constant 0 : i32
    %dma_wait3A_135 = tpu.memref_slice %arg7[%dma_wait3A_133, %dma_wait3A_134] : memref<160x128xi32, #tpu.memory_space<vmem>> -> memref<1x128xi32, #tpu.memory_space<vmem>>
    %dma_wait3A_136 = tpu.memref_squeeze %dma_wait3A_135 : memref<1x128xi32, #tpu.memory_space<vmem>> -> memref<128xi32, #tpu.memory_space<vmem>>
    %dma_wait3A_137 = arith.constant 0 : i32
    %dma_wait3A_138 = arith.constant 0 : i32
    %dma_wait3A_139 = tpu.memref_slice %arg13[%dma_wait3A_137, %dma_wait3A_138] : memref<10240x64xf32, #tpu.memory_space<vmem_shared>> -> memref<10240x64xf32, #tpu.memory_space<vmem_shared>>
    tpu.wait_indirect_dma semaphore(%arg20 : memref<!tpu.dma_semaphore, #tpu.memory_space<semaphore_mem>>) src(%arg9 : memref<128x64xf32, #tpu.memory_space<vmem>>) dst(%dma_wait3A_139 : memref<10240x64xf32, #tpu.memory_space<vmem_shared>>)
    %dma_wait3A_140 = arith.constant 157 : i32
    %dma_wait3A_141 = arith.constant 0 : i32
    %dma_wait3A_142 = tpu.memref_slice %arg7[%dma_wait3A_140, %dma_wait3A_141] : memref<160x128xi32, #tpu.memory_space<vmem>> -> memref<1x128xi32, #tpu.memory_space<vmem>>
    %dma_wait3A_143 = tpu.memref_squeeze %dma_wait3A_142 : memref<1x128xi32, #tpu.memory_space<vmem>> -> memref<128xi32, #tpu.memory_space<vmem>>
    %dma_wait3A_144 = arith.constant 0 : i32
    %dma_wait3A_145 = arith.constant 0 : i32
    %dma_wait3A_146 = tpu.memref_slice %arg13[%dma_wait3A_144, %dma_wait3A_145] : memref<10240x64xf32, #tpu.memory_space<vmem_shared>> -> memref<10240x64xf32, #tpu.memory_space<vmem_shared>>
    tpu.wait_indirect_dma semaphore(%arg21 : memref<!tpu.dma_semaphore, #tpu.memory_space<semaphore_mem>>) src(%arg10 : memref<128x64xf32, #tpu.memory_space<vmem>>) dst(%dma_wait3A_146 : memref<10240x64xf32, #tpu.memory_space<vmem_shared>>)
    %dma_wait3A_147 = arith.constant 158 : i32
    %dma_wait3A_148 = arith.constant 0 : i32
    %dma_wait3A_149 = tpu.memref_slice %arg7[%dma_wait3A_147, %dma_wait3A_148] : memref<160x128xi32, #tpu.memory_space<vmem>> -> memref<1x128xi32, #tpu.memory_space<vmem>>
    %dma_wait3A_150 = tpu.memref_squeeze %dma_wait3A_149 : memref<1x128xi32, #tpu.memory_space<vmem>> -> memref<128xi32, #tpu.memory_space<vmem>>
    %dma_wait3A_151 = arith.constant 0 : i32
    %dma_wait3A_152 = arith.constant 0 : i32
    %dma_wait3A_153 = tpu.memref_slice %arg13[%dma_wait3A_151, %dma_wait3A_152] : memref<10240x64xf32, #tpu.memory_space<vmem_shared>> -> memref<10240x64xf32, #tpu.memory_space<vmem_shared>>
    tpu.wait_indirect_dma semaphore(%arg22 : memref<!tpu.dma_semaphore, #tpu.memory_space<semaphore_mem>>) src(%arg11 : memref<128x64xf32, #tpu.memory_space<vmem>>) dst(%dma_wait3A_153 : memref<10240x64xf32, #tpu.memory_space<vmem_shared>>)
    %dma_wait3A_154 = arith.constant 159 : i32
    %dma_wait3A_155 = arith.constant 0 : i32
    %dma_wait3A_156 = tpu.memref_slice %arg7[%dma_wait3A_154, %dma_wait3A_155] : memref<160x128xi32, #tpu.memory_space<vmem>> -> memref<1x128xi32, #tpu.memory_space<vmem>>
    %dma_wait3A_157 = tpu.memref_squeeze %dma_wait3A_156 : memref<1x128xi32, #tpu.memory_space<vmem>> -> memref<128xi32, #tpu.memory_space<vmem>>
    %dma_wait3A_158 = arith.constant 0 : i32
    %dma_wait3A_159 = arith.constant 0 : i32
    %dma_wait3A_160 = tpu.memref_slice %arg13[%dma_wait3A_158, %dma_wait3A_159] : memref<10240x64xf32, #tpu.memory_space<vmem_shared>> -> memref<10240x64xf32, #tpu.memory_space<vmem_shared>>
    tpu.wait_indirect_dma semaphore(%arg23 : memref<!tpu.dma_semaphore, #tpu.memory_space<semaphore_mem>>) src(%arg12 : memref<128x64xf32, #tpu.memory_space<vmem>>) dst(%dma_wait3A_160 : memref<10240x64xf32, #tpu.memory_space<vmem_shared>>)
    %barrier3A_161 = arith.constant 0 : index
    tpu.barrier barrier_id(%barrier3A_161)
    %dma_start3A_162 = arith.constant 0 : i32
    %dma_start3A_163 = tpu.memref_slice %arg13[%mul3A_6, %dma_start3A_162] : memref<10240x64xf32, #tpu.memory_space<vmem_shared>> -> memref<128x64xf32, #tpu.memory_space<vmem_shared>>
    %dma_start3A_164 = arith.constant 0 : i32
    %dma_start3A_165 = tpu.memref_slice %arg13[%mul3A_6, %dma_start3A_164] : memref<10240x64xf32, #tpu.memory_space<vmem_shared>> -> memref<128x64xf32, #tpu.memory_space<vmem_shared>>
    tpu.enqueue_dma source(%dma_start3A_165 : memref<128x64xf32, #tpu.memory_space<vmem_shared>>) target(%arg8 : memref<128x64xf32, #tpu.memory_space<vmem>>) target_semaphore(%arg24 : memref<!tpu.dma_semaphore, #tpu.memory_space<semaphore_mem>>)
    %add3A_166 = arith.constant 128 : i32
    %add3A_167 = arith.addi %mul3A_6, %add3A_166 : i32
    %dma_start3A_168 = arith.constant 0 : i32
    %dma_start3A_169 = tpu.memref_slice %arg13[%add3A_167, %dma_start3A_168] : memref<10240x64xf32, #tpu.memory_space<vmem_shared>> -> memref<128x64xf32, #tpu.memory_space<vmem_shared>>
    %dma_start3A_170 = arith.constant 0 : i32
    %dma_start3A_171 = tpu.memref_slice %arg13[%add3A_167, %dma_start3A_170] : memref<10240x64xf32, #tpu.memory_space<vmem_shared>> -> memref<128x64xf32, #tpu.memory_space<vmem_shared>>
    tpu.enqueue_dma source(%dma_start3A_171 : memref<128x64xf32, #tpu.memory_space<vmem_shared>>) target(%arg9 : memref<128x64xf32, #tpu.memory_space<vmem>>) target_semaphore(%arg25 : memref<!tpu.dma_semaphore, #tpu.memory_space<semaphore_mem>>)
    %dma_wait3A_172 = arith.constant 0 : i32
    %dma_wait3A_173 = tpu.memref_slice %arg13[%mul3A_6, %dma_wait3A_172] : memref<10240x64xf32, #tpu.memory_space<vmem_shared>> -> memref<128x64xf32, #tpu.memory_space<vmem_shared>>
    %dma_wait3A_174 = arith.constant 0 : i32
    %dma_wait3A_175 = tpu.memref_slice %arg13[%mul3A_6, %dma_wait3A_174] : memref<10240x64xf32, #tpu.memory_space<vmem_shared>> -> memref<128x64xf32, #tpu.memory_space<vmem_shared>>
    tpu.wait_dma2 semaphore(%arg24 : memref<!tpu.dma_semaphore, #tpu.memory_space<semaphore_mem>>) src(%dma_wait3A_175 : memref<128x64xf32, #tpu.memory_space<vmem_shared>>) dst(%arg8 : memref<128x64xf32, #tpu.memory_space<vmem>>)
    %add3A_176 = arith.constant 0 : i32
    %add3A_177 = arith.addi %mul3A_6, %add3A_176 : i32
    %dma_start3A_178 = arith.constant 0 : i32
    %dma_start3A_179 = tpu.memref_slice %arg5[%arg0, %add3A_177, %dma_start3A_178] : memref<2x10240x64xf32, #tpu.memory_space<hbm>> -> memref<1x128x64xf32, #tpu.memory_space<hbm>>
    %dma_start3A_180 = tpu.memref_squeeze %dma_start3A_179 : memref<1x128x64xf32, #tpu.memory_space<hbm>> -> memref<128x64xf32, #tpu.memory_space<hbm>>
    %dma_start3A_181 = arith.constant 0 : i32
    %dma_start3A_182 = tpu.memref_slice %arg5[%arg0, %add3A_177, %dma_start3A_181] : memref<2x10240x64xf32, #tpu.memory_space<hbm>> -> memref<1x128x64xf32, #tpu.memory_space<hbm>>
    %dma_start3A_183 = tpu.memref_squeeze %dma_start3A_182 : memref<1x128x64xf32, #tpu.memory_space<hbm>> -> memref<128x64xf32, #tpu.memory_space<hbm>>
    tpu.enqueue_dma source(%arg8 : memref<128x64xf32, #tpu.memory_space<vmem>>) target(%dma_start3A_183 : memref<128x64xf32, #tpu.memory_space<hbm>>) target_semaphore(%arg26 : memref<!tpu.dma_semaphore, #tpu.memory_space<semaphore_mem>>)
    %dma_wait3A_184 = arith.constant 0 : i32
    %dma_wait3A_185 = tpu.memref_slice %arg5[%arg0, %add3A_177, %dma_wait3A_184] : memref<2x10240x64xf32, #tpu.memory_space<hbm>> -> memref<1x128x64xf32, #tpu.memory_space<hbm>>
    %dma_wait3A_186 = tpu.memref_squeeze %dma_wait3A_185 : memref<1x128x64xf32, #tpu.memory_space<hbm>> -> memref<128x64xf32, #tpu.memory_space<hbm>>
    %dma_wait3A_187 = arith.constant 0 : i32
    %dma_wait3A_188 = tpu.memref_slice %arg5[%arg0, %add3A_177, %dma_wait3A_187] : memref<2x10240x64xf32, #tpu.memory_space<hbm>> -> memref<1x128x64xf32, #tpu.memory_space<hbm>>
    %dma_wait3A_189 = tpu.memref_squeeze %dma_wait3A_188 : memref<1x128x64xf32, #tpu.memory_space<hbm>> -> memref<128x64xf32, #tpu.memory_space<hbm>>
    tpu.wait_dma2 semaphore(%arg26 : memref<!tpu.dma_semaphore, #tpu.memory_space<semaphore_mem>>) src(%arg8 : memref<128x64xf32, #tpu.memory_space<vmem>>) dst(%dma_wait3A_189 : memref<128x64xf32, #tpu.memory_space<hbm>>)
    %add3A_190 = arith.constant 256 : i32
    %add3A_191 = arith.addi %mul3A_6, %add3A_190 : i32
    %dma_start3A_192 = arith.constant 0 : i32
    %dma_start3A_193 = tpu.memref_slice %arg13[%add3A_191, %dma_start3A_192] : memref<10240x64xf32, #tpu.memory_space<vmem_shared>> -> memref<128x64xf32, #tpu.memory_space<vmem_shared>>
    %dma_start3A_194 = arith.constant 0 : i32
    %dma_start3A_195 = tpu.memref_slice %arg13[%add3A_191, %dma_start3A_194] : memref<10240x64xf32, #tpu.memory_space<vmem_shared>> -> memref<128x64xf32, #tpu.memory_space<vmem_shared>>
    tpu.enqueue_dma source(%dma_start3A_195 : memref<128x64xf32, #tpu.memory_space<vmem_shared>>) target(%arg8 : memref<128x64xf32, #tpu.memory_space<vmem>>) target_semaphore(%arg24 : memref<!tpu.dma_semaphore, #tpu.memory_space<semaphore_mem>>)
    %dma_wait3A_196 = arith.constant 0 : i32
    %dma_wait3A_197 = tpu.memref_slice %arg13[%add3A_167, %dma_wait3A_196] : memref<10240x64xf32, #tpu.memory_space<vmem_shared>> -> memref<128x64xf32, #tpu.memory_space<vmem_shared>>
    %dma_wait3A_198 = arith.constant 0 : i32
    %dma_wait3A_199 = tpu.memref_slice %arg13[%add3A_167, %dma_wait3A_198] : memref<10240x64xf32, #tpu.memory_space<vmem_shared>> -> memref<128x64xf32, #tpu.memory_space<vmem_shared>>
    tpu.wait_dma2 semaphore(%arg25 : memref<!tpu.dma_semaphore, #tpu.memory_space<semaphore_mem>>) src(%dma_wait3A_199 : memref<128x64xf32, #tpu.memory_space<vmem_shared>>) dst(%arg9 : memref<128x64xf32, #tpu.memory_space<vmem>>)
    %add3A_200 = arith.constant 128 : i32
    %add3A_201 = arith.addi %mul3A_6, %add3A_200 : i32
    %dma_start3A_202 = arith.constant 0 : i32
    %dma_start3A_203 = tpu.memref_slice %arg5[%arg0, %add3A_201, %dma_start3A_202] : memref<2x10240x64xf32, #tpu.memory_space<hbm>> -> memref<1x128x64xf32, #tpu.memory_space<hbm>>
    %dma_start3A_204 = tpu.memref_squeeze %dma_start3A_203 : memref<1x128x64xf32, #tpu.memory_space<hbm>> -> memref<128x64xf32, #tpu.memory_space<hbm>>
    %dma_start3A_205 = arith.constant 0 : i32
    %dma_start3A_206 = tpu.memref_slice %arg5[%arg0, %add3A_201, %dma_start3A_205] : memref<2x10240x64xf32, #tpu.memory_space<hbm>> -> memref<1x128x64xf32, #tpu.memory_space<hbm>>
    %dma_start3A_207 = tpu.memref_squeeze %dma_start3A_206 : memref<1x128x64xf32, #tpu.memory_space<hbm>> -> memref<128x64xf32, #tpu.memory_space<hbm>>
    tpu.enqueue_dma source(%arg9 : memref<128x64xf32, #tpu.memory_space<vmem>>) target(%dma_start3A_207 : memref<128x64xf32, #tpu.memory_space<hbm>>) target_semaphore(%arg27 : memref<!tpu.dma_semaphore, #tpu.memory_space<semaphore_mem>>)
    %dma_wait3A_208 = arith.constant 0 : i32
    %dma_wait3A_209 = tpu.memref_slice %arg5[%arg0, %add3A_201, %dma_wait3A_208] : memref<2x10240x64xf32, #tpu.memory_space<hbm>> -> memref<1x128x64xf32, #tpu.memory_space<hbm>>
    %dma_wait3A_210 = tpu.memref_squeeze %dma_wait3A_209 : memref<1x128x64xf32, #tpu.memory_space<hbm>> -> memref<128x64xf32, #tpu.memory_space<hbm>>
    %dma_wait3A_211 = arith.constant 0 : i32
    %dma_wait3A_212 = tpu.memref_slice %arg5[%arg0, %add3A_201, %dma_wait3A_211] : memref<2x10240x64xf32, #tpu.memory_space<hbm>> -> memref<1x128x64xf32, #tpu.memory_space<hbm>>
    %dma_wait3A_213 = tpu.memref_squeeze %dma_wait3A_212 : memref<1x128x64xf32, #tpu.memory_space<hbm>> -> memref<128x64xf32, #tpu.memory_space<hbm>>
    tpu.wait_dma2 semaphore(%arg27 : memref<!tpu.dma_semaphore, #tpu.memory_space<semaphore_mem>>) src(%arg9 : memref<128x64xf32, #tpu.memory_space<vmem>>) dst(%dma_wait3A_213 : memref<128x64xf32, #tpu.memory_space<hbm>>)
    %add3A_214 = arith.constant 384 : i32
    %add3A_215 = arith.addi %mul3A_6, %add3A_214 : i32
    %dma_start3A_216 = arith.constant 0 : i32
    %dma_start3A_217 = tpu.memref_slice %arg13[%add3A_215, %dma_start3A_216] : memref<10240x64xf32, #tpu.memory_space<vmem_shared>> -> memref<128x64xf32, #tpu.memory_space<vmem_shared>>
    %dma_start3A_218 = arith.constant 0 : i32
    %dma_start3A_219 = tpu.memref_slice %arg13[%add3A_215, %dma_start3A_218] : memref<10240x64xf32, #tpu.memory_space<vmem_shared>> -> memref<128x64xf32, #tpu.memory_space<vmem_shared>>
    tpu.enqueue_dma source(%dma_start3A_219 : memref<128x64xf32, #tpu.memory_space<vmem_shared>>) target(%arg9 : memref<128x64xf32, #tpu.memory_space<vmem>>) target_semaphore(%arg25 : memref<!tpu.dma_semaphore, #tpu.memory_space<semaphore_mem>>)
    %dma_wait3A_220 = arith.constant 0 : i32
    %dma_wait3A_221 = tpu.memref_slice %arg13[%add3A_191, %dma_wait3A_220] : memref<10240x64xf32, #tpu.memory_space<vmem_shared>> -> memref<128x64xf32, #tpu.memory_space<vmem_shared>>
    %dma_wait3A_222 = arith.constant 0 : i32
    %dma_wait3A_223 = tpu.memref_slice %arg13[%add3A_191, %dma_wait3A_222] : memref<10240x64xf32, #tpu.memory_space<vmem_shared>> -> memref<128x64xf32, #tpu.memory_space<vmem_shared>>
    tpu.wait_dma2 semaphore(%arg24 : memref<!tpu.dma_semaphore, #tpu.memory_space<semaphore_mem>>) src(%dma_wait3A_223 : memref<128x64xf32, #tpu.memory_space<vmem_shared>>) dst(%arg8 : memref<128x64xf32, #tpu.memory_space<vmem>>)
    %add3A_224 = arith.constant 256 : i32
    %add3A_225 = arith.addi %mul3A_6, %add3A_224 : i32
    %dma_start3A_226 = arith.constant 0 : i32
    %dma_start3A_227 = tpu.memref_slice %arg5[%arg0, %add3A_225, %dma_start3A_226] : memref<2x10240x64xf32, #tpu.memory_space<hbm>> -> memref<1x128x64xf32, #tpu.memory_space<hbm>>
    %dma_start3A_228 = tpu.memref_squeeze %dma_start3A_227 : memref<1x128x64xf32, #tpu.memory_space<hbm>> -> memref<128x64xf32, #tpu.memory_space<hbm>>
    %dma_start3A_229 = arith.constant 0 : i32
    %dma_start3A_230 = tpu.memref_slice %arg5[%arg0, %add3A_225, %dma_start3A_229] : memref<2x10240x64xf32, #tpu.memory_space<hbm>> -> memref<1x128x64xf32, #tpu.memory_space<hbm>>
    %dma_start3A_231 = tpu.memref_squeeze %dma_start3A_230 : memref<1x128x64xf32, #tpu.memory_space<hbm>> -> memref<128x64xf32, #tpu.memory_space<hbm>>
    tpu.enqueue_dma source(%arg8 : memref<128x64xf32, #tpu.memory_space<vmem>>) target(%dma_start3A_231 : memref<128x64xf32, #tpu.memory_space<hbm>>) target_semaphore(%arg26 : memref<!tpu.dma_semaphore, #tpu.memory_space<semaphore_mem>>)
    %dma_wait3A_232 = arith.constant 0 : i32
    %dma_wait3A_233 = tpu.memref_slice %arg5[%arg0, %add3A_225, %dma_wait3A_232] : memref<2x10240x64xf32, #tpu.memory_space<hbm>> -> memref<1x128x64xf32, #tpu.memory_space<hbm>>
    %dma_wait3A_234 = tpu.memref_squeeze %dma_wait3A_233 : memref<1x128x64xf32, #tpu.memory_space<hbm>> -> memref<128x64xf32, #tpu.memory_space<hbm>>
    %dma_wait3A_235 = arith.constant 0 : i32
    %dma_wait3A_236 = tpu.memref_slice %arg5[%arg0, %add3A_225, %dma_wait3A_235] : memref<2x10240x64xf32, #tpu.memory_space<hbm>> -> memref<1x128x64xf32, #tpu.memory_space<hbm>>
    %dma_wait3A_237 = tpu.memref_squeeze %dma_wait3A_236 : memref<1x128x64xf32, #tpu.memory_space<hbm>> -> memref<128x64xf32, #tpu.memory_space<hbm>>
    tpu.wait_dma2 semaphore(%arg26 : memref<!tpu.dma_semaphore, #tpu.memory_space<semaphore_mem>>) src(%arg8 : memref<128x64xf32, #tpu.memory_space<vmem>>) dst(%dma_wait3A_237 : memref<128x64xf32, #tpu.memory_space<hbm>>)
    %add3A_238 = arith.constant 512 : i32
    %add3A_239 = arith.addi %mul3A_6, %add3A_238 : i32
    %dma_start3A_240 = arith.constant 0 : i32
    %dma_start3A_241 = tpu.memref_slice %arg13[%add3A_239, %dma_start3A_240] : memref<10240x64xf32, #tpu.memory_space<vmem_shared>> -> memref<128x64xf32, #tpu.memory_space<vmem_shared>>
    %dma_start3A_242 = arith.constant 0 : i32
    %dma_start3A_243 = tpu.memref_slice %arg13[%add3A_239, %dma_start3A_242] : memref<10240x64xf32, #tpu.memory_space<vmem_shared>> -> memref<128x64xf32, #tpu.memory_space<vmem_shared>>
    tpu.enqueue_dma source(%dma_start3A_243 : memref<128x64xf32, #tpu.memory_space<vmem_shared>>) target(%arg8 : memref<128x64xf32, #tpu.memory_space<vmem>>) target_semaphore(%arg24 : memref<!tpu.dma_semaphore, #tpu.memory_space<semaphore_mem>>)
    %dma_wait3A_244 = arith.constant 0 : i32
    %dma_wait3A_245 = tpu.memref_slice %arg13[%add3A_215, %dma_wait3A_244] : memref<10240x64xf32, #tpu.memory_space<vmem_shared>> -> memref<128x64xf32, #tpu.memory_space<vmem_shared>>
    %dma_wait3A_246 = arith.constant 0 : i32
    %dma_wait3A_247 = tpu.memref_slice %arg13[%add3A_215, %dma_wait3A_246] : memref<10240x64xf32, #tpu.memory_space<vmem_shared>> -> memref<128x64xf32, #tpu.memory_space<vmem_shared>>
    tpu.wait_dma2 semaphore(%arg25 : memref<!tpu.dma_semaphore, #tpu.memory_space<semaphore_mem>>) src(%dma_wait3A_247 : memref<128x64xf32, #tpu.memory_space<vmem_shared>>) dst(%arg9 : memref<128x64xf32, #tpu.memory_space<vmem>>)
    %add3A_248 = arith.constant 384 : i32
    %add3A_249 = arith.addi %mul3A_6, %add3A_248 : i32
    %dma_start3A_250 = arith.constant 0 : i32
    %dma_start3A_251 = tpu.memref_slice %arg5[%arg0, %add3A_249, %dma_start3A_250] : memref<2x10240x64xf32, #tpu.memory_space<hbm>> -> memref<1x128x64xf32, #tpu.memory_space<hbm>>
    %dma_start3A_252 = tpu.memref_squeeze %dma_start3A_251 : memref<1x128x64xf32, #tpu.memory_space<hbm>> -> memref<128x64xf32, #tpu.memory_space<hbm>>
    %dma_start3A_253 = arith.constant 0 : i32
    %dma_start3A_254 = tpu.memref_slice %arg5[%arg0, %add3A_249, %dma_start3A_253] : memref<2x10240x64xf32, #tpu.memory_space<hbm>> -> memref<1x128x64xf32, #tpu.memory_space<hbm>>
    %dma_start3A_255 = tpu.memref_squeeze %dma_start3A_254 : memref<1x128x64xf32, #tpu.memory_space<hbm>> -> memref<128x64xf32, #tpu.memory_space<hbm>>
    tpu.enqueue_dma source(%arg9 : memref<128x64xf32, #tpu.memory_space<vmem>>) target(%dma_start3A_255 : memref<128x64xf32, #tpu.memory_space<hbm>>) target_semaphore(%arg27 : memref<!tpu.dma_semaphore, #tpu.memory_space<semaphore_mem>>)
    %dma_wait3A_256 = arith.constant 0 : i32
    %dma_wait3A_257 = tpu.memref_slice %arg13[%add3A_239, %dma_wait3A_256] : memref<10240x64xf32, #tpu.memory_space<vmem_shared>> -> memref<128x64xf32, #tpu.memory_space<vmem_shared>>
    %dma_wait3A_258 = arith.constant 0 : i32
    %dma_wait3A_259 = tpu.memref_slice %arg13[%add3A_239, %dma_wait3A_258] : memref<10240x64xf32, #tpu.memory_space<vmem_shared>> -> memref<128x64xf32, #tpu.memory_space<vmem_shared>>
    tpu.wait_dma2 semaphore(%arg24 : memref<!tpu.dma_semaphore, #tpu.memory_space<semaphore_mem>>) src(%dma_wait3A_259 : memref<128x64xf32, #tpu.memory_space<vmem_shared>>) dst(%arg8 : memref<128x64xf32, #tpu.memory_space<vmem>>)
    %add3A_260 = arith.constant 512 : i32
    %add3A_261 = arith.addi %mul3A_6, %add3A_260 : i32
    %dma_start3A_262 = arith.constant 0 : i32
    %dma_start3A_263 = tpu.memref_slice %arg5[%arg0, %add3A_261, %dma_start3A_262] : memref<2x10240x64xf32, #tpu.memory_space<hbm>> -> memref<1x128x64xf32, #tpu.memory_space<hbm>>
    %dma_start3A_264 = tpu.memref_squeeze %dma_start3A_263 : memref<1x128x64xf32, #tpu.memory_space<hbm>> -> memref<128x64xf32, #tpu.memory_space<hbm>>
    %dma_start3A_265 = arith.constant 0 : i32
    %dma_start3A_266 = tpu.memref_slice %arg5[%arg0, %add3A_261, %dma_start3A_265] : memref<2x10240x64xf32, #tpu.memory_space<hbm>> -> memref<1x128x64xf32, #tpu.memory_space<hbm>>
    %dma_start3A_267 = tpu.memref_squeeze %dma_start3A_266 : memref<1x128x64xf32, #tpu.memory_space<hbm>> -> memref<128x64xf32, #tpu.memory_space<hbm>>
    tpu.enqueue_dma source(%arg8 : memref<128x64xf32, #tpu.memory_space<vmem>>) target(%dma_start3A_267 : memref<128x64xf32, #tpu.memory_space<hbm>>) target_semaphore(%arg26 : memref<!tpu.dma_semaphore, #tpu.memory_space<semaphore_mem>>)
    %dma_wait3A_268 = arith.constant 0 : i32
    %dma_wait3A_269 = tpu.memref_slice %arg5[%arg0, %add3A_249, %dma_wait3A_268] : memref<2x10240x64xf32, #tpu.memory_space<hbm>> -> memref<1x128x64xf32, #tpu.memory_space<hbm>>
    %dma_wait3A_270 = tpu.memref_squeeze %dma_wait3A_269 : memref<1x128x64xf32, #tpu.memory_space<hbm>> -> memref<128x64xf32, #tpu.memory_space<hbm>>
    %dma_wait3A_271 = arith.constant 0 : i32
    %dma_wait3A_272 = tpu.memref_slice %arg5[%arg0, %add3A_249, %dma_wait3A_271] : memref<2x10240x64xf32, #tpu.memory_space<hbm>> -> memref<1x128x64xf32, #tpu.memory_space<hbm>>
    %dma_wait3A_273 = tpu.memref_squeeze %dma_wait3A_272 : memref<1x128x64xf32, #tpu.memory_space<hbm>> -> memref<128x64xf32, #tpu.memory_space<hbm>>
    tpu.wait_dma2 semaphore(%arg27 : memref<!tpu.dma_semaphore, #tpu.memory_space<semaphore_mem>>) src(%arg9 : memref<128x64xf32, #tpu.memory_space<vmem>>) dst(%dma_wait3A_273 : memref<128x64xf32, #tpu.memory_space<hbm>>)
    %dma_wait3A_274 = arith.constant 0 : i32
    %dma_wait3A_275 = tpu.memref_slice %arg5[%arg0, %add3A_261, %dma_wait3A_274] : memref<2x10240x64xf32, #tpu.memory_space<hbm>> -> memref<1x128x64xf32, #tpu.memory_space<hbm>>
    %dma_wait3A_276 = tpu.memref_squeeze %dma_wait3A_275 : memref<1x128x64xf32, #tpu.memory_space<hbm>> -> memref<128x64xf32, #tpu.memory_space<hbm>>
    %dma_wait3A_277 = arith.constant 0 : i32
    %dma_wait3A_278 = tpu.memref_slice %arg5[%arg0, %add3A_261, %dma_wait3A_277] : memref<2x10240x64xf32, #tpu.memory_space<hbm>> -> memref<1x128x64xf32, #tpu.memory_space<hbm>>
    %dma_wait3A_279 = tpu.memref_squeeze %dma_wait3A_278 : memref<1x128x64xf32, #tpu.memory_space<hbm>> -> memref<128x64xf32, #tpu.memory_space<hbm>>
    tpu.wait_dma2 semaphore(%arg26 : memref<!tpu.dma_semaphore, #tpu.memory_space<semaphore_mem>>) src(%arg8 : memref<128x64xf32, #tpu.memory_space<vmem>>) dst(%dma_wait3A_279 : memref<128x64xf32, #tpu.memory_space<hbm>>)
    return
  }
}

module attributes {stable_mosaic.version = 14 : i64} {
  func.func @_tc_first_body(%arg0: memref<10000x128xf32, #tpu.memory_space<vmem>>, %arg1: memref<128x128xf32, #tpu.memory_space<vmem>>, %arg2: memref<10240x2xf32, #tpu.memory_space<vmem>>, %arg3: memref<2x10240x64xf32, #tpu.memory_space<vmem>>, %arg4: memref<10000x1xf32, #tpu.memory_space<vmem>>) attributes {dimension_semantics = [], scalar_prefetch = 0 : i64, scratch_operands = 0 : i64, tpu.core_type = #tpu.core_type<tc>} {
    %get3A = arith.constant 0 : index
    %get3A_0 = arith.constant 0 : index
    %get3A_1 = vector.load %arg2[%get3A, %get3A_0] : memref<10240x2xf32, #tpu.memory_space<vmem>>, vector<10240x2xf32>
    %slice3A = vector.extract_strided_slice %get3A_1 {offsets = [0, 0], sizes = [10000, 1], strides = [1, 1]} : vector<10240x2xf32> to vector<10000x1xf32>
    %slice3A_2 = vector.extract_strided_slice %get3A_1 {offsets = [0, 1], sizes = [10000, 1], strides = [1, 1]} : vector<10240x2xf32> to vector<10000x1xf32>
    %add3A = arith.addf %slice3A, %slice3A_2 : vector<10000x1xf32>
    %add3A_3 = arith.constant 1.000000e+00 : f32
    %add3A_4 = vector.broadcast %add3A_3 : f32 to vector<10000x1xf32>
    %add3A_5 = arith.addf %add3A, %add3A_4 : vector<10000x1xf32>
    %rsqrt3A = math.rsqrt %add3A_5 : vector<10000x1xf32>
    %swap3A = arith.constant 0 : index
    %swap3A_6 = arith.constant 0 : index
    %swap3A_7 = vector.load %arg4[%swap3A, %swap3A_6] : memref<10000x1xf32, #tpu.memory_space<vmem>>, vector<10000x1xf32>
    tpu.vector_store %arg4[%swap3A, %swap3A_6], %rsqrt3A {strides = array<i32>} : memref<10000x1xf32, #tpu.memory_space<vmem>>, vector<10000x1xf32>,
    %get3A_8 = arith.constant 0 : index
    %get3A_9 = arith.constant 0 : index
    %get3A_10 = vector.load %arg0[%get3A_8, %get3A_9] : memref<10000x128xf32, #tpu.memory_space<vmem>>, vector<10000x128xf32>
    %get3A_11 = arith.constant 0 : index
    %get3A_12 = arith.constant 0 : index
    %get3A_13 = vector.load %arg1[%get3A_11, %get3A_12] : memref<128x128xf32, #tpu.memory_space<vmem>>, vector<128x128xf32>
    %dot_general3A = arith.constant dense<0.000000e+00> : vector<10000x128xf32>
    %dot_general3A_14 = tpu.matmul %get3A_10, %get3A_13, %dot_general3A {dimension_numbers = #tpu.dot_dimension_numbers<[1], [0], [0], [1], [0, 0, 1, 1], [], []>, transpose_lhs_hint = false} : vector<10000x128xf32>, vector<128x128xf32>, vector<10000x128xf32> -> vector<10000x128xf32>
    %mul3A = vector.broadcast %rsqrt3A : vector<10000x1xf32> to vector<10000x128xf32>
    %mul3A_15 = arith.mulf %dot_general3A_14, %mul3A : vector<10000x128xf32>
    %slice3A_16 = vector.extract_strided_slice %mul3A_15 {offsets = [0, 0], sizes = [10000, 64], strides = [1, 1]} : vector<10000x128xf32> to vector<10000x64xf32>
    %swap3A_17 = arith.constant 0 : index
    %swap3A_18 = arith.constant 0 : index
    %swap3A_19 = arith.constant 0 : index
    %swap3A_20 = vector.load %arg3[%swap3A_17, %swap3A_18, %swap3A_19] : memref<2x10240x64xf32, #tpu.memory_space<vmem>>, vector<1x10000x64xf32>
    %swap3A_21 = vector.shape_cast %swap3A_20 : vector<1x10000x64xf32> to vector<10000x64xf32>
    %swap3A_22 = vector.shape_cast %slice3A_16 : vector<10000x64xf32> to vector<1x10000x64xf32>
    tpu.vector_store %arg3[%swap3A_17, %swap3A_18, %swap3A_19], %swap3A_22 {strides = array<i32>} : memref<2x10240x64xf32, #tpu.memory_space<vmem>>, vector<1x10000x64xf32>,
    %slice3A_23 = vector.extract_strided_slice %mul3A_15 {offsets = [0, 64], sizes = [10000, 64], strides = [1, 1]} : vector<10000x128xf32> to vector<10000x64xf32>
    %swap3A_24 = arith.constant 1 : index
    %swap3A_25 = arith.constant 0 : index
    %swap3A_26 = arith.constant 0 : index
    %swap3A_27 = vector.load %arg3[%swap3A_24, %swap3A_25, %swap3A_26] : memref<2x10240x64xf32, #tpu.memory_space<vmem>>, vector<1x10000x64xf32>
    %swap3A_28 = vector.shape_cast %swap3A_27 : vector<1x10000x64xf32> to vector<10000x64xf32>
    %swap3A_29 = vector.shape_cast %slice3A_23 : vector<10000x64xf32> to vector<1x10000x64xf32>
    tpu.vector_store %arg3[%swap3A_24, %swap3A_25, %swap3A_26], %swap3A_29 {strides = array<i32>} : memref<2x10240x64xf32, #tpu.memory_space<vmem>>, vector<1x10000x64xf32>,
    %broadcast_in_dim3A = arith.constant 0.000000e+00 : f32
    %broadcast_in_dim3A_30 = vector.broadcast %broadcast_in_dim3A : f32 to vector<240x64xf32>
    %swap3A_31 = arith.constant 0 : index
    %swap3A_32 = arith.constant 10000 : index
    %swap3A_33 = arith.constant 0 : index
    %swap3A_34 = vector.load %arg3[%swap3A_31, %swap3A_32, %swap3A_33] : memref<2x10240x64xf32, #tpu.memory_space<vmem>>, vector<1x240x64xf32>
    %swap3A_35 = vector.shape_cast %swap3A_34 : vector<1x240x64xf32> to vector<240x64xf32>
    %swap3A_36 = vector.shape_cast %broadcast_in_dim3A_30 : vector<240x64xf32> to vector<1x240x64xf32>
    tpu.vector_store %arg3[%swap3A_31, %swap3A_32, %swap3A_33], %swap3A_36 {strides = array<i32>} : memref<2x10240x64xf32, #tpu.memory_space<vmem>>, vector<1x240x64xf32>,
    %swap3A_37 = arith.constant 1 : index
    %swap3A_38 = arith.constant 10000 : index
    %swap3A_39 = arith.constant 0 : index
    %swap3A_40 = vector.load %arg3[%swap3A_37, %swap3A_38, %swap3A_39] : memref<2x10240x64xf32, #tpu.memory_space<vmem>>, vector<1x240x64xf32>
    %swap3A_41 = vector.shape_cast %swap3A_40 : vector<1x240x64xf32> to vector<240x64xf32>
    %swap3A_42 = vector.shape_cast %broadcast_in_dim3A_30 : vector<240x64xf32> to vector<1x240x64xf32>
    tpu.vector_store %arg3[%swap3A_37, %swap3A_38, %swap3A_39], %swap3A_42 {strides = array<i32>} : memref<2x10240x64xf32, #tpu.memory_space<vmem>>, vector<1x240x64xf32>,
    return
  }
}

module attributes {stable_mosaic.version = 14 : i64} {
  func.func @_tc_mid_body(%arg0: memref<2x10240x64xf32, #tpu.memory_space<vmem>>, %arg1: memref<2x10240x64xf32, #tpu.memory_space<vmem>>, %arg2: memref<10000x1xf32, #tpu.memory_space<vmem>>, %arg3: memref<1x128xf32, #tpu.memory_space<vmem>>, %arg4: memref<1x128xf32, #tpu.memory_space<vmem>>, %arg5: memref<1x128xf32, #tpu.memory_space<vmem>>, %arg6: memref<128x128xf32, #tpu.memory_space<vmem>>, %arg7: memref<2x10240x64xf32, #tpu.memory_space<vmem>>) attributes {dimension_semantics = [], scalar_prefetch = 0 : i64, scratch_operands = 0 : i64, tpu.core_type = #tpu.core_type<tc>} {
    %get3A = arith.constant 0 : index
    %get3A_0 = arith.constant 0 : index
    %get3A_1 = vector.load %arg2[%get3A, %get3A_0] : memref<10000x1xf32, #tpu.memory_space<vmem>>, vector<10000x1xf32>
    %get3A_2 = arith.constant 0 : index
    %get3A_3 = arith.constant 0 : index
    %get3A_4 = arith.constant 0 : index
    %get3A_5 = vector.load %arg0[%get3A_2, %get3A_3, %get3A_4] : memref<2x10240x64xf32, #tpu.memory_space<vmem>>, vector<1x10000x64xf32>
    %get3A_6 = vector.shape_cast %get3A_5 : vector<1x10000x64xf32> to vector<10000x64xf32>
    %get3A_7 = arith.constant 0 : index
    %get3A_8 = arith.constant 0 : index
    %get3A_9 = arith.constant 0 : index
    %get3A_10 = vector.load %arg1[%get3A_7, %get3A_8, %get3A_9] : memref<2x10240x64xf32, #tpu.memory_space<vmem>>, vector<1x10000x64xf32>
    %get3A_11 = vector.shape_cast %get3A_10 : vector<1x10000x64xf32> to vector<10000x64xf32>
    %add3A = arith.addf %get3A_6, %get3A_11 : vector<10000x64xf32>
    %get3A_12 = arith.constant 1 : index
    %get3A_13 = arith.constant 0 : index
    %get3A_14 = arith.constant 0 : index
    %get3A_15 = vector.load %arg0[%get3A_12, %get3A_13, %get3A_14] : memref<2x10240x64xf32, #tpu.memory_space<vmem>>, vector<1x10000x64xf32>
    %get3A_16 = vector.shape_cast %get3A_15 : vector<1x10000x64xf32> to vector<10000x64xf32>
    %get3A_17 = arith.constant 1 : index
    %get3A_18 = arith.constant 0 : index
    %get3A_19 = arith.constant 0 : index
    %get3A_20 = vector.load %arg1[%get3A_17, %get3A_18, %get3A_19] : memref<2x10240x64xf32, #tpu.memory_space<vmem>>, vector<1x10000x64xf32>
    %get3A_21 = vector.shape_cast %get3A_20 : vector<1x10000x64xf32> to vector<10000x64xf32>
    %add3A_22 = arith.addf %get3A_16, %get3A_21 : vector<10000x64xf32>
    %concatenate3A = tpu.concatenate %add3A, %add3A_22 in 1 : vector<10000x64xf32>, vector<10000x64xf32> -> vector<10000x128xf32>
    %mul3A = vector.broadcast %get3A_1 : vector<10000x1xf32> to vector<10000x128xf32>
    %mul3A_23 = arith.mulf %concatenate3A, %mul3A : vector<10000x128xf32>
    %get3A_24 = arith.constant 0 : index
    %get3A_25 = arith.constant 0 : index
    %get3A_26 = vector.load %arg3[%get3A_24, %get3A_25] : memref<1x128xf32, #tpu.memory_space<vmem>>, vector<1x128xf32>
    %add3A_27 = vector.broadcast %get3A_26 : vector<1x128xf32> to vector<10000x128xf32>
    %add3A_28 = arith.addf %mul3A_23, %add3A_27 : vector<10000x128xf32>
    %reduce_sum3A = arith.constant dense<0.000000e+00> : vector<128xf32>
    %reduce_sum3A_29 = vector.multi_reduction <add>, %add3A_28, %reduce_sum3A [0] : vector<10000x128xf32> to vector<128xf32>
    %broadcast_in_dim3A = vector.shape_cast %reduce_sum3A_29 : vector<128xf32> to vector<1x128xf32>
    %div3A = arith.constant 1.000000e+04 : f32
    %div3A_30 = vector.broadcast %div3A : f32 to vector<1x128xf32>
    %div3A_31 = arith.divf %broadcast_in_dim3A, %div3A_30 : vector<1x128xf32>
    %sub3A = vector.broadcast %div3A_31 : vector<1x128xf32> to vector<10000x128xf32>
    %sub3A_32 = arith.subf %add3A_28, %sub3A : vector<10000x128xf32>
    %mul3A_33 = arith.mulf %sub3A_32, %sub3A_32 : vector<10000x128xf32>
    %reduce_sum3A_34 = arith.constant dense<0.000000e+00> : vector<128xf32>
    %reduce_sum3A_35 = vector.multi_reduction <add>, %mul3A_33, %reduce_sum3A_34 [0] : vector<10000x128xf32> to vector<128xf32>
    %broadcast_in_dim3A_36 = vector.shape_cast %reduce_sum3A_35 : vector<128xf32> to vector<1x128xf32>
    %div3A_37 = arith.constant 1.000000e+04 : f32
    %div3A_38 = vector.broadcast %div3A_37 : f32 to vector<1x128xf32>
    %div3A_39 = arith.divf %broadcast_in_dim3A_36, %div3A_38 : vector<1x128xf32>
    %get3A_40 = arith.constant 0 : index
    %get3A_41 = arith.constant 0 : index
    %get3A_42 = vector.load %arg4[%get3A_40, %get3A_41] : memref<1x128xf32, #tpu.memory_space<vmem>>, vector<1x128xf32>
    %mul3A_43 = vector.broadcast %get3A_42 : vector<1x128xf32> to vector<10000x128xf32>
    %mul3A_44 = arith.mulf %mul3A_43, %sub3A_32 : vector<10000x128xf32>
    %add3A_45 = arith.constant 9.99999974E-6 : f32
    %add3A_46 = vector.broadcast %add3A_45 : f32 to vector<1x128xf32>
    %add3A_47 = arith.addf %div3A_39, %add3A_46 : vector<1x128xf32>
    %rsqrt3A = math.rsqrt %add3A_47 : vector<1x128xf32>
    %mul3A_48 = vector.broadcast %rsqrt3A : vector<1x128xf32> to vector<10000x128xf32>
    %mul3A_49 = arith.mulf %mul3A_44, %mul3A_48 : vector<10000x128xf32>
    %get3A_50 = arith.constant 0 : index
    %get3A_51 = arith.constant 0 : index
    %get3A_52 = vector.load %arg5[%get3A_50, %get3A_51] : memref<1x128xf32, #tpu.memory_space<vmem>>, vector<1x128xf32>
    %add3A_53 = vector.broadcast %get3A_52 : vector<1x128xf32> to vector<10000x128xf32>
    %add3A_54 = arith.addf %mul3A_49, %add3A_53 : vector<10000x128xf32>
    %get3A_55 = arith.constant 0 : index
    %get3A_56 = arith.constant 0 : index
    %get3A_57 = vector.load %arg6[%get3A_55, %get3A_56] : memref<128x128xf32, #tpu.memory_space<vmem>>, vector<128x128xf32>
    %dot_general3A = arith.constant dense<0.000000e+00> : vector<10000x128xf32>
    %dot_general3A_58 = tpu.matmul %add3A_54, %get3A_57, %dot_general3A {dimension_numbers = #tpu.dot_dimension_numbers<[1], [0], [0], [1], [0, 0, 1, 1], [], []>, transpose_lhs_hint = false} : vector<10000x128xf32>, vector<128x128xf32>, vector<10000x128xf32> -> vector<10000x128xf32>
    %mul3A_59 = vector.broadcast %get3A_1 : vector<10000x1xf32> to vector<10000x128xf32>
    %mul3A_60 = arith.mulf %dot_general3A_58, %mul3A_59 : vector<10000x128xf32>
    %slice3A = vector.extract_strided_slice %mul3A_60 {offsets = [0, 0], sizes = [10000, 64], strides = [1, 1]} : vector<10000x128xf32> to vector<10000x64xf32>
    %swap3A = arith.constant 0 : index
    %swap3A_61 = arith.constant 0 : index
    %swap3A_62 = arith.constant 0 : index
    %swap3A_63 = vector.load %arg7[%swap3A, %swap3A_61, %swap3A_62] : memref<2x10240x64xf32, #tpu.memory_space<vmem>>, vector<1x10000x64xf32>
    %swap3A_64 = vector.shape_cast %swap3A_63 : vector<1x10000x64xf32> to vector<10000x64xf32>
    %swap3A_65 = vector.shape_cast %slice3A : vector<10000x64xf32> to vector<1x10000x64xf32>
    tpu.vector_store %arg7[%swap3A, %swap3A_61, %swap3A_62], %swap3A_65 {strides = array<i32>} : memref<2x10240x64xf32, #tpu.memory_space<vmem>>, vector<1x10000x64xf32>,
    %slice3A_66 = vector.extract_strided_slice %mul3A_60 {offsets = [0, 64], sizes = [10000, 64], strides = [1, 1]} : vector<10000x128xf32> to vector<10000x64xf32>
    %swap3A_67 = arith.constant 1 : index
    %swap3A_68 = arith.constant 0 : index
    %swap3A_69 = arith.constant 0 : index
    %swap3A_70 = vector.load %arg7[%swap3A_67, %swap3A_68, %swap3A_69] : memref<2x10240x64xf32, #tpu.memory_space<vmem>>, vector<1x10000x64xf32>
    %swap3A_71 = vector.shape_cast %swap3A_70 : vector<1x10000x64xf32> to vector<10000x64xf32>
    %swap3A_72 = vector.shape_cast %slice3A_66 : vector<10000x64xf32> to vector<1x10000x64xf32>
    tpu.vector_store %arg7[%swap3A_67, %swap3A_68, %swap3A_69], %swap3A_72 {strides = array<i32>} : memref<2x10240x64xf32, #tpu.memory_space<vmem>>, vector<1x10000x64xf32>,
    %broadcast_in_dim3A_73 = arith.constant 0.000000e+00 : f32
    %broadcast_in_dim3A_74 = vector.broadcast %broadcast_in_dim3A_73 : f32 to vector<240x64xf32>
    %swap3A_75 = arith.constant 0 : index
    %swap3A_76 = arith.constant 10000 : index
    %swap3A_77 = arith.constant 0 : index
    %swap3A_78 = vector.load %arg7[%swap3A_75, %swap3A_76, %swap3A_77] : memref<2x10240x64xf32, #tpu.memory_space<vmem>>, vector<1x240x64xf32>
    %swap3A_79 = vector.shape_cast %swap3A_78 : vector<1x240x64xf32> to vector<240x64xf32>
    %swap3A_80 = vector.shape_cast %broadcast_in_dim3A_74 : vector<240x64xf32> to vector<1x240x64xf32>
    tpu.vector_store %arg7[%swap3A_75, %swap3A_76, %swap3A_77], %swap3A_80 {strides = array<i32>} : memref<2x10240x64xf32, #tpu.memory_space<vmem>>, vector<1x240x64xf32>,
    %swap3A_81 = arith.constant 1 : index
    %swap3A_82 = arith.constant 10000 : index
    %swap3A_83 = arith.constant 0 : index
    %swap3A_84 = vector.load %arg7[%swap3A_81, %swap3A_82, %swap3A_83] : memref<2x10240x64xf32, #tpu.memory_space<vmem>>, vector<1x240x64xf32>
    %swap3A_85 = vector.shape_cast %swap3A_84 : vector<1x240x64xf32> to vector<240x64xf32>
    %swap3A_86 = vector.shape_cast %broadcast_in_dim3A_74 : vector<240x64xf32> to vector<1x240x64xf32>
    tpu.vector_store %arg7[%swap3A_81, %swap3A_82, %swap3A_83], %swap3A_86 {strides = array<i32>} : memref<2x10240x64xf32, #tpu.memory_space<vmem>>, vector<1x240x64xf32>,
    return
  }
}

module attributes {stable_mosaic.version = 14 : i64} {
  func.func @_tc_last_body(%arg0: memref<2x10240x64xf32, #tpu.memory_space<vmem>>, %arg1: memref<2x10240x64xf32, #tpu.memory_space<vmem>>, %arg2: memref<10000x1xf32, #tpu.memory_space<vmem>>, %arg3: memref<1x128xf32, #tpu.memory_space<vmem>>, %arg4: memref<10000x128xf32, #tpu.memory_space<vmem>>, %arg5: memref<10000x128xf32, #tpu.memory_space<vmem>>) attributes {dimension_semantics = [], scalar_prefetch = 0 : i64, scratch_operands = 0 : i64, tpu.core_type = #tpu.core_type<tc>} {
    %get3A = arith.constant 0 : index
    %get3A_0 = arith.constant 0 : index
    %get3A_1 = vector.load %arg2[%get3A, %get3A_0] : memref<10000x1xf32, #tpu.memory_space<vmem>>, vector<10000x1xf32>
    %get3A_2 = arith.constant 0 : index
    %get3A_3 = arith.constant 0 : index
    %get3A_4 = arith.constant 0 : index
    %get3A_5 = vector.load %arg0[%get3A_2, %get3A_3, %get3A_4] : memref<2x10240x64xf32, #tpu.memory_space<vmem>>, vector<1x10000x64xf32>
    %get3A_6 = vector.shape_cast %get3A_5 : vector<1x10000x64xf32> to vector<10000x64xf32>
    %get3A_7 = arith.constant 0 : index
    %get3A_8 = arith.constant 0 : index
    %get3A_9 = arith.constant 0 : index
    %get3A_10 = vector.load %arg1[%get3A_7, %get3A_8, %get3A_9] : memref<2x10240x64xf32, #tpu.memory_space<vmem>>, vector<1x10000x64xf32>
    %get3A_11 = vector.shape_cast %get3A_10 : vector<1x10000x64xf32> to vector<10000x64xf32>
    %add3A = arith.addf %get3A_6, %get3A_11 : vector<10000x64xf32>
    %get3A_12 = arith.constant 1 : index
    %get3A_13 = arith.constant 0 : index
    %get3A_14 = arith.constant 0 : index
    %get3A_15 = vector.load %arg0[%get3A_12, %get3A_13, %get3A_14] : memref<2x10240x64xf32, #tpu.memory_space<vmem>>, vector<1x10000x64xf32>
    %get3A_16 = vector.shape_cast %get3A_15 : vector<1x10000x64xf32> to vector<10000x64xf32>
    %get3A_17 = arith.constant 1 : index
    %get3A_18 = arith.constant 0 : index
    %get3A_19 = arith.constant 0 : index
    %get3A_20 = vector.load %arg1[%get3A_17, %get3A_18, %get3A_19] : memref<2x10240x64xf32, #tpu.memory_space<vmem>>, vector<1x10000x64xf32>
    %get3A_21 = vector.shape_cast %get3A_20 : vector<1x10000x64xf32> to vector<10000x64xf32>
    %add3A_22 = arith.addf %get3A_16, %get3A_21 : vector<10000x64xf32>
    %concatenate3A = tpu.concatenate %add3A, %add3A_22 in 1 : vector<10000x64xf32>, vector<10000x64xf32> -> vector<10000x128xf32>
    %mul3A = vector.broadcast %get3A_1 : vector<10000x1xf32> to vector<10000x128xf32>
    %mul3A_23 = arith.mulf %concatenate3A, %mul3A : vector<10000x128xf32>
    %get3A_24 = arith.constant 0 : index
    %get3A_25 = arith.constant 0 : index
    %get3A_26 = vector.load %arg3[%get3A_24, %get3A_25] : memref<1x128xf32, #tpu.memory_space<vmem>>, vector<1x128xf32>
    %add3A_27 = vector.broadcast %get3A_26 : vector<1x128xf32> to vector<10000x128xf32>
    %add3A_28 = arith.addf %mul3A_23, %add3A_27 : vector<10000x128xf32>
    %reduce_max3A = arith.constant dense<0xFF800000> : vector<10000xf32>
    %reduce_max3A_29 = vector.multi_reduction <maximumf>, %add3A_28, %reduce_max3A [1] : vector<10000x128xf32> to vector<10000xf32>
    %broadcast_in_dim3A = vector.shape_cast %reduce_max3A_29 : vector<10000xf32> to vector<10000x1xf32>
    %sub3A = vector.broadcast %broadcast_in_dim3A : vector<10000x1xf32> to vector<10000x128xf32>
    %sub3A_30 = arith.subf %add3A_28, %sub3A : vector<10000x128xf32>
    %exp3A = math.exp %sub3A_30 : vector<10000x128xf32>
    %reduce_sum3A = arith.constant dense<0.000000e+00> : vector<10000xf32>
    %reduce_sum3A_31 = vector.multi_reduction <add>, %exp3A, %reduce_sum3A [1] : vector<10000x128xf32> to vector<10000xf32>
    %broadcast_in_dim3A_32 = vector.shape_cast %reduce_sum3A_31 : vector<10000xf32> to vector<10000x1xf32>
    %log3A = math.log %broadcast_in_dim3A_32 : vector<10000x1xf32>
    %add3A_33 = arith.addf %log3A, %broadcast_in_dim3A : vector<10000x1xf32>
    %sub3A_34 = vector.broadcast %add3A_33 : vector<10000x1xf32> to vector<10000x128xf32>
    %sub3A_35 = arith.subf %add3A_28, %sub3A_34 : vector<10000x128xf32>
    %swap3A = arith.constant 0 : index
    %swap3A_36 = arith.constant 0 : index
    %swap3A_37 = vector.load %arg4[%swap3A, %swap3A_36] : memref<10000x128xf32, #tpu.memory_space<vmem>>, vector<10000x128xf32>
    tpu.vector_store %arg4[%swap3A, %swap3A_36], %sub3A_35 {strides = array<i32>} : memref<10000x128xf32, #tpu.memory_space<vmem>>, vector<10000x128xf32>,
    %swap3A_38 = arith.constant 0 : index
    %swap3A_39 = arith.constant 0 : index
    %swap3A_40 = vector.load %arg5[%swap3A_38, %swap3A_39] : memref<10000x128xf32, #tpu.memory_space<vmem>>, vector<10000x128xf32>
    tpu.vector_store %arg5[%swap3A_38, %swap3A_39], %add3A_28 {strides = array<i32>} : memref<10000x128xf32, #tpu.memory_space<vmem>>, vector<10000x128xf32>,
    return
  }
}

</mosaic_0001>

<sc_bundles>
// kernel: kernel.10.cloned.1.call-start
scs
__scs_entry_jumppad:
0x0: {  	(pc) =	sbr.rel $0x88, $3  }
0x1: {  	(tag) =	ssettag $0x0;
	lr =	simm.s32 $0x1  }
0x2: {  	[smem:$0x3F95] =	sst lr;
	_ =	strace $0xD0000000  }
0x3: {  	_ = 	snop  }
0x4: {  	_ = 	snop  }
0x5: {  	_ = 	snop  }
0x6: {  	_ = 	snop  }
0x7: {  	_ = 	snop  }
__scs_overlays_trampoline_lowered:
0x8: {  	[smem:$0x3FA4] =	sst s0  }
0x9: {  	[smem:$0x3FA5] =	sst s1  }
0xa: {  	[smem:$0x3FA6] =	sst s2  }
0xb: {  	[smem:$0x3FA7] =	sst s3  }
0xc: {  	[smem:$0x3FA8] =	sst s4  }
0xd: {  	[smem:$0x3FA9] =	sst s5  }
0xe: {  	[smem:$0x3FAA] =	sst s6  }
0xf: {  	[smem:$0x3FAB] =	sst s7  }
0x10: {  	[smem:$0x3FAC] =	sst s8  }
0x11: {  	[smem:$0x3FAD] =	sst s9;
	s0 =	simm.s32 @!p0 $0x0  }
0x12: {  	s1 =	sld [smem:$0x3F93];
	s0 =	simm.s32 @p0 $0x1  }
0x13: {  	[smem:$0x3FAE] =	sst s0;
	s0 =	simm.s32 @!p1 $0x0  }
0x14: {  	s2 =	sld [smem:$0x3F92];
	s0 =	simm.s32 @p1 $0x1  }
0x15: {  	[smem:$0x3FAF] =	sst s0;
	s0 =	simm.s32 @!p2 $0x0  }
0x16: {  	s3 =	sld [smem:$0x3FDB];
	s0 =	simm.s32 @p2 $0x1  }
0x17: {  	s4 =	simm.s32 $0x1BF5;
	[smem:$0x3FB1] =	sst s0  }
0x18: {  	s0 =	sld [smem:$0x3F94];
	_ =	swait.ge [sflag:s4], $0x0  }
0x19: {  	s7 =	sld [smem:$0x3F95]  }
0x1a: {  	s8 =	sadd.s32 $0xFFFFE003, lr  }
0x1b: {  	s9 =	sadd.s32 $0xFFFFFEF7, lr;
	s5 =	simm.s32 $0xFFFFFFFF;
	p2 =	slt.u32 s8, $0xFFFFF086  }
0x1c: {  	p1 =	slt.u32 s9, $0xF7A;
	s5 =	simm.s32 @!p2 $0x0  }
0x1d: {  	s5 =	simm.s32 @p1 $0x1;
	p0 =	seq.s32 s7, s2  }
0x1e: {  	s7 =	smul.u32 @!p0 $0xF7A, s2;
	p2 =	seq.s32 @!p0 s5, $0x0  }
0x1f: {  	s9 =	smul.u32 $0xF7A, s1;
	s8 =	simm.s32 @!p0 $0x1BF5;
	p2 =	por !p2, p0  }
0x20: {  	[sflag:s8] =	ssyncset.s32 @!p0 $0xFFFFF086;
	s6 =	sadd.s32 @!p0 s3, s7;
	s7 =	simm.s32 @!p0 $0x108  }
0x21: {  	s3 =	sadd.s32 s3, s9;
	s6 =	sadd.s32 @!p0 $0x88, s6;
	s7 =	simm.s32 @p2 $0x1082  }
0x22: {  	[simem:s7], [sflag:s8] =	dma.local @!p0 [hbm:s6], $0xF7A  }
0x23: {  	s9 =	sor.u32 $0xD0000000, s2;
	s6 =	simm.s32 $0x108;
	_ =	swait.ge @!p0 [sflag:s8], $0x0  }
0x24: {  	s3 =	sadd.s32 $0x88, s3;
	s6 =	simm.s32 @!p1 $0x1082;
	[sflag:s4] =	ssyncset.s32 $0xFFFFF086  }
0x25: {  	[simem:s6], [sflag:s4] =	dma.local [hbm:s3], $0xF7A  }
0x26: {  	[smem:$0x3F95] =	sst s1;
	(tag) =	ssettag s2;
	_ =	strace s9  }
0x27: {  	s1 =	sld [smem:$0x3FA5]  }
0x28: {  	s2 =	sld [smem:$0x3FA6]  }
0x29: {  	s4 =	sld [smem:$0x3FA8]  }
0x2a: {  	p0 =	seq.s32 s5, $0x0;
	s5 =	sld [smem:$0x3FA9]  }
0x2b: {  	s6 =	sld [smem:$0x3FAA]  }
0x2c: {  	s7 =	sld [smem:$0x3FAB]  }
0x2d: {  	s3 =	simm.s32 $0x108;
	s8 =	sld [smem:$0x3FAC]  }
0x2e: {  	s3 =	simm.s32 @!p0 $0x1082;
	s9 =	sld [smem:$0x3FAD]  }
0x2f: {  	lr =	sadd.s32 s0, s3;
	s0 =	sld [smem:$0x3FA4]  }
0x30: {  	s3 =	sld [smem:$0x3FA7]  }
0x31: {  	[smem:$0x3FB0] =	sst s10  }
0x32: {  	s10 =	sld [smem:$0x3FAE];
	_ =	sdelay $0x3  }
0x33: {  	p0 =	seq.s32 s10, $0x1;
	s10 =	sld [smem:$0x3FB0];
	_ =	sdelay $0x3  }
0x34: {  	[smem:$0x3FB0] =	sst s10  }
0x35: {  	s10 =	sld [smem:$0x3FAF];
	_ =	sdelay $0x3  }
0x36: {  	p1 =	seq.s32 s10, $0x1;
	s10 =	sld [smem:$0x3FB0];
	_ =	sdelay $0x3  }
0x37: {  	[smem:$0x3FB0] =	sst s10  }
0x38: {  	s10 =	sld [smem:$0x3FB1]  }
0x39: {  	_ = 	snop;
	(pc) =	sbr.ind lr, $3  }
0x3a: {  	_ = 	snop  }
0x3b: {  	_ = 	snop  }
0x3c: {  	p2 =	seq.s32 s10, $0x1;
	s10 =	sld [smem:$0x3FB0]  }
0x3d: {  	_ =	shalt  }
0x3e: {  	_ =	shalt  }
0x3f: {  	_ =	shalt  }
0x40: {  	_ =	shalt  }
0x41: {  	_ =	shalt  }
0x42: {  	_ =	shalt  }
0x43: {  	_ =	shalt  }
0x44: {  	_ =	shalt  }
0x45: {  	_ =	shalt  }
0x46: {  	_ =	shalt  }
0x47: {  	_ =	shalt  }
0x48: {  	_ =	shalt  }
0x49: {  	_ =	shalt  }
0x4a: {  	_ =	shalt  }
0x4b: {  	_ =	shalt  }
0x4c: {  	_ =	shalt  }
0x4d: {  	_ =	shalt  }
0x4e: {  	_ =	shalt  }
0x4f: {  	_ =	shalt  }
0x50: {  	_ =	shalt  }
0x51: {  	_ =	shalt  }
0x52: {  	_ =	shalt  }
0x53: {  	_ =	shalt  }
0x54: {  	_ =	shalt  }
0x55: {  	_ =	shalt  }
0x56: {  	_ =	shalt  }
0x57: {  	_ =	shalt  }
0x58: {  	_ =	shalt  }
0x59: {  	_ =	shalt  }
0x5a: {  	_ =	shalt  }
0x5b: {  	_ =	shalt  }
0x5c: {  	_ =	shalt  }
0x5d: {  	_ =	shalt  }
0x5e: {  	_ =	shalt  }
0x5f: {  	_ =	shalt  }
0x60: {  	_ =	shalt  }
0x61: {  	_ =	shalt  }
0x62: {  	_ =	shalt  }
0x63: {  	_ =	shalt  }
0x64: {  	_ =	shalt  }
0x65: {  	_ =	shalt  }
0x66: {  	_ =	shalt  }
0x67: {  	_ =	shalt  }
0x68: {  	_ =	shalt  }
0x69: {  	_ =	shalt  }
0x6a: {  	_ =	shalt  }
0x6b: {  	_ =	shalt  }
0x6c: {  	_ =	shalt  }
0x6d: {  	_ =	shalt  }
0x6e: {  	_ =	shalt  }
0x6f: {  	_ =	shalt  }
0x70: {  	_ =	shalt  }
0x71: {  	_ =	shalt  }
0x72: {  	_ =	shalt  }
0x73: {  	_ =	shalt  }
0x74: {  	_ =	shalt  }
0x75: {  	_ =	shalt  }
0x76: {  	_ =	shalt  }
0x77: {  	_ =	shalt  }
0x78: {  	_ =	shalt  }
0x79: {  	_ =	shalt  }
0x7a: {  	_ =	shalt  }
0x7b: {  	_ =	shalt  }
0x7c: {  	_ =	shalt  }
0x7d: {  	_ =	shalt  }
0x7e: {  	_ =	shalt  }
0x7f: {  	_ =	shalt  }
0x80: {  	_ =	shalt  }
0x81: {  	_ =	shalt  }
0x82: {  	_ =	shalt  }
0x83: {  	_ =	shalt  }
0x84: {  	_ =	shalt  }
0x85: {  	_ =	shalt  }
0x86: {  	_ =	shalt  }
0x87: {  	_ =	shalt  }
.Lfunc_end0:
.L_simem_size_0:
called_computation_lowered:
.L_overlay_start_0:
0x88: {  	s2 =	sld [smem:$0x3FD9]  }
0x89: {  	s3 =	sld [smem:$0x3FFE];
	_ =	sdelay $0x1  }
0x8a: {  	s1 =	srdreg.scid  }
0x8b: {  	s0 =	sand.u32 $0x1, s1  }
0x8c: {  	s14 =	sshll.u32 s0, $0xA;
	s2 =	sadd.s32 s3, s2  }
0x8d: {  	s2 =	sadd.s32 s2, s14  }
0x8e: {  	[smem:$0x3FBC] =	sst s2  }
0x8f: {  	_ = 	snop  }
0x90: {  	s2 =	sld [smem:$0x3FD0];
	_ =	sdelay $0x2  }
0x91: {  	s15 =	simm.s32 $0xA;
	s4 =	simm.s32 $0x10  }
0x92: {  	[smem:s4], [sflag:s15] =	dma.local [hbm:s2], $0x1  }
0x93: {  	_ =	swait.eq [sflag:s15], $0x1  }
0x94: {  	[sflag:s15] =	ssyncset.done $0x0  }
0x95: {  	[sflag:s15] =	ssyncadd.s32 $0xFFFFFFFF  }
0x96: {  	s16 =	sld [smem:$0x10];
	(tm) =	ssettm $0x1  }
0x97: {  	s17 =	sld [smem:$0x3FFB];
	_ =	sdelay $0x3  }
0x98: {  	_ =	strace s17  }
0x99: {  	s3 =	sld [smem:$0x3FFC];
	_ =	sdelay $0x3  }
0x9a: {  	_ =	strace s3  }
0x9b: {  	s3 =	sld [smem:$0x3FFD];
	_ =	sdelay $0x3  }
0x9c: {  	_ =	strace s3  }
0x9d: {  	_ =	strace $0x8FFFFFFF  }
0x9e: {  	s18 =	sld [smem:$0x3FDB];
	_ =	sdelay $0x1  }
0x9f: {  	s19 =	simm.s32 $_scs_section_size  }
0xa0: {  	s5 =	simm.s32 $_size__tile_overlayer_lowered;
	s6 =	simm.s32 $_tile_overlayer_lowered  }
0xa1: {  	s22 =	simm.s32 $0x1BFF;
	s21 =	sshll.u32 s6, $0x1;
	s3 =	sadd.s32 s19, s18  }
0xa2: {  	s7 =	simm.s32 $0x0;
	s20 =	sshll.u32 s5, $0x1;
	s5 =	sadd.s32 s21, s3  }
0xa3: {  	[timem:s7], [sflag:s22] =	dma.local [hbm:s5], s20  }
0xa4: {  	_ =	swait.ge [sflag:s22], s20  }
0xa5: {  	s4 =	ssub.s32 $0x0, s20;
	[sflag:s22] =	ssyncset.done $0x0  }
0xa6: {  	[sflag:s22] =	ssyncadd.s32 s4;
	_ =	sdelay $0x1  }
0xa7: {  	s23 =	simm.s32 $0x1B8B  }
0xa8: {  	_ =	swait.ge [sflag:s23], $0x1  }
0xa9: {  	[sflag:s23] =	ssyncset.done $0x0  }
0xaa: {  	s25 =	simm.s32 $0x1B8E;
	s24 =	sld [smem:$0x3FFE];
	[sflag:s23] =	ssyncadd.s32 $0xFFFFFFFF  }
0xab: {  	s26 =	simm.s32 $execute0_lowered;
	[smem:$0x3FD2] =	sst s25  }
0xac: {  	s5 =	sshll.u32 s26, $0x1;
	_ =	strace $0x80000046;
	[dreg:$0x1] =	wrdreg $0xFFFFFFFF  }
0xad: {  	s28 =	simm.s32 $_size_execute0_lowered;
	s3 =	sadd.s32 s3, s5;
	[dreg:$0x0] =	wrdreg $0x0  }
0xae: {  	s5 =	sshll.u32 s28, $0x1;
	[dreg:$0x2] =	wrdreg s3  }
0xaf: {  	[dreg:$0x3] =	wrdreg s5  }
0xb0: {  	[dreg:$0x4] =	wrdreg $0xC0  }
0xb1: {  	_ =	task [dreg:s7], $0x5FFFF  }
0xb2: {  	[dreg:$0x1] =	wrdreg $0xFFFFFFFF  }
0xb3: {  	[dreg:$0x0] =	wrdreg $0x60  }
0xb4: {  	[dreg:$0x2] =	wrdreg s16  }
0xb5: {  	[dreg:$0x3] =	wrdreg s24  }
0xb6: {  	[dreg:$0x4] =	wrdreg $0x2B000  }
0xb7: {  	[dreg:$0x5] =	wrdreg $0x9  }
0xb8: {  	_ =	task.clear_ibuf [dreg:s7], $0x6FFFF;
	_ =	strace $0x90000046  }
0xb9: {  	s29 =	simm.s32 $0x9;
	_ =	strace $0x80000048  }
0xba: {  	_ =	swait.ge [sflag:s29], $0x1  }
0xbb: {  	[sflag:s29] =	ssyncadd.s32 $0xFFFFFFFF  }
0xbc: {  	_ =	strace $0x90000048  }
0xbd: {  	_ =	sfence  }
0xbe: {  	s30 =	sld [smem:$0x0];
	_ =	sdelay $0x2  }
0xbf: {  	s31 =	sshll.u32 s1, $0xD;
	s1 =	sshrl.u32 s1, $0x2  }
0xc0: {  	s3 =	sand.u32 $0x4000, s31;
	s1 =	sadd.s32 s1, s30  }
0xc1: {  	s0 =	sor.u32 s3, s0;
	s1 =	sshll.u32 s1, $0x11  }
0xc2: {  	s0 =	sor.u32 s1, s0  }
0xc3: {  	s0 =	sadd.s32 $0x8F2B, s0  }
0xc4: {  	[sflag:s0] =	ssyncadd.remote.s32 $0x1  }
0xc5: {  	_ =	sfence.sel $0xFFFF  }
0xc6: {  	[dreg:$0x0] =	wrdreg $0xFFFFFFFF;
	(pc) =	sbr.abs _section_cstart, $3  }
0xc7: {  	[dreg:$0x1] =	wrdreg $0xFFFFFFFF  }
0xc8: {  	_ =	task.clear_ibuf [dreg:s7], $0x2FFFF;
	_ =	strace $0x9FFFFFFF  }
0xc9: {  	(tm) =	ssettm $0x7FFFFFFF  }
tec
execute0_lowered:
.L_overlay_start_1:
0x0: {  	(tag) =	ssettag $0x1  }
0x1: {  	s4 =	rddreg [dreg:$0x0]  }
0x2: {  	s5 =	rddreg [dreg:$0x1];
	s0 =	srdreg.scid  }
0x3: {  	s2 =	rddreg [dreg:$0x2];
	s1 =	stileid.u32;
	s3 =	simm.s32 $0x0  }
0x4: {  	s11 =	simm.s32 $0x2A80;
	s12 =	simm.s32 $0x100;
	s13 =	simm.s32 $0x0  }
0x5: {  	s6 =	sand.u32 $0x1, s0;
	s0 =	rddreg [dreg:$0x3];
	s7 =	smul.u32 $0x500, s1  }
0x6: {  	[smem:$0x7FF] =	sst s3;
	s29 =	smul.u32 $0xA00, s1;
	s8 =	sshll.u32 s6, $0x4  }
0x7: {  	s9 =	sshll.u32 s6, $0x7;
	s6 =	ssub.s32 $0x2, s6;
	_ =	strace $0x80000047  }
0x8: {  	s8 =	sor.u32 s1, s8;
	s7 =	sor.u32 s9, s7;
	s30 =	sshrl.u32 s6, $0x1  }
0x9: {  	s31 =	sshrl.u32 s29, $0x2;
	s8 =	smul.u32 $0x500, s8;
	s7 =	sshrl.u32 s7, $0x3  }
0xa: {  	s9 =	simm.s32 $0x2800;
	s10 =	ssub.s32 s6, s30;
	s7 =	sadd.s32 s7, s5  }
0xb: {  	s5 =	sadd.s32 s31, s2;
	s4 =	sadd.s32 s4, s8;
	s6 =	sadd.s32 $0x2C00, s7  }
0xc: {  	v0 =	vimm.f32 $0.0e+00;
	v1 =	vimm.f32 $1.000000000e+00;
	s7 =	smax.u32 s10, $0x1;
	s8 =	simm.s32 $0x1;
	s10 =	simm.s32 $0x80  }
.LBB2_1:
0xd: {  	[tilespmem:s3], [sflag:$0x1] =	stream.linear.gather [hbm4b:s4+s3], $0x2800, $0x38;
	[tilespmem:$0x2D80] =	vst v63  }
0xe: {  	_ =	swait.ge [sflag:s8], $0x2800  }
0xf: {  	[sflag:s8] =	ssyncset.done $0x0  }
0x10: {  	[sflag:s8] =	ssyncadd.s32 $0xFFFFD800  }
0x11: {  	[tilespmem:$0x2800] =	vst v0  }
0x12: {  	[tilespmem:$0x2810] =	vst v0  }
0x13: {  	[tilespmem:$0x2820] =	vst v0  }
0x14: {  	[tilespmem:$0x2830] =	vst v0  }
0x15: {  	[tilespmem:$0x2840] =	vst v0  }
0x16: {  	[tilespmem:$0x2850] =	vst v0  }
0x17: {  	[tilespmem:$0x2860] =	vst v0  }
0x18: {  	[tilespmem:$0x2870] =	vst v0  }
0x19: {  	[tilespmem:$0x2880] =	vst v0  }
0x1a: {  	[tilespmem:$0x2890] =	vst v0  }
0x1b: {  	[tilespmem:$0x28A0] =	vst v0  }
0x1c: {  	[tilespmem:$0x28B0] =	vst v0  }
0x1d: {  	[tilespmem:$0x28C0] =	vst v0  }
0x1e: {  	[tilespmem:$0x28D0] =	vst v0  }
0x1f: {  	[tilespmem:$0x28E0] =	vst v0  }
0x20: {  	[tilespmem:$0x28F0] =	vst v0  }
0x21: {  	[tilespmem:$0x2900] =	vst v0  }
0x22: {  	[tilespmem:$0x2910] =	vst v0  }
0x23: {  	[tilespmem:$0x2920] =	vst v0  }
0x24: {  	[tilespmem:$0x2930] =	vst v0  }
0x25: {  	[tilespmem:$0x2940] =	vst v0  }
0x26: {  	[tilespmem:$0x2950] =	vst v0  }
0x27: {  	[tilespmem:$0x2960] =	vst v0  }
0x28: {  	[tilespmem:$0x2970] =	vst v0  }
0x29: {  	[tilespmem:$0x2980] =	vst v0  }
0x2a: {  	[tilespmem:$0x2990] =	vst v0  }
0x2b: {  	[tilespmem:$0x29A0] =	vst v0  }
0x2c: {  	[tilespmem:$0x29B0] =	vst v0  }
0x2d: {  	[tilespmem:$0x29C0] =	vst v0  }
0x2e: {  	[tilespmem:$0x29D0] =	vst v0  }
0x2f: {  	[tilespmem:$0x29E0] =	vst v0  }
0x30: {  	[tilespmem:$0x29F0] =	vst v0  }
0x31: {  	[tilespmem:$0x2A00] =	vst v0  }
0x32: {  	[tilespmem:$0x2A10] =	vst v0  }
0x33: {  	[tilespmem:$0x2A20] =	vst v0  }
0x34: {  	[tilespmem:$0x2A30] =	vst v0  }
0x35: {  	[tilespmem:$0x2A40] =	vst v0  }
0x36: {  	[tilespmem:$0x2A50] =	vst v0  }
0x37: {  	[tilespmem:$0x2A60] =	vst v0  }
0x38: {  	[tilespmem:$0x2A70] =	vst v0  }
0x39: {  	[tilespmem:$0x2A80] =	vst v1  }
0x3a: {  	[tilespmem:$0x2A90] =	vst v1  }
0x3b: {  	[tilespmem:$0x2AA0] =	vst v1  }
0x3c: {  	[tilespmem:$0x2AB0] =	vst v1  }
0x3d: {  	[tilespmem:$0x2AC0] =	vst v1  }
0x3e: {  	[tilespmem:$0x2AD0] =	vst v1  }
0x3f: {  	[tilespmem:$0x2AE0] =	vst v1  }
0x40: {  	[tilespmem:$0x2AF0] =	vst v1  }
0x41: {  	[spmem:s5] =	stream.linear.scatter [tilespmem:s9], [sflag:$0x1], $0x280, $0x38;
	[tilespmem:$0x2D80] =	vst v63  }
0x42: {  	_ =	swait.ge [sflag:s8], $0x280  }
0x43: {  	[sflag:s8] =	ssyncset.done $0x0  }
0x44: {  	[sflag:s8] =	ssyncadd.s32 $0xFFFFFD80  }
0x45: {  	s14 =	simm.s32 $0x0;
	[bflag:$0x0] =	sbarrier.arrive $0xFFFF  }
0x46: {  	[spmem:s2] =	stream.indirect.scatter.add.f32 [tilespmem:s11], [sflag:$0x1], $0x1, s14, s10, $0xb8;
	[tilespmem:$0x2D80] =	vst v63  }
0x47: {  	_ =	swait.ge [sflag:s8], $0x80  }
0x48: {  	s14 =	simm.s32 $0x200;
	[sflag:s8] =	ssyncset.done $0x0  }
.LBB2_2:
0x49: {  	s15 =	sshra.s32 s14, $0x2;
	[sflag:s8] =	ssyncadd.s32 $0xFFFFFF80;
	p0 =	sne.s32 s14, $0x9E00  }
0x4a: {  	[spmem:s2] =	stream.indirect.scatter.add.f32 [tilespmem:s11], [sflag:$0x1], $0x1, s15, s10, $0xb8;
	[tilespmem:$0x2D80] =	vst v63  }
.Ltmp0:
0x4b: {  	_ = 	snop;
	(pc) =	sbr.rel @p0 .LBB2_2-.Ltmp0, $4  }
0x4c: {  	_ = 	snop  }
0x4d: {  	s14 =	sadd.s32 $0x200, s14  }
0x4e: {  	_ =	swait.ge [sflag:s8], $0x80  }
0x4f: {  	[sflag:s8] =	ssyncset.done $0x0  }
0x50: {  	[sflag:s8] =	ssyncadd.s32 $0xFFFFFF80  }
0x51: {  	[bflag:$0x0] =	sbarrier.arrive $0xFFFF  }
0x52: {  	[tilespmem:s9], [sflag:$0x1] =	stream.linear.gather [spmem:s5], $0x280, $0x38;
	[tilespmem:$0x2D80] =	vst v63  }
0x53: {  	s13 =	sadd.s32 $0x1, s13;
	_ =	swait.ge [sflag:s8], $0x280  }
0x54: {  	p0 =	sne.s32 s13, s7;
	[sflag:s8] =	ssyncset.done $0x0  }
.Ltmp1:
0x55: {  	[sflag:s8] =	ssyncadd.s32 $0xFFFFFD80;
	(pc) =	sbr.rel @p0 .LBB2_1-.Ltmp1, $4  }
0x56: {  	[hbm4b:s6+s10] =	stream.strided.scatter [tilespmem:s9], [sflag:$0x1], $0x280, s12, s10, $0x38;
	[tilespmem:$0x2D80] =	vst v63  }
0x57: {  	_ =	swait.ge [sflag:s8], $0x280  }
0x58: {  	[sflag:s8] =	ssyncset.done $0x0  }
0x59: {  	[sflag:s8] =	ssyncadd.s32 $0xFFFFFD80  }
0x5a: {  	_ =	sfence.sel $0x180000  }
0x5b: {  	[bflag:$0x0] =	sbarrier.arrive $0xFFFF  }
0x5c: {  	p0 =	sne.s32 s1, $0x0;
	_ =	strace $0x90000047  }
0x5d: {  	s0 =	sadd.s32 @!p0 $0x100000, s0;
	[bflag:$0x2] =	sbarrier.arrive $0xFFFF  }
0x5e: {  	[sflag:s0] =	ssyncadd.tile.s32 @!p0 $0x1;
	_ =	shalt  }
.Lfunc_end2:
_tile_overlayer_lowered:
.L_overlay_start_2:
0x5f: {  	(tag) =	ssettag $0x2  }
0x60: {  	s0 =	rddreg [dreg:$0x0];
	s2 =	stileid.u32  }
0x61: {  	s1 =	rddreg [dreg:$0x1];
	p0 =	sne.s32 s2, $0x0  }
0x62: {  	s3 =	rddreg [dreg:$0x2];
	[bflag:$0x3] =	sbarrier.arrive $0xFFFF;
	s2 =	simm.s32 @!p0 $0x1C01  }
0x63: {  	[timem:s3], [sflag:s2] =	dma.local @!p0 [hbm:s0], s1  }
0x64: {  	s0 =	simm.s32 @!p0 $0x1  }
0x65: {  	_ =	swait.ge @!p0 [sflag:s0], s1  }
0x66: {  	s1 =	ssub.s32 @!p0 $0x0, s1;
	[sflag:s0] =	ssyncset.done @!p0 $0x0  }
0x67: {  	[sflag:s0] =	ssyncadd.s32 @!p0 s1  }
0x68: {  	[bflag:$0x3] =	sbarrier.arrive $0xFFFF  }
0x69: {  	_ =	shalt  }

// kernel: kernel.13.cloned.1.call-start
scs
__scs_entry_jumppad:
0x0: {  	(pc) =	sbr.rel $0x88, $3  }
0x1: {  	(tag) =	ssettag $0x0;
	lr =	simm.s32 $0x1  }
0x2: {  	[smem:$0x3F95] =	sst lr;
	_ =	strace $0xD0000000  }
0x3: {  	_ = 	snop  }
0x4: {  	_ = 	snop  }
0x5: {  	_ = 	snop  }
0x6: {  	_ = 	snop  }
0x7: {  	_ = 	snop  }
__scs_overlays_trampoline_lowered:
0x8: {  	[smem:$0x3FA4] =	sst s0  }
0x9: {  	[smem:$0x3FA5] =	sst s1  }
0xa: {  	[smem:$0x3FA6] =	sst s2  }
0xb: {  	[smem:$0x3FA7] =	sst s3  }
0xc: {  	[smem:$0x3FA8] =	sst s4  }
0xd: {  	[smem:$0x3FA9] =	sst s5  }
0xe: {  	[smem:$0x3FAA] =	sst s6  }
0xf: {  	[smem:$0x3FAB] =	sst s7  }
0x10: {  	[smem:$0x3FAC] =	sst s8  }
0x11: {  	[smem:$0x3FAD] =	sst s9;
	s0 =	simm.s32 @!p0 $0x0  }
0x12: {  	s1 =	sld [smem:$0x3F93];
	s0 =	simm.s32 @p0 $0x1  }
0x13: {  	[smem:$0x3FAE] =	sst s0;
	s0 =	simm.s32 @!p1 $0x0  }
0x14: {  	s2 =	sld [smem:$0x3F92];
	s0 =	simm.s32 @p1 $0x1  }
0x15: {  	[smem:$0x3FAF] =	sst s0;
	s0 =	simm.s32 @!p2 $0x0  }
0x16: {  	s3 =	sld [smem:$0x3FDB];
	s0 =	simm.s32 @p2 $0x1  }
0x17: {  	s4 =	simm.s32 $0x1BF5;
	[smem:$0x3FB1] =	sst s0  }
0x18: {  	s0 =	sld [smem:$0x3F94];
	_ =	swait.ge [sflag:s4], $0x0  }
0x19: {  	s7 =	sld [smem:$0x3F95]  }
0x1a: {  	s8 =	sadd.s32 $0xFFFFE003, lr  }
0x1b: {  	s9 =	sadd.s32 $0xFFFFFEF7, lr;
	s5 =	simm.s32 $0xFFFFFFFF;
	p2 =	slt.u32 s8, $0xFFFFF086  }
0x1c: {  	p1 =	slt.u32 s9, $0xF7A;
	s5 =	simm.s32 @!p2 $0x0  }
0x1d: {  	s5 =	simm.s32 @p1 $0x1;
	p0 =	seq.s32 s7, s2  }
0x1e: {  	s7 =	smul.u32 @!p0 $0xF7A, s2;
	p2 =	seq.s32 @!p0 s5, $0x0  }
0x1f: {  	s9 =	smul.u32 $0xF7A, s1;
	s8 =	simm.s32 @!p0 $0x1BF5;
	p2 =	por !p2, p0  }
0x20: {  	[sflag:s8] =	ssyncset.s32 @!p0 $0xFFFFF086;
	s6 =	sadd.s32 @!p0 s3, s7;
	s7 =	simm.s32 @!p0 $0x108  }
0x21: {  	s3 =	sadd.s32 s3, s9;
	s6 =	sadd.s32 @!p0 $0x88, s6;
	s7 =	simm.s32 @p2 $0x1082  }
0x22: {  	[simem:s7], [sflag:s8] =	dma.local @!p0 [hbm:s6], $0xF7A  }
0x23: {  	s9 =	sor.u32 $0xD0000000, s2;
	s6 =	simm.s32 $0x108;
	_ =	swait.ge @!p0 [sflag:s8], $0x0  }
0x24: {  	s3 =	sadd.s32 $0x88, s3;
	s6 =	simm.s32 @!p1 $0x1082;
	[sflag:s4] =	ssyncset.s32 $0xFFFFF086  }
0x25: {  	[simem:s6], [sflag:s4] =	dma.local [hbm:s3], $0xF7A  }
0x26: {  	[smem:$0x3F95] =	sst s1;
	(tag) =	ssettag s2;
	_ =	strace s9  }
0x27: {  	s1 =	sld [smem:$0x3FA5]  }
0x28: {  	s2 =	sld [smem:$0x3FA6]  }
0x29: {  	s4 =	sld [smem:$0x3FA8]  }
0x2a: {  	p0 =	seq.s32 s5, $0x0;
	s5 =	sld [smem:$0x3FA9]  }
0x2b: {  	s6 =	sld [smem:$0x3FAA]  }
0x2c: {  	s7 =	sld [smem:$0x3FAB]  }
0x2d: {  	s3 =	simm.s32 $0x108;
	s8 =	sld [smem:$0x3FAC]  }
0x2e: {  	s3 =	simm.s32 @!p0 $0x1082;
	s9 =	sld [smem:$0x3FAD]  }
0x2f: {  	lr =	sadd.s32 s0, s3;
	s0 =	sld [smem:$0x3FA4]  }
0x30: {  	s3 =	sld [smem:$0x3FA7]  }
0x31: {  	[smem:$0x3FB0] =	sst s10  }
0x32: {  	s10 =	sld [smem:$0x3FAE];
	_ =	sdelay $0x3  }
0x33: {  	p0 =	seq.s32 s10, $0x1;
	s10 =	sld [smem:$0x3FB0];
	_ =	sdelay $0x3  }
0x34: {  	[smem:$0x3FB0] =	sst s10  }
0x35: {  	s10 =	sld [smem:$0x3FAF];
	_ =	sdelay $0x3  }
0x36: {  	p1 =	seq.s32 s10, $0x1;
	s10 =	sld [smem:$0x3FB0];
	_ =	sdelay $0x3  }
0x37: {  	[smem:$0x3FB0] =	sst s10  }
0x38: {  	s10 =	sld [smem:$0x3FB1]  }
0x39: {  	_ = 	snop;
	(pc) =	sbr.ind lr, $3  }
0x3a: {  	_ = 	snop  }
0x3b: {  	_ = 	snop  }
0x3c: {  	p2 =	seq.s32 s10, $0x1;
	s10 =	sld [smem:$0x3FB0]  }
0x3d: {  	_ =	shalt  }
0x3e: {  	_ =	shalt  }
0x3f: {  	_ =	shalt  }
0x40: {  	_ =	shalt  }
0x41: {  	_ =	shalt  }
0x42: {  	_ =	shalt  }
0x43: {  	_ =	shalt  }
0x44: {  	_ =	shalt  }
0x45: {  	_ =	shalt  }
0x46: {  	_ =	shalt  }
0x47: {  	_ =	shalt  }
0x48: {  	_ =	shalt  }
0x49: {  	_ =	shalt  }
0x4a: {  	_ =	shalt  }
0x4b: {  	_ =	shalt  }
0x4c: {  	_ =	shalt  }
0x4d: {  	_ =	shalt  }
0x4e: {  	_ =	shalt  }
0x4f: {  	_ =	shalt  }
0x50: {  	_ =	shalt  }
0x51: {  	_ =	shalt  }
0x52: {  	_ =	shalt  }
0x53: {  	_ =	shalt  }
0x54: {  	_ =	shalt  }
0x55: {  	_ =	shalt  }
0x56: {  	_ =	shalt  }
0x57: {  	_ =	shalt  }
0x58: {  	_ =	shalt  }
0x59: {  	_ =	shalt  }
0x5a: {  	_ =	shalt  }
0x5b: {  	_ =	shalt  }
0x5c: {  	_ =	shalt  }
0x5d: {  	_ =	shalt  }
0x5e: {  	_ =	shalt  }
0x5f: {  	_ =	shalt  }
0x60: {  	_ =	shalt  }
0x61: {  	_ =	shalt  }
0x62: {  	_ =	shalt  }
0x63: {  	_ =	shalt  }
0x64: {  	_ =	shalt  }
0x65: {  	_ =	shalt  }
0x66: {  	_ =	shalt  }
0x67: {  	_ =	shalt  }
0x68: {  	_ =	shalt  }
0x69: {  	_ =	shalt  }
0x6a: {  	_ =	shalt  }
0x6b: {  	_ =	shalt  }
0x6c: {  	_ =	shalt  }
0x6d: {  	_ =	shalt  }
0x6e: {  	_ =	shalt  }
0x6f: {  	_ =	shalt  }
0x70: {  	_ =	shalt  }
0x71: {  	_ =	shalt  }
0x72: {  	_ =	shalt  }
0x73: {  	_ =	shalt  }
0x74: {  	_ =	shalt  }
0x75: {  	_ =	shalt  }
0x76: {  	_ =	shalt  }
0x77: {  	_ =	shalt  }
0x78: {  	_ =	shalt  }
0x79: {  	_ =	shalt  }
0x7a: {  	_ =	shalt  }
0x7b: {  	_ =	shalt  }
0x7c: {  	_ =	shalt  }
0x7d: {  	_ =	shalt  }
0x7e: {  	_ =	shalt  }
0x7f: {  	_ =	shalt  }
0x80: {  	_ =	shalt  }
0x81: {  	_ =	shalt  }
0x82: {  	_ =	shalt  }
0x83: {  	_ =	shalt  }
0x84: {  	_ =	shalt  }
0x85: {  	_ =	shalt  }
0x86: {  	_ =	shalt  }
0x87: {  	_ =	shalt  }
.Lfunc_end0:
.L_simem_size_0:
called_computation.1_lowered:
.L_overlay_start_0:
0x88: {  	s2 =	sld [smem:$0x3FD9]  }
0x89: {  	s3 =	sld [smem:$0x3FFE];
	_ =	sdelay $0x1  }
0x8a: {  	s1 =	srdreg.scid  }
0x8b: {  	s0 =	sand.u32 $0x1, s1  }
0x8c: {  	s14 =	sshll.u32 s0, $0xA;
	s2 =	sadd.s32 s3, s2  }
0x8d: {  	s2 =	sadd.s32 s2, s14  }
0x8e: {  	[smem:$0x3FBC] =	sst s2  }
0x8f: {  	_ = 	snop  }
0x90: {  	s2 =	sld [smem:$0x3FD0];
	_ =	sdelay $0x2  }
0x91: {  	s15 =	simm.s32 $0xA;
	s4 =	simm.s32 $0x10  }
0x92: {  	[smem:s4], [sflag:s15] =	dma.local [hbm:s2], $0x1  }
0x93: {  	_ =	swait.eq [sflag:s15], $0x1  }
0x94: {  	[sflag:s15] =	ssyncset.done $0x0  }
0x95: {  	[sflag:s15] =	ssyncadd.s32 $0xFFFFFFFF  }
0x96: {  	s16 =	sld [smem:$0x11];
	(tm) =	ssettm $0x1  }
0x97: {  	s17 =	sld [smem:$0x3FFB];
	_ =	sdelay $0x3  }
0x98: {  	_ =	strace s17  }
0x99: {  	s3 =	sld [smem:$0x3FFC];
	_ =	sdelay $0x3  }
0x9a: {  	_ =	strace s3  }
0x9b: {  	s3 =	sld [smem:$0x3FFD];
	_ =	sdelay $0x3  }
0x9c: {  	_ =	strace s3  }
0x9d: {  	_ =	strace $0x8FFFFFFF  }
0x9e: {  	s18 =	sld [smem:$0x3FDB];
	_ =	sdelay $0x1  }
0x9f: {  	s19 =	simm.s32 $_scs_section_size  }
0xa0: {  	s5 =	simm.s32 $_size__tile_overlayer_lowered;
	s6 =	simm.s32 $_tile_overlayer_lowered  }
0xa1: {  	s22 =	simm.s32 $0x1BFF;
	s21 =	sshll.u32 s6, $0x1;
	s3 =	sadd.s32 s19, s18  }
0xa2: {  	s7 =	simm.s32 $0x0;
	s20 =	sshll.u32 s5, $0x1;
	s5 =	sadd.s32 s21, s3  }
0xa3: {  	[timem:s7], [sflag:s22] =	dma.local [hbm:s5], s20  }
0xa4: {  	_ =	swait.ge [sflag:s22], s20  }
0xa5: {  	s4 =	ssub.s32 $0x0, s20;
	[sflag:s22] =	ssyncset.done $0x0  }
0xa6: {  	[sflag:s22] =	ssyncadd.s32 s4;
	_ =	sdelay $0x1  }
0xa7: {  	s23 =	simm.s32 $0x1B8B  }
0xa8: {  	_ =	swait.ge [sflag:s23], $0x1  }
0xa9: {  	[sflag:s23] =	ssyncset.done $0x0  }
0xaa: {  	s25 =	simm.s32 $0x1B8E;
	s24 =	sld [smem:$0x3FFE];
	[sflag:s23] =	ssyncadd.s32 $0xFFFFFFFF  }
0xab: {  	s26 =	simm.s32 $execute0_lowered;
	[smem:$0x3FD2] =	sst s25  }
0xac: {  	s5 =	sshll.u32 s26, $0x1;
	_ =	strace $0x80000049;
	[dreg:$0x1] =	wrdreg $0xFFFFFFFF  }
0xad: {  	s28 =	simm.s32 $_size_execute0_lowered;
	s3 =	sadd.s32 s3, s5;
	[dreg:$0x0] =	wrdreg $0x0  }
0xae: {  	s5 =	sshll.u32 s28, $0x1;
	[dreg:$0x2] =	wrdreg s3  }
0xaf: {  	[dreg:$0x3] =	wrdreg s5  }
0xb0: {  	[dreg:$0x4] =	wrdreg $0xC0  }
0xb1: {  	_ =	task [dreg:s7], $0x5FFFF  }
0xb2: {  	[dreg:$0x1] =	wrdreg $0xFFFFFFFF  }
0xb3: {  	[dreg:$0x0] =	wrdreg $0x60  }
0xb4: {  	[dreg:$0x2] =	wrdreg s24  }
0xb5: {  	[dreg:$0x3] =	wrdreg s16  }
0xb6: {  	[dreg:$0x4] =	wrdreg $0x140000  }
0xb7: {  	[dreg:$0x5] =	wrdreg $0x9  }
0xb8: {  	_ =	task.clear_ibuf [dreg:s7], $0x6FFFF;
	_ =	strace $0x90000049  }
0xb9: {  	s29 =	simm.s32 $0x9;
	_ =	strace $0x8000004B  }
0xba: {  	_ =	swait.ge [sflag:s29], $0x1  }
0xbb: {  	[sflag:s29] =	ssyncadd.s32 $0xFFFFFFFF  }
0xbc: {  	_ =	strace $0x9000004B  }
0xbd: {  	_ =	sfence  }
0xbe: {  	s30 =	sld [smem:$0x0];
	_ =	sdelay $0x2  }
0xbf: {  	s31 =	sshll.u32 s1, $0xD;
	s1 =	sshrl.u32 s1, $0x2  }
0xc0: {  	s3 =	sand.u32 $0x4000, s31;
	s1 =	sadd.s32 s1, s30  }
0xc1: {  	s0 =	sor.u32 s3, s0;
	s1 =	sshll.u32 s1, $0x11  }
0xc2: {  	s0 =	sor.u32 s1, s0  }
0xc3: {  	s0 =	sadd.s32 $0x8F2B, s0  }
0xc4: {  	[sflag:s0] =	ssyncadd.remote.s32 $0x1  }
0xc5: {  	_ =	sfence.sel $0xFFFF  }
0xc6: {  	[dreg:$0x0] =	wrdreg $0xFFFFFFFF;
	(pc) =	sbr.abs _section_cstart, $3  }
0xc7: {  	[dreg:$0x1] =	wrdreg $0xFFFFFFFF  }
0xc8: {  	_ =	task.clear_ibuf [dreg:s7], $0x2FFFF;
	_ =	strace $0x9FFFFFFF  }
0xc9: {  	(tm) =	ssettm $0x7FFFFFFF  }
tec
execute0_lowered:
.L_overlay_start_1:
0x0: {  	(tag) =	ssettag $0x1  }
0x1: {  	s0 =	rddreg [dreg:$0x0]  }
0x2: {  	s1 =	rddreg [dreg:$0x1]  }
0x3: {  	s2 =	rddreg [dreg:$0x2]  }
0x4: {  	s10 =	stileid.u32;
	s4 =	srdreg.scid;
	s3 =	simm.s32 $0x0  }
0x5: {  	s28 =	simm.s32 $0x10000;
	s29 =	simm.s32 $0x2;
	s30 =	simm.s32 $0x4  }
0x6: {  	s31 =	simm.s32 $0x7;
	s5 =	smul.u32 $0x5000, s10;
	s6 =	sand.u32 $0x1, s4  }
0x7: {  	[smem:$0x7FF] =	sst s3;
	s4 =	sadd.s32 $0x5D600, s0;
	s11 =	smul.u32 $0xA000, s10  }
0x8: {  	s7 =	smul.u32 $0x50000, s6;
	_ =	strace $0x8000004A;
	s9 =	ssub.s32 $0x2, s6  }
0x9: {  	s6 =	smul.u32 $0xA0000, s6;
	s8 =	sshrl.u32 s5, $0x3;
	s15 =	sshrl.u32 s9, $0x1  }
0xa: {  	s17 =	sadd.s32 s11, s2;
	s18 =	sadd.s32 $0x2000, s11;
	s19 =	sadd.s32 $0x4000, s11  }
0xb: {  	s12 =	sadd.s32 $0x6000, s11;
	s13 =	sadd.s32 $0x8000, s11;
	s8 =	sadd.s32 s8, s0  }
0xc: {  	s5 =	sadd.s32 s5, s7;
	s0 =	sadd.s32 $0x85600, s0;
	s7 =	ssub.s32 s9, s15  }
0xd: {  	[dreg:$0x6] =	wrdreg s17;
	s20 =	sadd.s32 s18, s2;
	s9 =	sadd.s32 s19, s2  }
0xe: {  	s10 =	sadd.s32 s12, s2;
	s14 =	sadd.s32 s11, s6;
	s11 =	sadd.s32 s13, s2  }
0xf: {  	s22 =	sadd.s32 s6, s19;
	s23 =	sadd.s32 s6, s12;
	s12 =	simm.s32 $0xA  }
0x10: {  	s19 =	simm.s32 $0xC;
	s15 =	simm.s32 $0xE;
	s5 =	sshrl.u32 s5, $0x3  }
0x11: {  	s16 =	sadd.s32 $0x3600, s8;
	[dreg:$0x7] =	wrdreg s20;
	s14 =	sshrl.u32 s14, $0x3  }
0x12: {  	s24 =	sshrl.u32 s23, $0x3;
	s26 =	smax.u32 s7, $0x1;
	s20 =	simm.s32 $0xA000  }
0x13: {  	s23 =	simm.s32 $0x5;
	s1 =	sadd.s32 s1, s5;
	[dreg:$0x5] =	wrdreg s16  }
0x14: {  	s21 =	sadd.s32 s0, s14;
	[dreg:$0xd] =	wrdreg s26;
	s26 =	simm.s32 $0x6  }
0x15: {  	s5 =	simm.s32 $0x8;
	s14 =	simm.s32 $0xD;
	[dreg:$0x4] =	wrdreg s1  }
0x16: {  	s16 =	simm.s32 $0x0;
	s1 =	sadd.s32 s6, s18;
	[dreg:$0x8] =	wrdreg s21  }
0x17: {  	s6 =	sadd.s32 s6, s13;
	s18 =	simm.s32 $0xF;
	s1 =	sshrl.u32 s1, $0x3  }
0x18: {  	s21 =	simm.s32 $0x80;
	s13 =	simm.s32 $0xB;
	s1 =	sadd.s32 s0, s1  }
0x19: {  	s25 =	sshrl.u32 s6, $0x3;
	[dreg:$0x9] =	wrdreg s1;
	s1 =	sshrl.u32 s22, $0x3  }
0x1a: {  	s6 =	simm.s32 $0x9;
	s22 =	simm.s32 $0xC000;
	s1 =	sadd.s32 s0, s1  }
0x1b: {  	[dreg:$0xa] =	wrdreg s1;
	s1 =	sadd.s32 s0, s24;
	s0 =	sadd.s32 s0, s25  }
0x1c: {  	s24 =	simm.s32 $0xE000;
	s25 =	simm.s32 $0x1;
	[dreg:$0xb] =	wrdreg s1  }
0x1d: {  	v0 =	vimm.f32 $0.0e+00;
	[dreg:$0xc] =	wrdreg s0;
	s0 =	simm.s32 $0x12000;
	s1 =	simm.s32 $0x3  }
.LBB2_1:
0x1e: {  	s7 =	rddreg [dreg:$0x4]  }
0x1f: {  	[tilespmem:s3], [sflag:$0xF] =	stream.linear.gather [hbm4b:s7+s3], $0x5000, $0x38;
	[tilespmem:$0x1E000] =	vst v63  }
0x20: {  	_ =	swait.ge [sflag:s18], $0x5000  }
0x21: {  	[sflag:s18] =	ssyncset.done $0x0  }
0x22: {  	s8 =	simm.s32 $0x5000;
	s17 =	rddreg [dreg:$0x5];
	[sflag:s18] =	ssyncadd.s32 $0xFFFFB000  }
0x23: {  	[tilespmem:s8], [sflag:$0xF] =	stream.linear.gather [hbm4b:s17+s3], $0x5000, $0x38;
	[tilespmem:$0x1E000] =	vst v63  }
0x24: {  	_ =	swait.ge [sflag:s18], $0x5000  }
0x25: {  	[sflag:s18] =	ssyncset.done $0x0  }
0x26: {  	s7 =	simm.s32 $0x0;
	s17 =	simm.s32 $0x100;
	[sflag:s18] =	ssyncadd.s32 $0xFFFFB000  }
.LBB2_2:
0x27: {  	p0 =	sne.s32 s17, $0x7F00;
	[tilespmem:s7+$0xA030] =	vst v0;
	s8 =	smov.u32 s17;
	s17 =	sadd.s32 $0x100, s17  }
.Ltmp0:
0x28: {  	[tilespmem:s7+$0xA020] =	vst v0;
	(pc) =	sbr.rel @p0 .LBB2_2-.Ltmp0, $3  }
0x29: {  	[tilespmem:s7+$0xA000] =	vst v0  }
0x2a: {  	[tilespmem:s7+$0xA010] =	vst v0;
	_ =	sdelay $0x1  }
0x2b: {  	s7 =	sshra.s32 s8, $0x2  }
0x2c: {  	[tilespmem:s7+$0xA030] =	vst v0  }
0x2d: {  	[tilespmem:s7+$0xA020] =	vst v0  }
0x2e: {  	[tilespmem:s7+$0xA000] =	vst v0  }
0x2f: {  	[tilespmem:s7+$0xA010] =	vst v0;
	s8 =	rddreg [dreg:$0x6]  }
0x30: {  	[spmem:s8] =	stream.linear.scatter [tilespmem:s20], [sflag:$0xF], $0x2000, $0x38;
	[tilespmem:$0x1E000] =	vst v63  }
0x31: {  	_ =	swait.ge [sflag:s18], $0x2000  }
0x32: {  	[sflag:s18] =	ssyncset.done $0x0  }
0x33: {  	s17 =	rddreg [dreg:$0x7];
	[sflag:s18] =	ssyncadd.s32 $0xFFFFE000  }
0x34: {  	[spmem:s17] =	stream.linear.scatter [tilespmem:s20], [sflag:$0xF], $0x2000, $0x38;
	[tilespmem:$0x1E000] =	vst v63  }
0x35: {  	_ =	swait.ge [sflag:s18], $0x2000  }
0x36: {  	[sflag:s18] =	ssyncset.done $0x0  }
0x37: {  	[sflag:s18] =	ssyncadd.s32 $0xFFFFE000  }
0x38: {  	[spmem:s9] =	stream.linear.scatter [tilespmem:s20], [sflag:$0xF], $0x2000, $0x38;
	[tilespmem:$0x1E000] =	vst v63  }
0x39: {  	_ =	swait.ge [sflag:s18], $0x2000  }
0x3a: {  	[sflag:s18] =	ssyncset.done $0x0  }
0x3b: {  	[sflag:s18] =	ssyncadd.s32 $0xFFFFE000  }
0x3c: {  	[spmem:s10] =	stream.linear.scatter [tilespmem:s20], [sflag:$0xF], $0x2000, $0x38;
	[tilespmem:$0x1E000] =	vst v63  }
0x3d: {  	_ =	swait.ge [sflag:s18], $0x2000  }
0x3e: {  	[sflag:s18] =	ssyncset.done $0x0  }
0x3f: {  	[sflag:s18] =	ssyncadd.s32 $0xFFFFE000  }
0x40: {  	[spmem:s11] =	stream.linear.scatter [tilespmem:s20], [sflag:$0xF], $0x2000, $0x38;
	[tilespmem:$0x1E000] =	vst v63  }
0x41: {  	_ =	swait.ge [sflag:s18], $0x2000  }
0x42: {  	[sflag:s18] =	ssyncset.done $0x0  }
0x43: {  	[sflag:s18] =	ssyncadd.s32 $0xFFFFE000  }
0x44: {  	s8 =	simm.s32 $0x0;
	[bflag:$0x0] =	sbarrier.arrive $0xFFFF  }
0x45: {  	[tilespmem:s20], [sflag:$0x1] =	stream.indirect.gather [hbm4b:s4+s21], $0x40, s8, s21, $0xb8;
	[tilespmem:$0x1E000] =	vst v63  }
0x46: {  	_ = 	snop  }
0x47: {  	[tilespmem:s22], [sflag:$0x2] =	stream.indirect.gather [hbm4b:s4+s21], $0x40, s21, s21, $0xb8;
	[tilespmem:$0x1E000] =	vst v63  }
0x48: {  	s17 =	simm.s32 $0x100  }
0x49: {  	[tilespmem:s24], [sflag:$0x3] =	stream.indirect.gather [hbm4b:s4+s21], $0x40, s17, s21, $0xb8;
	[tilespmem:$0x1E000] =	vst v63  }
0x4a: {  	_ =	swait.ge [sflag:s25], $0x2000  }
0x4b: {  	[sflag:s25] =	ssyncset.done $0x0  }
0x4c: {  	s8 =	simm.s32 $0x5000;
	[sflag:s25] =	ssyncadd.s32 $0xFFFFE000  }
0x4d: {  	[spmem:s2] =	stream.indirect.scatter.add.f32 [tilespmem:s20], [sflag:$0x6], $0x40, s8, s21, $0xb8;
	[tilespmem:$0x1E000] =	vst v63  }
0x4e: {  	s17 =	simm.s32 $0x180  }
0x4f: {  	[tilespmem:s28], [sflag:$0x4] =	stream.indirect.gather [hbm4b:s4+s21], $0x40, s17, s21, $0xb8;
	[tilespmem:$0x1E000] =	vst v63  }
0x50: {  	_ =	swait.ge [sflag:s29], $0x2000  }
0x51: {  	[sflag:s29] =	ssyncset.done $0x0  }
0x52: {  	s8 =	simm.s32 $0x5080;
	[sflag:s29] =	ssyncadd.s32 $0xFFFFE000  }
0x53: {  	[spmem:s2] =	stream.indirect.scatter.add.f32 [tilespmem:s22], [sflag:$0x7], $0x40, s8, s21, $0xb8;
	[tilespmem:$0x1E000] =	vst v63  }
0x54: {  	s17 =	simm.s32 $0x200  }
0x55: {  	[tilespmem:s0], [sflag:$0x5] =	stream.indirect.gather [hbm4b:s4+s21], $0x40, s17, s21, $0xb8;
	[tilespmem:$0x1E000] =	vst v63  }
0x56: {  	_ =	swait.ge [sflag:s1], $0x2000  }
0x57: {  	[sflag:s1] =	ssyncset.done $0x0  }
0x58: {  	s8 =	simm.s32 $0x5100;
	[sflag:s1] =	ssyncadd.s32 $0xFFFFE000  }
0x59: {  	[spmem:s2] =	stream.indirect.scatter.add.f32 [tilespmem:s24], [sflag:$0x8], $0x40, s8, s21, $0xb8;
	[tilespmem:$0x1E000] =	vst v63  }
0x5a: {  	_ =	swait.ge [sflag:s26], $0x2000  }
0x5b: {  	[sflag:s26] =	ssyncset.done $0x0  }
0x5c: {  	s17 =	simm.s32 $0x280;
	[sflag:s26] =	ssyncadd.s32 $0xFFFFE000  }
0x5d: {  	[tilespmem:s20], [sflag:$0x1] =	stream.indirect.gather [hbm4b:s4+s21], $0x40, s17, s21, $0xb8;
	[tilespmem:$0x1E000] =	vst v63  }
0x5e: {  	_ =	swait.ge [sflag:s30], $0x2000  }
0x5f: {  	[sflag:s30] =	ssyncset.done $0x0  }
0x60: {  	s8 =	simm.s32 $0x5180;
	[sflag:s30] =	ssyncadd.s32 $0xFFFFE000  }
0x61: {  	[spmem:s2] =	stream.indirect.scatter.add.f32 [tilespmem:s28], [sflag:$0x9], $0x40, s8, s21, $0xb8;
	[tilespmem:$0x1E000] =	vst v63  }
0x62: {  	_ =	swait.ge [sflag:s31], $0x2000  }
0x63: {  	[sflag:s31] =	ssyncset.done $0x0  }
0x64: {  	s17 =	simm.s32 $0x300;
	[sflag:s31] =	ssyncadd.s32 $0xFFFFE000  }
0x65: {  	[tilespmem:s22], [sflag:$0x2] =	stream.indirect.gather [hbm4b:s4+s21], $0x40, s17, s21, $0xb8;
	[tilespmem:$0x1E000] =	vst v63  }
0x66: {  	_ =	swait.ge [sflag:s23], $0x2000  }
0x67: {  	[sflag:s23] =	ssyncset.done $0x0  }
0x68: {  	s8 =	simm.s32 $0x5200;
	[sflag:s23] =	ssyncadd.s32 $0xFFFFE000  }
0x69: {  	[spmem:s2] =	stream.indirect.scatter.add.f32 [tilespmem:s0], [sflag:$0xA], $0x40, s8, s21, $0xb8;
	[tilespmem:$0x1E000] =	vst v63  }
0x6a: {  	_ =	swait.ge [sflag:s5], $0x2000  }
0x6b: {  	[sflag:s5] =	ssyncset.done $0x0  }
0x6c: {  	s17 =	simm.s32 $0x380;
	[sflag:s5] =	ssyncadd.s32 $0xFFFFE000  }
0x6d: {  	[tilespmem:s24], [sflag:$0x3] =	stream.indirect.gather [hbm4b:s4+s21], $0x40, s17, s21, $0xb8;
	[tilespmem:$0x1E000] =	vst v63  }
0x6e: {  	_ =	swait.ge [sflag:s25], $0x2000  }
0x6f: {  	[sflag:s25] =	ssyncset.done $0x0  }
0x70: {  	s8 =	simm.s32 $0x5280;
	[sflag:s25] =	ssyncadd.s32 $0xFFFFE000  }
0x71: {  	[spmem:s2] =	stream.indirect.scatter.add.f32 [tilespmem:s20], [sflag:$0x6], $0x40, s8, s21, $0xb8;
	[tilespmem:$0x1E000] =	vst v63  }
0x72: {  	_ =	swait.ge [sflag:s6], $0x2000  }
0x73: {  	[sflag:s6] =	ssyncset.done $0x0  }
0x74: {  	s17 =	simm.s32 $0x400;
	[sflag:s6] =	ssyncadd.s32 $0xFFFFE000  }
0x75: {  	[tilespmem:s28], [sflag:$0x4] =	stream.indirect.gather [hbm4b:s4+s21], $0x40, s17, s21, $0xb8;
	[tilespmem:$0x1E000] =	vst v63  }
0x76: {  	_ =	swait.ge [sflag:s29], $0x2000  }
0x77: {  	[sflag:s29] =	ssyncset.done $0x0  }
0x78: {  	s8 =	simm.s32 $0x5300;
	[sflag:s29] =	ssyncadd.s32 $0xFFFFE000  }
0x79: {  	[spmem:s2] =	stream.indirect.scatter.add.f32 [tilespmem:s22], [sflag:$0x7], $0x40, s8, s21, $0xb8;
	[tilespmem:$0x1E000] =	vst v63  }
0x7a: {  	_ =	swait.ge [sflag:s12], $0x2000  }
0x7b: {  	[sflag:s12] =	ssyncset.done $0x0  }
0x7c: {  	s17 =	simm.s32 $0x480;
	[sflag:s12] =	ssyncadd.s32 $0xFFFFE000  }
0x7d: {  	[tilespmem:s0], [sflag:$0x5] =	stream.indirect.gather [hbm4b:s4+s21], $0x40, s17, s21, $0xb8;
	[tilespmem:$0x1E000] =	vst v63  }
0x7e: {  	_ =	swait.ge [sflag:s1], $0x2000  }
0x7f: {  	[sflag:s1] =	ssyncset.done $0x0  }
0x80: {  	s7 =	simm.s32 $0x5380;
	s17 =	simm.s32 $0xA00;
	[sflag:s1] =	ssyncadd.s32 $0xFFFFE000  }
.LBB2_4:
0x81: {  	[spmem:s2] =	stream.indirect.scatter.add.f32 [tilespmem:s24], [sflag:$0x8], $0x40, s7, s21, $0xb8;
	[tilespmem:$0x1E000] =	vst v63  }
0x82: {  	s7 =	smov.u32 s17  }
0x83: {  	p0 =	sne.s32 s17, $0x12C00;
	s17 =	sadd.s32 $0xA00, s17;
	_ =	swait.ge [sflag:s26], $0x2000  }
0x84: {  	s7 =	sshra.s32 s7, $0x2;
	[sflag:s26] =	ssyncset.done $0x0  }
0x85: {  	s8 =	sadd.s32 $0x280, s7;
	[sflag:s26] =	ssyncadd.s32 $0xFFFFE000  }
0x86: {  	[tilespmem:s20], [sflag:$0x1] =	stream.indirect.gather [hbm4b:s4+s21], $0x40, s8, s21, $0xb8;
	[tilespmem:$0x1E000] =	vst v63  }
0x87: {  	_ =	swait.ge [sflag:s30], $0x2000  }
0x88: {  	[sflag:s30] =	ssyncset.done $0x0  }
0x89: {  	s8 =	sadd.s32 $0x5180, s7;
	[sflag:s30] =	ssyncadd.s32 $0xFFFFE000  }
0x8a: {  	[spmem:s2] =	stream.indirect.scatter.add.f32 [tilespmem:s28], [sflag:$0x9], $0x40, s8, s21, $0xb8;
	[tilespmem:$0x1E000] =	vst v63  }
0x8b: {  	_ =	swait.ge [sflag:s31], $0x2000  }
0x8c: {  	[sflag:s31] =	ssyncset.done $0x0  }
0x8d: {  	s8 =	sadd.s32 $0x300, s7;
	[sflag:s31] =	ssyncadd.s32 $0xFFFFE000  }
0x8e: {  	[tilespmem:s22], [sflag:$0x2] =	stream.indirect.gather [hbm4b:s4+s21], $0x40, s8, s21, $0xb8;
	[tilespmem:$0x1E000] =	vst v63  }
0x8f: {  	_ =	swait.ge [sflag:s23], $0x2000  }
0x90: {  	[sflag:s23] =	ssyncset.done $0x0  }
0x91: {  	s8 =	sadd.s32 $0x5200, s7;
	[sflag:s23] =	ssyncadd.s32 $0xFFFFE000  }
0x92: {  	[spmem:s2] =	stream.indirect.scatter.add.f32 [tilespmem:s0], [sflag:$0xA], $0x40, s8, s21, $0xb8;
	[tilespmem:$0x1E000] =	vst v63  }
0x93: {  	_ =	swait.ge [sflag:s5], $0x2000  }
0x94: {  	[sflag:s5] =	ssyncset.done $0x0  }
0x95: {  	s8 =	sadd.s32 $0x380, s7;
	[sflag:s5] =	ssyncadd.s32 $0xFFFFE000  }
0x96: {  	[tilespmem:s24], [sflag:$0x3] =	stream.indirect.gather [hbm4b:s4+s21], $0x40, s8, s21, $0xb8;
	[tilespmem:$0x1E000] =	vst v63  }
0x97: {  	_ =	swait.ge [sflag:s25], $0x2000  }
0x98: {  	[sflag:s25] =	ssyncset.done $0x0  }
0x99: {  	s8 =	sadd.s32 $0x5280, s7;
	[sflag:s25] =	ssyncadd.s32 $0xFFFFE000  }
0x9a: {  	[spmem:s2] =	stream.indirect.scatter.add.f32 [tilespmem:s20], [sflag:$0x6], $0x40, s8, s21, $0xb8;
	[tilespmem:$0x1E000] =	vst v63  }
0x9b: {  	_ =	swait.ge [sflag:s6], $0x2000  }
0x9c: {  	[sflag:s6] =	ssyncset.done $0x0  }
0x9d: {  	s8 =	sadd.s32 $0x400, s7;
	[sflag:s6] =	ssyncadd.s32 $0xFFFFE000  }
0x9e: {  	[tilespmem:s28], [sflag:$0x4] =	stream.indirect.gather [hbm4b:s4+s21], $0x40, s8, s21, $0xb8;
	[tilespmem:$0x1E000] =	vst v63  }
0x9f: {  	_ =	swait.ge [sflag:s29], $0x2000  }
0xa0: {  	[sflag:s29] =	ssyncset.done $0x0  }
0xa1: {  	s8 =	sadd.s32 $0x5300, s7;
	[sflag:s29] =	ssyncadd.s32 $0xFFFFE000  }
0xa2: {  	[spmem:s2] =	stream.indirect.scatter.add.f32 [tilespmem:s22], [sflag:$0x7], $0x40, s8, s21, $0xb8;
	[tilespmem:$0x1E000] =	vst v63  }
0xa3: {  	_ =	swait.ge [sflag:s12], $0x2000  }
0xa4: {  	[sflag:s12] =	ssyncset.done $0x0  }
.Ltmp1:
0xa5: {  	s8 =	sadd.s32 $0x480, s7;
	[sflag:s12] =	ssyncadd.s32 $0xFFFFE000;
	(pc) =	sbr.rel @p0 .LBB2_4-.Ltmp1, $4  }
0xa6: {  	[tilespmem:s0], [sflag:$0x5] =	stream.indirect.gather [hbm4b:s4+s21], $0x40, s8, s21, $0xb8;
	[tilespmem:$0x1E000] =	vst v63  }
0xa7: {  	_ =	swait.ge [sflag:s1], $0x2000  }
0xa8: {  	[sflag:s1] =	ssyncset.done $0x0  }
0xa9: {  	s7 =	sadd.s32 $0x5380, s7;
	[sflag:s1] =	ssyncadd.s32 $0xFFFFE000  }
0xaa: {  	[spmem:s2] =	stream.indirect.scatter.add.f32 [tilespmem:s24], [sflag:$0x8], $0x40, s7, s21, $0xb8;
	[tilespmem:$0x1E000] =	vst v63  }
0xab: {  	_ =	swait.ge [sflag:s30], $0x2000  }
0xac: {  	[sflag:s30] =	ssyncset.done $0x0  }
0xad: {  	s8 =	simm.s32 $0x9F00;
	[sflag:s30] =	ssyncadd.s32 $0xFFFFE000  }
0xae: {  	[spmem:s2] =	stream.indirect.scatter.add.f32 [tilespmem:s28], [sflag:$0x9], $0x40, s8, s21, $0xb8;
	[tilespmem:$0x1E000] =	vst v63  }
0xaf: {  	_ =	swait.ge [sflag:s23], $0x2000  }
0xb0: {  	[sflag:s23] =	ssyncset.done $0x0  }
0xb1: {  	s17 =	simm.s32 $0x9F80;
	[sflag:s23] =	ssyncadd.s32 $0xFFFFE000  }
0xb2: {  	[spmem:s2] =	stream.indirect.scatter.add.f32 [tilespmem:s0], [sflag:$0xA], $0x40, s17, s21, $0xb8;
	[tilespmem:$0x1E000] =	vst v63  }
0xb3: {  	_ =	swait.ge [sflag:s26], $0x2000  }
0xb4: {  	[sflag:s26] =	ssyncset.done $0x0  }
0xb5: {  	[sflag:s26] =	ssyncadd.s32 $0xFFFFE000  }
0xb6: {  	_ =	swait.ge [sflag:s31], $0x2000  }
0xb7: {  	[sflag:s31] =	ssyncset.done $0x0  }
0xb8: {  	[sflag:s31] =	ssyncadd.s32 $0xFFFFE000  }
0xb9: {  	_ =	swait.ge [sflag:s5], $0x2000  }
0xba: {  	[sflag:s5] =	ssyncset.done $0x0  }
0xbb: {  	[sflag:s5] =	ssyncadd.s32 $0xFFFFE000  }
0xbc: {  	_ =	swait.ge [sflag:s6], $0x2000  }
0xbd: {  	[sflag:s6] =	ssyncset.done $0x0  }
0xbe: {  	[sflag:s6] =	ssyncadd.s32 $0xFFFFE000  }
0xbf: {  	_ =	swait.ge [sflag:s12], $0x2000  }
0xc0: {  	[sflag:s12] =	ssyncset.done $0x0  }
0xc1: {  	[sflag:s12] =	ssyncadd.s32 $0xFFFFE000  }
0xc2: {  	[bflag:$0x0] =	sbarrier.arrive $0xFFFF  }
0xc3: {  	s8 =	rddreg [dreg:$0x6]  }
0xc4: {  	[tilespmem:s20], [sflag:$0xB] =	stream.linear.gather [spmem:s8], $0x2000, $0x38;
	[tilespmem:$0x1E000] =	vst v63  }
0xc5: {  	s17 =	rddreg [dreg:$0x7]  }
0xc6: {  	[tilespmem:s22], [sflag:$0xC] =	stream.linear.gather [spmem:s17], $0x2000, $0x38;
	[tilespmem:$0x1E000] =	vst v63  }
0xc7: {  	_ =	swait.ge [sflag:s13], $0x2000  }
0xc8: {  	[sflag:s13] =	ssyncset.done $0x0  }
0xc9: {  	s8 =	rddreg [dreg:$0x8];
	[sflag:s13] =	ssyncadd.s32 $0xFFFFE000  }
0xca: {  	[hbm4b:s8+s3] =	stream.linear.scatter [tilespmem:s20], [sflag:$0xD], $0x2000, $0x38;
	[tilespmem:$0x1E000] =	vst v63  }
0xcb: {  	_ =	swait.ge [sflag:s14], $0x2000  }
0xcc: {  	[sflag:s14] =	ssyncset.done $0x0  }
0xcd: {  	[sflag:s14] =	ssyncadd.s32 $0xFFFFE000  }
0xce: {  	[tilespmem:s20], [sflag:$0xB] =	stream.linear.gather [spmem:s9], $0x2000, $0x38;
	[tilespmem:$0x1E000] =	vst v63  }
0xcf: {  	_ =	swait.ge [sflag:s19], $0x2000  }
0xd0: {  	[sflag:s19] =	ssyncset.done $0x0  }
0xd1: {  	s17 =	rddreg [dreg:$0x9];
	[sflag:s19] =	ssyncadd.s32 $0xFFFFE000  }
0xd2: {  	[hbm4b:s17+s3] =	stream.linear.scatter [tilespmem:s22], [sflag:$0xE], $0x2000, $0x38;
	[tilespmem:$0x1E000] =	vst v63  }
0xd3: {  	_ =	swait.ge [sflag:s15], $0x2000  }
0xd4: {  	[sflag:s15] =	ssyncset.done $0x0  }
0xd5: {  	[sflag:s15] =	ssyncadd.s32 $0xFFFFE000  }
0xd6: {  	[tilespmem:s22], [sflag:$0xC] =	stream.linear.gather [spmem:s10], $0x2000, $0x38;
	[tilespmem:$0x1E000] =	vst v63  }
0xd7: {  	_ =	swait.ge [sflag:s13], $0x2000  }
0xd8: {  	[sflag:s13] =	ssyncset.done $0x0  }
0xd9: {  	s8 =	rddreg [dreg:$0xa];
	[sflag:s13] =	ssyncadd.s32 $0xFFFFE000  }
0xda: {  	[hbm4b:s8+s3] =	stream.linear.scatter [tilespmem:s20], [sflag:$0xD], $0x2000, $0x38;
	[tilespmem:$0x1E000] =	vst v63  }
0xdb: {  	_ =	swait.ge [sflag:s14], $0x2000  }
0xdc: {  	[sflag:s14] =	ssyncset.done $0x0  }
0xdd: {  	[sflag:s14] =	ssyncadd.s32 $0xFFFFE000  }
0xde: {  	[tilespmem:s20], [sflag:$0xB] =	stream.linear.gather [spmem:s11], $0x2000, $0x38;
	[tilespmem:$0x1E000] =	vst v63  }
0xdf: {  	_ =	swait.ge [sflag:s19], $0x2000  }
0xe0: {  	[sflag:s19] =	ssyncset.done $0x0  }
0xe1: {  	s17 =	rddreg [dreg:$0xb];
	[sflag:s19] =	ssyncadd.s32 $0xFFFFE000  }
0xe2: {  	[hbm4b:s17+s3] =	stream.linear.scatter [tilespmem:s22], [sflag:$0xE], $0x2000, $0x38;
	[tilespmem:$0x1E000] =	vst v63  }
0xe3: {  	_ =	swait.ge [sflag:s13], $0x2000  }
0xe4: {  	[sflag:s13] =	ssyncset.done $0x0  }
0xe5: {  	s8 =	rddreg [dreg:$0xc];
	[sflag:s13] =	ssyncadd.s32 $0xFFFFE000  }
0xe6: {  	[hbm4b:s8+s3] =	stream.linear.scatter [tilespmem:s20], [sflag:$0xD], $0x2000, $0x38;
	[tilespmem:$0x1E000] =	vst v63  }
0xe7: {  	_ =	swait.ge [sflag:s15], $0x2000  }
0xe8: {  	[sflag:s15] =	ssyncset.done $0x0  }
0xe9: {  	[sflag:s15] =	ssyncadd.s32 $0xFFFFE000  }
0xea: {  	_ =	swait.ge [sflag:s14], $0x2000  }
0xeb: {  	s16 =	sadd.s32 $0x1, s16;
	s17 =	rddreg [dreg:$0xd]  }
0xec: {  	p0 =	sne.s32 s16, s17  }
.Ltmp2:
0xed: {  	_ = 	snop;
	(pc) =	sbr.rel @p0 .LBB2_1-.Ltmp2, $3  }
0xee: {  	_ =	sdelay $0x1  }
0xef: {  	[sflag:s14] =	ssyncset.done $0x0  }
0xf0: {  	[sflag:s14] =	ssyncadd.s32 $0xFFFFE000  }
0xf1: {  	_ =	sfence.sel $0x180000  }
0xf2: {  	[bflag:$0x0] =	sbarrier.arrive $0xFFFF  }
0xf3: {  	_ =	strace $0x9000004A  }
0xf4: {  	s0 =	stileid.u32;
	[bflag:$0x2] =	sbarrier.arrive $0xFFFF  }
0xf5: {  	p0 =	sne.s32 s0, $0x0;
	s0 =	rddreg [dreg:$0x3]  }
0xf6: {  	s0 =	sadd.s32 @!p0 $0x100000, s0  }
0xf7: {  	[sflag:s0] =	ssyncadd.tile.s32 @!p0 $0x1;
	_ =	shalt  }
.Lfunc_end2:
_tile_overlayer_lowered:
.L_overlay_start_2:
0xf8: {  	(tag) =	ssettag $0x2  }
0xf9: {  	s0 =	rddreg [dreg:$0x0];
	s2 =	stileid.u32  }
0xfa: {  	s1 =	rddreg [dreg:$0x1];
	p0 =	sne.s32 s2, $0x0  }
0xfb: {  	s3 =	rddreg [dreg:$0x2];
	[bflag:$0x3] =	sbarrier.arrive $0xFFFF;
	s2 =	simm.s32 @!p0 $0x1C0F  }
0xfc: {  	[timem:s3], [sflag:s2] =	dma.local @!p0 [hbm:s0], s1  }
0xfd: {  	s0 =	simm.s32 @!p0 $0xF  }
0xfe: {  	_ =	swait.ge @!p0 [sflag:s0], s1  }
0xff: {  	s1 =	ssub.s32 @!p0 $0x0, s1;
	[sflag:s0] =	ssyncset.done @!p0 $0x0  }
0x100: {  	[sflag:s0] =	ssyncadd.s32 @!p0 s1  }
0x101: {  	[bflag:$0x3] =	sbarrier.arrive $0xFFFF  }
0x102: {  	_ =	shalt  }

// kernel: kernel.16.cloned.1.call-start
scs
__scs_entry_jumppad:
0x0: {  	(pc) =	sbr.rel $0x88, $3  }
0x1: {  	(tag) =	ssettag $0x0;
	lr =	simm.s32 $0x1  }
0x2: {  	[smem:$0x3F95] =	sst lr;
	_ =	strace $0xD0000000  }
0x3: {  	_ = 	snop  }
0x4: {  	_ = 	snop  }
0x5: {  	_ = 	snop  }
0x6: {  	_ = 	snop  }
0x7: {  	_ = 	snop  }
__scs_overlays_trampoline_lowered:
0x8: {  	[smem:$0x3FA4] =	sst s0  }
0x9: {  	[smem:$0x3FA5] =	sst s1  }
0xa: {  	[smem:$0x3FA6] =	sst s2  }
0xb: {  	[smem:$0x3FA7] =	sst s3  }
0xc: {  	[smem:$0x3FA8] =	sst s4  }
0xd: {  	[smem:$0x3FA9] =	sst s5  }
0xe: {  	[smem:$0x3FAA] =	sst s6  }
0xf: {  	[smem:$0x3FAB] =	sst s7  }
0x10: {  	[smem:$0x3FAC] =	sst s8  }
0x11: {  	[smem:$0x3FAD] =	sst s9;
	s0 =	simm.s32 @!p0 $0x0  }
0x12: {  	s1 =	sld [smem:$0x3F93];
	s0 =	simm.s32 @p0 $0x1  }
0x13: {  	[smem:$0x3FAE] =	sst s0;
	s0 =	simm.s32 @!p1 $0x0  }
0x14: {  	s2 =	sld [smem:$0x3F92];
	s0 =	simm.s32 @p1 $0x1  }
0x15: {  	[smem:$0x3FAF] =	sst s0;
	s0 =	simm.s32 @!p2 $0x0  }
0x16: {  	s3 =	sld [smem:$0x3FDB];
	s0 =	simm.s32 @p2 $0x1  }
0x17: {  	s4 =	simm.s32 $0x1BF5;
	[smem:$0x3FB1] =	sst s0  }
0x18: {  	s0 =	sld [smem:$0x3F94];
	_ =	swait.ge [sflag:s4], $0x0  }
0x19: {  	s7 =	sld [smem:$0x3F95]  }
0x1a: {  	s8 =	sadd.s32 $0xFFFFE003, lr  }
0x1b: {  	s9 =	sadd.s32 $0xFFFFFEF7, lr;
	s5 =	simm.s32 $0xFFFFFFFF;
	p2 =	slt.u32 s8, $0xFFFFF086  }
0x1c: {  	p1 =	slt.u32 s9, $0xF7A;
	s5 =	simm.s32 @!p2 $0x0  }
0x1d: {  	s5 =	simm.s32 @p1 $0x1;
	p0 =	seq.s32 s7, s2  }
0x1e: {  	s7 =	smul.u32 @!p0 $0xF7A, s2;
	p2 =	seq.s32 @!p0 s5, $0x0  }
0x1f: {  	s9 =	smul.u32 $0xF7A, s1;
	s8 =	simm.s32 @!p0 $0x1BF5;
	p2 =	por !p2, p0  }
0x20: {  	[sflag:s8] =	ssyncset.s32 @!p0 $0xFFFFF086;
	s6 =	sadd.s32 @!p0 s3, s7;
	s7 =	simm.s32 @!p0 $0x108  }
0x21: {  	s3 =	sadd.s32 s3, s9;
	s6 =	sadd.s32 @!p0 $0x88, s6;
	s7 =	simm.s32 @p2 $0x1082  }
0x22: {  	[simem:s7], [sflag:s8] =	dma.local @!p0 [hbm:s6], $0xF7A  }
0x23: {  	s9 =	sor.u32 $0xD0000000, s2;
	s6 =	simm.s32 $0x108;
	_ =	swait.ge @!p0 [sflag:s8], $0x0  }
0x24: {  	s3 =	sadd.s32 $0x88, s3;
	s6 =	simm.s32 @!p1 $0x1082;
	[sflag:s4] =	ssyncset.s32 $0xFFFFF086  }
0x25: {  	[simem:s6], [sflag:s4] =	dma.local [hbm:s3], $0xF7A  }
0x26: {  	[smem:$0x3F95] =	sst s1;
	(tag) =	ssettag s2;
	_ =	strace s9  }
0x27: {  	s1 =	sld [smem:$0x3FA5]  }
0x28: {  	s2 =	sld [smem:$0x3FA6]  }
0x29: {  	s4 =	sld [smem:$0x3FA8]  }
0x2a: {  	p0 =	seq.s32 s5, $0x0;
	s5 =	sld [smem:$0x3FA9]  }
0x2b: {  	s6 =	sld [smem:$0x3FAA]  }
0x2c: {  	s7 =	sld [smem:$0x3FAB]  }
0x2d: {  	s3 =	simm.s32 $0x108;
	s8 =	sld [smem:$0x3FAC]  }
0x2e: {  	s3 =	simm.s32 @!p0 $0x1082;
	s9 =	sld [smem:$0x3FAD]  }
0x2f: {  	lr =	sadd.s32 s0, s3;
	s0 =	sld [smem:$0x3FA4]  }
0x30: {  	s3 =	sld [smem:$0x3FA7]  }
0x31: {  	[smem:$0x3FB0] =	sst s10  }
0x32: {  	s10 =	sld [smem:$0x3FAE];
	_ =	sdelay $0x3  }
0x33: {  	p0 =	seq.s32 s10, $0x1;
	s10 =	sld [smem:$0x3FB0];
	_ =	sdelay $0x3  }
0x34: {  	[smem:$0x3FB0] =	sst s10  }
0x35: {  	s10 =	sld [smem:$0x3FAF];
	_ =	sdelay $0x3  }
0x36: {  	p1 =	seq.s32 s10, $0x1;
	s10 =	sld [smem:$0x3FB0];
	_ =	sdelay $0x3  }
0x37: {  	[smem:$0x3FB0] =	sst s10  }
0x38: {  	s10 =	sld [smem:$0x3FB1]  }
0x39: {  	_ = 	snop;
	(pc) =	sbr.ind lr, $3  }
0x3a: {  	_ = 	snop  }
0x3b: {  	_ = 	snop  }
0x3c: {  	p2 =	seq.s32 s10, $0x1;
	s10 =	sld [smem:$0x3FB0]  }
0x3d: {  	_ =	shalt  }
0x3e: {  	_ =	shalt  }
0x3f: {  	_ =	shalt  }
0x40: {  	_ =	shalt  }
0x41: {  	_ =	shalt  }
0x42: {  	_ =	shalt  }
0x43: {  	_ =	shalt  }
0x44: {  	_ =	shalt  }
0x45: {  	_ =	shalt  }
0x46: {  	_ =	shalt  }
0x47: {  	_ =	shalt  }
0x48: {  	_ =	shalt  }
0x49: {  	_ =	shalt  }
0x4a: {  	_ =	shalt  }
0x4b: {  	_ =	shalt  }
0x4c: {  	_ =	shalt  }
0x4d: {  	_ =	shalt  }
0x4e: {  	_ =	shalt  }
0x4f: {  	_ =	shalt  }
0x50: {  	_ =	shalt  }
0x51: {  	_ =	shalt  }
0x52: {  	_ =	shalt  }
0x53: {  	_ =	shalt  }
0x54: {  	_ =	shalt  }
0x55: {  	_ =	shalt  }
0x56: {  	_ =	shalt  }
0x57: {  	_ =	shalt  }
0x58: {  	_ =	shalt  }
0x59: {  	_ =	shalt  }
0x5a: {  	_ =	shalt  }
0x5b: {  	_ =	shalt  }
0x5c: {  	_ =	shalt  }
0x5d: {  	_ =	shalt  }
0x5e: {  	_ =	shalt  }
0x5f: {  	_ =	shalt  }
0x60: {  	_ =	shalt  }
0x61: {  	_ =	shalt  }
0x62: {  	_ =	shalt  }
0x63: {  	_ =	shalt  }
0x64: {  	_ =	shalt  }
0x65: {  	_ =	shalt  }
0x66: {  	_ =	shalt  }
0x67: {  	_ =	shalt  }
0x68: {  	_ =	shalt  }
0x69: {  	_ =	shalt  }
0x6a: {  	_ =	shalt  }
0x6b: {  	_ =	shalt  }
0x6c: {  	_ =	shalt  }
0x6d: {  	_ =	shalt  }
0x6e: {  	_ =	shalt  }
0x6f: {  	_ =	shalt  }
0x70: {  	_ =	shalt  }
0x71: {  	_ =	shalt  }
0x72: {  	_ =	shalt  }
0x73: {  	_ =	shalt  }
0x74: {  	_ =	shalt  }
0x75: {  	_ =	shalt  }
0x76: {  	_ =	shalt  }
0x77: {  	_ =	shalt  }
0x78: {  	_ =	shalt  }
0x79: {  	_ =	shalt  }
0x7a: {  	_ =	shalt  }
0x7b: {  	_ =	shalt  }
0x7c: {  	_ =	shalt  }
0x7d: {  	_ =	shalt  }
0x7e: {  	_ =	shalt  }
0x7f: {  	_ =	shalt  }
0x80: {  	_ =	shalt  }
0x81: {  	_ =	shalt  }
0x82: {  	_ =	shalt  }
0x83: {  	_ =	shalt  }
0x84: {  	_ =	shalt  }
0x85: {  	_ =	shalt  }
0x86: {  	_ =	shalt  }
0x87: {  	_ =	shalt  }
.Lfunc_end0:
.L_simem_size_0:
called_computation.2_lowered:
.L_overlay_start_0:
0x88: {  	s2 =	sld [smem:$0x3FD9]  }
0x89: {  	s3 =	sld [smem:$0x3FFE];
	_ =	sdelay $0x1  }
0x8a: {  	s1 =	srdreg.scid  }
0x8b: {  	s0 =	sand.u32 $0x1, s1  }
0x8c: {  	s14 =	sshll.u32 s0, $0xA;
	s2 =	sadd.s32 s3, s2  }
0x8d: {  	s2 =	sadd.s32 s2, s14  }
0x8e: {  	[smem:$0x3FBC] =	sst s2  }
0x8f: {  	_ = 	snop  }
0x90: {  	s2 =	sld [smem:$0x3FD0];
	_ =	sdelay $0x2  }
0x91: {  	s15 =	simm.s32 $0xA;
	s4 =	simm.s32 $0x10  }
0x92: {  	[smem:s4], [sflag:s15] =	dma.local [hbm:s2], $0x1  }
0x93: {  	_ =	swait.eq [sflag:s15], $0x1  }
0x94: {  	[sflag:s15] =	ssyncset.done $0x0  }
0x95: {  	[sflag:s15] =	ssyncadd.s32 $0xFFFFFFFF  }
0x96: {  	s16 =	sld [smem:$0x11];
	(tm) =	ssettm $0x1  }
0x97: {  	s17 =	sld [smem:$0x3FFB];
	_ =	sdelay $0x3  }
0x98: {  	_ =	strace s17  }
0x99: {  	s3 =	sld [smem:$0x3FFC];
	_ =	sdelay $0x3  }
0x9a: {  	_ =	strace s3  }
0x9b: {  	s3 =	sld [smem:$0x3FFD];
	_ =	sdelay $0x3  }
0x9c: {  	_ =	strace s3  }
0x9d: {  	_ =	strace $0x8FFFFFFF  }
0x9e: {  	s18 =	sld [smem:$0x3FDB];
	_ =	sdelay $0x1  }
0x9f: {  	s19 =	simm.s32 $_scs_section_size  }
0xa0: {  	s5 =	simm.s32 $_size__tile_overlayer_lowered;
	s6 =	simm.s32 $_tile_overlayer_lowered  }
0xa1: {  	s22 =	simm.s32 $0x1BFF;
	s21 =	sshll.u32 s6, $0x1;
	s3 =	sadd.s32 s19, s18  }
0xa2: {  	s7 =	simm.s32 $0x0;
	s20 =	sshll.u32 s5, $0x1;
	s5 =	sadd.s32 s21, s3  }
0xa3: {  	[timem:s7], [sflag:s22] =	dma.local [hbm:s5], s20  }
0xa4: {  	_ =	swait.ge [sflag:s22], s20  }
0xa5: {  	s4 =	ssub.s32 $0x0, s20;
	[sflag:s22] =	ssyncset.done $0x0  }
0xa6: {  	[sflag:s22] =	ssyncadd.s32 s4;
	_ =	sdelay $0x1  }
0xa7: {  	s23 =	simm.s32 $0x1B8B  }
0xa8: {  	_ =	swait.ge [sflag:s23], $0x1  }
0xa9: {  	[sflag:s23] =	ssyncset.done $0x0  }
0xaa: {  	s25 =	simm.s32 $0x1B8E;
	s24 =	sld [smem:$0x3FFE];
	[sflag:s23] =	ssyncadd.s32 $0xFFFFFFFF  }
0xab: {  	s26 =	simm.s32 $execute0_lowered;
	[smem:$0x3FD2] =	sst s25  }
0xac: {  	s5 =	sshll.u32 s26, $0x1;
	_ =	strace $0x8000004C;
	[dreg:$0x1] =	wrdreg $0xFFFFFFFF  }
0xad: {  	s28 =	simm.s32 $_size_execute0_lowered;
	s3 =	sadd.s32 s3, s5;
	[dreg:$0x0] =	wrdreg $0x0  }
0xae: {  	s5 =	sshll.u32 s28, $0x1;
	[dreg:$0x2] =	wrdreg s3  }
0xaf: {  	[dreg:$0x3] =	wrdreg s5  }
0xb0: {  	[dreg:$0x4] =	wrdreg $0xC0  }
0xb1: {  	_ =	task [dreg:s7], $0x5FFFF  }
0xb2: {  	[dreg:$0x1] =	wrdreg $0xFFFFFFFF  }
0xb3: {  	[dreg:$0x0] =	wrdreg $0x60  }
0xb4: {  	[dreg:$0x2] =	wrdreg s24  }
0xb5: {  	[dreg:$0x3] =	wrdreg s16  }
0xb6: {  	[dreg:$0x4] =	wrdreg $0x140000  }
0xb7: {  	[dreg:$0x5] =	wrdreg $0x9  }
0xb8: {  	_ =	task.clear_ibuf [dreg:s7], $0x6FFFF;
	_ =	strace $0x9000004C  }
0xb9: {  	s29 =	simm.s32 $0x9;
	_ =	strace $0x8000004E  }
0xba: {  	_ =	swait.ge [sflag:s29], $0x1  }
0xbb: {  	[sflag:s29] =	ssyncadd.s32 $0xFFFFFFFF  }
0xbc: {  	_ =	strace $0x9000004E  }
0xbd: {  	_ =	sfence  }
0xbe: {  	s30 =	sld [smem:$0x0];
	_ =	sdelay $0x2  }
0xbf: {  	s31 =	sshll.u32 s1, $0xD;
	s1 =	sshrl.u32 s1, $0x2  }
0xc0: {  	s3 =	sand.u32 $0x4000, s31;
	s1 =	sadd.s32 s1, s30  }
0xc1: {  	s0 =	sor.u32 s3, s0;
	s1 =	sshll.u32 s1, $0x11  }
0xc2: {  	s0 =	sor.u32 s1, s0  }
0xc3: {  	s0 =	sadd.s32 $0x8F2B, s0  }
0xc4: {  	[sflag:s0] =	ssyncadd.remote.s32 $0x1  }
0xc5: {  	_ =	sfence.sel $0xFFFF  }
0xc6: {  	[dreg:$0x0] =	wrdreg $0xFFFFFFFF;
	(pc) =	sbr.abs _section_cstart, $3  }
0xc7: {  	[dreg:$0x1] =	wrdreg $0xFFFFFFFF  }
0xc8: {  	_ =	task.clear_ibuf [dreg:s7], $0x2FFFF;
	_ =	strace $0x9FFFFFFF  }
0xc9: {  	(tm) =	ssettm $0x7FFFFFFF  }
tec
execute0_lowered:
.L_overlay_start_1:
0x0: {  	(tag) =	ssettag $0x1  }
0x1: {  	s0 =	rddreg [dreg:$0x0]  }
0x2: {  	s1 =	rddreg [dreg:$0x1]  }
0x3: {  	s2 =	rddreg [dreg:$0x2]  }
0x4: {  	s10 =	stileid.u32;
	s4 =	srdreg.scid;
	s3 =	simm.s32 $0x0  }
0x5: {  	s28 =	simm.s32 $0x10000;
	s29 =	simm.s32 $0x2;
	s30 =	simm.s32 $0x4  }
0x6: {  	s31 =	simm.s32 $0x7;
	s5 =	smul.u32 $0x5000, s10;
	s6 =	sand.u32 $0x1, s4  }
0x7: {  	[smem:$0x7FF] =	sst s3;
	s4 =	sadd.s32 $0x5D600, s0;
	s11 =	smul.u32 $0xA000, s10  }
0x8: {  	s7 =	smul.u32 $0x50000, s6;
	_ =	strace $0x8000004D;
	s9 =	ssub.s32 $0x2, s6  }
0x9: {  	s6 =	smul.u32 $0xA0000, s6;
	s8 =	sshrl.u32 s5, $0x3;
	s15 =	sshrl.u32 s9, $0x1  }
0xa: {  	s17 =	sadd.s32 s11, s2;
	s18 =	sadd.s32 $0x2000, s11;
	s19 =	sadd.s32 $0x4000, s11  }
0xb: {  	s12 =	sadd.s32 $0x6000, s11;
	s13 =	sadd.s32 $0x8000, s11;
	s8 =	sadd.s32 s8, s0  }
0xc: {  	s5 =	sadd.s32 s5, s7;
	s0 =	sadd.s32 $0x85600, s0;
	s7 =	ssub.s32 s9, s15  }
0xd: {  	[dreg:$0x6] =	wrdreg s17;
	s20 =	sadd.s32 s18, s2;
	s9 =	sadd.s32 s19, s2  }
0xe: {  	s10 =	sadd.s32 s12, s2;
	s14 =	sadd.s32 s11, s6;
	s11 =	sadd.s32 s13, s2  }
0xf: {  	s22 =	sadd.s32 s6, s19;
	s23 =	sadd.s32 s6, s12;
	s12 =	simm.s32 $0xA  }
0x10: {  	s19 =	simm.s32 $0xC;
	s15 =	simm.s32 $0xE;
	s5 =	sshrl.u32 s5, $0x3  }
0x11: {  	s16 =	sadd.s32 $0x3600, s8;
	[dreg:$0x7] =	wrdreg s20;
	s14 =	sshrl.u32 s14, $0x3  }
0x12: {  	s24 =	sshrl.u32 s23, $0x3;
	s26 =	smax.u32 s7, $0x1;
	s20 =	simm.s32 $0xA000  }
0x13: {  	s23 =	simm.s32 $0x5;
	s1 =	sadd.s32 s1, s5;
	[dreg:$0x5] =	wrdreg s16  }
0x14: {  	s21 =	sadd.s32 s0, s14;
	[dreg:$0xd] =	wrdreg s26;
	s26 =	simm.s32 $0x6  }
0x15: {  	s5 =	simm.s32 $0x8;
	s14 =	simm.s32 $0xD;
	[dreg:$0x4] =	wrdreg s1  }
0x16: {  	s16 =	simm.s32 $0x0;
	s1 =	sadd.s32 s6, s18;
	[dreg:$0x8] =	wrdreg s21  }
0x17: {  	s6 =	sadd.s32 s6, s13;
	s18 =	simm.s32 $0xF;
	s1 =	sshrl.u32 s1, $0x3  }
0x18: {  	s21 =	simm.s32 $0x80;
	s13 =	simm.s32 $0xB;
	s1 =	sadd.s32 s0, s1  }
0x19: {  	s25 =	sshrl.u32 s6, $0x3;
	[dreg:$0x9] =	wrdreg s1;
	s1 =	sshrl.u32 s22, $0x3  }
0x1a: {  	s6 =	simm.s32 $0x9;
	s22 =	simm.s32 $0xC000;
	s1 =	sadd.s32 s0, s1  }
0x1b: {  	[dreg:$0xa] =	wrdreg s1;
	s1 =	sadd.s32 s0, s24;
	s0 =	sadd.s32 s0, s25  }
0x1c: {  	s24 =	simm.s32 $0xE000;
	s25 =	simm.s32 $0x1;
	[dreg:$0xb] =	wrdreg s1  }
0x1d: {  	v0 =	vimm.f32 $0.0e+00;
	[dreg:$0xc] =	wrdreg s0;
	s0 =	simm.s32 $0x12000;
	s1 =	simm.s32 $0x3  }
.LBB2_1:
0x1e: {  	s7 =	rddreg [dreg:$0x4]  }
0x1f: {  	[tilespmem:s3], [sflag:$0xF] =	stream.linear.gather [hbm4b:s7+s3], $0x5000, $0x38;
	[tilespmem:$0x1E000] =	vst v63  }
0x20: {  	_ =	swait.ge [sflag:s18], $0x5000  }
0x21: {  	[sflag:s18] =	ssyncset.done $0x0  }
0x22: {  	s8 =	simm.s32 $0x5000;
	s17 =	rddreg [dreg:$0x5];
	[sflag:s18] =	ssyncadd.s32 $0xFFFFB000  }
0x23: {  	[tilespmem:s8], [sflag:$0xF] =	stream.linear.gather [hbm4b:s17+s3], $0x5000, $0x38;
	[tilespmem:$0x1E000] =	vst v63  }
0x24: {  	_ =	swait.ge [sflag:s18], $0x5000  }
0x25: {  	[sflag:s18] =	ssyncset.done $0x0  }
0x26: {  	s7 =	simm.s32 $0x0;
	s17 =	simm.s32 $0x100;
	[sflag:s18] =	ssyncadd.s32 $0xFFFFB000  }
.LBB2_2:
0x27: {  	p0 =	sne.s32 s17, $0x7F00;
	[tilespmem:s7+$0xA030] =	vst v0;
	s8 =	smov.u32 s17;
	s17 =	sadd.s32 $0x100, s17  }
.Ltmp0:
0x28: {  	[tilespmem:s7+$0xA020] =	vst v0;
	(pc) =	sbr.rel @p0 .LBB2_2-.Ltmp0, $3  }
0x29: {  	[tilespmem:s7+$0xA000] =	vst v0  }
0x2a: {  	[tilespmem:s7+$0xA010] =	vst v0;
	_ =	sdelay $0x1  }
0x2b: {  	s7 =	sshra.s32 s8, $0x2  }
0x2c: {  	[tilespmem:s7+$0xA030] =	vst v0  }
0x2d: {  	[tilespmem:s7+$0xA020] =	vst v0  }
0x2e: {  	[tilespmem:s7+$0xA000] =	vst v0  }
0x2f: {  	[tilespmem:s7+$0xA010] =	vst v0;
	s8 =	rddreg [dreg:$0x6]  }
0x30: {  	[spmem:s8] =	stream.linear.scatter [tilespmem:s20], [sflag:$0xF], $0x2000, $0x38;
	[tilespmem:$0x1E000] =	vst v63  }
0x31: {  	_ =	swait.ge [sflag:s18], $0x2000  }
0x32: {  	[sflag:s18] =	ssyncset.done $0x0  }
0x33: {  	s17 =	rddreg [dreg:$0x7];
	[sflag:s18] =	ssyncadd.s32 $0xFFFFE000  }
0x34: {  	[spmem:s17] =	stream.linear.scatter [tilespmem:s20], [sflag:$0xF], $0x2000, $0x38;
	[tilespmem:$0x1E000] =	vst v63  }
0x35: {  	_ =	swait.ge [sflag:s18], $0x2000  }
0x36: {  	[sflag:s18] =	ssyncset.done $0x0  }
0x37: {  	[sflag:s18] =	ssyncadd.s32 $0xFFFFE000  }
0x38: {  	[spmem:s9] =	stream.linear.scatter [tilespmem:s20], [sflag:$0xF], $0x2000, $0x38;
	[tilespmem:$0x1E000] =	vst v63  }
0x39: {  	_ =	swait.ge [sflag:s18], $0x2000  }
0x3a: {  	[sflag:s18] =	ssyncset.done $0x0  }
0x3b: {  	[sflag:s18] =	ssyncadd.s32 $0xFFFFE000  }
0x3c: {  	[spmem:s10] =	stream.linear.scatter [tilespmem:s20], [sflag:$0xF], $0x2000, $0x38;
	[tilespmem:$0x1E000] =	vst v63  }
0x3d: {  	_ =	swait.ge [sflag:s18], $0x2000  }
0x3e: {  	[sflag:s18] =	ssyncset.done $0x0  }
0x3f: {  	[sflag:s18] =	ssyncadd.s32 $0xFFFFE000  }
0x40: {  	[spmem:s11] =	stream.linear.scatter [tilespmem:s20], [sflag:$0xF], $0x2000, $0x38;
	[tilespmem:$0x1E000] =	vst v63  }
0x41: {  	_ =	swait.ge [sflag:s18], $0x2000  }
0x42: {  	[sflag:s18] =	ssyncset.done $0x0  }
0x43: {  	[sflag:s18] =	ssyncadd.s32 $0xFFFFE000  }
0x44: {  	s8 =	simm.s32 $0x0;
	[bflag:$0x0] =	sbarrier.arrive $0xFFFF  }
0x45: {  	[tilespmem:s20], [sflag:$0x1] =	stream.indirect.gather [hbm4b:s4+s21], $0x40, s8, s21, $0xb8;
	[tilespmem:$0x1E000] =	vst v63  }
0x46: {  	_ = 	snop  }
0x47: {  	[tilespmem:s22], [sflag:$0x2] =	stream.indirect.gather [hbm4b:s4+s21], $0x40, s21, s21, $0xb8;
	[tilespmem:$0x1E000] =	vst v63  }
0x48: {  	s17 =	simm.s32 $0x100  }
0x49: {  	[tilespmem:s24], [sflag:$0x3] =	stream.indirect.gather [hbm4b:s4+s21], $0x40, s17, s21, $0xb8;
	[tilespmem:$0x1E000] =	vst v63  }
0x4a: {  	_ =	swait.ge [sflag:s25], $0x2000  }
0x4b: {  	[sflag:s25] =	ssyncset.done $0x0  }
0x4c: {  	s8 =	simm.s32 $0x5000;
	[sflag:s25] =	ssyncadd.s32 $0xFFFFE000  }
0x4d: {  	[spmem:s2] =	stream.indirect.scatter.add.f32 [tilespmem:s20], [sflag:$0x6], $0x40, s8, s21, $0xb8;
	[tilespmem:$0x1E000] =	vst v63  }
0x4e: {  	s17 =	simm.s32 $0x180  }
0x4f: {  	[tilespmem:s28], [sflag:$0x4] =	stream.indirect.gather [hbm4b:s4+s21], $0x40, s17, s21, $0xb8;
	[tilespmem:$0x1E000] =	vst v63  }
0x50: {  	_ =	swait.ge [sflag:s29], $0x2000  }
0x51: {  	[sflag:s29] =	ssyncset.done $0x0  }
0x52: {  	s8 =	simm.s32 $0x5080;
	[sflag:s29] =	ssyncadd.s32 $0xFFFFE000  }
0x53: {  	[spmem:s2] =	stream.indirect.scatter.add.f32 [tilespmem:s22], [sflag:$0x7], $0x40, s8, s21, $0xb8;
	[tilespmem:$0x1E000] =	vst v63  }
0x54: {  	s17 =	simm.s32 $0x200  }
0x55: {  	[tilespmem:s0], [sflag:$0x5] =	stream.indirect.gather [hbm4b:s4+s21], $0x40, s17, s21, $0xb8;
	[tilespmem:$0x1E000] =	vst v63  }
0x56: {  	_ =	swait.ge [sflag:s1], $0x2000  }
0x57: {  	[sflag:s1] =	ssyncset.done $0x0  }
0x58: {  	s8 =	simm.s32 $0x5100;
	[sflag:s1] =	ssyncadd.s32 $0xFFFFE000  }
0x59: {  	[spmem:s2] =	stream.indirect.scatter.add.f32 [tilespmem:s24], [sflag:$0x8], $0x40, s8, s21, $0xb8;
	[tilespmem:$0x1E000] =	vst v63  }
0x5a: {  	_ =	swait.ge [sflag:s26], $0x2000  }
0x5b: {  	[sflag:s26] =	ssyncset.done $0x0  }
0x5c: {  	s17 =	simm.s32 $0x280;
	[sflag:s26] =	ssyncadd.s32 $0xFFFFE000  }
0x5d: {  	[tilespmem:s20], [sflag:$0x1] =	stream.indirect.gather [hbm4b:s4+s21], $0x40, s17, s21, $0xb8;
	[tilespmem:$0x1E000] =	vst v63  }
0x5e: {  	_ =	swait.ge [sflag:s30], $0x2000  }
0x5f: {  	[sflag:s30] =	ssyncset.done $0x0  }
0x60: {  	s8 =	simm.s32 $0x5180;
	[sflag:s30] =	ssyncadd.s32 $0xFFFFE000  }
0x61: {  	[spmem:s2] =	stream.indirect.scatter.add.f32 [tilespmem:s28], [sflag:$0x9], $0x40, s8, s21, $0xb8;
	[tilespmem:$0x1E000] =	vst v63  }
0x62: {  	_ =	swait.ge [sflag:s31], $0x2000  }
0x63: {  	[sflag:s31] =	ssyncset.done $0x0  }
0x64: {  	s17 =	simm.s32 $0x300;
	[sflag:s31] =	ssyncadd.s32 $0xFFFFE000  }
0x65: {  	[tilespmem:s22], [sflag:$0x2] =	stream.indirect.gather [hbm4b:s4+s21], $0x40, s17, s21, $0xb8;
	[tilespmem:$0x1E000] =	vst v63  }
0x66: {  	_ =	swait.ge [sflag:s23], $0x2000  }
0x67: {  	[sflag:s23] =	ssyncset.done $0x0  }
0x68: {  	s8 =	simm.s32 $0x5200;
	[sflag:s23] =	ssyncadd.s32 $0xFFFFE000  }
0x69: {  	[spmem:s2] =	stream.indirect.scatter.add.f32 [tilespmem:s0], [sflag:$0xA], $0x40, s8, s21, $0xb8;
	[tilespmem:$0x1E000] =	vst v63  }
0x6a: {  	_ =	swait.ge [sflag:s5], $0x2000  }
0x6b: {  	[sflag:s5] =	ssyncset.done $0x0  }
0x6c: {  	s17 =	simm.s32 $0x380;
	[sflag:s5] =	ssyncadd.s32 $0xFFFFE000  }
0x6d: {  	[tilespmem:s24], [sflag:$0x3] =	stream.indirect.gather [hbm4b:s4+s21], $0x40, s17, s21, $0xb8;
	[tilespmem:$0x1E000] =	vst v63  }
0x6e: {  	_ =	swait.ge [sflag:s25], $0x2000  }
0x6f: {  	[sflag:s25] =	ssyncset.done $0x0  }
0x70: {  	s8 =	simm.s32 $0x5280;
	[sflag:s25] =	ssyncadd.s32 $0xFFFFE000  }
0x71: {  	[spmem:s2] =	stream.indirect.scatter.add.f32 [tilespmem:s20], [sflag:$0x6], $0x40, s8, s21, $0xb8;
	[tilespmem:$0x1E000] =	vst v63  }
0x72: {  	_ =	swait.ge [sflag:s6], $0x2000  }
0x73: {  	[sflag:s6] =	ssyncset.done $0x0  }
0x74: {  	s17 =	simm.s32 $0x400;
	[sflag:s6] =	ssyncadd.s32 $0xFFFFE000  }
0x75: {  	[tilespmem:s28], [sflag:$0x4] =	stream.indirect.gather [hbm4b:s4+s21], $0x40, s17, s21, $0xb8;
	[tilespmem:$0x1E000] =	vst v63  }
0x76: {  	_ =	swait.ge [sflag:s29], $0x2000  }
0x77: {  	[sflag:s29] =	ssyncset.done $0x0  }
0x78: {  	s8 =	simm.s32 $0x5300;
	[sflag:s29] =	ssyncadd.s32 $0xFFFFE000  }
0x79: {  	[spmem:s2] =	stream.indirect.scatter.add.f32 [tilespmem:s22], [sflag:$0x7], $0x40, s8, s21, $0xb8;
	[tilespmem:$0x1E000] =	vst v63  }
0x7a: {  	_ =	swait.ge [sflag:s12], $0x2000  }
0x7b: {  	[sflag:s12] =	ssyncset.done $0x0  }
0x7c: {  	s17 =	simm.s32 $0x480;
	[sflag:s12] =	ssyncadd.s32 $0xFFFFE000  }
0x7d: {  	[tilespmem:s0], [sflag:$0x5] =	stream.indirect.gather [hbm4b:s4+s21], $0x40, s17, s21, $0xb8;
	[tilespmem:$0x1E000] =	vst v63  }
0x7e: {  	_ =	swait.ge [sflag:s1], $0x2000  }
0x7f: {  	[sflag:s1] =	ssyncset.done $0x0  }
0x80: {  	s7 =	simm.s32 $0x5380;
	s17 =	simm.s32 $0xA00;
	[sflag:s1] =	ssyncadd.s32 $0xFFFFE000  }
.LBB2_4:
0x81: {  	[spmem:s2] =	stream.indirect.scatter.add.f32 [tilespmem:s24], [sflag:$0x8], $0x40, s7, s21, $0xb8;
	[tilespmem:$0x1E000] =	vst v63  }
0x82: {  	s7 =	smov.u32 s17  }
0x83: {  	p0 =	sne.s32 s17, $0x12C00;
	s17 =	sadd.s32 $0xA00, s17;
	_ =	swait.ge [sflag:s26], $0x2000  }
0x84: {  	s7 =	sshra.s32 s7, $0x2;
	[sflag:s26] =	ssyncset.done $0x0  }
0x85: {  	s8 =	sadd.s32 $0x280, s7;
	[sflag:s26] =	ssyncadd.s32 $0xFFFFE000  }
0x86: {  	[tilespmem:s20], [sflag:$0x1] =	stream.indirect.gather [hbm4b:s4+s21], $0x40, s8, s21, $0xb8;
	[tilespmem:$0x1E000] =	vst v63  }
0x87: {  	_ =	swait.ge [sflag:s30], $0x2000  }
0x88: {  	[sflag:s30] =	ssyncset.done $0x0  }
0x89: {  	s8 =	sadd.s32 $0x5180, s7;
	[sflag:s30] =	ssyncadd.s32 $0xFFFFE000  }
0x8a: {  	[spmem:s2] =	stream.indirect.scatter.add.f32 [tilespmem:s28], [sflag:$0x9], $0x40, s8, s21, $0xb8;
	[tilespmem:$0x1E000] =	vst v63  }
0x8b: {  	_ =	swait.ge [sflag:s31], $0x2000  }
0x8c: {  	[sflag:s31] =	ssyncset.done $0x0  }
0x8d: {  	s8 =	sadd.s32 $0x300, s7;
	[sflag:s31] =	ssyncadd.s32 $0xFFFFE000  }
0x8e: {  	[tilespmem:s22], [sflag:$0x2] =	stream.indirect.gather [hbm4b:s4+s21], $0x40, s8, s21, $0xb8;
	[tilespmem:$0x1E000] =	vst v63  }
0x8f: {  	_ =	swait.ge [sflag:s23], $0x2000  }
0x90: {  	[sflag:s23] =	ssyncset.done $0x0  }
0x91: {  	s8 =	sadd.s32 $0x5200, s7;
	[sflag:s23] =	ssyncadd.s32 $0xFFFFE000  }
0x92: {  	[spmem:s2] =	stream.indirect.scatter.add.f32 [tilespmem:s0], [sflag:$0xA], $0x40, s8, s21, $0xb8;
	[tilespmem:$0x1E000] =	vst v63  }
0x93: {  	_ =	swait.ge [sflag:s5], $0x2000  }
0x94: {  	[sflag:s5] =	ssyncset.done $0x0  }
0x95: {  	s8 =	sadd.s32 $0x380, s7;
	[sflag:s5] =	ssyncadd.s32 $0xFFFFE000  }
0x96: {  	[tilespmem:s24], [sflag:$0x3] =	stream.indirect.gather [hbm4b:s4+s21], $0x40, s8, s21, $0xb8;
	[tilespmem:$0x1E000] =	vst v63  }
0x97: {  	_ =	swait.ge [sflag:s25], $0x2000  }
0x98: {  	[sflag:s25] =	ssyncset.done $0x0  }
0x99: {  	s8 =	sadd.s32 $0x5280, s7;
	[sflag:s25] =	ssyncadd.s32 $0xFFFFE000  }
0x9a: {  	[spmem:s2] =	stream.indirect.scatter.add.f32 [tilespmem:s20], [sflag:$0x6], $0x40, s8, s21, $0xb8;
	[tilespmem:$0x1E000] =	vst v63  }
0x9b: {  	_ =	swait.ge [sflag:s6], $0x2000  }
0x9c: {  	[sflag:s6] =	ssyncset.done $0x0  }
0x9d: {  	s8 =	sadd.s32 $0x400, s7;
	[sflag:s6] =	ssyncadd.s32 $0xFFFFE000  }
0x9e: {  	[tilespmem:s28], [sflag:$0x4] =	stream.indirect.gather [hbm4b:s4+s21], $0x40, s8, s21, $0xb8;
	[tilespmem:$0x1E000] =	vst v63  }
0x9f: {  	_ =	swait.ge [sflag:s29], $0x2000  }
0xa0: {  	[sflag:s29] =	ssyncset.done $0x0  }
0xa1: {  	s8 =	sadd.s32 $0x5300, s7;
	[sflag:s29] =	ssyncadd.s32 $0xFFFFE000  }
0xa2: {  	[spmem:s2] =	stream.indirect.scatter.add.f32 [tilespmem:s22], [sflag:$0x7], $0x40, s8, s21, $0xb8;
	[tilespmem:$0x1E000] =	vst v63  }
0xa3: {  	_ =	swait.ge [sflag:s12], $0x2000  }
0xa4: {  	[sflag:s12] =	ssyncset.done $0x0  }
.Ltmp1:
0xa5: {  	s8 =	sadd.s32 $0x480, s7;
	[sflag:s12] =	ssyncadd.s32 $0xFFFFE000;
	(pc) =	sbr.rel @p0 .LBB2_4-.Ltmp1, $4  }
0xa6: {  	[tilespmem:s0], [sflag:$0x5] =	stream.indirect.gather [hbm4b:s4+s21], $0x40, s8, s21, $0xb8;
	[tilespmem:$0x1E000] =	vst v63  }
0xa7: {  	_ =	swait.ge [sflag:s1], $0x2000  }
0xa8: {  	[sflag:s1] =	ssyncset.done $0x0  }
0xa9: {  	s7 =	sadd.s32 $0x5380, s7;
	[sflag:s1] =	ssyncadd.s32 $0xFFFFE000  }
0xaa: {  	[spmem:s2] =	stream.indirect.scatter.add.f32 [tilespmem:s24], [sflag:$0x8], $0x40, s7, s21, $0xb8;
	[tilespmem:$0x1E000] =	vst v63  }
0xab: {  	_ =	swait.ge [sflag:s30], $0x2000  }
0xac: {  	[sflag:s30] =	ssyncset.done $0x0  }
0xad: {  	s8 =	simm.s32 $0x9F00;
	[sflag:s30] =	ssyncadd.s32 $0xFFFFE000  }
0xae: {  	[spmem:s2] =	stream.indirect.scatter.add.f32 [tilespmem:s28], [sflag:$0x9], $0x40, s8, s21, $0xb8;
	[tilespmem:$0x1E000] =	vst v63  }
0xaf: {  	_ =	swait.ge [sflag:s23], $0x2000  }
0xb0: {  	[sflag:s23] =	ssyncset.done $0x0  }
0xb1: {  	s17 =	simm.s32 $0x9F80;
	[sflag:s23] =	ssyncadd.s32 $0xFFFFE000  }
0xb2: {  	[spmem:s2] =	stream.indirect.scatter.add.f32 [tilespmem:s0], [sflag:$0xA], $0x40, s17, s21, $0xb8;
	[tilespmem:$0x1E000] =	vst v63  }
0xb3: {  	_ =	swait.ge [sflag:s26], $0x2000  }
0xb4: {  	[sflag:s26] =	ssyncset.done $0x0  }
0xb5: {  	[sflag:s26] =	ssyncadd.s32 $0xFFFFE000  }
0xb6: {  	_ =	swait.ge [sflag:s31], $0x2000  }
0xb7: {  	[sflag:s31] =	ssyncset.done $0x0  }
0xb8: {  	[sflag:s31] =	ssyncadd.s32 $0xFFFFE000  }
0xb9: {  	_ =	swait.ge [sflag:s5], $0x2000  }
0xba: {  	[sflag:s5] =	ssyncset.done $0x0  }
0xbb: {  	[sflag:s5] =	ssyncadd.s32 $0xFFFFE000  }
0xbc: {  	_ =	swait.ge [sflag:s6], $0x2000  }
0xbd: {  	[sflag:s6] =	ssyncset.done $0x0  }
0xbe: {  	[sflag:s6] =	ssyncadd.s32 $0xFFFFE000  }
0xbf: {  	_ =	swait.ge [sflag:s12], $0x2000  }
0xc0: {  	[sflag:s12] =	ssyncset.done $0x0  }
0xc1: {  	[sflag:s12] =	ssyncadd.s32 $0xFFFFE000  }
0xc2: {  	[bflag:$0x0] =	sbarrier.arrive $0xFFFF  }
0xc3: {  	s8 =	rddreg [dreg:$0x6]  }
0xc4: {  	[tilespmem:s20], [sflag:$0xB] =	stream.linear.gather [spmem:s8], $0x2000, $0x38;
	[tilespmem:$0x1E000] =	vst v63  }
0xc5: {  	s17 =	rddreg [dreg:$0x7]  }
0xc6: {  	[tilespmem:s22], [sflag:$0xC] =	stream.linear.gather [spmem:s17], $0x2000, $0x38;
	[tilespmem:$0x1E000] =	vst v63  }
0xc7: {  	_ =	swait.ge [sflag:s13], $0x2000  }
0xc8: {  	[sflag:s13] =	ssyncset.done $0x0  }
0xc9: {  	s8 =	rddreg [dreg:$0x8];
	[sflag:s13] =	ssyncadd.s32 $0xFFFFE000  }
0xca: {  	[hbm4b:s8+s3] =	stream.linear.scatter [tilespmem:s20], [sflag:$0xD], $0x2000, $0x38;
	[tilespmem:$0x1E000] =	vst v63  }
0xcb: {  	_ =	swait.ge [sflag:s14], $0x2000  }
0xcc: {  	[sflag:s14] =	ssyncset.done $0x0  }
0xcd: {  	[sflag:s14] =	ssyncadd.s32 $0xFFFFE000  }
0xce: {  	[tilespmem:s20], [sflag:$0xB] =	stream.linear.gather [spmem:s9], $0x2000, $0x38;
	[tilespmem:$0x1E000] =	vst v63  }
0xcf: {  	_ =	swait.ge [sflag:s19], $0x2000  }
0xd0: {  	[sflag:s19] =	ssyncset.done $0x0  }
0xd1: {  	s17 =	rddreg [dreg:$0x9];
	[sflag:s19] =	ssyncadd.s32 $0xFFFFE000  }
0xd2: {  	[hbm4b:s17+s3] =	stream.linear.scatter [tilespmem:s22], [sflag:$0xE], $0x2000, $0x38;
	[tilespmem:$0x1E000] =	vst v63  }
0xd3: {  	_ =	swait.ge [sflag:s15], $0x2000  }
0xd4: {  	[sflag:s15] =	ssyncset.done $0x0  }
0xd5: {  	[sflag:s15] =	ssyncadd.s32 $0xFFFFE000  }
0xd6: {  	[tilespmem:s22], [sflag:$0xC] =	stream.linear.gather [spmem:s10], $0x2000, $0x38;
	[tilespmem:$0x1E000] =	vst v63  }
0xd7: {  	_ =	swait.ge [sflag:s13], $0x2000  }
0xd8: {  	[sflag:s13] =	ssyncset.done $0x0  }
0xd9: {  	s8 =	rddreg [dreg:$0xa];
	[sflag:s13] =	ssyncadd.s32 $0xFFFFE000  }
0xda: {  	[hbm4b:s8+s3] =	stream.linear.scatter [tilespmem:s20], [sflag:$0xD], $0x2000, $0x38;
	[tilespmem:$0x1E000] =	vst v63  }
0xdb: {  	_ =	swait.ge [sflag:s14], $0x2000  }
0xdc: {  	[sflag:s14] =	ssyncset.done $0x0  }
0xdd: {  	[sflag:s14] =	ssyncadd.s32 $0xFFFFE000  }
0xde: {  	[tilespmem:s20], [sflag:$0xB] =	stream.linear.gather [spmem:s11], $0x2000, $0x38;
	[tilespmem:$0x1E000] =	vst v63  }
0xdf: {  	_ =	swait.ge [sflag:s19], $0x2000  }
0xe0: {  	[sflag:s19] =	ssyncset.done $0x0  }
0xe1: {  	s17 =	rddreg [dreg:$0xb];
	[sflag:s19] =	ssyncadd.s32 $0xFFFFE000  }
0xe2: {  	[hbm4b:s17+s3] =	stream.linear.scatter [tilespmem:s22], [sflag:$0xE], $0x2000, $0x38;
	[tilespmem:$0x1E000] =	vst v63  }
0xe3: {  	_ =	swait.ge [sflag:s13], $0x2000  }
0xe4: {  	[sflag:s13] =	ssyncset.done $0x0  }
0xe5: {  	s8 =	rddreg [dreg:$0xc];
	[sflag:s13] =	ssyncadd.s32 $0xFFFFE000  }
0xe6: {  	[hbm4b:s8+s3] =	stream.linear.scatter [tilespmem:s20], [sflag:$0xD], $0x2000, $0x38;
	[tilespmem:$0x1E000] =	vst v63  }
0xe7: {  	_ =	swait.ge [sflag:s15], $0x2000  }
0xe8: {  	[sflag:s15] =	ssyncset.done $0x0  }
0xe9: {  	[sflag:s15] =	ssyncadd.s32 $0xFFFFE000  }
0xea: {  	_ =	swait.ge [sflag:s14], $0x2000  }
0xeb: {  	s16 =	sadd.s32 $0x1, s16;
	s17 =	rddreg [dreg:$0xd]  }
0xec: {  	p0 =	sne.s32 s16, s17  }
.Ltmp2:
0xed: {  	_ = 	snop;
	(pc) =	sbr.rel @p0 .LBB2_1-.Ltmp2, $3  }
0xee: {  	_ =	sdelay $0x1  }
0xef: {  	[sflag:s14] =	ssyncset.done $0x0  }
0xf0: {  	[sflag:s14] =	ssyncadd.s32 $0xFFFFE000  }
0xf1: {  	_ =	sfence.sel $0x180000  }
0xf2: {  	[bflag:$0x0] =	sbarrier.arrive $0xFFFF  }
0xf3: {  	_ =	strace $0x9000004D  }
0xf4: {  	s0 =	stileid.u32;
	[bflag:$0x2] =	sbarrier.arrive $0xFFFF  }
0xf5: {  	p0 =	sne.s32 s0, $0x0;
	s0 =	rddreg [dreg:$0x3]  }
0xf6: {  	s0 =	sadd.s32 @!p0 $0x100000, s0  }
0xf7: {  	[sflag:s0] =	ssyncadd.tile.s32 @!p0 $0x1;
	_ =	shalt  }
.Lfunc_end2:
_tile_overlayer_lowered:
.L_overlay_start_2:
0xf8: {  	(tag) =	ssettag $0x2  }
0xf9: {  	s0 =	rddreg [dreg:$0x0];
	s2 =	stileid.u32  }
0xfa: {  	s1 =	rddreg [dreg:$0x1];
	p0 =	sne.s32 s2, $0x0  }
0xfb: {  	s3 =	rddreg [dreg:$0x2];
	[bflag:$0x3] =	sbarrier.arrive $0xFFFF;
	s2 =	simm.s32 @!p0 $0x1C0F  }
0xfc: {  	[timem:s3], [sflag:s2] =	dma.local @!p0 [hbm:s0], s1  }
0xfd: {  	s0 =	simm.s32 @!p0 $0xF  }
0xfe: {  	_ =	swait.ge @!p0 [sflag:s0], s1  }
0xff: {  	s1 =	ssub.s32 @!p0 $0x0, s1;
	[sflag:s0] =	ssyncset.done @!p0 $0x0  }
0x100: {  	[sflag:s0] =	ssyncadd.s32 @!p0 s1  }
0x101: {  	[bflag:$0x3] =	sbarrier.arrive $0xFFFF  }
0x102: {  	_ =	shalt  }

// kernel: kernel.19.cloned.1.call-start
scs
__scs_entry_jumppad:
0x0: {  	(pc) =	sbr.rel $0x88, $3  }
0x1: {  	(tag) =	ssettag $0x0;
	lr =	simm.s32 $0x1  }
0x2: {  	[smem:$0x3F95] =	sst lr;
	_ =	strace $0xD0000000  }
0x3: {  	_ = 	snop  }
0x4: {  	_ = 	snop  }
0x5: {  	_ = 	snop  }
0x6: {  	_ = 	snop  }
0x7: {  	_ = 	snop  }
__scs_overlays_trampoline_lowered:
0x8: {  	[smem:$0x3FA4] =	sst s0  }
0x9: {  	[smem:$0x3FA5] =	sst s1  }
0xa: {  	[smem:$0x3FA6] =	sst s2  }
0xb: {  	[smem:$0x3FA7] =	sst s3  }
0xc: {  	[smem:$0x3FA8] =	sst s4  }
0xd: {  	[smem:$0x3FA9] =	sst s5  }
0xe: {  	[smem:$0x3FAA] =	sst s6  }
0xf: {  	[smem:$0x3FAB] =	sst s7  }
0x10: {  	[smem:$0x3FAC] =	sst s8  }
0x11: {  	[smem:$0x3FAD] =	sst s9;
	s0 =	simm.s32 @!p0 $0x0  }
0x12: {  	s1 =	sld [smem:$0x3F93];
	s0 =	simm.s32 @p0 $0x1  }
0x13: {  	[smem:$0x3FAE] =	sst s0;
	s0 =	simm.s32 @!p1 $0x0  }
0x14: {  	s2 =	sld [smem:$0x3F92];
	s0 =	simm.s32 @p1 $0x1  }
0x15: {  	[smem:$0x3FAF] =	sst s0;
	s0 =	simm.s32 @!p2 $0x0  }
0x16: {  	s3 =	sld [smem:$0x3FDB];
	s0 =	simm.s32 @p2 $0x1  }
0x17: {  	s4 =	simm.s32 $0x1BF5;
	[smem:$0x3FB1] =	sst s0  }
0x18: {  	s0 =	sld [smem:$0x3F94];
	_ =	swait.ge [sflag:s4], $0x0  }
0x19: {  	s7 =	sld [smem:$0x3F95]  }
0x1a: {  	s8 =	sadd.s32 $0xFFFFE003, lr  }
0x1b: {  	s9 =	sadd.s32 $0xFFFFFEF7, lr;
	s5 =	simm.s32 $0xFFFFFFFF;
	p2 =	slt.u32 s8, $0xFFFFF086  }
0x1c: {  	p1 =	slt.u32 s9, $0xF7A;
	s5 =	simm.s32 @!p2 $0x0  }
0x1d: {  	s5 =	simm.s32 @p1 $0x1;
	p0 =	seq.s32 s7, s2  }
0x1e: {  	s7 =	smul.u32 @!p0 $0xF7A, s2;
	p2 =	seq.s32 @!p0 s5, $0x0  }
0x1f: {  	s9 =	smul.u32 $0xF7A, s1;
	s8 =	simm.s32 @!p0 $0x1BF5;
	p2 =	por !p2, p0  }
0x20: {  	[sflag:s8] =	ssyncset.s32 @!p0 $0xFFFFF086;
	s6 =	sadd.s32 @!p0 s3, s7;
	s7 =	simm.s32 @!p0 $0x108  }
0x21: {  	s3 =	sadd.s32 s3, s9;
	s6 =	sadd.s32 @!p0 $0x88, s6;
	s7 =	simm.s32 @p2 $0x1082  }
0x22: {  	[simem:s7], [sflag:s8] =	dma.local @!p0 [hbm:s6], $0xF7A  }
0x23: {  	s9 =	sor.u32 $0xD0000000, s2;
	s6 =	simm.s32 $0x108;
	_ =	swait.ge @!p0 [sflag:s8], $0x0  }
0x24: {  	s3 =	sadd.s32 $0x88, s3;
	s6 =	simm.s32 @!p1 $0x1082;
	[sflag:s4] =	ssyncset.s32 $0xFFFFF086  }
0x25: {  	[simem:s6], [sflag:s4] =	dma.local [hbm:s3], $0xF7A  }
0x26: {  	[smem:$0x3F95] =	sst s1;
	(tag) =	ssettag s2;
	_ =	strace s9  }
0x27: {  	s1 =	sld [smem:$0x3FA5]  }
0x28: {  	s2 =	sld [smem:$0x3FA6]  }
0x29: {  	s4 =	sld [smem:$0x3FA8]  }
0x2a: {  	p0 =	seq.s32 s5, $0x0;
	s5 =	sld [smem:$0x3FA9]  }
0x2b: {  	s6 =	sld [smem:$0x3FAA]  }
0x2c: {  	s7 =	sld [smem:$0x3FAB]  }
0x2d: {  	s3 =	simm.s32 $0x108;
	s8 =	sld [smem:$0x3FAC]  }
0x2e: {  	s3 =	simm.s32 @!p0 $0x1082;
	s9 =	sld [smem:$0x3FAD]  }
0x2f: {  	lr =	sadd.s32 s0, s3;
	s0 =	sld [smem:$0x3FA4]  }
0x30: {  	s3 =	sld [smem:$0x3FA7]  }
0x31: {  	[smem:$0x3FB0] =	sst s10  }
0x32: {  	s10 =	sld [smem:$0x3FAE];
	_ =	sdelay $0x3  }
0x33: {  	p0 =	seq.s32 s10, $0x1;
	s10 =	sld [smem:$0x3FB0];
	_ =	sdelay $0x3  }
0x34: {  	[smem:$0x3FB0] =	sst s10  }
0x35: {  	s10 =	sld [smem:$0x3FAF];
	_ =	sdelay $0x3  }
0x36: {  	p1 =	seq.s32 s10, $0x1;
	s10 =	sld [smem:$0x3FB0];
	_ =	sdelay $0x3  }
0x37: {  	[smem:$0x3FB0] =	sst s10  }
0x38: {  	s10 =	sld [smem:$0x3FB1]  }
0x39: {  	_ = 	snop;
	(pc) =	sbr.ind lr, $3  }
0x3a: {  	_ = 	snop  }
0x3b: {  	_ = 	snop  }
0x3c: {  	p2 =	seq.s32 s10, $0x1;
	s10 =	sld [smem:$0x3FB0]  }
0x3d: {  	_ =	shalt  }
0x3e: {  	_ =	shalt  }
0x3f: {  	_ =	shalt  }
0x40: {  	_ =	shalt  }
0x41: {  	_ =	shalt  }
0x42: {  	_ =	shalt  }
0x43: {  	_ =	shalt  }
0x44: {  	_ =	shalt  }
0x45: {  	_ =	shalt  }
0x46: {  	_ =	shalt  }
0x47: {  	_ =	shalt  }
0x48: {  	_ =	shalt  }
0x49: {  	_ =	shalt  }
0x4a: {  	_ =	shalt  }
0x4b: {  	_ =	shalt  }
0x4c: {  	_ =	shalt  }
0x4d: {  	_ =	shalt  }
0x4e: {  	_ =	shalt  }
0x4f: {  	_ =	shalt  }
0x50: {  	_ =	shalt  }
0x51: {  	_ =	shalt  }
0x52: {  	_ =	shalt  }
0x53: {  	_ =	shalt  }
0x54: {  	_ =	shalt  }
0x55: {  	_ =	shalt  }
0x56: {  	_ =	shalt  }
0x57: {  	_ =	shalt  }
0x58: {  	_ =	shalt  }
0x59: {  	_ =	shalt  }
0x5a: {  	_ =	shalt  }
0x5b: {  	_ =	shalt  }
0x5c: {  	_ =	shalt  }
0x5d: {  	_ =	shalt  }
0x5e: {  	_ =	shalt  }
0x5f: {  	_ =	shalt  }
0x60: {  	_ =	shalt  }
0x61: {  	_ =	shalt  }
0x62: {  	_ =	shalt  }
0x63: {  	_ =	shalt  }
0x64: {  	_ =	shalt  }
0x65: {  	_ =	shalt  }
0x66: {  	_ =	shalt  }
0x67: {  	_ =	shalt  }
0x68: {  	_ =	shalt  }
0x69: {  	_ =	shalt  }
0x6a: {  	_ =	shalt  }
0x6b: {  	_ =	shalt  }
0x6c: {  	_ =	shalt  }
0x6d: {  	_ =	shalt  }
0x6e: {  	_ =	shalt  }
0x6f: {  	_ =	shalt  }
0x70: {  	_ =	shalt  }
0x71: {  	_ =	shalt  }
0x72: {  	_ =	shalt  }
0x73: {  	_ =	shalt  }
0x74: {  	_ =	shalt  }
0x75: {  	_ =	shalt  }
0x76: {  	_ =	shalt  }
0x77: {  	_ =	shalt  }
0x78: {  	_ =	shalt  }
0x79: {  	_ =	shalt  }
0x7a: {  	_ =	shalt  }
0x7b: {  	_ =	shalt  }
0x7c: {  	_ =	shalt  }
0x7d: {  	_ =	shalt  }
0x7e: {  	_ =	shalt  }
0x7f: {  	_ =	shalt  }
0x80: {  	_ =	shalt  }
0x81: {  	_ =	shalt  }
0x82: {  	_ =	shalt  }
0x83: {  	_ =	shalt  }
0x84: {  	_ =	shalt  }
0x85: {  	_ =	shalt  }
0x86: {  	_ =	shalt  }
0x87: {  	_ =	shalt  }
.Lfunc_end0:
.L_simem_size_0:
called_computation.3_lowered:
.L_overlay_start_0:
0x88: {  	s2 =	sld [smem:$0x3FD9]  }
0x89: {  	s3 =	sld [smem:$0x3FFE];
	_ =	sdelay $0x1  }
0x8a: {  	s1 =	srdreg.scid  }
0x8b: {  	s0 =	sand.u32 $0x1, s1  }
0x8c: {  	s14 =	sshll.u32 s0, $0xA;
	s2 =	sadd.s32 s3, s2  }
0x8d: {  	s2 =	sadd.s32 s2, s14  }
0x8e: {  	[smem:$0x3FBC] =	sst s2  }
0x8f: {  	_ = 	snop  }
0x90: {  	s2 =	sld [smem:$0x3FD0];
	_ =	sdelay $0x2  }
0x91: {  	s15 =	simm.s32 $0xA;
	s4 =	simm.s32 $0x10  }
0x92: {  	[smem:s4], [sflag:s15] =	dma.local [hbm:s2], $0x1  }
0x93: {  	_ =	swait.eq [sflag:s15], $0x1  }
0x94: {  	[sflag:s15] =	ssyncset.done $0x0  }
0x95: {  	[sflag:s15] =	ssyncadd.s32 $0xFFFFFFFF  }
0x96: {  	s16 =	sld [smem:$0x11];
	(tm) =	ssettm $0x1  }
0x97: {  	s17 =	sld [smem:$0x3FFB];
	_ =	sdelay $0x3  }
0x98: {  	_ =	strace s17  }
0x99: {  	s3 =	sld [smem:$0x3FFC];
	_ =	sdelay $0x3  }
0x9a: {  	_ =	strace s3  }
0x9b: {  	s3 =	sld [smem:$0x3FFD];
	_ =	sdelay $0x3  }
0x9c: {  	_ =	strace s3  }
0x9d: {  	_ =	strace $0x8FFFFFFF  }
0x9e: {  	s18 =	sld [smem:$0x3FDB];
	_ =	sdelay $0x1  }
0x9f: {  	s19 =	simm.s32 $_scs_section_size  }
0xa0: {  	s5 =	simm.s32 $_size__tile_overlayer_lowered;
	s6 =	simm.s32 $_tile_overlayer_lowered  }
0xa1: {  	s22 =	simm.s32 $0x1BFF;
	s21 =	sshll.u32 s6, $0x1;
	s3 =	sadd.s32 s19, s18  }
0xa2: {  	s7 =	simm.s32 $0x0;
	s20 =	sshll.u32 s5, $0x1;
	s5 =	sadd.s32 s21, s3  }
0xa3: {  	[timem:s7], [sflag:s22] =	dma.local [hbm:s5], s20  }
0xa4: {  	_ =	swait.ge [sflag:s22], s20  }
0xa5: {  	s4 =	ssub.s32 $0x0, s20;
	[sflag:s22] =	ssyncset.done $0x0  }
0xa6: {  	[sflag:s22] =	ssyncadd.s32 s4;
	_ =	sdelay $0x1  }
0xa7: {  	s23 =	simm.s32 $0x1B8B  }
0xa8: {  	_ =	swait.ge [sflag:s23], $0x1  }
0xa9: {  	[sflag:s23] =	ssyncset.done $0x0  }
0xaa: {  	s25 =	simm.s32 $0x1B8E;
	s24 =	sld [smem:$0x3FFE];
	[sflag:s23] =	ssyncadd.s32 $0xFFFFFFFF  }
0xab: {  	s26 =	simm.s32 $execute0_lowered;
	[smem:$0x3FD2] =	sst s25  }
0xac: {  	s5 =	sshll.u32 s26, $0x1;
	_ =	strace $0x8000004F;
	[dreg:$0x1] =	wrdreg $0xFFFFFFFF  }
0xad: {  	s28 =	simm.s32 $_size_execute0_lowered;
	s3 =	sadd.s32 s3, s5;
	[dreg:$0x0] =	wrdreg $0x0  }
0xae: {  	s5 =	sshll.u32 s28, $0x1;
	[dreg:$0x2] =	wrdreg s3  }
0xaf: {  	[dreg:$0x3] =	wrdreg s5  }
0xb0: {  	[dreg:$0x4] =	wrdreg $0xC0  }
0xb1: {  	_ =	task [dreg:s7], $0x5FFFF  }
0xb2: {  	[dreg:$0x1] =	wrdreg $0xFFFFFFFF  }
0xb3: {  	[dreg:$0x0] =	wrdreg $0x60  }
0xb4: {  	[dreg:$0x2] =	wrdreg s24  }
0xb5: {  	[dreg:$0x3] =	wrdreg s16  }
0xb6: {  	[dreg:$0x4] =	wrdreg $0x140000  }
0xb7: {  	[dreg:$0x5] =	wrdreg $0x9  }
0xb8: {  	_ =	task.clear_ibuf [dreg:s7], $0x6FFFF;
	_ =	strace $0x9000004F  }
0xb9: {  	s29 =	simm.s32 $0x9;
	_ =	strace $0x80000051  }
0xba: {  	_ =	swait.ge [sflag:s29], $0x1  }
0xbb: {  	[sflag:s29] =	ssyncadd.s32 $0xFFFFFFFF  }
0xbc: {  	_ =	strace $0x90000051  }
0xbd: {  	_ =	sfence  }
0xbe: {  	s30 =	sld [smem:$0x0];
	_ =	sdelay $0x2  }
0xbf: {  	s31 =	sshll.u32 s1, $0xD;
	s1 =	sshrl.u32 s1, $0x2  }
0xc0: {  	s3 =	sand.u32 $0x4000, s31;
	s1 =	sadd.s32 s1, s30  }
0xc1: {  	s0 =	sor.u32 s3, s0;
	s1 =	sshll.u32 s1, $0x11  }
0xc2: {  	s0 =	sor.u32 s1, s0  }
0xc3: {  	s0 =	sadd.s32 $0x8F2B, s0  }
0xc4: {  	[sflag:s0] =	ssyncadd.remote.s32 $0x1  }
0xc5: {  	_ =	sfence.sel $0xFFFF  }
0xc6: {  	[dreg:$0x0] =	wrdreg $0xFFFFFFFF;
	(pc) =	sbr.abs _section_cstart, $3  }
0xc7: {  	[dreg:$0x1] =	wrdreg $0xFFFFFFFF  }
0xc8: {  	_ =	task.clear_ibuf [dreg:s7], $0x2FFFF;
	_ =	strace $0x9FFFFFFF  }
0xc9: {  	(tm) =	ssettm $0x7FFFFFFF  }
tec
execute0_lowered:
.L_overlay_start_1:
0x0: {  	(tag) =	ssettag $0x1  }
0x1: {  	s0 =	rddreg [dreg:$0x0]  }
0x2: {  	s1 =	rddreg [dreg:$0x1]  }
0x3: {  	s2 =	rddreg [dreg:$0x2]  }
0x4: {  	s10 =	stileid.u32;
	s4 =	srdreg.scid;
	s3 =	simm.s32 $0x0  }
0x5: {  	s28 =	simm.s32 $0x10000;
	s29 =	simm.s32 $0x2;
	s30 =	simm.s32 $0x4  }
0x6: {  	s31 =	simm.s32 $0x7;
	s5 =	smul.u32 $0x5000, s10;
	s6 =	sand.u32 $0x1, s4  }
0x7: {  	[smem:$0x7FF] =	sst s3;
	s4 =	sadd.s32 $0x5D600, s0;
	s11 =	smul.u32 $0xA000, s10  }
0x8: {  	s7 =	smul.u32 $0x50000, s6;
	_ =	strace $0x80000050;
	s9 =	ssub.s32 $0x2, s6  }
0x9: {  	s6 =	smul.u32 $0xA0000, s6;
	s8 =	sshrl.u32 s5, $0x3;
	s15 =	sshrl.u32 s9, $0x1  }
0xa: {  	s17 =	sadd.s32 s11, s2;
	s18 =	sadd.s32 $0x2000, s11;
	s19 =	sadd.s32 $0x4000, s11  }
0xb: {  	s12 =	sadd.s32 $0x6000, s11;
	s13 =	sadd.s32 $0x8000, s11;
	s8 =	sadd.s32 s8, s0  }
0xc: {  	s5 =	sadd.s32 s5, s7;
	s0 =	sadd.s32 $0x85600, s0;
	s7 =	ssub.s32 s9, s15  }
0xd: {  	[dreg:$0x6] =	wrdreg s17;
	s20 =	sadd.s32 s18, s2;
	s9 =	sadd.s32 s19, s2  }
0xe: {  	s10 =	sadd.s32 s12, s2;
	s14 =	sadd.s32 s11, s6;
	s11 =	sadd.s32 s13, s2  }
0xf: {  	s22 =	sadd.s32 s6, s19;
	s23 =	sadd.s32 s6, s12;
	s12 =	simm.s32 $0xA  }
0x10: {  	s19 =	simm.s32 $0xC;
	s15 =	simm.s32 $0xE;
	s5 =	sshrl.u32 s5, $0x3  }
0x11: {  	s16 =	sadd.s32 $0x3600, s8;
	[dreg:$0x7] =	wrdreg s20;
	s14 =	sshrl.u32 s14, $0x3  }
0x12: {  	s24 =	sshrl.u32 s23, $0x3;
	s26 =	smax.u32 s7, $0x1;
	s20 =	simm.s32 $0xA000  }
0x13: {  	s23 =	simm.s32 $0x5;
	s1 =	sadd.s32 s1, s5;
	[dreg:$0x5] =	wrdreg s16  }
0x14: {  	s21 =	sadd.s32 s0, s14;
	[dreg:$0xd] =	wrdreg s26;
	s26 =	simm.s32 $0x6  }
0x15: {  	s5 =	simm.s32 $0x8;
	s14 =	simm.s32 $0xD;
	[dreg:$0x4] =	wrdreg s1  }
0x16: {  	s16 =	simm.s32 $0x0;
	s1 =	sadd.s32 s6, s18;
	[dreg:$0x8] =	wrdreg s21  }
0x17: {  	s6 =	sadd.s32 s6, s13;
	s18 =	simm.s32 $0xF;
	s1 =	sshrl.u32 s1, $0x3  }
0x18: {  	s21 =	simm.s32 $0x80;
	s13 =	simm.s32 $0xB;
	s1 =	sadd.s32 s0, s1  }
0x19: {  	s25 =	sshrl.u32 s6, $0x3;
	[dreg:$0x9] =	wrdreg s1;
	s1 =	sshrl.u32 s22, $0x3  }
0x1a: {  	s6 =	simm.s32 $0x9;
	s22 =	simm.s32 $0xC000;
	s1 =	sadd.s32 s0, s1  }
0x1b: {  	[dreg:$0xa] =	wrdreg s1;
	s1 =	sadd.s32 s0, s24;
	s0 =	sadd.s32 s0, s25  }
0x1c: {  	s24 =	simm.s32 $0xE000;
	s25 =	simm.s32 $0x1;
	[dreg:$0xb] =	wrdreg s1  }
0x1d: {  	v0 =	vimm.f32 $0.0e+00;
	[dreg:$0xc] =	wrdreg s0;
	s0 =	simm.s32 $0x12000;
	s1 =	simm.s32 $0x3  }
.LBB2_1:
0x1e: {  	s7 =	rddreg [dreg:$0x4]  }
0x1f: {  	[tilespmem:s3], [sflag:$0xF] =	stream.linear.gather [hbm4b:s7+s3], $0x5000, $0x38;
	[tilespmem:$0x1E000] =	vst v63  }
0x20: {  	_ =	swait.ge [sflag:s18], $0x5000  }
0x21: {  	[sflag:s18] =	ssyncset.done $0x0  }
0x22: {  	s8 =	simm.s32 $0x5000;
	s17 =	rddreg [dreg:$0x5];
	[sflag:s18] =	ssyncadd.s32 $0xFFFFB000  }
0x23: {  	[tilespmem:s8], [sflag:$0xF] =	stream.linear.gather [hbm4b:s17+s3], $0x5000, $0x38;
	[tilespmem:$0x1E000] =	vst v63  }
0x24: {  	_ =	swait.ge [sflag:s18], $0x5000  }
0x25: {  	[sflag:s18] =	ssyncset.done $0x0  }
0x26: {  	s7 =	simm.s32 $0x0;
	s17 =	simm.s32 $0x100;
	[sflag:s18] =	ssyncadd.s32 $0xFFFFB000  }
.LBB2_2:
0x27: {  	p0 =	sne.s32 s17, $0x7F00;
	[tilespmem:s7+$0xA030] =	vst v0;
	s8 =	smov.u32 s17;
	s17 =	sadd.s32 $0x100, s17  }
.Ltmp0:
0x28: {  	[tilespmem:s7+$0xA020] =	vst v0;
	(pc) =	sbr.rel @p0 .LBB2_2-.Ltmp0, $3  }
0x29: {  	[tilespmem:s7+$0xA000] =	vst v0  }
0x2a: {  	[tilespmem:s7+$0xA010] =	vst v0;
	_ =	sdelay $0x1  }
0x2b: {  	s7 =	sshra.s32 s8, $0x2  }
0x2c: {  	[tilespmem:s7+$0xA030] =	vst v0  }
0x2d: {  	[tilespmem:s7+$0xA020] =	vst v0  }
0x2e: {  	[tilespmem:s7+$0xA000] =	vst v0  }
0x2f: {  	[tilespmem:s7+$0xA010] =	vst v0;
	s8 =	rddreg [dreg:$0x6]  }
0x30: {  	[spmem:s8] =	stream.linear.scatter [tilespmem:s20], [sflag:$0xF], $0x2000, $0x38;
	[tilespmem:$0x1E000] =	vst v63  }
0x31: {  	_ =	swait.ge [sflag:s18], $0x2000  }
0x32: {  	[sflag:s18] =	ssyncset.done $0x0  }
0x33: {  	s17 =	rddreg [dreg:$0x7];
	[sflag:s18] =	ssyncadd.s32 $0xFFFFE000  }
0x34: {  	[spmem:s17] =	stream.linear.scatter [tilespmem:s20], [sflag:$0xF], $0x2000, $0x38;
	[tilespmem:$0x1E000] =	vst v63  }
0x35: {  	_ =	swait.ge [sflag:s18], $0x2000  }
0x36: {  	[sflag:s18] =	ssyncset.done $0x0  }
0x37: {  	[sflag:s18] =	ssyncadd.s32 $0xFFFFE000  }
0x38: {  	[spmem:s9] =	stream.linear.scatter [tilespmem:s20], [sflag:$0xF], $0x2000, $0x38;
	[tilespmem:$0x1E000] =	vst v63  }
0x39: {  	_ =	swait.ge [sflag:s18], $0x2000  }
0x3a: {  	[sflag:s18] =	ssyncset.done $0x0  }
0x3b: {  	[sflag:s18] =	ssyncadd.s32 $0xFFFFE000  }
0x3c: {  	[spmem:s10] =	stream.linear.scatter [tilespmem:s20], [sflag:$0xF], $0x2000, $0x38;
	[tilespmem:$0x1E000] =	vst v63  }
0x3d: {  	_ =	swait.ge [sflag:s18], $0x2000  }
0x3e: {  	[sflag:s18] =	ssyncset.done $0x0  }
0x3f: {  	[sflag:s18] =	ssyncadd.s32 $0xFFFFE000  }
0x40: {  	[spmem:s11] =	stream.linear.scatter [tilespmem:s20], [sflag:$0xF], $0x2000, $0x38;
	[tilespmem:$0x1E000] =	vst v63  }
0x41: {  	_ =	swait.ge [sflag:s18], $0x2000  }
0x42: {  	[sflag:s18] =	ssyncset.done $0x0  }
0x43: {  	[sflag:s18] =	ssyncadd.s32 $0xFFFFE000  }
0x44: {  	s8 =	simm.s32 $0x0;
	[bflag:$0x0] =	sbarrier.arrive $0xFFFF  }
0x45: {  	[tilespmem:s20], [sflag:$0x1] =	stream.indirect.gather [hbm4b:s4+s21], $0x40, s8, s21, $0xb8;
	[tilespmem:$0x1E000] =	vst v63  }
0x46: {  	_ = 	snop  }
0x47: {  	[tilespmem:s22], [sflag:$0x2] =	stream.indirect.gather [hbm4b:s4+s21], $0x40, s21, s21, $0xb8;
	[tilespmem:$0x1E000] =	vst v63  }
0x48: {  	s17 =	simm.s32 $0x100  }
0x49: {  	[tilespmem:s24], [sflag:$0x3] =	stream.indirect.gather [hbm4b:s4+s21], $0x40, s17, s21, $0xb8;
	[tilespmem:$0x1E000] =	vst v63  }
0x4a: {  	_ =	swait.ge [sflag:s25], $0x2000  }
0x4b: {  	[sflag:s25] =	ssyncset.done $0x0  }
0x4c: {  	s8 =	simm.s32 $0x5000;
	[sflag:s25] =	ssyncadd.s32 $0xFFFFE000  }
0x4d: {  	[spmem:s2] =	stream.indirect.scatter.add.f32 [tilespmem:s20], [sflag:$0x6], $0x40, s8, s21, $0xb8;
	[tilespmem:$0x1E000] =	vst v63  }
0x4e: {  	s17 =	simm.s32 $0x180  }
0x4f: {  	[tilespmem:s28], [sflag:$0x4] =	stream.indirect.gather [hbm4b:s4+s21], $0x40, s17, s21, $0xb8;
	[tilespmem:$0x1E000] =	vst v63  }
0x50: {  	_ =	swait.ge [sflag:s29], $0x2000  }
0x51: {  	[sflag:s29] =	ssyncset.done $0x0  }
0x52: {  	s8 =	simm.s32 $0x5080;
	[sflag:s29] =	ssyncadd.s32 $0xFFFFE000  }
0x53: {  	[spmem:s2] =	stream.indirect.scatter.add.f32 [tilespmem:s22], [sflag:$0x7], $0x40, s8, s21, $0xb8;
	[tilespmem:$0x1E000] =	vst v63  }
0x54: {  	s17 =	simm.s32 $0x200  }
0x55: {  	[tilespmem:s0], [sflag:$0x5] =	stream.indirect.gather [hbm4b:s4+s21], $0x40, s17, s21, $0xb8;
	[tilespmem:$0x1E000] =	vst v63  }
0x56: {  	_ =	swait.ge [sflag:s1], $0x2000  }
0x57: {  	[sflag:s1] =	ssyncset.done $0x0  }
0x58: {  	s8 =	simm.s32 $0x5100;
	[sflag:s1] =	ssyncadd.s32 $0xFFFFE000  }
0x59: {  	[spmem:s2] =	stream.indirect.scatter.add.f32 [tilespmem:s24], [sflag:$0x8], $0x40, s8, s21, $0xb8;
	[tilespmem:$0x1E000] =	vst v63  }
0x5a: {  	_ =	swait.ge [sflag:s26], $0x2000  }
0x5b: {  	[sflag:s26] =	ssyncset.done $0x0  }
0x5c: {  	s17 =	simm.s32 $0x280;
	[sflag:s26] =	ssyncadd.s32 $0xFFFFE000  }
0x5d: {  	[tilespmem:s20], [sflag:$0x1] =	stream.indirect.gather [hbm4b:s4+s21], $0x40, s17, s21, $0xb8;
	[tilespmem:$0x1E000] =	vst v63  }
0x5e: {  	_ =	swait.ge [sflag:s30], $0x2000  }
0x5f: {  	[sflag:s30] =	ssyncset.done $0x0  }
0x60: {  	s8 =	simm.s32 $0x5180;
	[sflag:s30] =	ssyncadd.s32 $0xFFFFE000  }
0x61: {  	[spmem:s2] =	stream.indirect.scatter.add.f32 [tilespmem:s28], [sflag:$0x9], $0x40, s8, s21, $0xb8;
	[tilespmem:$0x1E000] =	vst v63  }
0x62: {  	_ =	swait.ge [sflag:s31], $0x2000  }
0x63: {  	[sflag:s31] =	ssyncset.done $0x0  }
0x64: {  	s17 =	simm.s32 $0x300;
	[sflag:s31] =	ssyncadd.s32 $0xFFFFE000  }
0x65: {  	[tilespmem:s22], [sflag:$0x2] =	stream.indirect.gather [hbm4b:s4+s21], $0x40, s17, s21, $0xb8;
	[tilespmem:$0x1E000] =	vst v63  }
0x66: {  	_ =	swait.ge [sflag:s23], $0x2000  }
0x67: {  	[sflag:s23] =	ssyncset.done $0x0  }
0x68: {  	s8 =	simm.s32 $0x5200;
	[sflag:s23] =	ssyncadd.s32 $0xFFFFE000  }
0x69: {  	[spmem:s2] =	stream.indirect.scatter.add.f32 [tilespmem:s0], [sflag:$0xA], $0x40, s8, s21, $0xb8;
	[tilespmem:$0x1E000] =	vst v63  }
0x6a: {  	_ =	swait.ge [sflag:s5], $0x2000  }
0x6b: {  	[sflag:s5] =	ssyncset.done $0x0  }
0x6c: {  	s17 =	simm.s32 $0x380;
	[sflag:s5] =	ssyncadd.s32 $0xFFFFE000  }
0x6d: {  	[tilespmem:s24], [sflag:$0x3] =	stream.indirect.gather [hbm4b:s4+s21], $0x40, s17, s21, $0xb8;
	[tilespmem:$0x1E000] =	vst v63  }
0x6e: {  	_ =	swait.ge [sflag:s25], $0x2000  }
0x6f: {  	[sflag:s25] =	ssyncset.done $0x0  }
0x70: {  	s8 =	simm.s32 $0x5280;
	[sflag:s25] =	ssyncadd.s32 $0xFFFFE000  }
0x71: {  	[spmem:s2] =	stream.indirect.scatter.add.f32 [tilespmem:s20], [sflag:$0x6], $0x40, s8, s21, $0xb8;
	[tilespmem:$0x1E000] =	vst v63  }
0x72: {  	_ =	swait.ge [sflag:s6], $0x2000  }
0x73: {  	[sflag:s6] =	ssyncset.done $0x0  }
0x74: {  	s17 =	simm.s32 $0x400;
	[sflag:s6] =	ssyncadd.s32 $0xFFFFE000  }
0x75: {  	[tilespmem:s28], [sflag:$0x4] =	stream.indirect.gather [hbm4b:s4+s21], $0x40, s17, s21, $0xb8;
	[tilespmem:$0x1E000] =	vst v63  }
0x76: {  	_ =	swait.ge [sflag:s29], $0x2000  }
0x77: {  	[sflag:s29] =	ssyncset.done $0x0  }
0x78: {  	s8 =	simm.s32 $0x5300;
	[sflag:s29] =	ssyncadd.s32 $0xFFFFE000  }
0x79: {  	[spmem:s2] =	stream.indirect.scatter.add.f32 [tilespmem:s22], [sflag:$0x7], $0x40, s8, s21, $0xb8;
	[tilespmem:$0x1E000] =	vst v63  }
0x7a: {  	_ =	swait.ge [sflag:s12], $0x2000  }
0x7b: {  	[sflag:s12] =	ssyncset.done $0x0  }
0x7c: {  	s17 =	simm.s32 $0x480;
	[sflag:s12] =	ssyncadd.s32 $0xFFFFE000  }
0x7d: {  	[tilespmem:s0], [sflag:$0x5] =	stream.indirect.gather [hbm4b:s4+s21], $0x40, s17, s21, $0xb8;
	[tilespmem:$0x1E000] =	vst v63  }
0x7e: {  	_ =	swait.ge [sflag:s1], $0x2000  }
0x7f: {  	[sflag:s1] =	ssyncset.done $0x0  }
0x80: {  	s7 =	simm.s32 $0x5380;
	s17 =	simm.s32 $0xA00;
	[sflag:s1] =	ssyncadd.s32 $0xFFFFE000  }
.LBB2_4:
0x81: {  	[spmem:s2] =	stream.indirect.scatter.add.f32 [tilespmem:s24], [sflag:$0x8], $0x40, s7, s21, $0xb8;
	[tilespmem:$0x1E000] =	vst v63  }
0x82: {  	s7 =	smov.u32 s17  }
0x83: {  	p0 =	sne.s32 s17, $0x12C00;
	s17 =	sadd.s32 $0xA00, s17;
	_ =	swait.ge [sflag:s26], $0x2000  }
0x84: {  	s7 =	sshra.s32 s7, $0x2;
	[sflag:s26] =	ssyncset.done $0x0  }
0x85: {  	s8 =	sadd.s32 $0x280, s7;
	[sflag:s26] =	ssyncadd.s32 $0xFFFFE000  }
0x86: {  	[tilespmem:s20], [sflag:$0x1] =	stream.indirect.gather [hbm4b:s4+s21], $0x40, s8, s21, $0xb8;
	[tilespmem:$0x1E000] =	vst v63  }
0x87: {  	_ =	swait.ge [sflag:s30], $0x2000  }
0x88: {  	[sflag:s30] =	ssyncset.done $0x0  }
0x89: {  	s8 =	sadd.s32 $0x5180, s7;
	[sflag:s30] =	ssyncadd.s32 $0xFFFFE000  }
0x8a: {  	[spmem:s2] =	stream.indirect.scatter.add.f32 [tilespmem:s28], [sflag:$0x9], $0x40, s8, s21, $0xb8;
	[tilespmem:$0x1E000] =	vst v63  }
0x8b: {  	_ =	swait.ge [sflag:s31], $0x2000  }
0x8c: {  	[sflag:s31] =	ssyncset.done $0x0  }
0x8d: {  	s8 =	sadd.s32 $0x300, s7;
	[sflag:s31] =	ssyncadd.s32 $0xFFFFE000  }
0x8e: {  	[tilespmem:s22], [sflag:$0x2] =	stream.indirect.gather [hbm4b:s4+s21], $0x40, s8, s21, $0xb8;
	[tilespmem:$0x1E000] =	vst v63  }
0x8f: {  	_ =	swait.ge [sflag:s23], $0x2000  }
0x90: {  	[sflag:s23] =	ssyncset.done $0x0  }
0x91: {  	s8 =	sadd.s32 $0x5200, s7;
	[sflag:s23] =	ssyncadd.s32 $0xFFFFE000  }
0x92: {  	[spmem:s2] =	stream.indirect.scatter.add.f32 [tilespmem:s0], [sflag:$0xA], $0x40, s8, s21, $0xb8;
	[tilespmem:$0x1E000] =	vst v63  }
0x93: {  	_ =	swait.ge [sflag:s5], $0x2000  }
0x94: {  	[sflag:s5] =	ssyncset.done $0x0  }
0x95: {  	s8 =	sadd.s32 $0x380, s7;
	[sflag:s5] =	ssyncadd.s32 $0xFFFFE000  }
0x96: {  	[tilespmem:s24], [sflag:$0x3] =	stream.indirect.gather [hbm4b:s4+s21], $0x40, s8, s21, $0xb8;
	[tilespmem:$0x1E000] =	vst v63  }
0x97: {  	_ =	swait.ge [sflag:s25], $0x2000  }
0x98: {  	[sflag:s25] =	ssyncset.done $0x0  }
0x99: {  	s8 =	sadd.s32 $0x5280, s7;
	[sflag:s25] =	ssyncadd.s32 $0xFFFFE000  }
0x9a: {  	[spmem:s2] =	stream.indirect.scatter.add.f32 [tilespmem:s20], [sflag:$0x6], $0x40, s8, s21, $0xb8;
	[tilespmem:$0x1E000] =	vst v63  }
0x9b: {  	_ =	swait.ge [sflag:s6], $0x2000  }
0x9c: {  	[sflag:s6] =	ssyncset.done $0x0  }
0x9d: {  	s8 =	sadd.s32 $0x400, s7;
	[sflag:s6] =	ssyncadd.s32 $0xFFFFE000  }
0x9e: {  	[tilespmem:s28], [sflag:$0x4] =	stream.indirect.gather [hbm4b:s4+s21], $0x40, s8, s21, $0xb8;
	[tilespmem:$0x1E000] =	vst v63  }
0x9f: {  	_ =	swait.ge [sflag:s29], $0x2000  }
0xa0: {  	[sflag:s29] =	ssyncset.done $0x0  }
0xa1: {  	s8 =	sadd.s32 $0x5300, s7;
	[sflag:s29] =	ssyncadd.s32 $0xFFFFE000  }
0xa2: {  	[spmem:s2] =	stream.indirect.scatter.add.f32 [tilespmem:s22], [sflag:$0x7], $0x40, s8, s21, $0xb8;
	[tilespmem:$0x1E000] =	vst v63  }
0xa3: {  	_ =	swait.ge [sflag:s12], $0x2000  }
0xa4: {  	[sflag:s12] =	ssyncset.done $0x0  }
.Ltmp1:
0xa5: {  	s8 =	sadd.s32 $0x480, s7;
	[sflag:s12] =	ssyncadd.s32 $0xFFFFE000;
	(pc) =	sbr.rel @p0 .LBB2_4-.Ltmp1, $4  }
0xa6: {  	[tilespmem:s0], [sflag:$0x5] =	stream.indirect.gather [hbm4b:s4+s21], $0x40, s8, s21, $0xb8;
	[tilespmem:$0x1E000] =	vst v63  }
0xa7: {  	_ =	swait.ge [sflag:s1], $0x2000  }
0xa8: {  	[sflag:s1] =	ssyncset.done $0x0  }
0xa9: {  	s7 =	sadd.s32 $0x5380, s7;
	[sflag:s1] =	ssyncadd.s32 $0xFFFFE000  }
0xaa: {  	[spmem:s2] =	stream.indirect.scatter.add.f32 [tilespmem:s24], [sflag:$0x8], $0x40, s7, s21, $0xb8;
	[tilespmem:$0x1E000] =	vst v63  }
0xab: {  	_ =	swait.ge [sflag:s30], $0x2000  }
0xac: {  	[sflag:s30] =	ssyncset.done $0x0  }
0xad: {  	s8 =	simm.s32 $0x9F00;
	[sflag:s30] =	ssyncadd.s32 $0xFFFFE000  }
0xae: {  	[spmem:s2] =	stream.indirect.scatter.add.f32 [tilespmem:s28], [sflag:$0x9], $0x40, s8, s21, $0xb8;
	[tilespmem:$0x1E000] =	vst v63  }
0xaf: {  	_ =	swait.ge [sflag:s23], $0x2000  }
0xb0: {  	[sflag:s23] =	ssyncset.done $0x0  }
0xb1: {  	s17 =	simm.s32 $0x9F80;
	[sflag:s23] =	ssyncadd.s32 $0xFFFFE000  }
0xb2: {  	[spmem:s2] =	stream.indirect.scatter.add.f32 [tilespmem:s0], [sflag:$0xA], $0x40, s17, s21, $0xb8;
	[tilespmem:$0x1E000] =	vst v63  }
0xb3: {  	_ =	swait.ge [sflag:s26], $0x2000  }
0xb4: {  	[sflag:s26] =	ssyncset.done $0x0  }
0xb5: {  	[sflag:s26] =	ssyncadd.s32 $0xFFFFE000  }
0xb6: {  	_ =	swait.ge [sflag:s31], $0x2000  }
0xb7: {  	[sflag:s31] =	ssyncset.done $0x0  }
0xb8: {  	[sflag:s31] =	ssyncadd.s32 $0xFFFFE000  }
0xb9: {  	_ =	swait.ge [sflag:s5], $0x2000  }
0xba: {  	[sflag:s5] =	ssyncset.done $0x0  }
0xbb: {  	[sflag:s5] =	ssyncadd.s32 $0xFFFFE000  }
0xbc: {  	_ =	swait.ge [sflag:s6], $0x2000  }
0xbd: {  	[sflag:s6] =	ssyncset.done $0x0  }
0xbe: {  	[sflag:s6] =	ssyncadd.s32 $0xFFFFE000  }
0xbf: {  	_ =	swait.ge [sflag:s12], $0x2000  }
0xc0: {  	[sflag:s12] =	ssyncset.done $0x0  }
0xc1: {  	[sflag:s12] =	ssyncadd.s32 $0xFFFFE000  }
0xc2: {  	[bflag:$0x0] =	sbarrier.arrive $0xFFFF  }
0xc3: {  	s8 =	rddreg [dreg:$0x6]  }
0xc4: {  	[tilespmem:s20], [sflag:$0xB] =	stream.linear.gather [spmem:s8], $0x2000, $0x38;
	[tilespmem:$0x1E000] =	vst v63  }
0xc5: {  	s17 =	rddreg [dreg:$0x7]  }
0xc6: {  	[tilespmem:s22], [sflag:$0xC] =	stream.linear.gather [spmem:s17], $0x2000, $0x38;
	[tilespmem:$0x1E000] =	vst v63  }
0xc7: {  	_ =	swait.ge [sflag:s13], $0x2000  }
0xc8: {  	[sflag:s13] =	ssyncset.done $0x0  }
0xc9: {  	s8 =	rddreg [dreg:$0x8];
	[sflag:s13] =	ssyncadd.s32 $0xFFFFE000  }
0xca: {  	[hbm4b:s8+s3] =	stream.linear.scatter [tilespmem:s20], [sflag:$0xD], $0x2000, $0x38;
	[tilespmem:$0x1E000] =	vst v63  }
0xcb: {  	_ =	swait.ge [sflag:s14], $0x2000  }
0xcc: {  	[sflag:s14] =	ssyncset.done $0x0  }
0xcd: {  	[sflag:s14] =	ssyncadd.s32 $0xFFFFE000  }
0xce: {  	[tilespmem:s20], [sflag:$0xB] =	stream.linear.gather [spmem:s9], $0x2000, $0x38;
	[tilespmem:$0x1E000] =	vst v63  }
0xcf: {  	_ =	swait.ge [sflag:s19], $0x2000  }
0xd0: {  	[sflag:s19] =	ssyncset.done $0x0  }
0xd1: {  	s17 =	rddreg [dreg:$0x9];
	[sflag:s19] =	ssyncadd.s32 $0xFFFFE000  }
0xd2: {  	[hbm4b:s17+s3] =	stream.linear.scatter [tilespmem:s22], [sflag:$0xE], $0x2000, $0x38;
	[tilespmem:$0x1E000] =	vst v63  }
0xd3: {  	_ =	swait.ge [sflag:s15], $0x2000  }
0xd4: {  	[sflag:s15] =	ssyncset.done $0x0  }
0xd5: {  	[sflag:s15] =	ssyncadd.s32 $0xFFFFE000  }
0xd6: {  	[tilespmem:s22], [sflag:$0xC] =	stream.linear.gather [spmem:s10], $0x2000, $0x38;
	[tilespmem:$0x1E000] =	vst v63  }
0xd7: {  	_ =	swait.ge [sflag:s13], $0x2000  }
0xd8: {  	[sflag:s13] =	ssyncset.done $0x0  }
0xd9: {  	s8 =	rddreg [dreg:$0xa];
	[sflag:s13] =	ssyncadd.s32 $0xFFFFE000  }
0xda: {  	[hbm4b:s8+s3] =	stream.linear.scatter [tilespmem:s20], [sflag:$0xD], $0x2000, $0x38;
	[tilespmem:$0x1E000] =	vst v63  }
0xdb: {  	_ =	swait.ge [sflag:s14], $0x2000  }
0xdc: {  	[sflag:s14] =	ssyncset.done $0x0  }
0xdd: {  	[sflag:s14] =	ssyncadd.s32 $0xFFFFE000  }
0xde: {  	[tilespmem:s20], [sflag:$0xB] =	stream.linear.gather [spmem:s11], $0x2000, $0x38;
	[tilespmem:$0x1E000] =	vst v63  }
0xdf: {  	_ =	swait.ge [sflag:s19], $0x2000  }
0xe0: {  	[sflag:s19] =	ssyncset.done $0x0  }
0xe1: {  	s17 =	rddreg [dreg:$0xb];
	[sflag:s19] =	ssyncadd.s32 $0xFFFFE000  }
0xe2: {  	[hbm4b:s17+s3] =	stream.linear.scatter [tilespmem:s22], [sflag:$0xE], $0x2000, $0x38;
	[tilespmem:$0x1E000] =	vst v63  }
0xe3: {  	_ =	swait.ge [sflag:s13], $0x2000  }
0xe4: {  	[sflag:s13] =	ssyncset.done $0x0  }
0xe5: {  	s8 =	rddreg [dreg:$0xc];
	[sflag:s13] =	ssyncadd.s32 $0xFFFFE000  }
0xe6: {  	[hbm4b:s8+s3] =	stream.linear.scatter [tilespmem:s20], [sflag:$0xD], $0x2000, $0x38;
	[tilespmem:$0x1E000] =	vst v63  }
0xe7: {  	_ =	swait.ge [sflag:s15], $0x2000  }
0xe8: {  	[sflag:s15] =	ssyncset.done $0x0  }
0xe9: {  	[sflag:s15] =	ssyncadd.s32 $0xFFFFE000  }
0xea: {  	_ =	swait.ge [sflag:s14], $0x2000  }
0xeb: {  	s16 =	sadd.s32 $0x1, s16;
	s17 =	rddreg [dreg:$0xd]  }
0xec: {  	p0 =	sne.s32 s16, s17  }
.Ltmp2:
0xed: {  	_ = 	snop;
	(pc) =	sbr.rel @p0 .LBB2_1-.Ltmp2, $3  }
0xee: {  	_ =	sdelay $0x1  }
0xef: {  	[sflag:s14] =	ssyncset.done $0x0  }
0xf0: {  	[sflag:s14] =	ssyncadd.s32 $0xFFFFE000  }
0xf1: {  	_ =	sfence.sel $0x180000  }
0xf2: {  	[bflag:$0x0] =	sbarrier.arrive $0xFFFF  }
0xf3: {  	_ =	strace $0x90000050  }
0xf4: {  	s0 =	stileid.u32;
	[bflag:$0x2] =	sbarrier.arrive $0xFFFF  }
0xf5: {  	p0 =	sne.s32 s0, $0x0;
	s0 =	rddreg [dreg:$0x3]  }
0xf6: {  	s0 =	sadd.s32 @!p0 $0x100000, s0  }
0xf7: {  	[sflag:s0] =	ssyncadd.tile.s32 @!p0 $0x1;
	_ =	shalt  }
.Lfunc_end2:
_tile_overlayer_lowered:
.L_overlay_start_2:
0xf8: {  	(tag) =	ssettag $0x2  }
0xf9: {  	s0 =	rddreg [dreg:$0x0];
	s2 =	stileid.u32  }
0xfa: {  	s1 =	rddreg [dreg:$0x1];
	p0 =	sne.s32 s2, $0x0  }
0xfb: {  	s3 =	rddreg [dreg:$0x2];
	[bflag:$0x3] =	sbarrier.arrive $0xFFFF;
	s2 =	simm.s32 @!p0 $0x1C0F  }
0xfc: {  	[timem:s3], [sflag:s2] =	dma.local @!p0 [hbm:s0], s1  }
0xfd: {  	s0 =	simm.s32 @!p0 $0xF  }
0xfe: {  	_ =	swait.ge @!p0 [sflag:s0], s1  }
0xff: {  	s1 =	ssub.s32 @!p0 $0x0, s1;
	[sflag:s0] =	ssyncset.done @!p0 $0x0  }
0x100: {  	[sflag:s0] =	ssyncadd.s32 @!p0 s1  }
0x101: {  	[bflag:$0x3] =	sbarrier.arrive $0xFFFF  }
0x102: {  	_ =	shalt  }

</sc_bundles>
